<compile_context>
chip_gen: v7x
topology: tpu7x:2x2x1
jax: 0.10.2.dev20260603
libtpu: 0.0.44.dev20260713+nightly
codegen_flags: <defaults>
</compile_context>

<pallas_src>
import functools

import jax
import jax.numpy as jnp
from jax import lax
from jax.experimental import pallas as pl
from jax.experimental.pallas import tpu as pltpu
from jax.experimental.pallas import tpu_sc as plsc

NBUF = 4


@functools.partial(jax.jit, static_argnums=(2, 3, 4))
def _sc_gather(ids4d, table, bsz, seq, d):
    info = plsc.get_sparse_core_info()
    nw = info.num_cores * info.num_subcores
    sblk = seq // 8
    nbb = bsz // 128
    ndb = d // 8
    assert nbb == nw and seq % NBUF == 0
    mesh = plsc.VectorSubcoreMesh(core_axis_name="c", subcore_axis_name="s")

    @functools.partial(
        pl.kernel,
        mesh=mesh,
        out_type=jax.ShapeDtypeStruct((seq, ndb, nbb, 8, 128), jnp.float32),
        scratch_types=[
            pltpu.VMEM((sblk, 8, 128), jnp.int32),
            pltpu.VMEM((NBUF, 128, d), jnp.float32),
            pltpu.VMEM((NBUF, ndb, 8, 128), jnp.float32),
        ]
        + [pltpu.SemaphoreType.DMA] * (2 * NBUF),
        compiler_params=pltpu.CompilerParams(
            use_tc_tiling_on_sc=False, needs_layout_passes=False
        ),
    )
    def k(ids_hbm, table_hbm, out_hbm, idx_v, rows_v, rowsT_v, *sems):
        gsem = sems[:NBUF]
        osem = sems[NBUF:]
        bb = lax.axis_index("s") * info.num_cores + lax.axis_index("c")
        iota16 = jnp.arange(16, dtype=jnp.int32)

        def stage(sb, carry):
            pltpu.sync_copy(ids_hbm.at[sb, bb], idx_v.at[sb])
            return carry

        lax.fori_loop(0, sblk, stage, 0)

        def gather_fire(s, b):
            pltpu.async_copy(
                table_hbm.at[idx_v.at[s // 8, s % 8]], rows_v.at[b], gsem[b]
            )

        def gather_wait(b):
            pltpu.make_async_copy(
                table_hbm.at[idx_v.at[0, 0]], rows_v.at[b], gsem[b]
            ).wait()

        def stores_fire(s, b):
            for db in range(ndb):
                pltpu.async_copy(
                    rowsT_v.at[b].at[db], out_hbm.at[s, db, bb], osem[b]
                )

        def stores_wait(b):
            pltpu.make_async_copy(
                out_hbm.at[0, 0, 0], rowsT_v.at[b], osem[b]
            ).wait()

        def transpose(b):
            @plsc.parallel_loop(0, d, 1, unroll=8)
            def _(dd):
                db = dd // 8
                r2 = dd % 8
                col = jnp.full((16,), dd, dtype=jnp.int32)
                for h in range(8):
                    vals = plsc.load_gather(
                        rows_v.at[b], [iota16 + (16 * h), col]
                    )
                    rowsT_v[b, db, r2, pl.ds(16 * h, 16)] = vals

        for b in range(NBUF):
            gather_fire(b, b)

        def body(g, carry):
            for b in range(NBUF):
                s = g * NBUF + b
                gather_wait(b)

                @pl.when(g > 0)
                def _():
                    stores_wait(b)

                transpose(b)
                stores_fire(s, b)

                @pl.when(s + NBUF < seq)
                def _():
                    gather_fire(s + NBUF, b)

            return carry

        lax.fori_loop(0, seq // NBUF, body, 0)
        for b in range(NBUF):
            stores_wait(b)

    return k(ids4d, table)


def _tc_linearize(tT, n, d):
    rpo = 128 // d
    blk = 16384
    grid = (n + blk - 1) // blk

    def body(in_ref, out_ref):
        xt = in_ref[...].T
        y = xt.reshape(blk // rpo, rpo, d)
        for a in range(rpo):
            out_ref[:, a * d : (a + 1) * d] = y[:, a, :]

    return pl.pallas_call(
        body,
        grid=(grid,),
        in_specs=[pl.BlockSpec((d, blk), lambda j: (0, j))],
        out_specs=pl.BlockSpec((blk // rpo, 128), lambda j: (j, 0)),
        out_shape=jax.ShapeDtypeStruct((n * d // 128, 128), jnp.float32),
        compiler_params=pltpu.CompilerParams(
            dimension_semantics=("parallel",)
        ),
    )(tT)


def kernel(input_ids, table):
    bsz, seq = input_ids.shape
    n, d = table.shape
    tlin = _tc_linearize(table.T, n, d).reshape(n, d)
    ids4d = (
        input_ids.T.reshape(seq // 8, 8, bsz // 128, 128)
        .transpose(0, 2, 1, 3)
        .astype(jnp.int32)
    )
    out5d = _sc_gather(ids4d, tlin, bsz, seq, d)
    return out5d.transpose(2, 4, 0, 1, 3).reshape(bsz, seq, d)

# --- scband reference (transcript-rebuilt; emitter-appended) ---
"""Pipeline reference for scband-embedding-layer-3736621547644 (READ-ONLY COPY).

The authoritative reference and input builder live on the scoring server;
editing this copy changes nothing except your own understanding.
"""

import jax, jax.numpy as jnp
import numpy as np

VOCAB = 1000000
EMBED_DIM = 32
BATCH = 4096
SEQ = 200

def setup_inputs(seed: int = 0) -> dict:
    key = jax.random.key(seed)
    k_idx, k_tab = jax.random.split(key)
    input_ids = jax.random.randint(k_idx, (BATCH, SEQ), 0, VOCAB, dtype=jnp.int64 if jax.config.jax_enable_x64 else jnp.int32)
    table = jax.random.normal(k_tab, (VOCAB, EMBED_DIM), dtype=jnp.float32)
    return {"input_ids": input_ids, "table": table}

def reference(input_ids, table):
    # nn.Embedding forward: gather rows of the table by input_ids
    return jnp.take(table, input_ids, axis=0)

if __name__ == "__main__":
    import jax
    _d = setup_inputs()
    print(jax.jit(kernel)(*tuple(_d.values())))

</pallas_src>

<mosaic_0001>
#map = affine_map<(d0, d1) -> (0, 0, 0, 0)>
#map1 = affine_map<(d0, d1) -> (0, 0)>
#map2 = affine_map<(d0, d1) -> (0, 0, 0, 0, 0)>
module attributes {stable_mosaic.version = 14 : i64} {
  func.func @k(%arg0: i32, %arg1: i32, %arg2: memref<25x32x8x128xi32, #tpu.memory_space<hbm>>, %arg3: memref<1000000x32xf32, #tpu.memory_space<hbm>>, %arg4: memref<200x4x32x8x128xf32, #tpu.memory_space<hbm>>, %arg5: memref<25x8x128xi32, #tpu.memory_space<vmem>>, %arg6: memref<4x128x32xf32, #tpu.memory_space<vmem>>, %arg7: memref<4x4x8x128xf32, #tpu.memory_space<vmem>>, %arg8: memref<!tpu.dma_semaphore, #tpu.memory_space<semaphore_mem>>, %arg9: memref<!tpu.dma_semaphore, #tpu.memory_space<semaphore_mem>>, %arg10: memref<!tpu.dma_semaphore, #tpu.memory_space<semaphore_mem>>, %arg11: memref<!tpu.dma_semaphore, #tpu.memory_space<semaphore_mem>>, %arg12: memref<!tpu.dma_semaphore, #tpu.memory_space<semaphore_mem>>, %arg13: memref<!tpu.dma_semaphore, #tpu.memory_space<semaphore_mem>>, %arg14: memref<!tpu.dma_semaphore, #tpu.memory_space<semaphore_mem>>, %arg15: memref<!tpu.dma_semaphore, #tpu.memory_space<semaphore_mem>>) attributes {dimension_semantics = [#tpu.dimension_semantics<core_parallel>, #tpu.dimension_semantics<subcore_parallel>], iteration_bounds = array<i64: 2, 16>, scalar_prefetch = 0 : i64, scratch_operands = 11 : i64, tpu.core_type = #tpu.core_type<sc_vector_subcore>, window_params = [{transform_indices = #map}, {transform_indices = #map1}, {transform_indices = #map2}]} {
    %mul3A = arith.constant 2 : i32
    %mul3A_0 = arith.muli %arg1, %mul3A : i32
    %add3A = arith.addi %mul3A_0, %arg0 : i32
    %iota3A = tpu.iota {dimensions = array<i32: 0>} : vector<16xi32>
    %scan3A = arith.constant 0 : i32
    %scan3A_1 = arith.constant 0 : i32
    %scan3A_2 = arith.constant 25 : i32
    %scan3A_3 = arith.addi %scan3A_1, %scan3A_2 : i32
    %scan3A_4 = arith.constant 1 : i32
    scf.for %scan3A_150 = %scan3A_1 to %scan3A_3 step %scan3A_4  : i32 {
      "tpu.region"() ({
        %run_scoped3A = tpu.sem_alloc : memref<!tpu.dma_semaphore, #tpu.memory_space<semaphore_mem>>
        %dma_start3A_151 = arith.constant 0 : i32
        %dma_start3A_152 = arith.constant 0 : i32
        %dma_start3A_153 = tpu.memref_slice %arg5[%scan3A_150, %dma_start3A_151, %dma_start3A_152] : memref<25x8x128xi32, #tpu.memory_space<vmem>> -> memref<1x8x128xi32, #tpu.memory_space<vmem>>
        %dma_start3A_154 = tpu.memref_squeeze %dma_start3A_153 : memref<1x8x128xi32, #tpu.memory_space<vmem>> -> memref<8x128xi32, #tpu.memory_space<vmem>>
        %dma_start3A_155 = arith.constant 0 : i32
        %dma_start3A_156 = arith.constant 0 : i32
        %dma_start3A_157 = tpu.memref_slice %arg2[%scan3A_150, %add3A, %dma_start3A_155, %dma_start3A_156] : memref<25x32x8x128xi32, #tpu.memory_space<hbm>> -> memref<1x1x8x128xi32, #tpu.memory_space<hbm>>
        %dma_start3A_158 = tpu.memref_squeeze %dma_start3A_157 : memref<1x1x8x128xi32, #tpu.memory_space<hbm>> -> memref<8x128xi32, #tpu.memory_space<hbm>>
        %dma_start3A_159 = arith.constant 0 : i32
        %dma_start3A_160 = arith.constant 0 : i32
        %dma_start3A_161 = tpu.memref_slice %arg5[%scan3A_150, %dma_start3A_159, %dma_start3A_160] : memref<25x8x128xi32, #tpu.memory_space<vmem>> -> memref<1x8x128xi32, #tpu.memory_space<vmem>>
        %dma_start3A_162 = tpu.memref_squeeze %dma_start3A_161 : memref<1x8x128xi32, #tpu.memory_space<vmem>> -> memref<8x128xi32, #tpu.memory_space<vmem>>
        %dma_start3A_163 = arith.constant 0 : i32
        %dma_start3A_164 = arith.constant 0 : i32
        %dma_start3A_165 = tpu.memref_slice %arg2[%scan3A_150, %add3A, %dma_start3A_163, %dma_start3A_164] : memref<25x32x8x128xi32, #tpu.memory_space<hbm>> -> memref<1x1x8x128xi32, #tpu.memory_space<hbm>>
        %dma_start3A_166 = tpu.memref_squeeze %dma_start3A_165 : memref<1x1x8x128xi32, #tpu.memory_space<hbm>> -> memref<8x128xi32, #tpu.memory_space<hbm>>
        tpu.enqueue_dma source(%dma_start3A_166 : memref<8x128xi32, #tpu.memory_space<hbm>>) target(%dma_start3A_162 : memref<8x128xi32, #tpu.memory_space<vmem>>) target_semaphore(%run_scoped3A : memref<!tpu.dma_semaphore, #tpu.memory_space<semaphore_mem>>)
        %dma_wait3A_167 = arith.constant 0 : i32
        %dma_wait3A_168 = arith.constant 0 : i32
        %dma_wait3A_169 = tpu.memref_slice %arg5[%scan3A_150, %dma_wait3A_167, %dma_wait3A_168] : memref<25x8x128xi32, #tpu.memory_space<vmem>> -> memref<1x8x128xi32, #tpu.memory_space<vmem>>
        %dma_wait3A_170 = tpu.memref_squeeze %dma_wait3A_169 : memref<1x8x128xi32, #tpu.memory_space<vmem>> -> memref<8x128xi32, #tpu.memory_space<vmem>>
        %dma_wait3A_171 = arith.constant 0 : i32
        %dma_wait3A_172 = arith.constant 0 : i32
        %dma_wait3A_173 = tpu.memref_slice %arg2[%scan3A_150, %add3A, %dma_wait3A_171, %dma_wait3A_172] : memref<25x32x8x128xi32, #tpu.memory_space<hbm>> -> memref<1x1x8x128xi32, #tpu.memory_space<hbm>>
        %dma_wait3A_174 = tpu.memref_squeeze %dma_wait3A_173 : memref<1x1x8x128xi32, #tpu.memory_space<hbm>> -> memref<8x128xi32, #tpu.memory_space<hbm>>
        %dma_wait3A_175 = arith.constant 0 : i32
        %dma_wait3A_176 = arith.constant 0 : i32
        %dma_wait3A_177 = tpu.memref_slice %arg5[%scan3A_150, %dma_wait3A_175, %dma_wait3A_176] : memref<25x8x128xi32, #tpu.memory_space<vmem>> -> memref<1x8x128xi32, #tpu.memory_space<vmem>>
        %dma_wait3A_178 = tpu.memref_squeeze %dma_wait3A_177 : memref<1x8x128xi32, #tpu.memory_space<vmem>> -> memref<8x128xi32, #tpu.memory_space<vmem>>
        %dma_wait3A_179 = arith.constant 0 : i32
        %dma_wait3A_180 = arith.constant 0 : i32
        %dma_wait3A_181 = tpu.memref_slice %arg2[%scan3A_150, %add3A, %dma_wait3A_179, %dma_wait3A_180] : memref<25x32x8x128xi32, #tpu.memory_space<hbm>> -> memref<1x1x8x128xi32, #tpu.memory_space<hbm>>
        %dma_wait3A_182 = tpu.memref_squeeze %dma_wait3A_181 : memref<1x1x8x128xi32, #tpu.memory_space<hbm>> -> memref<8x128xi32, #tpu.memory_space<hbm>>
        tpu.wait_dma2 semaphore(%run_scoped3A : memref<!tpu.dma_semaphore, #tpu.memory_space<semaphore_mem>>) src(%dma_wait3A_182 : memref<8x128xi32, #tpu.memory_space<hbm>>) dst(%dma_wait3A_178 : memref<8x128xi32, #tpu.memory_space<vmem>>)
        tpu.yield
      }) : () -> ()
    }
    %scan3A_5 = arith.constant 25 : i32
    %dma_start3A = arith.constant 0 : i32
    %dma_start3A_6 = arith.constant 0 : i32
    %dma_start3A_7 = arith.constant 0 : i32
    %dma_start3A_8 = arith.constant 0 : i32
    %dma_start3A_9 = arith.constant 0 : i32
    %dma_start3A_10 = tpu.memref_slice %arg6[%dma_start3A_7, %dma_start3A_8, %dma_start3A_9] : memref<4x128x32xf32, #tpu.memory_space<vmem>> -> memref<1x128x32xf32, #tpu.memory_space<vmem>>
    %dma_start3A_11 = tpu.memref_squeeze %dma_start3A_10 : memref<1x128x32xf32, #tpu.memory_space<vmem>> -> memref<128x32xf32, #tpu.memory_space<vmem>>
    %dma_start3A_12 = arith.constant 0 : i32
    %dma_start3A_13 = tpu.memref_slice %arg5[%dma_start3A, %dma_start3A_6, %dma_start3A_12] : memref<25x8x128xi32, #tpu.memory_space<vmem>> -> memref<1x1x128xi32, #tpu.memory_space<vmem>>
    %dma_start3A_14 = tpu.memref_squeeze %dma_start3A_13 : memref<1x1x128xi32, #tpu.memory_space<vmem>> -> memref<128xi32, #tpu.memory_space<vmem>>
    %dma_start3A_15 = arith.constant 0 : i32
    %dma_start3A_16 = arith.constant 0 : i32
    %dma_start3A_17 = tpu.memref_slice %arg3[%dma_start3A_15, %dma_start3A_16] : memref<1000000x32xf32, #tpu.memory_space<hbm>> -> memref<1000000x32xf32, #tpu.memory_space<hbm>>
    tpu.enqueue_indirect_dma source(%dma_start3A_17 : memref<1000000x32xf32, #tpu.memory_space<hbm>>) target(%dma_start3A_11 : memref<128x32xf32, #tpu.memory_space<vmem>>) offsets(%dma_start3A_14 : memref<128xi32, #tpu.memory_space<vmem>>) semaphore(%arg8 : memref<!tpu.dma_semaphore, #tpu.memory_space<semaphore_mem>>)
    %dma_start3A_18 = arith.constant 0 : i32
    %dma_start3A_19 = arith.constant 1 : i32
    %dma_start3A_20 = arith.constant 1 : i32
    %dma_start3A_21 = arith.constant 0 : i32
    %dma_start3A_22 = arith.constant 0 : i32
    %dma_start3A_23 = tpu.memref_slice %arg6[%dma_start3A_20, %dma_start3A_21, %dma_start3A_22] : memref<4x128x32xf32, #tpu.memory_space<vmem>> -> memref<1x128x32xf32, #tpu.memory_space<vmem>>
    %dma_start3A_24 = tpu.memref_squeeze %dma_start3A_23 : memref<1x128x32xf32, #tpu.memory_space<vmem>> -> memref<128x32xf32, #tpu.memory_space<vmem>>
    %dma_start3A_25 = arith.constant 0 : i32
    %dma_start3A_26 = tpu.memref_slice %arg5[%dma_start3A_18, %dma_start3A_19, %dma_start3A_25] : memref<25x8x128xi32, #tpu.memory_space<vmem>> -> memref<1x1x128xi32, #tpu.memory_space<vmem>>
    %dma_start3A_27 = tpu.memref_squeeze %dma_start3A_26 : memref<1x1x128xi32, #tpu.memory_space<vmem>> -> memref<128xi32, #tpu.memory_space<vmem>>
    %dma_start3A_28 = arith.constant 0 : i32
    %dma_start3A_29 = arith.constant 0 : i32
    %dma_start3A_30 = tpu.memref_slice %arg3[%dma_start3A_28, %dma_start3A_29] : memref<1000000x32xf32, #tpu.memory_space<hbm>> -> memref<1000000x32xf32, #tpu.memory_space<hbm>>
    tpu.enqueue_indirect_dma source(%dma_start3A_30 : memref<1000000x32xf32, #tpu.memory_space<hbm>>) target(%dma_start3A_24 : memref<128x32xf32, #tpu.memory_space<vmem>>) offsets(%dma_start3A_27 : memref<128xi32, #tpu.memory_space<vmem>>) semaphore(%arg9 : memref<!tpu.dma_semaphore, #tpu.memory_space<semaphore_mem>>)
    %dma_start3A_31 = arith.constant 0 : i32
    %dma_start3A_32 = arith.constant 2 : i32
    %dma_start3A_33 = arith.constant 2 : i32
    %dma_start3A_34 = arith.constant 0 : i32
    %dma_start3A_35 = arith.constant 0 : i32
    %dma_start3A_36 = tpu.memref_slice %arg6[%dma_start3A_33, %dma_start3A_34, %dma_start3A_35] : memref<4x128x32xf32, #tpu.memory_space<vmem>> -> memref<1x128x32xf32, #tpu.memory_space<vmem>>
    %dma_start3A_37 = tpu.memref_squeeze %dma_start3A_36 : memref<1x128x32xf32, #tpu.memory_space<vmem>> -> memref<128x32xf32, #tpu.memory_space<vmem>>
    %dma_start3A_38 = arith.constant 0 : i32
    %dma_start3A_39 = tpu.memref_slice %arg5[%dma_start3A_31, %dma_start3A_32, %dma_start3A_38] : memref<25x8x128xi32, #tpu.memory_space<vmem>> -> memref<1x1x128xi32, #tpu.memory_space<vmem>>
    %dma_start3A_40 = tpu.memref_squeeze %dma_start3A_39 : memref<1x1x128xi32, #tpu.memory_space<vmem>> -> memref<128xi32, #tpu.memory_space<vmem>>
    %dma_start3A_41 = arith.constant 0 : i32
    %dma_start3A_42 = arith.constant 0 : i32
    %dma_start3A_43 = tpu.memref_slice %arg3[%dma_start3A_41, %dma_start3A_42] : memref<1000000x32xf32, #tpu.memory_space<hbm>> -> memref<1000000x32xf32, #tpu.memory_space<hbm>>
    tpu.enqueue_indirect_dma source(%dma_start3A_43 : memref<1000000x32xf32, #tpu.memory_space<hbm>>) target(%dma_start3A_37 : memref<128x32xf32, #tpu.memory_space<vmem>>) offsets(%dma_start3A_40 : memref<128xi32, #tpu.memory_space<vmem>>) semaphore(%arg10 : memref<!tpu.dma_semaphore, #tpu.memory_space<semaphore_mem>>)
    %dma_start3A_44 = arith.constant 0 : i32
    %dma_start3A_45 = arith.constant 3 : i32
    %dma_start3A_46 = arith.constant 3 : i32
    %dma_start3A_47 = arith.constant 0 : i32
    %dma_start3A_48 = arith.constant 0 : i32
    %dma_start3A_49 = tpu.memref_slice %arg6[%dma_start3A_46, %dma_start3A_47, %dma_start3A_48] : memref<4x128x32xf32, #tpu.memory_space<vmem>> -> memref<1x128x32xf32, #tpu.memory_space<vmem>>
    %dma_start3A_50 = tpu.memref_squeeze %dma_start3A_49 : memref<1x128x32xf32, #tpu.memory_space<vmem>> -> memref<128x32xf32, #tpu.memory_space<vmem>>
    %dma_start3A_51 = arith.constant 0 : i32
    %dma_start3A_52 = tpu.memref_slice %arg5[%dma_start3A_44, %dma_start3A_45, %dma_start3A_51] : memref<25x8x128xi32, #tpu.memory_space<vmem>> -> memref<1x1x128xi32, #tpu.memory_space<vmem>>
    %dma_start3A_53 = tpu.memref_squeeze %dma_start3A_52 : memref<1x1x128xi32, #tpu.memory_space<vmem>> -> memref<128xi32, #tpu.memory_space<vmem>>
    %dma_start3A_54 = arith.constant 0 : i32
    %dma_start3A_55 = arith.constant 0 : i32
    %dma_start3A_56 = tpu.memref_slice %arg3[%dma_start3A_54, %dma_start3A_55] : memref<1000000x32xf32, #tpu.memory_space<hbm>> -> memref<1000000x32xf32, #tpu.memory_space<hbm>>
    tpu.enqueue_indirect_dma source(%dma_start3A_56 : memref<1000000x32xf32, #tpu.memory_space<hbm>>) target(%dma_start3A_50 : memref<128x32xf32, #tpu.memory_space<vmem>>) offsets(%dma_start3A_53 : memref<128xi32, #tpu.memory_space<vmem>>) semaphore(%arg11 : memref<!tpu.dma_semaphore, #tpu.memory_space<semaphore_mem>>)
    %scan3A_57 = arith.constant 0 : i32
    %scan3A_58 = arith.constant 0 : i32
    %scan3A_59 = arith.constant 50 : i32
    %scan3A_60 = arith.addi %scan3A_58, %scan3A_59 : i32
    %scan3A_61 = arith.constant 1 : i32
    scf.for %scan3A_150 = %scan3A_58 to %scan3A_60 step %scan3A_61  : i32 {
      %mul3A_151 = arith.constant 4 : i32
      %mul3A_152 = arith.muli %scan3A_150, %mul3A_151 : i32
      %add3A_153 = arith.constant 0 : i32
      %add3A_154 = arith.addi %mul3A_152, %add3A_153 : i32
      %dma_wait3A_155 = arith.constant 0 : i32
      %dma_wait3A_156 = arith.constant 0 : i32
      %dma_wait3A_157 = arith.constant 0 : i32
      %dma_wait3A_158 = arith.constant 0 : i32
      %dma_wait3A_159 = arith.constant 0 : i32
      %dma_wait3A_160 = tpu.memref_slice %arg6[%dma_wait3A_157, %dma_wait3A_158, %dma_wait3A_159] : memref<4x128x32xf32, #tpu.memory_space<vmem>> -> memref<1x128x32xf32, #tpu.memory_space<vmem>>
      %dma_wait3A_161 = tpu.memref_squeeze %dma_wait3A_160 : memref<1x128x32xf32, #tpu.memory_space<vmem>> -> memref<128x32xf32, #tpu.memory_space<vmem>>
      %dma_wait3A_162 = arith.constant 0 : i32
      %dma_wait3A_163 = tpu.memref_slice %arg5[%dma_wait3A_155, %dma_wait3A_156, %dma_wait3A_162] : memref<25x8x128xi32, #tpu.memory_space<vmem>> -> memref<1x1x128xi32, #tpu.memory_space<vmem>>
      %dma_wait3A_164 = tpu.memref_squeeze %dma_wait3A_163 : memref<1x1x128xi32, #tpu.memory_space<vmem>> -> memref<128xi32, #tpu.memory_space<vmem>>
      %dma_wait3A_165 = arith.constant 0 : i32
      %dma_wait3A_166 = arith.constant 0 : i32
      %dma_wait3A_167 = tpu.memref_slice %arg3[%dma_wait3A_165, %dma_wait3A_166] : memref<1000000x32xf32, #tpu.memory_space<hbm>> -> memref<1000000x32xf32, #tpu.memory_space<hbm>>
      tpu.wait_indirect_dma semaphore(%arg8 : memref<!tpu.dma_semaphore, #tpu.memory_space<semaphore_mem>>) src(%dma_wait3A_167 : memref<1000000x32xf32, #tpu.memory_space<hbm>>) dst(%dma_wait3A_161 : memref<128x32xf32, #tpu.memory_space<vmem>>)
      %gt3A = arith.constant 0 : i32
      %gt3A_168 = arith.cmpi sgt, %scan3A_150, %gt3A : i32
      %convert_element_type3A = arith.extui %gt3A_168 : i1 to i32
      %cond3A = arith.constant 0 : i32
      %cond3A_169 = arith.cmpi ne, %convert_element_type3A, %cond3A : i32
      scf.if %cond3A_169 {
        %dma_wait3A_738 = arith.constant 0 : i32
        %dma_wait3A_739 = arith.constant 0 : i32
        %dma_wait3A_740 = arith.constant 0 : i32
        %dma_wait3A_741 = arith.constant 0 : i32
        %dma_wait3A_742 = arith.constant 0 : i32
        %dma_wait3A_743 = arith.constant 0 : i32
        %dma_wait3A_744 = arith.constant 0 : i32
        %dma_wait3A_745 = tpu.memref_slice %arg7[%dma_wait3A_741, %dma_wait3A_742, %dma_wait3A_743, %dma_wait3A_744] : memref<4x4x8x128xf32, #tpu.memory_space<vmem>> -> memref<1x4x8x128xf32, #tpu.memory_space<vmem>>
        %dma_wait3A_746 = tpu.memref_squeeze %dma_wait3A_745 : memref<1x4x8x128xf32, #tpu.memory_space<vmem>> -> memref<4x8x128xf32, #tpu.memory_space<vmem>>
        %dma_wait3A_747 = arith.constant 0 : i32
        %dma_wait3A_748 = arith.constant 0 : i32
        %dma_wait3A_749 = tpu.memref_slice %arg4[%dma_wait3A_738, %dma_wait3A_739, %dma_wait3A_740, %dma_wait3A_747, %dma_wait3A_748] : memref<200x4x32x8x128xf32, #tpu.memory_space<hbm>> -> memref<1x1x1x8x128xf32, #tpu.memory_space<hbm>>
        %dma_wait3A_750 = tpu.memref_squeeze %dma_wait3A_749 : memref<1x1x1x8x128xf32, #tpu.memory_space<hbm>> -> memref<8x128xf32, #tpu.memory_space<hbm>>
        %dma_wait3A_751 = arith.constant 0 : i32
        %dma_wait3A_752 = arith.constant 0 : i32
        %dma_wait3A_753 = arith.constant 0 : i32
        %dma_wait3A_754 = tpu.memref_slice %arg7[%dma_wait3A_741, %dma_wait3A_751, %dma_wait3A_752, %dma_wait3A_753] : memref<4x4x8x128xf32, #tpu.memory_space<vmem>> -> memref<1x4x8x128xf32, #tpu.memory_space<vmem>>
        %dma_wait3A_755 = tpu.memref_squeeze %dma_wait3A_754 : memref<1x4x8x128xf32, #tpu.memory_space<vmem>> -> memref<4x8x128xf32, #tpu.memory_space<vmem>>
        %dma_wait3A_756 = arith.constant 0 : i32
        %dma_wait3A_757 = arith.constant 0 : i32
        %dma_wait3A_758 = tpu.memref_slice %arg4[%dma_wait3A_738, %dma_wait3A_739, %dma_wait3A_740, %dma_wait3A_756, %dma_wait3A_757] : memref<200x4x32x8x128xf32, #tpu.memory_space<hbm>> -> memref<1x1x1x8x128xf32, #tpu.memory_space<hbm>>
        %dma_wait3A_759 = tpu.memref_squeeze %dma_wait3A_758 : memref<1x1x1x8x128xf32, #tpu.memory_space<hbm>> -> memref<8x128xf32, #tpu.memory_space<hbm>>
        tpu.wait_dma2 semaphore(%arg12 : memref<!tpu.dma_semaphore, #tpu.memory_space<semaphore_mem>>) src(%dma_wait3A_759 : memref<8x128xf32, #tpu.memory_space<hbm>>) dst(%dma_wait3A_755 : memref<4x8x128xf32, #tpu.memory_space<vmem>>)
      } else {
      }
      %parallel_loop3A = arith.constant 0 : i32
      %parallel_loop3A_170 = arith.constant 32 : i32
      %parallel_loop3A_171 = arith.constant 1 : i32
      scf.for %parallel_loop3A_738 = %parallel_loop3A to %parallel_loop3A_170 step %parallel_loop3A_171  : i32 {
        %parallel_loop3A_739 = arith.constant 8 : i32
        %parallel_loop3A_740 = arith.divsi %parallel_loop3A_738, %parallel_loop3A_739 : i32
        %parallel_loop3A_741 = arith.constant 0 : i32
        %parallel_loop3A_742 = arith.cmpi sgt, %parallel_loop3A_738, %parallel_loop3A_741 : i32
        %parallel_loop3A_743 = arith.extui %parallel_loop3A_742 : i1 to i32
        %parallel_loop3A_744 = arith.constant 0 : i32
        %parallel_loop3A_745 = arith.cmpi slt, %parallel_loop3A_738, %parallel_loop3A_744 : i32
        %parallel_loop3A_746 = arith.extui %parallel_loop3A_745 : i1 to i32
        %parallel_loop3A_747 = arith.subi %parallel_loop3A_743, %parallel_loop3A_746 : i32
        %parallel_loop3A_748 = arith.constant 0 : i32
        %parallel_loop3A_749 = arith.cmpi sgt, %parallel_loop3A_739, %parallel_loop3A_748 : i32
        %parallel_loop3A_750 = arith.extui %parallel_loop3A_749 : i1 to i32
        %parallel_loop3A_751 = arith.constant 0 : i32
        %parallel_loop3A_752 = arith.cmpi slt, %parallel_loop3A_739, %parallel_loop3A_751 : i32
        %parallel_loop3A_753 = arith.extui %parallel_loop3A_752 : i1 to i32
        %parallel_loop3A_754 = arith.subi %parallel_loop3A_750, %parallel_loop3A_753 : i32
        %parallel_loop3A_755 = arith.cmpi ne, %parallel_loop3A_747, %parallel_loop3A_754 : i32
        %parallel_loop3A_756 = arith.remsi %parallel_loop3A_738, %parallel_loop3A_739 : i32
        %parallel_loop3A_757 = arith.constant 0 : i32
        %parallel_loop3A_758 = arith.cmpi ne, %parallel_loop3A_756, %parallel_loop3A_757 : i32
        %parallel_loop3A_759 = arith.andi %parallel_loop3A_755, %parallel_loop3A_758 : i1
        %parallel_loop3A_760 = arith.constant 1 : i32
        %parallel_loop3A_761 = arith.subi %parallel_loop3A_740, %parallel_loop3A_760 : i32
        %parallel_loop3A_762 = arith.select %parallel_loop3A_759, %parallel_loop3A_761, %parallel_loop3A_740 : i32
        %parallel_loop3A_763 = arith.constant 8 : i32
        %parallel_loop3A_764 = arith.constant 0 : i32
        %parallel_loop3A_765 = arith.cmpi eq, %parallel_loop3A_763, %parallel_loop3A_764 : i32
        %parallel_loop3A_766 = arith.constant 1 : i32
        %parallel_loop3A_767 = arith.select %parallel_loop3A_765, %parallel_loop3A_766, %parallel_loop3A_763 : i32
        %parallel_loop3A_768 = arith.remsi %parallel_loop3A_738, %parallel_loop3A_767 : i32
        %parallel_loop3A_769 = arith.constant 0 : i32
        %parallel_loop3A_770 = arith.cmpi ne, %parallel_loop3A_768, %parallel_loop3A_769 : i32
        %parallel_loop3A_771 = arith.constant 0 : i32
        %parallel_loop3A_772 = arith.cmpi slt, %parallel_loop3A_768, %parallel_loop3A_771 : i32
        %parallel_loop3A_773 = arith.constant 0 : i32
        %parallel_loop3A_774 = arith.cmpi slt, %parallel_loop3A_767, %parallel_loop3A_773 : i32
        %parallel_loop3A_775 = arith.xori %parallel_loop3A_772, %parallel_loop3A_774 : i1
        %parallel_loop3A_776 = arith.andi %parallel_loop3A_775, %parallel_loop3A_770 : i1
        %parallel_loop3A_777 = arith.addi %parallel_loop3A_768, %parallel_loop3A_767 : i32
        %parallel_loop3A_778 = arith.select %parallel_loop3A_776, %parallel_loop3A_777, %parallel_loop3A_768 : i32
        %parallel_loop3A_779 = vector.broadcast %parallel_loop3A_738 : i32 to vector<16xi32>
        %parallel_loop3A_780 = arith.constant 0 : i32
        %parallel_loop3A_781 = vector.broadcast %parallel_loop3A_780 : i32 to vector<16xi32>
        %parallel_loop3A_782 = arith.addi %iota3A, %parallel_loop3A_781 : vector<16xi32>
        %parallel_loop3A_783 = arith.constant 0 : i32
        %parallel_loop3A_784 = arith.constant 0 : i32
        %parallel_loop3A_785 = arith.constant 0 : i32
        %parallel_loop3A_786 = tpu.memref_slice %arg6[%parallel_loop3A_783, %parallel_loop3A_784, %parallel_loop3A_785] : memref<4x128x32xf32, #tpu.memory_space<vmem>> -> memref<1x128x32xf32, #tpu.memory_space<vmem>>
        %parallel_loop3A_787 = tpu.memref_squeeze %parallel_loop3A_786 : memref<1x128x32xf32, #tpu.memory_space<vmem>> -> memref<128x32xf32, #tpu.memory_space<vmem>>
        %parallel_loop3A_788 = tpu.vector_load_idx %parallel_loop3A_787[%parallel_loop3A_782, %parallel_loop3A_779] : memref<128x32xf32, #tpu.memory_space<vmem>>[vector<16xi32>, vector<16xi32>], vector<16xf32>,
        %parallel_loop3A_789 = arith.constant 0 : i32
        %parallel_loop3A_790 = arith.index_cast %parallel_loop3A_789 : i32 to index
        %parallel_loop3A_791 = arith.index_cast %parallel_loop3A_762 : i32 to index
        %parallel_loop3A_792 = arith.index_cast %parallel_loop3A_778 : i32 to index
        %parallel_loop3A_793 = arith.constant 0 : index
        %parallel_loop3A_794 = tpu.vector_load %arg7[%parallel_loop3A_790, %parallel_loop3A_791, %parallel_loop3A_792, %parallel_loop3A_793] {strides = array<i32>} : memref<4x4x8x128xf32, #tpu.memory_space<vmem>>, vector<16xf32>,
        tpu.vector_store %arg7[%parallel_loop3A_790, %parallel_loop3A_791, %parallel_loop3A_792, %parallel_loop3A_793], %parallel_loop3A_788 {strides = array<i32>} : memref<4x4x8x128xf32, #tpu.memory_space<vmem>>, vector<16xf32>,
        %parallel_loop3A_795 = arith.constant 16 : i32
        %parallel_loop3A_796 = vector.broadcast %parallel_loop3A_795 : i32 to vector<16xi32>
        %parallel_loop3A_797 = arith.addi %iota3A, %parallel_loop3A_796 : vector<16xi32>
        %parallel_loop3A_798 = arith.constant 0 : i32
        %parallel_loop3A_799 = arith.constant 0 : i32
        %parallel_loop3A_800 = arith.constant 0 : i32
        %parallel_loop3A_801 = tpu.memref_slice %arg6[%parallel_loop3A_798, %parallel_loop3A_799, %parallel_loop3A_800] : memref<4x128x32xf32, #tpu.memory_space<vmem>> -> memref<1x128x32xf32, #tpu.memory_space<vmem>>
        %parallel_loop3A_802 = tpu.memref_squeeze %parallel_loop3A_801 : memref<1x128x32xf32, #tpu.memory_space<vmem>> -> memref<128x32xf32, #tpu.memory_space<vmem>>
        %parallel_loop3A_803 = tpu.vector_load_idx %parallel_loop3A_802[%parallel_loop3A_797, %parallel_loop3A_779] : memref<128x32xf32, #tpu.memory_space<vmem>>[vector<16xi32>, vector<16xi32>], vector<16xf32>,
        %parallel_loop3A_804 = arith.constant 0 : i32
        %parallel_loop3A_805 = arith.index_cast %parallel_loop3A_804 : i32 to index
        %parallel_loop3A_806 = arith.index_cast %parallel_loop3A_762 : i32 to index
        %parallel_loop3A_807 = arith.index_cast %parallel_loop3A_778 : i32 to index
        %parallel_loop3A_808 = arith.constant 16 : index
        %parallel_loop3A_809 = tpu.vector_load %arg7[%parallel_loop3A_805, %parallel_loop3A_806, %parallel_loop3A_807, %parallel_loop3A_808] {strides = array<i32>} : memref<4x4x8x128xf32, #tpu.memory_space<vmem>>, vector<16xf32>,
        tpu.vector_store %arg7[%parallel_loop3A_805, %parallel_loop3A_806, %parallel_loop3A_807, %parallel_loop3A_808], %parallel_loop3A_803 {strides = array<i32>} : memref<4x4x8x128xf32, #tpu.memory_space<vmem>>, vector<16xf32>,
        %parallel_loop3A_810 = arith.constant 32 : i32
        %parallel_loop3A_811 = vector.broadcast %parallel_loop3A_810 : i32 to vector<16xi32>
        %parallel_loop3A_812 = arith.addi %iota3A, %parallel_loop3A_811 : vector<16xi32>
        %parallel_loop3A_813 = arith.constant 0 : i32
        %parallel_loop3A_814 = arith.constant 0 : i32
        %parallel_loop3A_815 = arith.constant 0 : i32
        %parallel_loop3A_816 = tpu.memref_slice %arg6[%parallel_loop3A_813, %parallel_loop3A_814, %parallel_loop3A_815] : memref<4x128x32xf32, #tpu.memory_space<vmem>> -> memref<1x128x32xf32, #tpu.memory_space<vmem>>
        %parallel_loop3A_817 = tpu.memref_squeeze %parallel_loop3A_816 : memref<1x128x32xf32, #tpu.memory_space<vmem>> -> memref<128x32xf32, #tpu.memory_space<vmem>>
        %parallel_loop3A_818 = tpu.vector_load_idx %parallel_loop3A_817[%parallel_loop3A_812, %parallel_loop3A_779] : memref<128x32xf32, #tpu.memory_space<vmem>>[vector<16xi32>, vector<16xi32>], vector<16xf32>,
        %parallel_loop3A_819 = arith.constant 0 : i32
        %parallel_loop3A_820 = arith.index_cast %parallel_loop3A_819 : i32 to index
        %parallel_loop3A_821 = arith.index_cast %parallel_loop3A_762 : i32 to index
        %parallel_loop3A_822 = arith.index_cast %parallel_loop3A_778 : i32 to index
        %parallel_loop3A_823 = arith.constant 32 : index
        %parallel_loop3A_824 = tpu.vector_load %arg7[%parallel_loop3A_820, %parallel_loop3A_821, %parallel_loop3A_822, %parallel_loop3A_823] {strides = array<i32>} : memref<4x4x8x128xf32, #tpu.memory_space<vmem>>, vector<16xf32>,
        tpu.vector_store %arg7[%parallel_loop3A_820, %parallel_loop3A_821, %parallel_loop3A_822, %parallel_loop3A_823], %parallel_loop3A_818 {strides = array<i32>} : memref<4x4x8x128xf32, #tpu.memory_space<vmem>>, vector<16xf32>,
        %parallel_loop3A_825 = arith.constant 48 : i32
        %parallel_loop3A_826 = vector.broadcast %parallel_loop3A_825 : i32 to vector<16xi32>
        %parallel_loop3A_827 = arith.addi %iota3A, %parallel_loop3A_826 : vector<16xi32>
        %parallel_loop3A_828 = arith.constant 0 : i32
        %parallel_loop3A_829 = arith.constant 0 : i32
        %parallel_loop3A_830 = arith.constant 0 : i32
        %parallel_loop3A_831 = tpu.memref_slice %arg6[%parallel_loop3A_828, %parallel_loop3A_829, %parallel_loop3A_830] : memref<4x128x32xf32, #tpu.memory_space<vmem>> -> memref<1x128x32xf32, #tpu.memory_space<vmem>>
        %parallel_loop3A_832 = tpu.memref_squeeze %parallel_loop3A_831 : memref<1x128x32xf32, #tpu.memory_space<vmem>> -> memref<128x32xf32, #tpu.memory_space<vmem>>
        %parallel_loop3A_833 = tpu.vector_load_idx %parallel_loop3A_832[%parallel_loop3A_827, %parallel_loop3A_779] : memref<128x32xf32, #tpu.memory_space<vmem>>[vector<16xi32>, vector<16xi32>], vector<16xf32>,
        %parallel_loop3A_834 = arith.constant 0 : i32
        %parallel_loop3A_835 = arith.index_cast %parallel_loop3A_834 : i32 to index
        %parallel_loop3A_836 = arith.index_cast %parallel_loop3A_762 : i32 to index
        %parallel_loop3A_837 = arith.index_cast %parallel_loop3A_778 : i32 to index
        %parallel_loop3A_838 = arith.constant 48 : index
        %parallel_loop3A_839 = tpu.vector_load %arg7[%parallel_loop3A_835, %parallel_loop3A_836, %parallel_loop3A_837, %parallel_loop3A_838] {strides = array<i32>} : memref<4x4x8x128xf32, #tpu.memory_space<vmem>>, vector<16xf32>,
        tpu.vector_store %arg7[%parallel_loop3A_835, %parallel_loop3A_836, %parallel_loop3A_837, %parallel_loop3A_838], %parallel_loop3A_833 {strides = array<i32>} : memref<4x4x8x128xf32, #tpu.memory_space<vmem>>, vector<16xf32>,
        %parallel_loop3A_840 = arith.constant 64 : i32
        %parallel_loop3A_841 = vector.broadcast %parallel_loop3A_840 : i32 to vector<16xi32>
        %parallel_loop3A_842 = arith.addi %iota3A, %parallel_loop3A_841 : vector<16xi32>
        %parallel_loop3A_843 = arith.constant 0 : i32
        %parallel_loop3A_844 = arith.constant 0 : i32
        %parallel_loop3A_845 = arith.constant 0 : i32
        %parallel_loop3A_846 = tpu.memref_slice %arg6[%parallel_loop3A_843, %parallel_loop3A_844, %parallel_loop3A_845] : memref<4x128x32xf32, #tpu.memory_space<vmem>> -> memref<1x128x32xf32, #tpu.memory_space<vmem>>
        %parallel_loop3A_847 = tpu.memref_squeeze %parallel_loop3A_846 : memref<1x128x32xf32, #tpu.memory_space<vmem>> -> memref<128x32xf32, #tpu.memory_space<vmem>>
        %parallel_loop3A_848 = tpu.vector_load_idx %parallel_loop3A_847[%parallel_loop3A_842, %parallel_loop3A_779] : memref<128x32xf32, #tpu.memory_space<vmem>>[vector<16xi32>, vector<16xi32>], vector<16xf32>,
        %parallel_loop3A_849 = arith.constant 0 : i32
        %parallel_loop3A_850 = arith.index_cast %parallel_loop3A_849 : i32 to index
        %parallel_loop3A_851 = arith.index_cast %parallel_loop3A_762 : i32 to index
        %parallel_loop3A_852 = arith.index_cast %parallel_loop3A_778 : i32 to index
        %parallel_loop3A_853 = arith.constant 64 : index
        %parallel_loop3A_854 = tpu.vector_load %arg7[%parallel_loop3A_850, %parallel_loop3A_851, %parallel_loop3A_852, %parallel_loop3A_853] {strides = array<i32>} : memref<4x4x8x128xf32, #tpu.memory_space<vmem>>, vector<16xf32>,
        tpu.vector_store %arg7[%parallel_loop3A_850, %parallel_loop3A_851, %parallel_loop3A_852, %parallel_loop3A_853], %parallel_loop3A_848 {strides = array<i32>} : memref<4x4x8x128xf32, #tpu.memory_space<vmem>>, vector<16xf32>,
        %parallel_loop3A_855 = arith.constant 80 : i32
        %parallel_loop3A_856 = vector.broadcast %parallel_loop3A_855 : i32 to vector<16xi32>
        %parallel_loop3A_857 = arith.addi %iota3A, %parallel_loop3A_856 : vector<16xi32>
        %parallel_loop3A_858 = arith.constant 0 : i32
        %parallel_loop3A_859 = arith.constant 0 : i32
        %parallel_loop3A_860 = arith.constant 0 : i32
        %parallel_loop3A_861 = tpu.memref_slice %arg6[%parallel_loop3A_858, %parallel_loop3A_859, %parallel_loop3A_860] : memref<4x128x32xf32, #tpu.memory_space<vmem>> -> memref<1x128x32xf32, #tpu.memory_space<vmem>>
        %parallel_loop3A_862 = tpu.memref_squeeze %parallel_loop3A_861 : memref<1x128x32xf32, #tpu.memory_space<vmem>> -> memref<128x32xf32, #tpu.memory_space<vmem>>
        %parallel_loop3A_863 = tpu.vector_load_idx %parallel_loop3A_862[%parallel_loop3A_857, %parallel_loop3A_779] : memref<128x32xf32, #tpu.memory_space<vmem>>[vector<16xi32>, vector<16xi32>], vector<16xf32>,
        %parallel_loop3A_864 = arith.constant 0 : i32
        %parallel_loop3A_865 = arith.index_cast %parallel_loop3A_864 : i32 to index
        %parallel_loop3A_866 = arith.index_cast %parallel_loop3A_762 : i32 to index
        %parallel_loop3A_867 = arith.index_cast %parallel_loop3A_778 : i32 to index
        %parallel_loop3A_868 = arith.constant 80 : index
        %parallel_loop3A_869 = tpu.vector_load %arg7[%parallel_loop3A_865, %parallel_loop3A_866, %parallel_loop3A_867, %parallel_loop3A_868] {strides = array<i32>} : memref<4x4x8x128xf32, #tpu.memory_space<vmem>>, vector<16xf32>,
        tpu.vector_store %arg7[%parallel_loop3A_865, %parallel_loop3A_866, %parallel_loop3A_867, %parallel_loop3A_868], %parallel_loop3A_863 {strides = array<i32>} : memref<4x4x8x128xf32, #tpu.memory_space<vmem>>, vector<16xf32>,
        %parallel_loop3A_870 = arith.constant 96 : i32
        %parallel_loop3A_871 = vector.broadcast %parallel_loop3A_870 : i32 to vector<16xi32>
        %parallel_loop3A_872 = arith.addi %iota3A, %parallel_loop3A_871 : vector<16xi32>
        %parallel_loop3A_873 = arith.constant 0 : i32
        %parallel_loop3A_874 = arith.constant 0 : i32
        %parallel_loop3A_875 = arith.constant 0 : i32
        %parallel_loop3A_876 = tpu.memref_slice %arg6[%parallel_loop3A_873, %parallel_loop3A_874, %parallel_loop3A_875] : memref<4x128x32xf32, #tpu.memory_space<vmem>> -> memref<1x128x32xf32, #tpu.memory_space<vmem>>
        %parallel_loop3A_877 = tpu.memref_squeeze %parallel_loop3A_876 : memref<1x128x32xf32, #tpu.memory_space<vmem>> -> memref<128x32xf32, #tpu.memory_space<vmem>>
        %parallel_loop3A_878 = tpu.vector_load_idx %parallel_loop3A_877[%parallel_loop3A_872, %parallel_loop3A_779] : memref<128x32xf32, #tpu.memory_space<vmem>>[vector<16xi32>, vector<16xi32>], vector<16xf32>,
        %parallel_loop3A_879 = arith.constant 0 : i32
        %parallel_loop3A_880 = arith.index_cast %parallel_loop3A_879 : i32 to index
        %parallel_loop3A_881 = arith.index_cast %parallel_loop3A_762 : i32 to index
        %parallel_loop3A_882 = arith.index_cast %parallel_loop3A_778 : i32 to index
        %parallel_loop3A_883 = arith.constant 96 : index
        %parallel_loop3A_884 = tpu.vector_load %arg7[%parallel_loop3A_880, %parallel_loop3A_881, %parallel_loop3A_882, %parallel_loop3A_883] {strides = array<i32>} : memref<4x4x8x128xf32, #tpu.memory_space<vmem>>, vector<16xf32>,
        tpu.vector_store %arg7[%parallel_loop3A_880, %parallel_loop3A_881, %parallel_loop3A_882, %parallel_loop3A_883], %parallel_loop3A_878 {strides = array<i32>} : memref<4x4x8x128xf32, #tpu.memory_space<vmem>>, vector<16xf32>,
        %parallel_loop3A_885 = arith.constant 112 : i32
        %parallel_loop3A_886 = vector.broadcast %parallel_loop3A_885 : i32 to vector<16xi32>
        %parallel_loop3A_887 = arith.addi %iota3A, %parallel_loop3A_886 : vector<16xi32>
        %parallel_loop3A_888 = arith.constant 0 : i32
        %parallel_loop3A_889 = arith.constant 0 : i32
        %parallel_loop3A_890 = arith.constant 0 : i32
        %parallel_loop3A_891 = tpu.memref_slice %arg6[%parallel_loop3A_888, %parallel_loop3A_889, %parallel_loop3A_890] : memref<4x128x32xf32, #tpu.memory_space<vmem>> -> memref<1x128x32xf32, #tpu.memory_space<vmem>>
        %parallel_loop3A_892 = tpu.memref_squeeze %parallel_loop3A_891 : memref<1x128x32xf32, #tpu.memory_space<vmem>> -> memref<128x32xf32, #tpu.memory_space<vmem>>
        %parallel_loop3A_893 = tpu.vector_load_idx %parallel_loop3A_892[%parallel_loop3A_887, %parallel_loop3A_779] : memref<128x32xf32, #tpu.memory_space<vmem>>[vector<16xi32>, vector<16xi32>], vector<16xf32>,
        %parallel_loop3A_894 = arith.constant 0 : i32
        %parallel_loop3A_895 = arith.index_cast %parallel_loop3A_894 : i32 to index
        %parallel_loop3A_896 = arith.index_cast %parallel_loop3A_762 : i32 to index
        %parallel_loop3A_897 = arith.index_cast %parallel_loop3A_778 : i32 to index
        %parallel_loop3A_898 = arith.constant 112 : index
        %parallel_loop3A_899 = tpu.vector_load %arg7[%parallel_loop3A_895, %parallel_loop3A_896, %parallel_loop3A_897, %parallel_loop3A_898] {strides = array<i32>} : memref<4x4x8x128xf32, #tpu.memory_space<vmem>>, vector<16xf32>,
        tpu.vector_store %arg7[%parallel_loop3A_895, %parallel_loop3A_896, %parallel_loop3A_897, %parallel_loop3A_898], %parallel_loop3A_893 {strides = array<i32>} : memref<4x4x8x128xf32, #tpu.memory_space<vmem>>, vector<16xf32>,
      } {sc.loop_unroll_factor = 8 : i64, sc.parallel_access}
      %dma_start3A_172 = arith.constant 0 : i32
      %dma_start3A_173 = arith.constant 0 : i32
      %dma_start3A_174 = arith.constant 0 : i32
      %dma_start3A_175 = arith.constant 0 : i32
      %dma_start3A_176 = arith.constant 0 : i32
      %dma_start3A_177 = arith.constant 0 : i32
      %dma_start3A_178 = tpu.memref_slice %arg7[%dma_start3A_172, %dma_start3A_175, %dma_start3A_176, %dma_start3A_177] : memref<4x4x8x128xf32, #tpu.memory_space<vmem>> -> memref<1x4x8x128xf32, #tpu.memory_space<vmem>>
      %dma_start3A_179 = tpu.memref_squeeze %dma_start3A_178 : memref<1x4x8x128xf32, #tpu.memory_space<vmem>> -> memref<4x8x128xf32, #tpu.memory_space<vmem>>
      %dma_start3A_180 = arith.constant 0 : i32
      %dma_start3A_181 = arith.constant 0 : i32
      %dma_start3A_182 = tpu.memref_slice %dma_start3A_179[%dma_start3A_173, %dma_start3A_180, %dma_start3A_181] : memref<4x8x128xf32, #tpu.memory_space<vmem>> -> memref<1x8x128xf32, #tpu.memory_space<vmem>>
      %dma_start3A_183 = tpu.memref_squeeze %dma_start3A_182 : memref<1x8x128xf32, #tpu.memory_space<vmem>> -> memref<8x128xf32, #tpu.memory_space<vmem>>
      %dma_start3A_184 = arith.constant 0 : i32
      %dma_start3A_185 = arith.constant 0 : i32
      %dma_start3A_186 = tpu.memref_slice %arg4[%add3A_154, %dma_start3A_174, %add3A, %dma_start3A_184, %dma_start3A_185] : memref<200x4x32x8x128xf32, #tpu.memory_space<hbm>> -> memref<1x1x1x8x128xf32, #tpu.memory_space<hbm>>
      %dma_start3A_187 = tpu.memref_squeeze %dma_start3A_186 : memref<1x1x1x8x128xf32, #tpu.memory_space<hbm>> -> memref<8x128xf32, #tpu.memory_space<hbm>>
      %dma_start3A_188 = arith.constant 0 : i32
      %dma_start3A_189 = arith.constant 0 : i32
      %dma_start3A_190 = tpu.memref_slice %arg4[%add3A_154, %dma_start3A_174, %add3A, %dma_start3A_188, %dma_start3A_189] : memref<200x4x32x8x128xf32, #tpu.memory_space<hbm>> -> memref<1x1x1x8x128xf32, #tpu.memory_space<hbm>>
      %dma_start3A_191 = tpu.memref_squeeze %dma_start3A_190 : memref<1x1x1x8x128xf32, #tpu.memory_space<hbm>> -> memref<8x128xf32, #tpu.memory_space<hbm>>
      %dma_start3A_192 = arith.constant 0 : i32
      %dma_start3A_193 = arith.constant 0 : i32
      %dma_start3A_194 = arith.constant 0 : i32
      %dma_start3A_195 = tpu.memref_slice %arg7[%dma_start3A_172, %dma_start3A_192, %dma_start3A_193, %dma_start3A_194] : memref<4x4x8x128xf32, #tpu.memory_space<vmem>> -> memref<1x4x8x128xf32, #tpu.memory_space<vmem>>
      %dma_start3A_196 = tpu.memref_squeeze %dma_start3A_195 : memref<1x4x8x128xf32, #tpu.memory_space<vmem>> -> memref<4x8x128xf32, #tpu.memory_space<vmem>>
      %dma_start3A_197 = arith.constant 0 : i32
      %dma_start3A_198 = arith.constant 0 : i32
      %dma_start3A_199 = tpu.memref_slice %dma_start3A_196[%dma_start3A_173, %dma_start3A_197, %dma_start3A_198] : memref<4x8x128xf32, #tpu.memory_space<vmem>> -> memref<1x8x128xf32, #tpu.memory_space<vmem>>
      %dma_start3A_200 = tpu.memref_squeeze %dma_start3A_199 : memref<1x8x128xf32, #tpu.memory_space<vmem>> -> memref<8x128xf32, #tpu.memory_space<vmem>>
      tpu.enqueue_dma source(%dma_start3A_200 : memref<8x128xf32, #tpu.memory_space<vmem>>) target(%dma_start3A_191 : memref<8x128xf32, #tpu.memory_space<hbm>>) target_semaphore(%arg12 : memref<!tpu.dma_semaphore, #tpu.memory_space<semaphore_mem>>)
      %dma_start3A_201 = arith.constant 0 : i32
      %dma_start3A_202 = arith.constant 1 : i32
      %dma_start3A_203 = arith.constant 1 : i32
      %dma_start3A_204 = arith.constant 0 : i32
      %dma_start3A_205 = arith.constant 0 : i32
      %dma_start3A_206 = arith.constant 0 : i32
      %dma_start3A_207 = tpu.memref_slice %arg7[%dma_start3A_201, %dma_start3A_204, %dma_start3A_205, %dma_start3A_206] : memref<4x4x8x128xf32, #tpu.memory_space<vmem>> -> memref<1x4x8x128xf32, #tpu.memory_space<vmem>>
      %dma_start3A_208 = tpu.memref_squeeze %dma_start3A_207 : memref<1x4x8x128xf32, #tpu.memory_space<vmem>> -> memref<4x8x128xf32, #tpu.memory_space<vmem>>
      %dma_start3A_209 = arith.constant 0 : i32
      %dma_start3A_210 = arith.constant 0 : i32
      %dma_start3A_211 = tpu.memref_slice %dma_start3A_208[%dma_start3A_202, %dma_start3A_209, %dma_start3A_210] : memref<4x8x128xf32, #tpu.memory_space<vmem>> -> memref<1x8x128xf32, #tpu.memory_space<vmem>>
      %dma_start3A_212 = tpu.memref_squeeze %dma_start3A_211 : memref<1x8x128xf32, #tpu.memory_space<vmem>> -> memref<8x128xf32, #tpu.memory_space<vmem>>
      %dma_start3A_213 = arith.constant 0 : i32
      %dma_start3A_214 = arith.constant 0 : i32
      %dma_start3A_215 = tpu.memref_slice %arg4[%add3A_154, %dma_start3A_203, %add3A, %dma_start3A_213, %dma_start3A_214] : memref<200x4x32x8x128xf32, #tpu.memory_space<hbm>> -> memref<1x1x1x8x128xf32, #tpu.memory_space<hbm>>
      %dma_start3A_216 = tpu.memref_squeeze %dma_start3A_215 : memref<1x1x1x8x128xf32, #tpu.memory_space<hbm>> -> memref<8x128xf32, #tpu.memory_space<hbm>>
      %dma_start3A_217 = arith.constant 0 : i32
      %dma_start3A_218 = arith.constant 0 : i32
      %dma_start3A_219 = tpu.memref_slice %arg4[%add3A_154, %dma_start3A_203, %add3A, %dma_start3A_217, %dma_start3A_218] : memref<200x4x32x8x128xf32, #tpu.memory_space<hbm>> -> memref<1x1x1x8x128xf32, #tpu.memory_space<hbm>>
      %dma_start3A_220 = tpu.memref_squeeze %dma_start3A_219 : memref<1x1x1x8x128xf32, #tpu.memory_space<hbm>> -> memref<8x128xf32, #tpu.memory_space<hbm>>
      %dma_start3A_221 = arith.constant 0 : i32
      %dma_start3A_222 = arith.constant 0 : i32
      %dma_start3A_223 = arith.constant 0 : i32
      %dma_start3A_224 = tpu.memref_slice %arg7[%dma_start3A_201, %dma_start3A_221, %dma_start3A_222, %dma_start3A_223] : memref<4x4x8x128xf32, #tpu.memory_space<vmem>> -> memref<1x4x8x128xf32, #tpu.memory_space<vmem>>
      %dma_start3A_225 = tpu.memref_squeeze %dma_start3A_224 : memref<1x4x8x128xf32, #tpu.memory_space<vmem>> -> memref<4x8x128xf32, #tpu.memory_space<vmem>>
      %dma_start3A_226 = arith.constant 0 : i32
      %dma_start3A_227 = arith.constant 0 : i32
      %dma_start3A_228 = tpu.memref_slice %dma_start3A_225[%dma_start3A_202, %dma_start3A_226, %dma_start3A_227] : memref<4x8x128xf32, #tpu.memory_space<vmem>> -> memref<1x8x128xf32, #tpu.memory_space<vmem>>
      %dma_start3A_229 = tpu.memref_squeeze %dma_start3A_228 : memref<1x8x128xf32, #tpu.memory_space<vmem>> -> memref<8x128xf32, #tpu.memory_space<vmem>>
      tpu.enqueue_dma source(%dma_start3A_229 : memref<8x128xf32, #tpu.memory_space<vmem>>) target(%dma_start3A_220 : memref<8x128xf32, #tpu.memory_space<hbm>>) target_semaphore(%arg12 : memref<!tpu.dma_semaphore, #tpu.memory_space<semaphore_mem>>)
      %dma_start3A_230 = arith.constant 0 : i32
      %dma_start3A_231 = arith.constant 2 : i32
      %dma_start3A_232 = arith.constant 2 : i32
      %dma_start3A_233 = arith.constant 0 : i32
      %dma_start3A_234 = arith.constant 0 : i32
      %dma_start3A_235 = arith.constant 0 : i32
      %dma_start3A_236 = tpu.memref_slice %arg7[%dma_start3A_230, %dma_start3A_233, %dma_start3A_234, %dma_start3A_235] : memref<4x4x8x128xf32, #tpu.memory_space<vmem>> -> memref<1x4x8x128xf32, #tpu.memory_space<vmem>>
      %dma_start3A_237 = tpu.memref_squeeze %dma_start3A_236 : memref<1x4x8x128xf32, #tpu.memory_space<vmem>> -> memref<4x8x128xf32, #tpu.memory_space<vmem>>
      %dma_start3A_238 = arith.constant 0 : i32
      %dma_start3A_239 = arith.constant 0 : i32
      %dma_start3A_240 = tpu.memref_slice %dma_start3A_237[%dma_start3A_231, %dma_start3A_238, %dma_start3A_239] : memref<4x8x128xf32, #tpu.memory_space<vmem>> -> memref<1x8x128xf32, #tpu.memory_space<vmem>>
      %dma_start3A_241 = tpu.memref_squeeze %dma_start3A_240 : memref<1x8x128xf32, #tpu.memory_space<vmem>> -> memref<8x128xf32, #tpu.memory_space<vmem>>
      %dma_start3A_242 = arith.constant 0 : i32
      %dma_start3A_243 = arith.constant 0 : i32
      %dma_start3A_244 = tpu.memref_slice %arg4[%add3A_154, %dma_start3A_232, %add3A, %dma_start3A_242, %dma_start3A_243] : memref<200x4x32x8x128xf32, #tpu.memory_space<hbm>> -> memref<1x1x1x8x128xf32, #tpu.memory_space<hbm>>
      %dma_start3A_245 = tpu.memref_squeeze %dma_start3A_244 : memref<1x1x1x8x128xf32, #tpu.memory_space<hbm>> -> memref<8x128xf32, #tpu.memory_space<hbm>>
      %dma_start3A_246 = arith.constant 0 : i32
      %dma_start3A_247 = arith.constant 0 : i32
      %dma_start3A_248 = tpu.memref_slice %arg4[%add3A_154, %dma_start3A_232, %add3A, %dma_start3A_246, %dma_start3A_247] : memref<200x4x32x8x128xf32, #tpu.memory_space<hbm>> -> memref<1x1x1x8x128xf32, #tpu.memory_space<hbm>>
      %dma_start3A_249 = tpu.memref_squeeze %dma_start3A_248 : memref<1x1x1x8x128xf32, #tpu.memory_space<hbm>> -> memref<8x128xf32, #tpu.memory_space<hbm>>
      %dma_start3A_250 = arith.constant 0 : i32
      %dma_start3A_251 = arith.constant 0 : i32
      %dma_start3A_252 = arith.constant 0 : i32
      %dma_start3A_253 = tpu.memref_slice %arg7[%dma_start3A_230, %dma_start3A_250, %dma_start3A_251, %dma_start3A_252] : memref<4x4x8x128xf32, #tpu.memory_space<vmem>> -> memref<1x4x8x128xf32, #tpu.memory_space<vmem>>
      %dma_start3A_254 = tpu.memref_squeeze %dma_start3A_253 : memref<1x4x8x128xf32, #tpu.memory_space<vmem>> -> memref<4x8x128xf32, #tpu.memory_space<vmem>>
      %dma_start3A_255 = arith.constant 0 : i32
      %dma_start3A_256 = arith.constant 0 : i32
      %dma_start3A_257 = tpu.memref_slice %dma_start3A_254[%dma_start3A_231, %dma_start3A_255, %dma_start3A_256] : memref<4x8x128xf32, #tpu.memory_space<vmem>> -> memref<1x8x128xf32, #tpu.memory_space<vmem>>
      %dma_start3A_258 = tpu.memref_squeeze %dma_start3A_257 : memref<1x8x128xf32, #tpu.memory_space<vmem>> -> memref<8x128xf32, #tpu.memory_space<vmem>>
      tpu.enqueue_dma source(%dma_start3A_258 : memref<8x128xf32, #tpu.memory_space<vmem>>) target(%dma_start3A_249 : memref<8x128xf32, #tpu.memory_space<hbm>>) target_semaphore(%arg12 : memref<!tpu.dma_semaphore, #tpu.memory_space<semaphore_mem>>)
      %dma_start3A_259 = arith.constant 0 : i32
      %dma_start3A_260 = arith.constant 3 : i32
      %dma_start3A_261 = arith.constant 3 : i32
      %dma_start3A_262 = arith.constant 0 : i32
      %dma_start3A_263 = arith.constant 0 : i32
      %dma_start3A_264 = arith.constant 0 : i32
      %dma_start3A_265 = tpu.memref_slice %arg7[%dma_start3A_259, %dma_start3A_262, %dma_start3A_263, %dma_start3A_264] : memref<4x4x8x128xf32, #tpu.memory_space<vmem>> -> memref<1x4x8x128xf32, #tpu.memory_space<vmem>>
      %dma_start3A_266 = tpu.memref_squeeze %dma_start3A_265 : memref<1x4x8x128xf32, #tpu.memory_space<vmem>> -> memref<4x8x128xf32, #tpu.memory_space<vmem>>
      %dma_start3A_267 = arith.constant 0 : i32
      %dma_start3A_268 = arith.constant 0 : i32
      %dma_start3A_269 = tpu.memref_slice %dma_start3A_266[%dma_start3A_260, %dma_start3A_267, %dma_start3A_268] : memref<4x8x128xf32, #tpu.memory_space<vmem>> -> memref<1x8x128xf32, #tpu.memory_space<vmem>>
      %dma_start3A_270 = tpu.memref_squeeze %dma_start3A_269 : memref<1x8x128xf32, #tpu.memory_space<vmem>> -> memref<8x128xf32, #tpu.memory_space<vmem>>
      %dma_start3A_271 = arith.constant 0 : i32
      %dma_start3A_272 = arith.constant 0 : i32
      %dma_start3A_273 = tpu.memref_slice %arg4[%add3A_154, %dma_start3A_261, %add3A, %dma_start3A_271, %dma_start3A_272] : memref<200x4x32x8x128xf32, #tpu.memory_space<hbm>> -> memref<1x1x1x8x128xf32, #tpu.memory_space<hbm>>
      %dma_start3A_274 = tpu.memref_squeeze %dma_start3A_273 : memref<1x1x1x8x128xf32, #tpu.memory_space<hbm>> -> memref<8x128xf32, #tpu.memory_space<hbm>>
      %dma_start3A_275 = arith.constant 0 : i32
      %dma_start3A_276 = arith.constant 0 : i32
      %dma_start3A_277 = tpu.memref_slice %arg4[%add3A_154, %dma_start3A_261, %add3A, %dma_start3A_275, %dma_start3A_276] : memref<200x4x32x8x128xf32, #tpu.memory_space<hbm>> -> memref<1x1x1x8x128xf32, #tpu.memory_space<hbm>>
      %dma_start3A_278 = tpu.memref_squeeze %dma_start3A_277 : memref<1x1x1x8x128xf32, #tpu.memory_space<hbm>> -> memref<8x128xf32, #tpu.memory_space<hbm>>
      %dma_start3A_279 = arith.constant 0 : i32
      %dma_start3A_280 = arith.constant 0 : i32
      %dma_start3A_281 = arith.constant 0 : i32
      %dma_start3A_282 = tpu.memref_slice %arg7[%dma_start3A_259, %dma_start3A_279, %dma_start3A_280, %dma_start3A_281] : memref<4x4x8x128xf32, #tpu.memory_space<vmem>> -> memref<1x4x8x128xf32, #tpu.memory_space<vmem>>
      %dma_start3A_283 = tpu.memref_squeeze %dma_start3A_282 : memref<1x4x8x128xf32, #tpu.memory_space<vmem>> -> memref<4x8x128xf32, #tpu.memory_space<vmem>>
      %dma_start3A_284 = arith.constant 0 : i32
      %dma_start3A_285 = arith.constant 0 : i32
      %dma_start3A_286 = tpu.memref_slice %dma_start3A_283[%dma_start3A_260, %dma_start3A_284, %dma_start3A_285] : memref<4x8x128xf32, #tpu.memory_space<vmem>> -> memref<1x8x128xf32, #tpu.memory_space<vmem>>
      %dma_start3A_287 = tpu.memref_squeeze %dma_start3A_286 : memref<1x8x128xf32, #tpu.memory_space<vmem>> -> memref<8x128xf32, #tpu.memory_space<vmem>>
      tpu.enqueue_dma source(%dma_start3A_287 : memref<8x128xf32, #tpu.memory_space<vmem>>) target(%dma_start3A_278 : memref<8x128xf32, #tpu.memory_space<hbm>>) target_semaphore(%arg12 : memref<!tpu.dma_semaphore, #tpu.memory_space<semaphore_mem>>)
      %add3A_288 = arith.constant 4 : i32
      %add3A_289 = arith.addi %add3A_154, %add3A_288 : i32
      %lt3A = arith.constant 200 : i32
      %lt3A_290 = arith.cmpi slt, %add3A_289, %lt3A : i32
      %convert_element_type3A_291 = arith.extui %lt3A_290 : i1 to i32
      %cond3A_292 = arith.constant 0 : i32
      %cond3A_293 = arith.cmpi ne, %convert_element_type3A_291, %cond3A_292 : i32
      scf.if %cond3A_293 {
        %add3A_738 = arith.constant 4 : i32
        %add3A_739 = arith.addi %add3A_154, %add3A_738 : i32
        %jit3A = arith.constant 8 : i32
        %div3A = arith.divsi %add3A_739, %jit3A : i32
        %sign3A = arith.constant 0 : i32
        %sign3A_740 = arith.cmpi sgt, %add3A_739, %sign3A : i32
        %sign3A_741 = arith.extui %sign3A_740 : i1 to i32
        %sign3A_742 = arith.constant 0 : i32
        %sign3A_743 = arith.cmpi slt, %add3A_739, %sign3A_742 : i32
        %sign3A_744 = arith.extui %sign3A_743 : i1 to i32
        %sign3A_745 = arith.subi %sign3A_741, %sign3A_744 : i32
        %sign3A_746 = arith.constant 0 : i32
        %sign3A_747 = arith.cmpi sgt, %jit3A, %sign3A_746 : i32
        %sign3A_748 = arith.extui %sign3A_747 : i1 to i32
        %sign3A_749 = arith.constant 0 : i32
        %sign3A_750 = arith.cmpi slt, %jit3A, %sign3A_749 : i32
        %sign3A_751 = arith.extui %sign3A_750 : i1 to i32
        %sign3A_752 = arith.subi %sign3A_748, %sign3A_751 : i32
        %ne3A = arith.cmpi ne, %sign3A_745, %sign3A_752 : i32
        %rem3A = arith.remsi %add3A_739, %jit3A : i32
        %ne3A_753 = arith.constant 0 : i32
        %ne3A_754 = arith.cmpi ne, %rem3A, %ne3A_753 : i32
        %and3A = arith.andi %ne3A, %ne3A_754 : i1
        %sub3A = arith.constant 1 : i32
        %sub3A_755 = arith.subi %div3A, %sub3A : i32
        %select_n3A = arith.select %and3A, %sub3A_755, %div3A : i32
        %jit3A_756 = arith.constant 8 : i32
        %eq3A = arith.constant 0 : i32
        %eq3A_757 = arith.cmpi eq, %jit3A_756, %eq3A : i32
        %jit3A_758 = arith.constant 1 : i32
        %select_n3A_759 = arith.select %eq3A_757, %jit3A_758, %jit3A_756 : i32
        %rem3A_760 = arith.remsi %add3A_739, %select_n3A_759 : i32
        %ne3A_761 = arith.constant 0 : i32
        %ne3A_762 = arith.cmpi ne, %rem3A_760, %ne3A_761 : i32
        %lt3A_763 = arith.constant 0 : i32
        %lt3A_764 = arith.cmpi slt, %rem3A_760, %lt3A_763 : i32
        %lt3A_765 = arith.constant 0 : i32
        %lt3A_766 = arith.cmpi slt, %select_n3A_759, %lt3A_765 : i32
        %ne3A_767 = arith.xori %lt3A_764, %lt3A_766 : i1
        %and3A_768 = arith.andi %ne3A_767, %ne3A_762 : i1
        %add3A_769 = arith.addi %rem3A_760, %select_n3A_759 : i32
        %select_n3A_770 = arith.select %and3A_768, %add3A_769, %rem3A_760 : i32
        %dma_start3A_771 = arith.constant 0 : i32
        %dma_start3A_772 = arith.constant 0 : i32
        %dma_start3A_773 = arith.constant 0 : i32
        %dma_start3A_774 = tpu.memref_slice %arg6[%dma_start3A_771, %dma_start3A_772, %dma_start3A_773] : memref<4x128x32xf32, #tpu.memory_space<vmem>> -> memref<1x128x32xf32, #tpu.memory_space<vmem>>
        %dma_start3A_775 = tpu.memref_squeeze %dma_start3A_774 : memref<1x128x32xf32, #tpu.memory_space<vmem>> -> memref<128x32xf32, #tpu.memory_space<vmem>>
        %dma_start3A_776 = arith.constant 0 : i32
        %dma_start3A_777 = tpu.memref_slice %arg5[%select_n3A, %select_n3A_770, %dma_start3A_776] : memref<25x8x128xi32, #tpu.memory_space<vmem>> -> memref<1x1x128xi32, #tpu.memory_space<vmem>>
        %dma_start3A_778 = tpu.memref_squeeze %dma_start3A_777 : memref<1x1x128xi32, #tpu.memory_space<vmem>> -> memref<128xi32, #tpu.memory_space<vmem>>
        %dma_start3A_779 = arith.constant 0 : i32
        %dma_start3A_780 = arith.constant 0 : i32
        %dma_start3A_781 = tpu.memref_slice %arg3[%dma_start3A_779, %dma_start3A_780] : memref<1000000x32xf32, #tpu.memory_space<hbm>> -> memref<1000000x32xf32, #tpu.memory_space<hbm>>
        tpu.enqueue_indirect_dma source(%dma_start3A_781 : memref<1000000x32xf32, #tpu.memory_space<hbm>>) target(%dma_start3A_775 : memref<128x32xf32, #tpu.memory_space<vmem>>) offsets(%dma_start3A_778 : memref<128xi32, #tpu.memory_space<vmem>>) semaphore(%arg8 : memref<!tpu.dma_semaphore, #tpu.memory_space<semaphore_mem>>)
      } else {
      }
      %mul3A_294 = arith.constant 4 : i32
      %mul3A_295 = arith.muli %scan3A_150, %mul3A_294 : i32
      %add3A_296 = arith.constant 1 : i32
      %add3A_297 = arith.addi %mul3A_295, %add3A_296 : i32
      %dma_wait3A_298 = arith.constant 0 : i32
      %dma_wait3A_299 = arith.constant 0 : i32
      %dma_wait3A_300 = arith.constant 1 : i32
      %dma_wait3A_301 = arith.constant 0 : i32
      %dma_wait3A_302 = arith.constant 0 : i32
      %dma_wait3A_303 = tpu.memref_slice %arg6[%dma_wait3A_300, %dma_wait3A_301, %dma_wait3A_302] : memref<4x128x32xf32, #tpu.memory_space<vmem>> -> memref<1x128x32xf32, #tpu.memory_space<vmem>>
      %dma_wait3A_304 = tpu.memref_squeeze %dma_wait3A_303 : memref<1x128x32xf32, #tpu.memory_space<vmem>> -> memref<128x32xf32, #tpu.memory_space<vmem>>
      %dma_wait3A_305 = arith.constant 0 : i32
      %dma_wait3A_306 = tpu.memref_slice %arg5[%dma_wait3A_298, %dma_wait3A_299, %dma_wait3A_305] : memref<25x8x128xi32, #tpu.memory_space<vmem>> -> memref<1x1x128xi32, #tpu.memory_space<vmem>>
      %dma_wait3A_307 = tpu.memref_squeeze %dma_wait3A_306 : memref<1x1x128xi32, #tpu.memory_space<vmem>> -> memref<128xi32, #tpu.memory_space<vmem>>
      %dma_wait3A_308 = arith.constant 0 : i32
      %dma_wait3A_309 = arith.constant 0 : i32
      %dma_wait3A_310 = tpu.memref_slice %arg3[%dma_wait3A_308, %dma_wait3A_309] : memref<1000000x32xf32, #tpu.memory_space<hbm>> -> memref<1000000x32xf32, #tpu.memory_space<hbm>>
      tpu.wait_indirect_dma semaphore(%arg9 : memref<!tpu.dma_semaphore, #tpu.memory_space<semaphore_mem>>) src(%dma_wait3A_310 : memref<1000000x32xf32, #tpu.memory_space<hbm>>) dst(%dma_wait3A_304 : memref<128x32xf32, #tpu.memory_space<vmem>>)
      %gt3A_311 = arith.constant 0 : i32
      %gt3A_312 = arith.cmpi sgt, %scan3A_150, %gt3A_311 : i32
      %convert_element_type3A_313 = arith.extui %gt3A_312 : i1 to i32
      %cond3A_314 = arith.constant 0 : i32
      %cond3A_315 = arith.cmpi ne, %convert_element_type3A_313, %cond3A_314 : i32
      scf.if %cond3A_315 {
        %dma_wait3A_738 = arith.constant 0 : i32
        %dma_wait3A_739 = arith.constant 0 : i32
        %dma_wait3A_740 = arith.constant 0 : i32
        %dma_wait3A_741 = arith.constant 1 : i32
        %dma_wait3A_742 = arith.constant 0 : i32
        %dma_wait3A_743 = arith.constant 0 : i32
        %dma_wait3A_744 = arith.constant 0 : i32
        %dma_wait3A_745 = tpu.memref_slice %arg7[%dma_wait3A_741, %dma_wait3A_742, %dma_wait3A_743, %dma_wait3A_744] : memref<4x4x8x128xf32, #tpu.memory_space<vmem>> -> memref<1x4x8x128xf32, #tpu.memory_space<vmem>>
        %dma_wait3A_746 = tpu.memref_squeeze %dma_wait3A_745 : memref<1x4x8x128xf32, #tpu.memory_space<vmem>> -> memref<4x8x128xf32, #tpu.memory_space<vmem>>
        %dma_wait3A_747 = arith.constant 0 : i32
        %dma_wait3A_748 = arith.constant 0 : i32
        %dma_wait3A_749 = tpu.memref_slice %arg4[%dma_wait3A_738, %dma_wait3A_739, %dma_wait3A_740, %dma_wait3A_747, %dma_wait3A_748] : memref<200x4x32x8x128xf32, #tpu.memory_space<hbm>> -> memref<1x1x1x8x128xf32, #tpu.memory_space<hbm>>
        %dma_wait3A_750 = tpu.memref_squeeze %dma_wait3A_749 : memref<1x1x1x8x128xf32, #tpu.memory_space<hbm>> -> memref<8x128xf32, #tpu.memory_space<hbm>>
        %dma_wait3A_751 = arith.constant 0 : i32
        %dma_wait3A_752 = arith.constant 0 : i32
        %dma_wait3A_753 = arith.constant 0 : i32
        %dma_wait3A_754 = tpu.memref_slice %arg7[%dma_wait3A_741, %dma_wait3A_751, %dma_wait3A_752, %dma_wait3A_753] : memref<4x4x8x128xf32, #tpu.memory_space<vmem>> -> memref<1x4x8x128xf32, #tpu.memory_space<vmem>>
        %dma_wait3A_755 = tpu.memref_squeeze %dma_wait3A_754 : memref<1x4x8x128xf32, #tpu.memory_space<vmem>> -> memref<4x8x128xf32, #tpu.memory_space<vmem>>
        %dma_wait3A_756 = arith.constant 0 : i32
        %dma_wait3A_757 = arith.constant 0 : i32
        %dma_wait3A_758 = tpu.memref_slice %arg4[%dma_wait3A_738, %dma_wait3A_739, %dma_wait3A_740, %dma_wait3A_756, %dma_wait3A_757] : memref<200x4x32x8x128xf32, #tpu.memory_space<hbm>> -> memref<1x1x1x8x128xf32, #tpu.memory_space<hbm>>
        %dma_wait3A_759 = tpu.memref_squeeze %dma_wait3A_758 : memref<1x1x1x8x128xf32, #tpu.memory_space<hbm>> -> memref<8x128xf32, #tpu.memory_space<hbm>>
        tpu.wait_dma2 semaphore(%arg13 : memref<!tpu.dma_semaphore, #tpu.memory_space<semaphore_mem>>) src(%dma_wait3A_759 : memref<8x128xf32, #tpu.memory_space<hbm>>) dst(%dma_wait3A_755 : memref<4x8x128xf32, #tpu.memory_space<vmem>>)
      } else {
      }
      %parallel_loop3A_316 = arith.constant 0 : i32
      %parallel_loop3A_317 = arith.constant 32 : i32
      %parallel_loop3A_318 = arith.constant 1 : i32
      scf.for %parallel_loop3A_738 = %parallel_loop3A_316 to %parallel_loop3A_317 step %parallel_loop3A_318  : i32 {
        %parallel_loop3A_739 = arith.constant 8 : i32
        %parallel_loop3A_740 = arith.divsi %parallel_loop3A_738, %parallel_loop3A_739 : i32
        %parallel_loop3A_741 = arith.constant 0 : i32
        %parallel_loop3A_742 = arith.cmpi sgt, %parallel_loop3A_738, %parallel_loop3A_741 : i32
        %parallel_loop3A_743 = arith.extui %parallel_loop3A_742 : i1 to i32
        %parallel_loop3A_744 = arith.constant 0 : i32
        %parallel_loop3A_745 = arith.cmpi slt, %parallel_loop3A_738, %parallel_loop3A_744 : i32
        %parallel_loop3A_746 = arith.extui %parallel_loop3A_745 : i1 to i32
        %parallel_loop3A_747 = arith.subi %parallel_loop3A_743, %parallel_loop3A_746 : i32
        %parallel_loop3A_748 = arith.constant 0 : i32
        %parallel_loop3A_749 = arith.cmpi sgt, %parallel_loop3A_739, %parallel_loop3A_748 : i32
        %parallel_loop3A_750 = arith.extui %parallel_loop3A_749 : i1 to i32
        %parallel_loop3A_751 = arith.constant 0 : i32
        %parallel_loop3A_752 = arith.cmpi slt, %parallel_loop3A_739, %parallel_loop3A_751 : i32
        %parallel_loop3A_753 = arith.extui %parallel_loop3A_752 : i1 to i32
        %parallel_loop3A_754 = arith.subi %parallel_loop3A_750, %parallel_loop3A_753 : i32
        %parallel_loop3A_755 = arith.cmpi ne, %parallel_loop3A_747, %parallel_loop3A_754 : i32
        %parallel_loop3A_756 = arith.remsi %parallel_loop3A_738, %parallel_loop3A_739 : i32
        %parallel_loop3A_757 = arith.constant 0 : i32
        %parallel_loop3A_758 = arith.cmpi ne, %parallel_loop3A_756, %parallel_loop3A_757 : i32
        %parallel_loop3A_759 = arith.andi %parallel_loop3A_755, %parallel_loop3A_758 : i1
        %parallel_loop3A_760 = arith.constant 1 : i32
        %parallel_loop3A_761 = arith.subi %parallel_loop3A_740, %parallel_loop3A_760 : i32
        %parallel_loop3A_762 = arith.select %parallel_loop3A_759, %parallel_loop3A_761, %parallel_loop3A_740 : i32
        %parallel_loop3A_763 = arith.constant 8 : i32
        %parallel_loop3A_764 = arith.constant 0 : i32
        %parallel_loop3A_765 = arith.cmpi eq, %parallel_loop3A_763, %parallel_loop3A_764 : i32
        %parallel_loop3A_766 = arith.constant 1 : i32
        %parallel_loop3A_767 = arith.select %parallel_loop3A_765, %parallel_loop3A_766, %parallel_loop3A_763 : i32
        %parallel_loop3A_768 = arith.remsi %parallel_loop3A_738, %parallel_loop3A_767 : i32
        %parallel_loop3A_769 = arith.constant 0 : i32
        %parallel_loop3A_770 = arith.cmpi ne, %parallel_loop3A_768, %parallel_loop3A_769 : i32
        %parallel_loop3A_771 = arith.constant 0 : i32
        %parallel_loop3A_772 = arith.cmpi slt, %parallel_loop3A_768, %parallel_loop3A_771 : i32
        %parallel_loop3A_773 = arith.constant 0 : i32
        %parallel_loop3A_774 = arith.cmpi slt, %parallel_loop3A_767, %parallel_loop3A_773 : i32
        %parallel_loop3A_775 = arith.xori %parallel_loop3A_772, %parallel_loop3A_774 : i1
        %parallel_loop3A_776 = arith.andi %parallel_loop3A_775, %parallel_loop3A_770 : i1
        %parallel_loop3A_777 = arith.addi %parallel_loop3A_768, %parallel_loop3A_767 : i32
        %parallel_loop3A_778 = arith.select %parallel_loop3A_776, %parallel_loop3A_777, %parallel_loop3A_768 : i32
        %parallel_loop3A_779 = vector.broadcast %parallel_loop3A_738 : i32 to vector<16xi32>
        %parallel_loop3A_780 = arith.constant 0 : i32
        %parallel_loop3A_781 = vector.broadcast %parallel_loop3A_780 : i32 to vector<16xi32>
        %parallel_loop3A_782 = arith.addi %iota3A, %parallel_loop3A_781 : vector<16xi32>
        %parallel_loop3A_783 = arith.constant 1 : i32
        %parallel_loop3A_784 = arith.constant 0 : i32
        %parallel_loop3A_785 = arith.constant 0 : i32
        %parallel_loop3A_786 = tpu.memref_slice %arg6[%parallel_loop3A_783, %parallel_loop3A_784, %parallel_loop3A_785] : memref<4x128x32xf32, #tpu.memory_space<vmem>> -> memref<1x128x32xf32, #tpu.memory_space<vmem>>
        %parallel_loop3A_787 = tpu.memref_squeeze %parallel_loop3A_786 : memref<1x128x32xf32, #tpu.memory_space<vmem>> -> memref<128x32xf32, #tpu.memory_space<vmem>>
        %parallel_loop3A_788 = tpu.vector_load_idx %parallel_loop3A_787[%parallel_loop3A_782, %parallel_loop3A_779] : memref<128x32xf32, #tpu.memory_space<vmem>>[vector<16xi32>, vector<16xi32>], vector<16xf32>,
        %parallel_loop3A_789 = arith.constant 1 : i32
        %parallel_loop3A_790 = arith.index_cast %parallel_loop3A_789 : i32 to index
        %parallel_loop3A_791 = arith.index_cast %parallel_loop3A_762 : i32 to index
        %parallel_loop3A_792 = arith.index_cast %parallel_loop3A_778 : i32 to index
        %parallel_loop3A_793 = arith.constant 0 : index
        %parallel_loop3A_794 = tpu.vector_load %arg7[%parallel_loop3A_790, %parallel_loop3A_791, %parallel_loop3A_792, %parallel_loop3A_793] {strides = array<i32>} : memref<4x4x8x128xf32, #tpu.memory_space<vmem>>, vector<16xf32>,
        tpu.vector_store %arg7[%parallel_loop3A_790, %parallel_loop3A_791, %parallel_loop3A_792, %parallel_loop3A_793], %parallel_loop3A_788 {strides = array<i32>} : memref<4x4x8x128xf32, #tpu.memory_space<vmem>>, vector<16xf32>,
        %parallel_loop3A_795 = arith.constant 16 : i32
        %parallel_loop3A_796 = vector.broadcast %parallel_loop3A_795 : i32 to vector<16xi32>
        %parallel_loop3A_797 = arith.addi %iota3A, %parallel_loop3A_796 : vector<16xi32>
        %parallel_loop3A_798 = arith.constant 1 : i32
        %parallel_loop3A_799 = arith.constant 0 : i32
        %parallel_loop3A_800 = arith.constant 0 : i32
        %parallel_loop3A_801 = tpu.memref_slice %arg6[%parallel_loop3A_798, %parallel_loop3A_799, %parallel_loop3A_800] : memref<4x128x32xf32, #tpu.memory_space<vmem>> -> memref<1x128x32xf32, #tpu.memory_space<vmem>>
        %parallel_loop3A_802 = tpu.memref_squeeze %parallel_loop3A_801 : memref<1x128x32xf32, #tpu.memory_space<vmem>> -> memref<128x32xf32, #tpu.memory_space<vmem>>
        %parallel_loop3A_803 = tpu.vector_load_idx %parallel_loop3A_802[%parallel_loop3A_797, %parallel_loop3A_779] : memref<128x32xf32, #tpu.memory_space<vmem>>[vector<16xi32>, vector<16xi32>], vector<16xf32>,
        %parallel_loop3A_804 = arith.constant 1 : i32
        %parallel_loop3A_805 = arith.index_cast %parallel_loop3A_804 : i32 to index
        %parallel_loop3A_806 = arith.index_cast %parallel_loop3A_762 : i32 to index
        %parallel_loop3A_807 = arith.index_cast %parallel_loop3A_778 : i32 to index
        %parallel_loop3A_808 = arith.constant 16 : index
        %parallel_loop3A_809 = tpu.vector_load %arg7[%parallel_loop3A_805, %parallel_loop3A_806, %parallel_loop3A_807, %parallel_loop3A_808] {strides = array<i32>} : memref<4x4x8x128xf32, #tpu.memory_space<vmem>>, vector<16xf32>,
        tpu.vector_store %arg7[%parallel_loop3A_805, %parallel_loop3A_806, %parallel_loop3A_807, %parallel_loop3A_808], %parallel_loop3A_803 {strides = array<i32>} : memref<4x4x8x128xf32, #tpu.memory_space<vmem>>, vector<16xf32>,
        %parallel_loop3A_810 = arith.constant 32 : i32
        %parallel_loop3A_811 = vector.broadcast %parallel_loop3A_810 : i32 to vector<16xi32>
        %parallel_loop3A_812 = arith.addi %iota3A, %parallel_loop3A_811 : vector<16xi32>
        %parallel_loop3A_813 = arith.constant 1 : i32
        %parallel_loop3A_814 = arith.constant 0 : i32
        %parallel_loop3A_815 = arith.constant 0 : i32
        %parallel_loop3A_816 = tpu.memref_slice %arg6[%parallel_loop3A_813, %parallel_loop3A_814, %parallel_loop3A_815] : memref<4x128x32xf32, #tpu.memory_space<vmem>> -> memref<1x128x32xf32, #tpu.memory_space<vmem>>
        %parallel_loop3A_817 = tpu.memref_squeeze %parallel_loop3A_816 : memref<1x128x32xf32, #tpu.memory_space<vmem>> -> memref<128x32xf32, #tpu.memory_space<vmem>>
        %parallel_loop3A_818 = tpu.vector_load_idx %parallel_loop3A_817[%parallel_loop3A_812, %parallel_loop3A_779] : memref<128x32xf32, #tpu.memory_space<vmem>>[vector<16xi32>, vector<16xi32>], vector<16xf32>,
        %parallel_loop3A_819 = arith.constant 1 : i32
        %parallel_loop3A_820 = arith.index_cast %parallel_loop3A_819 : i32 to index
        %parallel_loop3A_821 = arith.index_cast %parallel_loop3A_762 : i32 to index
        %parallel_loop3A_822 = arith.index_cast %parallel_loop3A_778 : i32 to index
        %parallel_loop3A_823 = arith.constant 32 : index
        %parallel_loop3A_824 = tpu.vector_load %arg7[%parallel_loop3A_820, %parallel_loop3A_821, %parallel_loop3A_822, %parallel_loop3A_823] {strides = array<i32>} : memref<4x4x8x128xf32, #tpu.memory_space<vmem>>, vector<16xf32>,
        tpu.vector_store %arg7[%parallel_loop3A_820, %parallel_loop3A_821, %parallel_loop3A_822, %parallel_loop3A_823], %parallel_loop3A_818 {strides = array<i32>} : memref<4x4x8x128xf32, #tpu.memory_space<vmem>>, vector<16xf32>,
        %parallel_loop3A_825 = arith.constant 48 : i32
        %parallel_loop3A_826 = vector.broadcast %parallel_loop3A_825 : i32 to vector<16xi32>
        %parallel_loop3A_827 = arith.addi %iota3A, %parallel_loop3A_826 : vector<16xi32>
        %parallel_loop3A_828 = arith.constant 1 : i32
        %parallel_loop3A_829 = arith.constant 0 : i32
        %parallel_loop3A_830 = arith.constant 0 : i32
        %parallel_loop3A_831 = tpu.memref_slice %arg6[%parallel_loop3A_828, %parallel_loop3A_829, %parallel_loop3A_830] : memref<4x128x32xf32, #tpu.memory_space<vmem>> -> memref<1x128x32xf32, #tpu.memory_space<vmem>>
        %parallel_loop3A_832 = tpu.memref_squeeze %parallel_loop3A_831 : memref<1x128x32xf32, #tpu.memory_space<vmem>> -> memref<128x32xf32, #tpu.memory_space<vmem>>
        %parallel_loop3A_833 = tpu.vector_load_idx %parallel_loop3A_832[%parallel_loop3A_827, %parallel_loop3A_779] : memref<128x32xf32, #tpu.memory_space<vmem>>[vector<16xi32>, vector<16xi32>], vector<16xf32>,
        %parallel_loop3A_834 = arith.constant 1 : i32
        %parallel_loop3A_835 = arith.index_cast %parallel_loop3A_834 : i32 to index
        %parallel_loop3A_836 = arith.index_cast %parallel_loop3A_762 : i32 to index
        %parallel_loop3A_837 = arith.index_cast %parallel_loop3A_778 : i32 to index
        %parallel_loop3A_838 = arith.constant 48 : index
        %parallel_loop3A_839 = tpu.vector_load %arg7[%parallel_loop3A_835, %parallel_loop3A_836, %parallel_loop3A_837, %parallel_loop3A_838] {strides = array<i32>} : memref<4x4x8x128xf32, #tpu.memory_space<vmem>>, vector<16xf32>,
        tpu.vector_store %arg7[%parallel_loop3A_835, %parallel_loop3A_836, %parallel_loop3A_837, %parallel_loop3A_838], %parallel_loop3A_833 {strides = array<i32>} : memref<4x4x8x128xf32, #tpu.memory_space<vmem>>, vector<16xf32>,
        %parallel_loop3A_840 = arith.constant 64 : i32
        %parallel_loop3A_841 = vector.broadcast %parallel_loop3A_840 : i32 to vector<16xi32>
        %parallel_loop3A_842 = arith.addi %iota3A, %parallel_loop3A_841 : vector<16xi32>
        %parallel_loop3A_843 = arith.constant 1 : i32
        %parallel_loop3A_844 = arith.constant 0 : i32
        %parallel_loop3A_845 = arith.constant 0 : i32
        %parallel_loop3A_846 = tpu.memref_slice %arg6[%parallel_loop3A_843, %parallel_loop3A_844, %parallel_loop3A_845] : memref<4x128x32xf32, #tpu.memory_space<vmem>> -> memref<1x128x32xf32, #tpu.memory_space<vmem>>
        %parallel_loop3A_847 = tpu.memref_squeeze %parallel_loop3A_846 : memref<1x128x32xf32, #tpu.memory_space<vmem>> -> memref<128x32xf32, #tpu.memory_space<vmem>>
        %parallel_loop3A_848 = tpu.vector_load_idx %parallel_loop3A_847[%parallel_loop3A_842, %parallel_loop3A_779] : memref<128x32xf32, #tpu.memory_space<vmem>>[vector<16xi32>, vector<16xi32>], vector<16xf32>,
        %parallel_loop3A_849 = arith.constant 1 : i32
        %parallel_loop3A_850 = arith.index_cast %parallel_loop3A_849 : i32 to index
        %parallel_loop3A_851 = arith.index_cast %parallel_loop3A_762 : i32 to index
        %parallel_loop3A_852 = arith.index_cast %parallel_loop3A_778 : i32 to index
        %parallel_loop3A_853 = arith.constant 64 : index
        %parallel_loop3A_854 = tpu.vector_load %arg7[%parallel_loop3A_850, %parallel_loop3A_851, %parallel_loop3A_852, %parallel_loop3A_853] {strides = array<i32>} : memref<4x4x8x128xf32, #tpu.memory_space<vmem>>, vector<16xf32>,
        tpu.vector_store %arg7[%parallel_loop3A_850, %parallel_loop3A_851, %parallel_loop3A_852, %parallel_loop3A_853], %parallel_loop3A_848 {strides = array<i32>} : memref<4x4x8x128xf32, #tpu.memory_space<vmem>>, vector<16xf32>,
        %parallel_loop3A_855 = arith.constant 80 : i32
        %parallel_loop3A_856 = vector.broadcast %parallel_loop3A_855 : i32 to vector<16xi32>
        %parallel_loop3A_857 = arith.addi %iota3A, %parallel_loop3A_856 : vector<16xi32>
        %parallel_loop3A_858 = arith.constant 1 : i32
        %parallel_loop3A_859 = arith.constant 0 : i32
        %parallel_loop3A_860 = arith.constant 0 : i32
        %parallel_loop3A_861 = tpu.memref_slice %arg6[%parallel_loop3A_858, %parallel_loop3A_859, %parallel_loop3A_860] : memref<4x128x32xf32, #tpu.memory_space<vmem>> -> memref<1x128x32xf32, #tpu.memory_space<vmem>>
        %parallel_loop3A_862 = tpu.memref_squeeze %parallel_loop3A_861 : memref<1x128x32xf32, #tpu.memory_space<vmem>> -> memref<128x32xf32, #tpu.memory_space<vmem>>
        %parallel_loop3A_863 = tpu.vector_load_idx %parallel_loop3A_862[%parallel_loop3A_857, %parallel_loop3A_779] : memref<128x32xf32, #tpu.memory_space<vmem>>[vector<16xi32>, vector<16xi32>], vector<16xf32>,
        %parallel_loop3A_864 = arith.constant 1 : i32
        %parallel_loop3A_865 = arith.index_cast %parallel_loop3A_864 : i32 to index
        %parallel_loop3A_866 = arith.index_cast %parallel_loop3A_762 : i32 to index
        %parallel_loop3A_867 = arith.index_cast %parallel_loop3A_778 : i32 to index
        %parallel_loop3A_868 = arith.constant 80 : index
        %parallel_loop3A_869 = tpu.vector_load %arg7[%parallel_loop3A_865, %parallel_loop3A_866, %parallel_loop3A_867, %parallel_loop3A_868] {strides = array<i32>} : memref<4x4x8x128xf32, #tpu.memory_space<vmem>>, vector<16xf32>,
        tpu.vector_store %arg7[%parallel_loop3A_865, %parallel_loop3A_866, %parallel_loop3A_867, %parallel_loop3A_868], %parallel_loop3A_863 {strides = array<i32>} : memref<4x4x8x128xf32, #tpu.memory_space<vmem>>, vector<16xf32>,
        %parallel_loop3A_870 = arith.constant 96 : i32
        %parallel_loop3A_871 = vector.broadcast %parallel_loop3A_870 : i32 to vector<16xi32>
        %parallel_loop3A_872 = arith.addi %iota3A, %parallel_loop3A_871 : vector<16xi32>
        %parallel_loop3A_873 = arith.constant 1 : i32
        %parallel_loop3A_874 = arith.constant 0 : i32
        %parallel_loop3A_875 = arith.constant 0 : i32
        %parallel_loop3A_876 = tpu.memref_slice %arg6[%parallel_loop3A_873, %parallel_loop3A_874, %parallel_loop3A_875] : memref<4x128x32xf32, #tpu.memory_space<vmem>> -> memref<1x128x32xf32, #tpu.memory_space<vmem>>
        %parallel_loop3A_877 = tpu.memref_squeeze %parallel_loop3A_876 : memref<1x128x32xf32, #tpu.memory_space<vmem>> -> memref<128x32xf32, #tpu.memory_space<vmem>>
        %parallel_loop3A_878 = tpu.vector_load_idx %parallel_loop3A_877[%parallel_loop3A_872, %parallel_loop3A_779] : memref<128x32xf32, #tpu.memory_space<vmem>>[vector<16xi32>, vector<16xi32>], vector<16xf32>,
        %parallel_loop3A_879 = arith.constant 1 : i32
        %parallel_loop3A_880 = arith.index_cast %parallel_loop3A_879 : i32 to index
        %parallel_loop3A_881 = arith.index_cast %parallel_loop3A_762 : i32 to index
        %parallel_loop3A_882 = arith.index_cast %parallel_loop3A_778 : i32 to index
        %parallel_loop3A_883 = arith.constant 96 : index
        %parallel_loop3A_884 = tpu.vector_load %arg7[%parallel_loop3A_880, %parallel_loop3A_881, %parallel_loop3A_882, %parallel_loop3A_883] {strides = array<i32>} : memref<4x4x8x128xf32, #tpu.memory_space<vmem>>, vector<16xf32>,
        tpu.vector_store %arg7[%parallel_loop3A_880, %parallel_loop3A_881, %parallel_loop3A_882, %parallel_loop3A_883], %parallel_loop3A_878 {strides = array<i32>} : memref<4x4x8x128xf32, #tpu.memory_space<vmem>>, vector<16xf32>,
        %parallel_loop3A_885 = arith.constant 112 : i32
        %parallel_loop3A_886 = vector.broadcast %parallel_loop3A_885 : i32 to vector<16xi32>
        %parallel_loop3A_887 = arith.addi %iota3A, %parallel_loop3A_886 : vector<16xi32>
        %parallel_loop3A_888 = arith.constant 1 : i32
        %parallel_loop3A_889 = arith.constant 0 : i32
        %parallel_loop3A_890 = arith.constant 0 : i32
        %parallel_loop3A_891 = tpu.memref_slice %arg6[%parallel_loop3A_888, %parallel_loop3A_889, %parallel_loop3A_890] : memref<4x128x32xf32, #tpu.memory_space<vmem>> -> memref<1x128x32xf32, #tpu.memory_space<vmem>>
        %parallel_loop3A_892 = tpu.memref_squeeze %parallel_loop3A_891 : memref<1x128x32xf32, #tpu.memory_space<vmem>> -> memref<128x32xf32, #tpu.memory_space<vmem>>
        %parallel_loop3A_893 = tpu.vector_load_idx %parallel_loop3A_892[%parallel_loop3A_887, %parallel_loop3A_779] : memref<128x32xf32, #tpu.memory_space<vmem>>[vector<16xi32>, vector<16xi32>], vector<16xf32>,
        %parallel_loop3A_894 = arith.constant 1 : i32
        %parallel_loop3A_895 = arith.index_cast %parallel_loop3A_894 : i32 to index
        %parallel_loop3A_896 = arith.index_cast %parallel_loop3A_762 : i32 to index
        %parallel_loop3A_897 = arith.index_cast %parallel_loop3A_778 : i32 to index
        %parallel_loop3A_898 = arith.constant 112 : index
        %parallel_loop3A_899 = tpu.vector_load %arg7[%parallel_loop3A_895, %parallel_loop3A_896, %parallel_loop3A_897, %parallel_loop3A_898] {strides = array<i32>} : memref<4x4x8x128xf32, #tpu.memory_space<vmem>>, vector<16xf32>,
        tpu.vector_store %arg7[%parallel_loop3A_895, %parallel_loop3A_896, %parallel_loop3A_897, %parallel_loop3A_898], %parallel_loop3A_893 {strides = array<i32>} : memref<4x4x8x128xf32, #tpu.memory_space<vmem>>, vector<16xf32>,
      } {sc.loop_unroll_factor = 8 : i64, sc.parallel_access}
      %dma_start3A_319 = arith.constant 1 : i32
      %dma_start3A_320 = arith.constant 0 : i32
      %dma_start3A_321 = arith.constant 0 : i32
      %dma_start3A_322 = arith.constant 0 : i32
      %dma_start3A_323 = arith.constant 0 : i32
      %dma_start3A_324 = arith.constant 0 : i32
      %dma_start3A_325 = tpu.memref_slice %arg7[%dma_start3A_319, %dma_start3A_322, %dma_start3A_323, %dma_start3A_324] : memref<4x4x8x128xf32, #tpu.memory_space<vmem>> -> memref<1x4x8x128xf32, #tpu.memory_space<vmem>>
      %dma_start3A_326 = tpu.memref_squeeze %dma_start3A_325 : memref<1x4x8x128xf32, #tpu.memory_space<vmem>> -> memref<4x8x128xf32, #tpu.memory_space<vmem>>
      %dma_start3A_327 = arith.constant 0 : i32
      %dma_start3A_328 = arith.constant 0 : i32
      %dma_start3A_329 = tpu.memref_slice %dma_start3A_326[%dma_start3A_320, %dma_start3A_327, %dma_start3A_328] : memref<4x8x128xf32, #tpu.memory_space<vmem>> -> memref<1x8x128xf32, #tpu.memory_space<vmem>>
      %dma_start3A_330 = tpu.memref_squeeze %dma_start3A_329 : memref<1x8x128xf32, #tpu.memory_space<vmem>> -> memref<8x128xf32, #tpu.memory_space<vmem>>
      %dma_start3A_331 = arith.constant 0 : i32
      %dma_start3A_332 = arith.constant 0 : i32
      %dma_start3A_333 = tpu.memref_slice %arg4[%add3A_297, %dma_start3A_321, %add3A, %dma_start3A_331, %dma_start3A_332] : memref<200x4x32x8x128xf32, #tpu.memory_space<hbm>> -> memref<1x1x1x8x128xf32, #tpu.memory_space<hbm>>
      %dma_start3A_334 = tpu.memref_squeeze %dma_start3A_333 : memref<1x1x1x8x128xf32, #tpu.memory_space<hbm>> -> memref<8x128xf32, #tpu.memory_space<hbm>>
      %dma_start3A_335 = arith.constant 0 : i32
      %dma_start3A_336 = arith.constant 0 : i32
      %dma_start3A_337 = tpu.memref_slice %arg4[%add3A_297, %dma_start3A_321, %add3A, %dma_start3A_335, %dma_start3A_336] : memref<200x4x32x8x128xf32, #tpu.memory_space<hbm>> -> memref<1x1x1x8x128xf32, #tpu.memory_space<hbm>>
      %dma_start3A_338 = tpu.memref_squeeze %dma_start3A_337 : memref<1x1x1x8x128xf32, #tpu.memory_space<hbm>> -> memref<8x128xf32, #tpu.memory_space<hbm>>
      %dma_start3A_339 = arith.constant 0 : i32
      %dma_start3A_340 = arith.constant 0 : i32
      %dma_start3A_341 = arith.constant 0 : i32
      %dma_start3A_342 = tpu.memref_slice %arg7[%dma_start3A_319, %dma_start3A_339, %dma_start3A_340, %dma_start3A_341] : memref<4x4x8x128xf32, #tpu.memory_space<vmem>> -> memref<1x4x8x128xf32, #tpu.memory_space<vmem>>
      %dma_start3A_343 = tpu.memref_squeeze %dma_start3A_342 : memref<1x4x8x128xf32, #tpu.memory_space<vmem>> -> memref<4x8x128xf32, #tpu.memory_space<vmem>>
      %dma_start3A_344 = arith.constant 0 : i32
      %dma_start3A_345 = arith.constant 0 : i32
      %dma_start3A_346 = tpu.memref_slice %dma_start3A_343[%dma_start3A_320, %dma_start3A_344, %dma_start3A_345] : memref<4x8x128xf32, #tpu.memory_space<vmem>> -> memref<1x8x128xf32, #tpu.memory_space<vmem>>
      %dma_start3A_347 = tpu.memref_squeeze %dma_start3A_346 : memref<1x8x128xf32, #tpu.memory_space<vmem>> -> memref<8x128xf32, #tpu.memory_space<vmem>>
      tpu.enqueue_dma source(%dma_start3A_347 : memref<8x128xf32, #tpu.memory_space<vmem>>) target(%dma_start3A_338 : memref<8x128xf32, #tpu.memory_space<hbm>>) target_semaphore(%arg13 : memref<!tpu.dma_semaphore, #tpu.memory_space<semaphore_mem>>)
      %dma_start3A_348 = arith.constant 1 : i32
      %dma_start3A_349 = arith.constant 1 : i32
      %dma_start3A_350 = arith.constant 1 : i32
      %dma_start3A_351 = arith.constant 0 : i32
      %dma_start3A_352 = arith.constant 0 : i32
      %dma_start3A_353 = arith.constant 0 : i32
      %dma_start3A_354 = tpu.memref_slice %arg7[%dma_start3A_348, %dma_start3A_351, %dma_start3A_352, %dma_start3A_353] : memref<4x4x8x128xf32, #tpu.memory_space<vmem>> -> memref<1x4x8x128xf32, #tpu.memory_space<vmem>>
      %dma_start3A_355 = tpu.memref_squeeze %dma_start3A_354 : memref<1x4x8x128xf32, #tpu.memory_space<vmem>> -> memref<4x8x128xf32, #tpu.memory_space<vmem>>
      %dma_start3A_356 = arith.constant 0 : i32
      %dma_start3A_357 = arith.constant 0 : i32
      %dma_start3A_358 = tpu.memref_slice %dma_start3A_355[%dma_start3A_349, %dma_start3A_356, %dma_start3A_357] : memref<4x8x128xf32, #tpu.memory_space<vmem>> -> memref<1x8x128xf32, #tpu.memory_space<vmem>>
      %dma_start3A_359 = tpu.memref_squeeze %dma_start3A_358 : memref<1x8x128xf32, #tpu.memory_space<vmem>> -> memref<8x128xf32, #tpu.memory_space<vmem>>
      %dma_start3A_360 = arith.constant 0 : i32
      %dma_start3A_361 = arith.constant 0 : i32
      %dma_start3A_362 = tpu.memref_slice %arg4[%add3A_297, %dma_start3A_350, %add3A, %dma_start3A_360, %dma_start3A_361] : memref<200x4x32x8x128xf32, #tpu.memory_space<hbm>> -> memref<1x1x1x8x128xf32, #tpu.memory_space<hbm>>
      %dma_start3A_363 = tpu.memref_squeeze %dma_start3A_362 : memref<1x1x1x8x128xf32, #tpu.memory_space<hbm>> -> memref<8x128xf32, #tpu.memory_space<hbm>>
      %dma_start3A_364 = arith.constant 0 : i32
      %dma_start3A_365 = arith.constant 0 : i32
      %dma_start3A_366 = tpu.memref_slice %arg4[%add3A_297, %dma_start3A_350, %add3A, %dma_start3A_364, %dma_start3A_365] : memref<200x4x32x8x128xf32, #tpu.memory_space<hbm>> -> memref<1x1x1x8x128xf32, #tpu.memory_space<hbm>>
      %dma_start3A_367 = tpu.memref_squeeze %dma_start3A_366 : memref<1x1x1x8x128xf32, #tpu.memory_space<hbm>> -> memref<8x128xf32, #tpu.memory_space<hbm>>
      %dma_start3A_368 = arith.constant 0 : i32
      %dma_start3A_369 = arith.constant 0 : i32
      %dma_start3A_370 = arith.constant 0 : i32
      %dma_start3A_371 = tpu.memref_slice %arg7[%dma_start3A_348, %dma_start3A_368, %dma_start3A_369, %dma_start3A_370] : memref<4x4x8x128xf32, #tpu.memory_space<vmem>> -> memref<1x4x8x128xf32, #tpu.memory_space<vmem>>
      %dma_start3A_372 = tpu.memref_squeeze %dma_start3A_371 : memref<1x4x8x128xf32, #tpu.memory_space<vmem>> -> memref<4x8x128xf32, #tpu.memory_space<vmem>>
      %dma_start3A_373 = arith.constant 0 : i32
      %dma_start3A_374 = arith.constant 0 : i32
      %dma_start3A_375 = tpu.memref_slice %dma_start3A_372[%dma_start3A_349, %dma_start3A_373, %dma_start3A_374] : memref<4x8x128xf32, #tpu.memory_space<vmem>> -> memref<1x8x128xf32, #tpu.memory_space<vmem>>
      %dma_start3A_376 = tpu.memref_squeeze %dma_start3A_375 : memref<1x8x128xf32, #tpu.memory_space<vmem>> -> memref<8x128xf32, #tpu.memory_space<vmem>>
      tpu.enqueue_dma source(%dma_start3A_376 : memref<8x128xf32, #tpu.memory_space<vmem>>) target(%dma_start3A_367 : memref<8x128xf32, #tpu.memory_space<hbm>>) target_semaphore(%arg13 : memref<!tpu.dma_semaphore, #tpu.memory_space<semaphore_mem>>)
      %dma_start3A_377 = arith.constant 1 : i32
      %dma_start3A_378 = arith.constant 2 : i32
      %dma_start3A_379 = arith.constant 2 : i32
      %dma_start3A_380 = arith.constant 0 : i32
      %dma_start3A_381 = arith.constant 0 : i32
      %dma_start3A_382 = arith.constant 0 : i32
      %dma_start3A_383 = tpu.memref_slice %arg7[%dma_start3A_377, %dma_start3A_380, %dma_start3A_381, %dma_start3A_382] : memref<4x4x8x128xf32, #tpu.memory_space<vmem>> -> memref<1x4x8x128xf32, #tpu.memory_space<vmem>>
      %dma_start3A_384 = tpu.memref_squeeze %dma_start3A_383 : memref<1x4x8x128xf32, #tpu.memory_space<vmem>> -> memref<4x8x128xf32, #tpu.memory_space<vmem>>
      %dma_start3A_385 = arith.constant 0 : i32
      %dma_start3A_386 = arith.constant 0 : i32
      %dma_start3A_387 = tpu.memref_slice %dma_start3A_384[%dma_start3A_378, %dma_start3A_385, %dma_start3A_386] : memref<4x8x128xf32, #tpu.memory_space<vmem>> -> memref<1x8x128xf32, #tpu.memory_space<vmem>>
      %dma_start3A_388 = tpu.memref_squeeze %dma_start3A_387 : memref<1x8x128xf32, #tpu.memory_space<vmem>> -> memref<8x128xf32, #tpu.memory_space<vmem>>
      %dma_start3A_389 = arith.constant 0 : i32
      %dma_start3A_390 = arith.constant 0 : i32
      %dma_start3A_391 = tpu.memref_slice %arg4[%add3A_297, %dma_start3A_379, %add3A, %dma_start3A_389, %dma_start3A_390] : memref<200x4x32x8x128xf32, #tpu.memory_space<hbm>> -> memref<1x1x1x8x128xf32, #tpu.memory_space<hbm>>
      %dma_start3A_392 = tpu.memref_squeeze %dma_start3A_391 : memref<1x1x1x8x128xf32, #tpu.memory_space<hbm>> -> memref<8x128xf32, #tpu.memory_space<hbm>>
      %dma_start3A_393 = arith.constant 0 : i32
      %dma_start3A_394 = arith.constant 0 : i32
      %dma_start3A_395 = tpu.memref_slice %arg4[%add3A_297, %dma_start3A_379, %add3A, %dma_start3A_393, %dma_start3A_394] : memref<200x4x32x8x128xf32, #tpu.memory_space<hbm>> -> memref<1x1x1x8x128xf32, #tpu.memory_space<hbm>>
      %dma_start3A_396 = tpu.memref_squeeze %dma_start3A_395 : memref<1x1x1x8x128xf32, #tpu.memory_space<hbm>> -> memref<8x128xf32, #tpu.memory_space<hbm>>
      %dma_start3A_397 = arith.constant 0 : i32
      %dma_start3A_398 = arith.constant 0 : i32
      %dma_start3A_399 = arith.constant 0 : i32
      %dma_start3A_400 = tpu.memref_slice %arg7[%dma_start3A_377, %dma_start3A_397, %dma_start3A_398, %dma_start3A_399] : memref<4x4x8x128xf32, #tpu.memory_space<vmem>> -> memref<1x4x8x128xf32, #tpu.memory_space<vmem>>
      %dma_start3A_401 = tpu.memref_squeeze %dma_start3A_400 : memref<1x4x8x128xf32, #tpu.memory_space<vmem>> -> memref<4x8x128xf32, #tpu.memory_space<vmem>>
      %dma_start3A_402 = arith.constant 0 : i32
      %dma_start3A_403 = arith.constant 0 : i32
      %dma_start3A_404 = tpu.memref_slice %dma_start3A_401[%dma_start3A_378, %dma_start3A_402, %dma_start3A_403] : memref<4x8x128xf32, #tpu.memory_space<vmem>> -> memref<1x8x128xf32, #tpu.memory_space<vmem>>
      %dma_start3A_405 = tpu.memref_squeeze %dma_start3A_404 : memref<1x8x128xf32, #tpu.memory_space<vmem>> -> memref<8x128xf32, #tpu.memory_space<vmem>>
      tpu.enqueue_dma source(%dma_start3A_405 : memref<8x128xf32, #tpu.memory_space<vmem>>) target(%dma_start3A_396 : memref<8x128xf32, #tpu.memory_space<hbm>>) target_semaphore(%arg13 : memref<!tpu.dma_semaphore, #tpu.memory_space<semaphore_mem>>)
      %dma_start3A_406 = arith.constant 1 : i32
      %dma_start3A_407 = arith.constant 3 : i32
      %dma_start3A_408 = arith.constant 3 : i32
      %dma_start3A_409 = arith.constant 0 : i32
      %dma_start3A_410 = arith.constant 0 : i32
      %dma_start3A_411 = arith.constant 0 : i32
      %dma_start3A_412 = tpu.memref_slice %arg7[%dma_start3A_406, %dma_start3A_409, %dma_start3A_410, %dma_start3A_411] : memref<4x4x8x128xf32, #tpu.memory_space<vmem>> -> memref<1x4x8x128xf32, #tpu.memory_space<vmem>>
      %dma_start3A_413 = tpu.memref_squeeze %dma_start3A_412 : memref<1x4x8x128xf32, #tpu.memory_space<vmem>> -> memref<4x8x128xf32, #tpu.memory_space<vmem>>
      %dma_start3A_414 = arith.constant 0 : i32
      %dma_start3A_415 = arith.constant 0 : i32
      %dma_start3A_416 = tpu.memref_slice %dma_start3A_413[%dma_start3A_407, %dma_start3A_414, %dma_start3A_415] : memref<4x8x128xf32, #tpu.memory_space<vmem>> -> memref<1x8x128xf32, #tpu.memory_space<vmem>>
      %dma_start3A_417 = tpu.memref_squeeze %dma_start3A_416 : memref<1x8x128xf32, #tpu.memory_space<vmem>> -> memref<8x128xf32, #tpu.memory_space<vmem>>
      %dma_start3A_418 = arith.constant 0 : i32
      %dma_start3A_419 = arith.constant 0 : i32
      %dma_start3A_420 = tpu.memref_slice %arg4[%add3A_297, %dma_start3A_408, %add3A, %dma_start3A_418, %dma_start3A_419] : memref<200x4x32x8x128xf32, #tpu.memory_space<hbm>> -> memref<1x1x1x8x128xf32, #tpu.memory_space<hbm>>
      %dma_start3A_421 = tpu.memref_squeeze %dma_start3A_420 : memref<1x1x1x8x128xf32, #tpu.memory_space<hbm>> -> memref<8x128xf32, #tpu.memory_space<hbm>>
      %dma_start3A_422 = arith.constant 0 : i32
      %dma_start3A_423 = arith.constant 0 : i32
      %dma_start3A_424 = tpu.memref_slice %arg4[%add3A_297, %dma_start3A_408, %add3A, %dma_start3A_422, %dma_start3A_423] : memref<200x4x32x8x128xf32, #tpu.memory_space<hbm>> -> memref<1x1x1x8x128xf32, #tpu.memory_space<hbm>>
      %dma_start3A_425 = tpu.memref_squeeze %dma_start3A_424 : memref<1x1x1x8x128xf32, #tpu.memory_space<hbm>> -> memref<8x128xf32, #tpu.memory_space<hbm>>
      %dma_start3A_426 = arith.constant 0 : i32
      %dma_start3A_427 = arith.constant 0 : i32
      %dma_start3A_428 = arith.constant 0 : i32
      %dma_start3A_429 = tpu.memref_slice %arg7[%dma_start3A_406, %dma_start3A_426, %dma_start3A_427, %dma_start3A_428] : memref<4x4x8x128xf32, #tpu.memory_space<vmem>> -> memref<1x4x8x128xf32, #tpu.memory_space<vmem>>
      %dma_start3A_430 = tpu.memref_squeeze %dma_start3A_429 : memref<1x4x8x128xf32, #tpu.memory_space<vmem>> -> memref<4x8x128xf32, #tpu.memory_space<vmem>>
      %dma_start3A_431 = arith.constant 0 : i32
      %dma_start3A_432 = arith.constant 0 : i32
      %dma_start3A_433 = tpu.memref_slice %dma_start3A_430[%dma_start3A_407, %dma_start3A_431, %dma_start3A_432] : memref<4x8x128xf32, #tpu.memory_space<vmem>> -> memref<1x8x128xf32, #tpu.memory_space<vmem>>
      %dma_start3A_434 = tpu.memref_squeeze %dma_start3A_433 : memref<1x8x128xf32, #tpu.memory_space<vmem>> -> memref<8x128xf32, #tpu.memory_space<vmem>>
      tpu.enqueue_dma source(%dma_start3A_434 : memref<8x128xf32, #tpu.memory_space<vmem>>) target(%dma_start3A_425 : memref<8x128xf32, #tpu.memory_space<hbm>>) target_semaphore(%arg13 : memref<!tpu.dma_semaphore, #tpu.memory_space<semaphore_mem>>)
      %add3A_435 = arith.constant 4 : i32
      %add3A_436 = arith.addi %add3A_297, %add3A_435 : i32
      %lt3A_437 = arith.constant 200 : i32
      %lt3A_438 = arith.cmpi slt, %add3A_436, %lt3A_437 : i32
      %convert_element_type3A_439 = arith.extui %lt3A_438 : i1 to i32
      %cond3A_440 = arith.constant 0 : i32
      %cond3A_441 = arith.cmpi ne, %convert_element_type3A_439, %cond3A_440 : i32
      scf.if %cond3A_441 {
        %add3A_738 = arith.constant 4 : i32
        %add3A_739 = arith.addi %add3A_297, %add3A_738 : i32
        %jit3A = arith.constant 8 : i32
        %div3A = arith.divsi %add3A_739, %jit3A : i32
        %sign3A = arith.constant 0 : i32
        %sign3A_740 = arith.cmpi sgt, %add3A_739, %sign3A : i32
        %sign3A_741 = arith.extui %sign3A_740 : i1 to i32
        %sign3A_742 = arith.constant 0 : i32
        %sign3A_743 = arith.cmpi slt, %add3A_739, %sign3A_742 : i32
        %sign3A_744 = arith.extui %sign3A_743 : i1 to i32
        %sign3A_745 = arith.subi %sign3A_741, %sign3A_744 : i32
        %sign3A_746 = arith.constant 0 : i32
        %sign3A_747 = arith.cmpi sgt, %jit3A, %sign3A_746 : i32
        %sign3A_748 = arith.extui %sign3A_747 : i1 to i32
        %sign3A_749 = arith.constant 0 : i32
        %sign3A_750 = arith.cmpi slt, %jit3A, %sign3A_749 : i32
        %sign3A_751 = arith.extui %sign3A_750 : i1 to i32
        %sign3A_752 = arith.subi %sign3A_748, %sign3A_751 : i32
        %ne3A = arith.cmpi ne, %sign3A_745, %sign3A_752 : i32
        %rem3A = arith.remsi %add3A_739, %jit3A : i32
        %ne3A_753 = arith.constant 0 : i32
        %ne3A_754 = arith.cmpi ne, %rem3A, %ne3A_753 : i32
        %and3A = arith.andi %ne3A, %ne3A_754 : i1
        %sub3A = arith.constant 1 : i32
        %sub3A_755 = arith.subi %div3A, %sub3A : i32
        %select_n3A = arith.select %and3A, %sub3A_755, %div3A : i32
        %jit3A_756 = arith.constant 8 : i32
        %eq3A = arith.constant 0 : i32
        %eq3A_757 = arith.cmpi eq, %jit3A_756, %eq3A : i32
        %jit3A_758 = arith.constant 1 : i32
        %select_n3A_759 = arith.select %eq3A_757, %jit3A_758, %jit3A_756 : i32
        %rem3A_760 = arith.remsi %add3A_739, %select_n3A_759 : i32
        %ne3A_761 = arith.constant 0 : i32
        %ne3A_762 = arith.cmpi ne, %rem3A_760, %ne3A_761 : i32
        %lt3A_763 = arith.constant 0 : i32
        %lt3A_764 = arith.cmpi slt, %rem3A_760, %lt3A_763 : i32
        %lt3A_765 = arith.constant 0 : i32
        %lt3A_766 = arith.cmpi slt, %select_n3A_759, %lt3A_765 : i32
        %ne3A_767 = arith.xori %lt3A_764, %lt3A_766 : i1
        %and3A_768 = arith.andi %ne3A_767, %ne3A_762 : i1
        %add3A_769 = arith.addi %rem3A_760, %select_n3A_759 : i32
        %select_n3A_770 = arith.select %and3A_768, %add3A_769, %rem3A_760 : i32
        %dma_start3A_771 = arith.constant 1 : i32
        %dma_start3A_772 = arith.constant 0 : i32
        %dma_start3A_773 = arith.constant 0 : i32
        %dma_start3A_774 = tpu.memref_slice %arg6[%dma_start3A_771, %dma_start3A_772, %dma_start3A_773] : memref<4x128x32xf32, #tpu.memory_space<vmem>> -> memref<1x128x32xf32, #tpu.memory_space<vmem>>
        %dma_start3A_775 = tpu.memref_squeeze %dma_start3A_774 : memref<1x128x32xf32, #tpu.memory_space<vmem>> -> memref<128x32xf32, #tpu.memory_space<vmem>>
        %dma_start3A_776 = arith.constant 0 : i32
        %dma_start3A_777 = tpu.memref_slice %arg5[%select_n3A, %select_n3A_770, %dma_start3A_776] : memref<25x8x128xi32, #tpu.memory_space<vmem>> -> memref<1x1x128xi32, #tpu.memory_space<vmem>>
        %dma_start3A_778 = tpu.memref_squeeze %dma_start3A_777 : memref<1x1x128xi32, #tpu.memory_space<vmem>> -> memref<128xi32, #tpu.memory_space<vmem>>
        %dma_start3A_779 = arith.constant 0 : i32
        %dma_start3A_780 = arith.constant 0 : i32
        %dma_start3A_781 = tpu.memref_slice %arg3[%dma_start3A_779, %dma_start3A_780] : memref<1000000x32xf32, #tpu.memory_space<hbm>> -> memref<1000000x32xf32, #tpu.memory_space<hbm>>
        tpu.enqueue_indirect_dma source(%dma_start3A_781 : memref<1000000x32xf32, #tpu.memory_space<hbm>>) target(%dma_start3A_775 : memref<128x32xf32, #tpu.memory_space<vmem>>) offsets(%dma_start3A_778 : memref<128xi32, #tpu.memory_space<vmem>>) semaphore(%arg9 : memref<!tpu.dma_semaphore, #tpu.memory_space<semaphore_mem>>)
      } else {
      }
      %mul3A_442 = arith.constant 4 : i32
      %mul3A_443 = arith.muli %scan3A_150, %mul3A_442 : i32
      %add3A_444 = arith.constant 2 : i32
      %add3A_445 = arith.addi %mul3A_443, %add3A_444 : i32
      %dma_wait3A_446 = arith.constant 0 : i32
      %dma_wait3A_447 = arith.constant 0 : i32
      %dma_wait3A_448 = arith.constant 2 : i32
      %dma_wait3A_449 = arith.constant 0 : i32
      %dma_wait3A_450 = arith.constant 0 : i32
      %dma_wait3A_451 = tpu.memref_slice %arg6[%dma_wait3A_448, %dma_wait3A_449, %dma_wait3A_450] : memref<4x128x32xf32, #tpu.memory_space<vmem>> -> memref<1x128x32xf32, #tpu.memory_space<vmem>>
      %dma_wait3A_452 = tpu.memref_squeeze %dma_wait3A_451 : memref<1x128x32xf32, #tpu.memory_space<vmem>> -> memref<128x32xf32, #tpu.memory_space<vmem>>
      %dma_wait3A_453 = arith.constant 0 : i32
      %dma_wait3A_454 = tpu.memref_slice %arg5[%dma_wait3A_446, %dma_wait3A_447, %dma_wait3A_453] : memref<25x8x128xi32, #tpu.memory_space<vmem>> -> memref<1x1x128xi32, #tpu.memory_space<vmem>>
      %dma_wait3A_455 = tpu.memref_squeeze %dma_wait3A_454 : memref<1x1x128xi32, #tpu.memory_space<vmem>> -> memref<128xi32, #tpu.memory_space<vmem>>
      %dma_wait3A_456 = arith.constant 0 : i32
      %dma_wait3A_457 = arith.constant 0 : i32
      %dma_wait3A_458 = tpu.memref_slice %arg3[%dma_wait3A_456, %dma_wait3A_457] : memref<1000000x32xf32, #tpu.memory_space<hbm>> -> memref<1000000x32xf32, #tpu.memory_space<hbm>>
      tpu.wait_indirect_dma semaphore(%arg10 : memref<!tpu.dma_semaphore, #tpu.memory_space<semaphore_mem>>) src(%dma_wait3A_458 : memref<1000000x32xf32, #tpu.memory_space<hbm>>) dst(%dma_wait3A_452 : memref<128x32xf32, #tpu.memory_space<vmem>>)
      %gt3A_459 = arith.constant 0 : i32
      %gt3A_460 = arith.cmpi sgt, %scan3A_150, %gt3A_459 : i32
      %convert_element_type3A_461 = arith.extui %gt3A_460 : i1 to i32
      %cond3A_462 = arith.constant 0 : i32
      %cond3A_463 = arith.cmpi ne, %convert_element_type3A_461, %cond3A_462 : i32
      scf.if %cond3A_463 {
        %dma_wait3A_738 = arith.constant 0 : i32
        %dma_wait3A_739 = arith.constant 0 : i32
        %dma_wait3A_740 = arith.constant 0 : i32
        %dma_wait3A_741 = arith.constant 2 : i32
        %dma_wait3A_742 = arith.constant 0 : i32
        %dma_wait3A_743 = arith.constant 0 : i32
        %dma_wait3A_744 = arith.constant 0 : i32
        %dma_wait3A_745 = tpu.memref_slice %arg7[%dma_wait3A_741, %dma_wait3A_742, %dma_wait3A_743, %dma_wait3A_744] : memref<4x4x8x128xf32, #tpu.memory_space<vmem>> -> memref<1x4x8x128xf32, #tpu.memory_space<vmem>>
        %dma_wait3A_746 = tpu.memref_squeeze %dma_wait3A_745 : memref<1x4x8x128xf32, #tpu.memory_space<vmem>> -> memref<4x8x128xf32, #tpu.memory_space<vmem>>
        %dma_wait3A_747 = arith.constant 0 : i32
        %dma_wait3A_748 = arith.constant 0 : i32
        %dma_wait3A_749 = tpu.memref_slice %arg4[%dma_wait3A_738, %dma_wait3A_739, %dma_wait3A_740, %dma_wait3A_747, %dma_wait3A_748] : memref<200x4x32x8x128xf32, #tpu.memory_space<hbm>> -> memref<1x1x1x8x128xf32, #tpu.memory_space<hbm>>
        %dma_wait3A_750 = tpu.memref_squeeze %dma_wait3A_749 : memref<1x1x1x8x128xf32, #tpu.memory_space<hbm>> -> memref<8x128xf32, #tpu.memory_space<hbm>>
        %dma_wait3A_751 = arith.constant 0 : i32
        %dma_wait3A_752 = arith.constant 0 : i32
        %dma_wait3A_753 = arith.constant 0 : i32
        %dma_wait3A_754 = tpu.memref_slice %arg7[%dma_wait3A_741, %dma_wait3A_751, %dma_wait3A_752, %dma_wait3A_753] : memref<4x4x8x128xf32, #tpu.memory_space<vmem>> -> memref<1x4x8x128xf32, #tpu.memory_space<vmem>>
        %dma_wait3A_755 = tpu.memref_squeeze %dma_wait3A_754 : memref<1x4x8x128xf32, #tpu.memory_space<vmem>> -> memref<4x8x128xf32, #tpu.memory_space<vmem>>
        %dma_wait3A_756 = arith.constant 0 : i32
        %dma_wait3A_757 = arith.constant 0 : i32
        %dma_wait3A_758 = tpu.memref_slice %arg4[%dma_wait3A_738, %dma_wait3A_739, %dma_wait3A_740, %dma_wait3A_756, %dma_wait3A_757] : memref<200x4x32x8x128xf32, #tpu.memory_space<hbm>> -> memref<1x1x1x8x128xf32, #tpu.memory_space<hbm>>
        %dma_wait3A_759 = tpu.memref_squeeze %dma_wait3A_758 : memref<1x1x1x8x128xf32, #tpu.memory_space<hbm>> -> memref<8x128xf32, #tpu.memory_space<hbm>>
        tpu.wait_dma2 semaphore(%arg14 : memref<!tpu.dma_semaphore, #tpu.memory_space<semaphore_mem>>) src(%dma_wait3A_759 : memref<8x128xf32, #tpu.memory_space<hbm>>) dst(%dma_wait3A_755 : memref<4x8x128xf32, #tpu.memory_space<vmem>>)
      } else {
      }
      %parallel_loop3A_464 = arith.constant 0 : i32
      %parallel_loop3A_465 = arith.constant 32 : i32
      %parallel_loop3A_466 = arith.constant 1 : i32
      scf.for %parallel_loop3A_738 = %parallel_loop3A_464 to %parallel_loop3A_465 step %parallel_loop3A_466  : i32 {
        %parallel_loop3A_739 = arith.constant 8 : i32
        %parallel_loop3A_740 = arith.divsi %parallel_loop3A_738, %parallel_loop3A_739 : i32
        %parallel_loop3A_741 = arith.constant 0 : i32
        %parallel_loop3A_742 = arith.cmpi sgt, %parallel_loop3A_738, %parallel_loop3A_741 : i32
        %parallel_loop3A_743 = arith.extui %parallel_loop3A_742 : i1 to i32
        %parallel_loop3A_744 = arith.constant 0 : i32
        %parallel_loop3A_745 = arith.cmpi slt, %parallel_loop3A_738, %parallel_loop3A_744 : i32
        %parallel_loop3A_746 = arith.extui %parallel_loop3A_745 : i1 to i32
        %parallel_loop3A_747 = arith.subi %parallel_loop3A_743, %parallel_loop3A_746 : i32
        %parallel_loop3A_748 = arith.constant 0 : i32
        %parallel_loop3A_749 = arith.cmpi sgt, %parallel_loop3A_739, %parallel_loop3A_748 : i32
        %parallel_loop3A_750 = arith.extui %parallel_loop3A_749 : i1 to i32
        %parallel_loop3A_751 = arith.constant 0 : i32
        %parallel_loop3A_752 = arith.cmpi slt, %parallel_loop3A_739, %parallel_loop3A_751 : i32
        %parallel_loop3A_753 = arith.extui %parallel_loop3A_752 : i1 to i32
        %parallel_loop3A_754 = arith.subi %parallel_loop3A_750, %parallel_loop3A_753 : i32
        %parallel_loop3A_755 = arith.cmpi ne, %parallel_loop3A_747, %parallel_loop3A_754 : i32
        %parallel_loop3A_756 = arith.remsi %parallel_loop3A_738, %parallel_loop3A_739 : i32
        %parallel_loop3A_757 = arith.constant 0 : i32
        %parallel_loop3A_758 = arith.cmpi ne, %parallel_loop3A_756, %parallel_loop3A_757 : i32
        %parallel_loop3A_759 = arith.andi %parallel_loop3A_755, %parallel_loop3A_758 : i1
        %parallel_loop3A_760 = arith.constant 1 : i32
        %parallel_loop3A_761 = arith.subi %parallel_loop3A_740, %parallel_loop3A_760 : i32
        %parallel_loop3A_762 = arith.select %parallel_loop3A_759, %parallel_loop3A_761, %parallel_loop3A_740 : i32
        %parallel_loop3A_763 = arith.constant 8 : i32
        %parallel_loop3A_764 = arith.constant 0 : i32
        %parallel_loop3A_765 = arith.cmpi eq, %parallel_loop3A_763, %parallel_loop3A_764 : i32
        %parallel_loop3A_766 = arith.constant 1 : i32
        %parallel_loop3A_767 = arith.select %parallel_loop3A_765, %parallel_loop3A_766, %parallel_loop3A_763 : i32
        %parallel_loop3A_768 = arith.remsi %parallel_loop3A_738, %parallel_loop3A_767 : i32
        %parallel_loop3A_769 = arith.constant 0 : i32
        %parallel_loop3A_770 = arith.cmpi ne, %parallel_loop3A_768, %parallel_loop3A_769 : i32
        %parallel_loop3A_771 = arith.constant 0 : i32
        %parallel_loop3A_772 = arith.cmpi slt, %parallel_loop3A_768, %parallel_loop3A_771 : i32
        %parallel_loop3A_773 = arith.constant 0 : i32
        %parallel_loop3A_774 = arith.cmpi slt, %parallel_loop3A_767, %parallel_loop3A_773 : i32
        %parallel_loop3A_775 = arith.xori %parallel_loop3A_772, %parallel_loop3A_774 : i1
        %parallel_loop3A_776 = arith.andi %parallel_loop3A_775, %parallel_loop3A_770 : i1
        %parallel_loop3A_777 = arith.addi %parallel_loop3A_768, %parallel_loop3A_767 : i32
        %parallel_loop3A_778 = arith.select %parallel_loop3A_776, %parallel_loop3A_777, %parallel_loop3A_768 : i32
        %parallel_loop3A_779 = vector.broadcast %parallel_loop3A_738 : i32 to vector<16xi32>
        %parallel_loop3A_780 = arith.constant 0 : i32
        %parallel_loop3A_781 = vector.broadcast %parallel_loop3A_780 : i32 to vector<16xi32>
        %parallel_loop3A_782 = arith.addi %iota3A, %parallel_loop3A_781 : vector<16xi32>
        %parallel_loop3A_783 = arith.constant 2 : i32
        %parallel_loop3A_784 = arith.constant 0 : i32
        %parallel_loop3A_785 = arith.constant 0 : i32
        %parallel_loop3A_786 = tpu.memref_slice %arg6[%parallel_loop3A_783, %parallel_loop3A_784, %parallel_loop3A_785] : memref<4x128x32xf32, #tpu.memory_space<vmem>> -> memref<1x128x32xf32, #tpu.memory_space<vmem>>
        %parallel_loop3A_787 = tpu.memref_squeeze %parallel_loop3A_786 : memref<1x128x32xf32, #tpu.memory_space<vmem>> -> memref<128x32xf32, #tpu.memory_space<vmem>>
        %parallel_loop3A_788 = tpu.vector_load_idx %parallel_loop3A_787[%parallel_loop3A_782, %parallel_loop3A_779] : memref<128x32xf32, #tpu.memory_space<vmem>>[vector<16xi32>, vector<16xi32>], vector<16xf32>,
        %parallel_loop3A_789 = arith.constant 2 : i32
        %parallel_loop3A_790 = arith.index_cast %parallel_loop3A_789 : i32 to index
        %parallel_loop3A_791 = arith.index_cast %parallel_loop3A_762 : i32 to index
        %parallel_loop3A_792 = arith.index_cast %parallel_loop3A_778 : i32 to index
        %parallel_loop3A_793 = arith.constant 0 : index
        %parallel_loop3A_794 = tpu.vector_load %arg7[%parallel_loop3A_790, %parallel_loop3A_791, %parallel_loop3A_792, %parallel_loop3A_793] {strides = array<i32>} : memref<4x4x8x128xf32, #tpu.memory_space<vmem>>, vector<16xf32>,
        tpu.vector_store %arg7[%parallel_loop3A_790, %parallel_loop3A_791, %parallel_loop3A_792, %parallel_loop3A_793], %parallel_loop3A_788 {strides = array<i32>} : memref<4x4x8x128xf32, #tpu.memory_space<vmem>>, vector<16xf32>,
        %parallel_loop3A_795 = arith.constant 16 : i32
        %parallel_loop3A_796 = vector.broadcast %parallel_loop3A_795 : i32 to vector<16xi32>
        %parallel_loop3A_797 = arith.addi %iota3A, %parallel_loop3A_796 : vector<16xi32>
        %parallel_loop3A_798 = arith.constant 2 : i32
        %parallel_loop3A_799 = arith.constant 0 : i32
        %parallel_loop3A_800 = arith.constant 0 : i32
        %parallel_loop3A_801 = tpu.memref_slice %arg6[%parallel_loop3A_798, %parallel_loop3A_799, %parallel_loop3A_800] : memref<4x128x32xf32, #tpu.memory_space<vmem>> -> memref<1x128x32xf32, #tpu.memory_space<vmem>>
        %parallel_loop3A_802 = tpu.memref_squeeze %parallel_loop3A_801 : memref<1x128x32xf32, #tpu.memory_space<vmem>> -> memref<128x32xf32, #tpu.memory_space<vmem>>
        %parallel_loop3A_803 = tpu.vector_load_idx %parallel_loop3A_802[%parallel_loop3A_797, %parallel_loop3A_779] : memref<128x32xf32, #tpu.memory_space<vmem>>[vector<16xi32>, vector<16xi32>], vector<16xf32>,
        %parallel_loop3A_804 = arith.constant 2 : i32
        %parallel_loop3A_805 = arith.index_cast %parallel_loop3A_804 : i32 to index
        %parallel_loop3A_806 = arith.index_cast %parallel_loop3A_762 : i32 to index
        %parallel_loop3A_807 = arith.index_cast %parallel_loop3A_778 : i32 to index
        %parallel_loop3A_808 = arith.constant 16 : index
        %parallel_loop3A_809 = tpu.vector_load %arg7[%parallel_loop3A_805, %parallel_loop3A_806, %parallel_loop3A_807, %parallel_loop3A_808] {strides = array<i32>} : memref<4x4x8x128xf32, #tpu.memory_space<vmem>>, vector<16xf32>,
        tpu.vector_store %arg7[%parallel_loop3A_805, %parallel_loop3A_806, %parallel_loop3A_807, %parallel_loop3A_808], %parallel_loop3A_803 {strides = array<i32>} : memref<4x4x8x128xf32, #tpu.memory_space<vmem>>, vector<16xf32>,
        %parallel_loop3A_810 = arith.constant 32 : i32
        %parallel_loop3A_811 = vector.broadcast %parallel_loop3A_810 : i32 to vector<16xi32>
        %parallel_loop3A_812 = arith.addi %iota3A, %parallel_loop3A_811 : vector<16xi32>
        %parallel_loop3A_813 = arith.constant 2 : i32
        %parallel_loop3A_814 = arith.constant 0 : i32
        %parallel_loop3A_815 = arith.constant 0 : i32
        %parallel_loop3A_816 = tpu.memref_slice %arg6[%parallel_loop3A_813, %parallel_loop3A_814, %parallel_loop3A_815] : memref<4x128x32xf32, #tpu.memory_space<vmem>> -> memref<1x128x32xf32, #tpu.memory_space<vmem>>
        %parallel_loop3A_817 = tpu.memref_squeeze %parallel_loop3A_816 : memref<1x128x32xf32, #tpu.memory_space<vmem>> -> memref<128x32xf32, #tpu.memory_space<vmem>>
        %parallel_loop3A_818 = tpu.vector_load_idx %parallel_loop3A_817[%parallel_loop3A_812, %parallel_loop3A_779] : memref<128x32xf32, #tpu.memory_space<vmem>>[vector<16xi32>, vector<16xi32>], vector<16xf32>,
        %parallel_loop3A_819 = arith.constant 2 : i32
        %parallel_loop3A_820 = arith.index_cast %parallel_loop3A_819 : i32 to index
        %parallel_loop3A_821 = arith.index_cast %parallel_loop3A_762 : i32 to index
        %parallel_loop3A_822 = arith.index_cast %parallel_loop3A_778 : i32 to index
        %parallel_loop3A_823 = arith.constant 32 : index
        %parallel_loop3A_824 = tpu.vector_load %arg7[%parallel_loop3A_820, %parallel_loop3A_821, %parallel_loop3A_822, %parallel_loop3A_823] {strides = array<i32>} : memref<4x4x8x128xf32, #tpu.memory_space<vmem>>, vector<16xf32>,
        tpu.vector_store %arg7[%parallel_loop3A_820, %parallel_loop3A_821, %parallel_loop3A_822, %parallel_loop3A_823], %parallel_loop3A_818 {strides = array<i32>} : memref<4x4x8x128xf32, #tpu.memory_space<vmem>>, vector<16xf32>,
        %parallel_loop3A_825 = arith.constant 48 : i32
        %parallel_loop3A_826 = vector.broadcast %parallel_loop3A_825 : i32 to vector<16xi32>
        %parallel_loop3A_827 = arith.addi %iota3A, %parallel_loop3A_826 : vector<16xi32>
        %parallel_loop3A_828 = arith.constant 2 : i32
        %parallel_loop3A_829 = arith.constant 0 : i32
        %parallel_loop3A_830 = arith.constant 0 : i32
        %parallel_loop3A_831 = tpu.memref_slice %arg6[%parallel_loop3A_828, %parallel_loop3A_829, %parallel_loop3A_830] : memref<4x128x32xf32, #tpu.memory_space<vmem>> -> memref<1x128x32xf32, #tpu.memory_space<vmem>>
        %parallel_loop3A_832 = tpu.memref_squeeze %parallel_loop3A_831 : memref<1x128x32xf32, #tpu.memory_space<vmem>> -> memref<128x32xf32, #tpu.memory_space<vmem>>
        %parallel_loop3A_833 = tpu.vector_load_idx %parallel_loop3A_832[%parallel_loop3A_827, %parallel_loop3A_779] : memref<128x32xf32, #tpu.memory_space<vmem>>[vector<16xi32>, vector<16xi32>], vector<16xf32>,
        %parallel_loop3A_834 = arith.constant 2 : i32
        %parallel_loop3A_835 = arith.index_cast %parallel_loop3A_834 : i32 to index
        %parallel_loop3A_836 = arith.index_cast %parallel_loop3A_762 : i32 to index
        %parallel_loop3A_837 = arith.index_cast %parallel_loop3A_778 : i32 to index
        %parallel_loop3A_838 = arith.constant 48 : index
        %parallel_loop3A_839 = tpu.vector_load %arg7[%parallel_loop3A_835, %parallel_loop3A_836, %parallel_loop3A_837, %parallel_loop3A_838] {strides = array<i32>} : memref<4x4x8x128xf32, #tpu.memory_space<vmem>>, vector<16xf32>,
        tpu.vector_store %arg7[%parallel_loop3A_835, %parallel_loop3A_836, %parallel_loop3A_837, %parallel_loop3A_838], %parallel_loop3A_833 {strides = array<i32>} : memref<4x4x8x128xf32, #tpu.memory_space<vmem>>, vector<16xf32>,
        %parallel_loop3A_840 = arith.constant 64 : i32
        %parallel_loop3A_841 = vector.broadcast %parallel_loop3A_840 : i32 to vector<16xi32>
        %parallel_loop3A_842 = arith.addi %iota3A, %parallel_loop3A_841 : vector<16xi32>
        %parallel_loop3A_843 = arith.constant 2 : i32
        %parallel_loop3A_844 = arith.constant 0 : i32
        %parallel_loop3A_845 = arith.constant 0 : i32
        %parallel_loop3A_846 = tpu.memref_slice %arg6[%parallel_loop3A_843, %parallel_loop3A_844, %parallel_loop3A_845] : memref<4x128x32xf32, #tpu.memory_space<vmem>> -> memref<1x128x32xf32, #tpu.memory_space<vmem>>
        %parallel_loop3A_847 = tpu.memref_squeeze %parallel_loop3A_846 : memref<1x128x32xf32, #tpu.memory_space<vmem>> -> memref<128x32xf32, #tpu.memory_space<vmem>>
        %parallel_loop3A_848 = tpu.vector_load_idx %parallel_loop3A_847[%parallel_loop3A_842, %parallel_loop3A_779] : memref<128x32xf32, #tpu.memory_space<vmem>>[vector<16xi32>, vector<16xi32>], vector<16xf32>,
        %parallel_loop3A_849 = arith.constant 2 : i32
        %parallel_loop3A_850 = arith.index_cast %parallel_loop3A_849 : i32 to index
        %parallel_loop3A_851 = arith.index_cast %parallel_loop3A_762 : i32 to index
        %parallel_loop3A_852 = arith.index_cast %parallel_loop3A_778 : i32 to index
        %parallel_loop3A_853 = arith.constant 64 : index
        %parallel_loop3A_854 = tpu.vector_load %arg7[%parallel_loop3A_850, %parallel_loop3A_851, %parallel_loop3A_852, %parallel_loop3A_853] {strides = array<i32>} : memref<4x4x8x128xf32, #tpu.memory_space<vmem>>, vector<16xf32>,
        tpu.vector_store %arg7[%parallel_loop3A_850, %parallel_loop3A_851, %parallel_loop3A_852, %parallel_loop3A_853], %parallel_loop3A_848 {strides = array<i32>} : memref<4x4x8x128xf32, #tpu.memory_space<vmem>>, vector<16xf32>,
        %parallel_loop3A_855 = arith.constant 80 : i32
        %parallel_loop3A_856 = vector.broadcast %parallel_loop3A_855 : i32 to vector<16xi32>
        %parallel_loop3A_857 = arith.addi %iota3A, %parallel_loop3A_856 : vector<16xi32>
        %parallel_loop3A_858 = arith.constant 2 : i32
        %parallel_loop3A_859 = arith.constant 0 : i32
        %parallel_loop3A_860 = arith.constant 0 : i32
        %parallel_loop3A_861 = tpu.memref_slice %arg6[%parallel_loop3A_858, %parallel_loop3A_859, %parallel_loop3A_860] : memref<4x128x32xf32, #tpu.memory_space<vmem>> -> memref<1x128x32xf32, #tpu.memory_space<vmem>>
        %parallel_loop3A_862 = tpu.memref_squeeze %parallel_loop3A_861 : memref<1x128x32xf32, #tpu.memory_space<vmem>> -> memref<128x32xf32, #tpu.memory_space<vmem>>
        %parallel_loop3A_863 = tpu.vector_load_idx %parallel_loop3A_862[%parallel_loop3A_857, %parallel_loop3A_779] : memref<128x32xf32, #tpu.memory_space<vmem>>[vector<16xi32>, vector<16xi32>], vector<16xf32>,
        %parallel_loop3A_864 = arith.constant 2 : i32
        %parallel_loop3A_865 = arith.index_cast %parallel_loop3A_864 : i32 to index
        %parallel_loop3A_866 = arith.index_cast %parallel_loop3A_762 : i32 to index
        %parallel_loop3A_867 = arith.index_cast %parallel_loop3A_778 : i32 to index
        %parallel_loop3A_868 = arith.constant 80 : index
        %parallel_loop3A_869 = tpu.vector_load %arg7[%parallel_loop3A_865, %parallel_loop3A_866, %parallel_loop3A_867, %parallel_loop3A_868] {strides = array<i32>} : memref<4x4x8x128xf32, #tpu.memory_space<vmem>>, vector<16xf32>,
        tpu.vector_store %arg7[%parallel_loop3A_865, %parallel_loop3A_866, %parallel_loop3A_867, %parallel_loop3A_868], %parallel_loop3A_863 {strides = array<i32>} : memref<4x4x8x128xf32, #tpu.memory_space<vmem>>, vector<16xf32>,
        %parallel_loop3A_870 = arith.constant 96 : i32
        %parallel_loop3A_871 = vector.broadcast %parallel_loop3A_870 : i32 to vector<16xi32>
        %parallel_loop3A_872 = arith.addi %iota3A, %parallel_loop3A_871 : vector<16xi32>
        %parallel_loop3A_873 = arith.constant 2 : i32
        %parallel_loop3A_874 = arith.constant 0 : i32
        %parallel_loop3A_875 = arith.constant 0 : i32
        %parallel_loop3A_876 = tpu.memref_slice %arg6[%parallel_loop3A_873, %parallel_loop3A_874, %parallel_loop3A_875] : memref<4x128x32xf32, #tpu.memory_space<vmem>> -> memref<1x128x32xf32, #tpu.memory_space<vmem>>
        %parallel_loop3A_877 = tpu.memref_squeeze %parallel_loop3A_876 : memref<1x128x32xf32, #tpu.memory_space<vmem>> -> memref<128x32xf32, #tpu.memory_space<vmem>>
        %parallel_loop3A_878 = tpu.vector_load_idx %parallel_loop3A_877[%parallel_loop3A_872, %parallel_loop3A_779] : memref<128x32xf32, #tpu.memory_space<vmem>>[vector<16xi32>, vector<16xi32>], vector<16xf32>,
        %parallel_loop3A_879 = arith.constant 2 : i32
        %parallel_loop3A_880 = arith.index_cast %parallel_loop3A_879 : i32 to index
        %parallel_loop3A_881 = arith.index_cast %parallel_loop3A_762 : i32 to index
        %parallel_loop3A_882 = arith.index_cast %parallel_loop3A_778 : i32 to index
        %parallel_loop3A_883 = arith.constant 96 : index
        %parallel_loop3A_884 = tpu.vector_load %arg7[%parallel_loop3A_880, %parallel_loop3A_881, %parallel_loop3A_882, %parallel_loop3A_883] {strides = array<i32>} : memref<4x4x8x128xf32, #tpu.memory_space<vmem>>, vector<16xf32>,
        tpu.vector_store %arg7[%parallel_loop3A_880, %parallel_loop3A_881, %parallel_loop3A_882, %parallel_loop3A_883], %parallel_loop3A_878 {strides = array<i32>} : memref<4x4x8x128xf32, #tpu.memory_space<vmem>>, vector<16xf32>,
        %parallel_loop3A_885 = arith.constant 112 : i32
        %parallel_loop3A_886 = vector.broadcast %parallel_loop3A_885 : i32 to vector<16xi32>
        %parallel_loop3A_887 = arith.addi %iota3A, %parallel_loop3A_886 : vector<16xi32>
        %parallel_loop3A_888 = arith.constant 2 : i32
        %parallel_loop3A_889 = arith.constant 0 : i32
        %parallel_loop3A_890 = arith.constant 0 : i32
        %parallel_loop3A_891 = tpu.memref_slice %arg6[%parallel_loop3A_888, %parallel_loop3A_889, %parallel_loop3A_890] : memref<4x128x32xf32, #tpu.memory_space<vmem>> -> memref<1x128x32xf32, #tpu.memory_space<vmem>>
        %parallel_loop3A_892 = tpu.memref_squeeze %parallel_loop3A_891 : memref<1x128x32xf32, #tpu.memory_space<vmem>> -> memref<128x32xf32, #tpu.memory_space<vmem>>
        %parallel_loop3A_893 = tpu.vector_load_idx %parallel_loop3A_892[%parallel_loop3A_887, %parallel_loop3A_779] : memref<128x32xf32, #tpu.memory_space<vmem>>[vector<16xi32>, vector<16xi32>], vector<16xf32>,
        %parallel_loop3A_894 = arith.constant 2 : i32
        %parallel_loop3A_895 = arith.index_cast %parallel_loop3A_894 : i32 to index
        %parallel_loop3A_896 = arith.index_cast %parallel_loop3A_762 : i32 to index
        %parallel_loop3A_897 = arith.index_cast %parallel_loop3A_778 : i32 to index
        %parallel_loop3A_898 = arith.constant 112 : index
        %parallel_loop3A_899 = tpu.vector_load %arg7[%parallel_loop3A_895, %parallel_loop3A_896, %parallel_loop3A_897, %parallel_loop3A_898] {strides = array<i32>} : memref<4x4x8x128xf32, #tpu.memory_space<vmem>>, vector<16xf32>,
        tpu.vector_store %arg7[%parallel_loop3A_895, %parallel_loop3A_896, %parallel_loop3A_897, %parallel_loop3A_898], %parallel_loop3A_893 {strides = array<i32>} : memref<4x4x8x128xf32, #tpu.memory_space<vmem>>, vector<16xf32>,
      } {sc.loop_unroll_factor = 8 : i64, sc.parallel_access}
      %dma_start3A_467 = arith.constant 2 : i32
      %dma_start3A_468 = arith.constant 0 : i32
      %dma_start3A_469 = arith.constant 0 : i32
      %dma_start3A_470 = arith.constant 0 : i32
      %dma_start3A_471 = arith.constant 0 : i32
      %dma_start3A_472 = arith.constant 0 : i32
      %dma_start3A_473 = tpu.memref_slice %arg7[%dma_start3A_467, %dma_start3A_470, %dma_start3A_471, %dma_start3A_472] : memref<4x4x8x128xf32, #tpu.memory_space<vmem>> -> memref<1x4x8x128xf32, #tpu.memory_space<vmem>>
      %dma_start3A_474 = tpu.memref_squeeze %dma_start3A_473 : memref<1x4x8x128xf32, #tpu.memory_space<vmem>> -> memref<4x8x128xf32, #tpu.memory_space<vmem>>
      %dma_start3A_475 = arith.constant 0 : i32
      %dma_start3A_476 = arith.constant 0 : i32
      %dma_start3A_477 = tpu.memref_slice %dma_start3A_474[%dma_start3A_468, %dma_start3A_475, %dma_start3A_476] : memref<4x8x128xf32, #tpu.memory_space<vmem>> -> memref<1x8x128xf32, #tpu.memory_space<vmem>>
      %dma_start3A_478 = tpu.memref_squeeze %dma_start3A_477 : memref<1x8x128xf32, #tpu.memory_space<vmem>> -> memref<8x128xf32, #tpu.memory_space<vmem>>
      %dma_start3A_479 = arith.constant 0 : i32
      %dma_start3A_480 = arith.constant 0 : i32
      %dma_start3A_481 = tpu.memref_slice %arg4[%add3A_445, %dma_start3A_469, %add3A, %dma_start3A_479, %dma_start3A_480] : memref<200x4x32x8x128xf32, #tpu.memory_space<hbm>> -> memref<1x1x1x8x128xf32, #tpu.memory_space<hbm>>
      %dma_start3A_482 = tpu.memref_squeeze %dma_start3A_481 : memref<1x1x1x8x128xf32, #tpu.memory_space<hbm>> -> memref<8x128xf32, #tpu.memory_space<hbm>>
      %dma_start3A_483 = arith.constant 0 : i32
      %dma_start3A_484 = arith.constant 0 : i32
      %dma_start3A_485 = tpu.memref_slice %arg4[%add3A_445, %dma_start3A_469, %add3A, %dma_start3A_483, %dma_start3A_484] : memref<200x4x32x8x128xf32, #tpu.memory_space<hbm>> -> memref<1x1x1x8x128xf32, #tpu.memory_space<hbm>>
      %dma_start3A_486 = tpu.memref_squeeze %dma_start3A_485 : memref<1x1x1x8x128xf32, #tpu.memory_space<hbm>> -> memref<8x128xf32, #tpu.memory_space<hbm>>
      %dma_start3A_487 = arith.constant 0 : i32
      %dma_start3A_488 = arith.constant 0 : i32
      %dma_start3A_489 = arith.constant 0 : i32
      %dma_start3A_490 = tpu.memref_slice %arg7[%dma_start3A_467, %dma_start3A_487, %dma_start3A_488, %dma_start3A_489] : memref<4x4x8x128xf32, #tpu.memory_space<vmem>> -> memref<1x4x8x128xf32, #tpu.memory_space<vmem>>
      %dma_start3A_491 = tpu.memref_squeeze %dma_start3A_490 : memref<1x4x8x128xf32, #tpu.memory_space<vmem>> -> memref<4x8x128xf32, #tpu.memory_space<vmem>>
      %dma_start3A_492 = arith.constant 0 : i32
      %dma_start3A_493 = arith.constant 0 : i32
      %dma_start3A_494 = tpu.memref_slice %dma_start3A_491[%dma_start3A_468, %dma_start3A_492, %dma_start3A_493] : memref<4x8x128xf32, #tpu.memory_space<vmem>> -> memref<1x8x128xf32, #tpu.memory_space<vmem>>
      %dma_start3A_495 = tpu.memref_squeeze %dma_start3A_494 : memref<1x8x128xf32, #tpu.memory_space<vmem>> -> memref<8x128xf32, #tpu.memory_space<vmem>>
      tpu.enqueue_dma source(%dma_start3A_495 : memref<8x128xf32, #tpu.memory_space<vmem>>) target(%dma_start3A_486 : memref<8x128xf32, #tpu.memory_space<hbm>>) target_semaphore(%arg14 : memref<!tpu.dma_semaphore, #tpu.memory_space<semaphore_mem>>)
      %dma_start3A_496 = arith.constant 2 : i32
      %dma_start3A_497 = arith.constant 1 : i32
      %dma_start3A_498 = arith.constant 1 : i32
      %dma_start3A_499 = arith.constant 0 : i32
      %dma_start3A_500 = arith.constant 0 : i32
      %dma_start3A_501 = arith.constant 0 : i32
      %dma_start3A_502 = tpu.memref_slice %arg7[%dma_start3A_496, %dma_start3A_499, %dma_start3A_500, %dma_start3A_501] : memref<4x4x8x128xf32, #tpu.memory_space<vmem>> -> memref<1x4x8x128xf32, #tpu.memory_space<vmem>>
      %dma_start3A_503 = tpu.memref_squeeze %dma_start3A_502 : memref<1x4x8x128xf32, #tpu.memory_space<vmem>> -> memref<4x8x128xf32, #tpu.memory_space<vmem>>
      %dma_start3A_504 = arith.constant 0 : i32
      %dma_start3A_505 = arith.constant 0 : i32
      %dma_start3A_506 = tpu.memref_slice %dma_start3A_503[%dma_start3A_497, %dma_start3A_504, %dma_start3A_505] : memref<4x8x128xf32, #tpu.memory_space<vmem>> -> memref<1x8x128xf32, #tpu.memory_space<vmem>>
      %dma_start3A_507 = tpu.memref_squeeze %dma_start3A_506 : memref<1x8x128xf32, #tpu.memory_space<vmem>> -> memref<8x128xf32, #tpu.memory_space<vmem>>
      %dma_start3A_508 = arith.constant 0 : i32
      %dma_start3A_509 = arith.constant 0 : i32
      %dma_start3A_510 = tpu.memref_slice %arg4[%add3A_445, %dma_start3A_498, %add3A, %dma_start3A_508, %dma_start3A_509] : memref<200x4x32x8x128xf32, #tpu.memory_space<hbm>> -> memref<1x1x1x8x128xf32, #tpu.memory_space<hbm>>
      %dma_start3A_511 = tpu.memref_squeeze %dma_start3A_510 : memref<1x1x1x8x128xf32, #tpu.memory_space<hbm>> -> memref<8x128xf32, #tpu.memory_space<hbm>>
      %dma_start3A_512 = arith.constant 0 : i32
      %dma_start3A_513 = arith.constant 0 : i32
      %dma_start3A_514 = tpu.memref_slice %arg4[%add3A_445, %dma_start3A_498, %add3A, %dma_start3A_512, %dma_start3A_513] : memref<200x4x32x8x128xf32, #tpu.memory_space<hbm>> -> memref<1x1x1x8x128xf32, #tpu.memory_space<hbm>>
      %dma_start3A_515 = tpu.memref_squeeze %dma_start3A_514 : memref<1x1x1x8x128xf32, #tpu.memory_space<hbm>> -> memref<8x128xf32, #tpu.memory_space<hbm>>
      %dma_start3A_516 = arith.constant 0 : i32
      %dma_start3A_517 = arith.constant 0 : i32
      %dma_start3A_518 = arith.constant 0 : i32
      %dma_start3A_519 = tpu.memref_slice %arg7[%dma_start3A_496, %dma_start3A_516, %dma_start3A_517, %dma_start3A_518] : memref<4x4x8x128xf32, #tpu.memory_space<vmem>> -> memref<1x4x8x128xf32, #tpu.memory_space<vmem>>
      %dma_start3A_520 = tpu.memref_squeeze %dma_start3A_519 : memref<1x4x8x128xf32, #tpu.memory_space<vmem>> -> memref<4x8x128xf32, #tpu.memory_space<vmem>>
      %dma_start3A_521 = arith.constant 0 : i32
      %dma_start3A_522 = arith.constant 0 : i32
      %dma_start3A_523 = tpu.memref_slice %dma_start3A_520[%dma_start3A_497, %dma_start3A_521, %dma_start3A_522] : memref<4x8x128xf32, #tpu.memory_space<vmem>> -> memref<1x8x128xf32, #tpu.memory_space<vmem>>
      %dma_start3A_524 = tpu.memref_squeeze %dma_start3A_523 : memref<1x8x128xf32, #tpu.memory_space<vmem>> -> memref<8x128xf32, #tpu.memory_space<vmem>>
      tpu.enqueue_dma source(%dma_start3A_524 : memref<8x128xf32, #tpu.memory_space<vmem>>) target(%dma_start3A_515 : memref<8x128xf32, #tpu.memory_space<hbm>>) target_semaphore(%arg14 : memref<!tpu.dma_semaphore, #tpu.memory_space<semaphore_mem>>)
      %dma_start3A_525 = arith.constant 2 : i32
      %dma_start3A_526 = arith.constant 2 : i32
      %dma_start3A_527 = arith.constant 2 : i32
      %dma_start3A_528 = arith.constant 0 : i32
      %dma_start3A_529 = arith.constant 0 : i32
      %dma_start3A_530 = arith.constant 0 : i32
      %dma_start3A_531 = tpu.memref_slice %arg7[%dma_start3A_525, %dma_start3A_528, %dma_start3A_529, %dma_start3A_530] : memref<4x4x8x128xf32, #tpu.memory_space<vmem>> -> memref<1x4x8x128xf32, #tpu.memory_space<vmem>>
      %dma_start3A_532 = tpu.memref_squeeze %dma_start3A_531 : memref<1x4x8x128xf32, #tpu.memory_space<vmem>> -> memref<4x8x128xf32, #tpu.memory_space<vmem>>
      %dma_start3A_533 = arith.constant 0 : i32
      %dma_start3A_534 = arith.constant 0 : i32
      %dma_start3A_535 = tpu.memref_slice %dma_start3A_532[%dma_start3A_526, %dma_start3A_533, %dma_start3A_534] : memref<4x8x128xf32, #tpu.memory_space<vmem>> -> memref<1x8x128xf32, #tpu.memory_space<vmem>>
      %dma_start3A_536 = tpu.memref_squeeze %dma_start3A_535 : memref<1x8x128xf32, #tpu.memory_space<vmem>> -> memref<8x128xf32, #tpu.memory_space<vmem>>
      %dma_start3A_537 = arith.constant 0 : i32
      %dma_start3A_538 = arith.constant 0 : i32
      %dma_start3A_539 = tpu.memref_slice %arg4[%add3A_445, %dma_start3A_527, %add3A, %dma_start3A_537, %dma_start3A_538] : memref<200x4x32x8x128xf32, #tpu.memory_space<hbm>> -> memref<1x1x1x8x128xf32, #tpu.memory_space<hbm>>
      %dma_start3A_540 = tpu.memref_squeeze %dma_start3A_539 : memref<1x1x1x8x128xf32, #tpu.memory_space<hbm>> -> memref<8x128xf32, #tpu.memory_space<hbm>>
      %dma_start3A_541 = arith.constant 0 : i32
      %dma_start3A_542 = arith.constant 0 : i32
      %dma_start3A_543 = tpu.memref_slice %arg4[%add3A_445, %dma_start3A_527, %add3A, %dma_start3A_541, %dma_start3A_542] : memref<200x4x32x8x128xf32, #tpu.memory_space<hbm>> -> memref<1x1x1x8x128xf32, #tpu.memory_space<hbm>>
      %dma_start3A_544 = tpu.memref_squeeze %dma_start3A_543 : memref<1x1x1x8x128xf32, #tpu.memory_space<hbm>> -> memref<8x128xf32, #tpu.memory_space<hbm>>
      %dma_start3A_545 = arith.constant 0 : i32
      %dma_start3A_546 = arith.constant 0 : i32
      %dma_start3A_547 = arith.constant 0 : i32
      %dma_start3A_548 = tpu.memref_slice %arg7[%dma_start3A_525, %dma_start3A_545, %dma_start3A_546, %dma_start3A_547] : memref<4x4x8x128xf32, #tpu.memory_space<vmem>> -> memref<1x4x8x128xf32, #tpu.memory_space<vmem>>
      %dma_start3A_549 = tpu.memref_squeeze %dma_start3A_548 : memref<1x4x8x128xf32, #tpu.memory_space<vmem>> -> memref<4x8x128xf32, #tpu.memory_space<vmem>>
      %dma_start3A_550 = arith.constant 0 : i32
      %dma_start3A_551 = arith.constant 0 : i32
      %dma_start3A_552 = tpu.memref_slice %dma_start3A_549[%dma_start3A_526, %dma_start3A_550, %dma_start3A_551] : memref<4x8x128xf32, #tpu.memory_space<vmem>> -> memref<1x8x128xf32, #tpu.memory_space<vmem>>
      %dma_start3A_553 = tpu.memref_squeeze %dma_start3A_552 : memref<1x8x128xf32, #tpu.memory_space<vmem>> -> memref<8x128xf32, #tpu.memory_space<vmem>>
      tpu.enqueue_dma source(%dma_start3A_553 : memref<8x128xf32, #tpu.memory_space<vmem>>) target(%dma_start3A_544 : memref<8x128xf32, #tpu.memory_space<hbm>>) target_semaphore(%arg14 : memref<!tpu.dma_semaphore, #tpu.memory_space<semaphore_mem>>)
      %dma_start3A_554 = arith.constant 2 : i32
      %dma_start3A_555 = arith.constant 3 : i32
      %dma_start3A_556 = arith.constant 3 : i32
      %dma_start3A_557 = arith.constant 0 : i32
      %dma_start3A_558 = arith.constant 0 : i32
      %dma_start3A_559 = arith.constant 0 : i32
      %dma_start3A_560 = tpu.memref_slice %arg7[%dma_start3A_554, %dma_start3A_557, %dma_start3A_558, %dma_start3A_559] : memref<4x4x8x128xf32, #tpu.memory_space<vmem>> -> memref<1x4x8x128xf32, #tpu.memory_space<vmem>>
      %dma_start3A_561 = tpu.memref_squeeze %dma_start3A_560 : memref<1x4x8x128xf32, #tpu.memory_space<vmem>> -> memref<4x8x128xf32, #tpu.memory_space<vmem>>
      %dma_start3A_562 = arith.constant 0 : i32
      %dma_start3A_563 = arith.constant 0 : i32
      %dma_start3A_564 = tpu.memref_slice %dma_start3A_561[%dma_start3A_555, %dma_start3A_562, %dma_start3A_563] : memref<4x8x128xf32, #tpu.memory_space<vmem>> -> memref<1x8x128xf32, #tpu.memory_space<vmem>>
      %dma_start3A_565 = tpu.memref_squeeze %dma_start3A_564 : memref<1x8x128xf32, #tpu.memory_space<vmem>> -> memref<8x128xf32, #tpu.memory_space<vmem>>
      %dma_start3A_566 = arith.constant 0 : i32
      %dma_start3A_567 = arith.constant 0 : i32
      %dma_start3A_568 = tpu.memref_slice %arg4[%add3A_445, %dma_start3A_556, %add3A, %dma_start3A_566, %dma_start3A_567] : memref<200x4x32x8x128xf32, #tpu.memory_space<hbm>> -> memref<1x1x1x8x128xf32, #tpu.memory_space<hbm>>
      %dma_start3A_569 = tpu.memref_squeeze %dma_start3A_568 : memref<1x1x1x8x128xf32, #tpu.memory_space<hbm>> -> memref<8x128xf32, #tpu.memory_space<hbm>>
      %dma_start3A_570 = arith.constant 0 : i32
      %dma_start3A_571 = arith.constant 0 : i32
      %dma_start3A_572 = tpu.memref_slice %arg4[%add3A_445, %dma_start3A_556, %add3A, %dma_start3A_570, %dma_start3A_571] : memref<200x4x32x8x128xf32, #tpu.memory_space<hbm>> -> memref<1x1x1x8x128xf32, #tpu.memory_space<hbm>>
      %dma_start3A_573 = tpu.memref_squeeze %dma_start3A_572 : memref<1x1x1x8x128xf32, #tpu.memory_space<hbm>> -> memref<8x128xf32, #tpu.memory_space<hbm>>
      %dma_start3A_574 = arith.constant 0 : i32
      %dma_start3A_575 = arith.constant 0 : i32
      %dma_start3A_576 = arith.constant 0 : i32
      %dma_start3A_577 = tpu.memref_slice %arg7[%dma_start3A_554, %dma_start3A_574, %dma_start3A_575, %dma_start3A_576] : memref<4x4x8x128xf32, #tpu.memory_space<vmem>> -> memref<1x4x8x128xf32, #tpu.memory_space<vmem>>
      %dma_start3A_578 = tpu.memref_squeeze %dma_start3A_577 : memref<1x4x8x128xf32, #tpu.memory_space<vmem>> -> memref<4x8x128xf32, #tpu.memory_space<vmem>>
      %dma_start3A_579 = arith.constant 0 : i32
      %dma_start3A_580 = arith.constant 0 : i32
      %dma_start3A_581 = tpu.memref_slice %dma_start3A_578[%dma_start3A_555, %dma_start3A_579, %dma_start3A_580] : memref<4x8x128xf32, #tpu.memory_space<vmem>> -> memref<1x8x128xf32, #tpu.memory_space<vmem>>
      %dma_start3A_582 = tpu.memref_squeeze %dma_start3A_581 : memref<1x8x128xf32, #tpu.memory_space<vmem>> -> memref<8x128xf32, #tpu.memory_space<vmem>>
      tpu.enqueue_dma source(%dma_start3A_582 : memref<8x128xf32, #tpu.memory_space<vmem>>) target(%dma_start3A_573 : memref<8x128xf32, #tpu.memory_space<hbm>>) target_semaphore(%arg14 : memref<!tpu.dma_semaphore, #tpu.memory_space<semaphore_mem>>)
      %add3A_583 = arith.constant 4 : i32
      %add3A_584 = arith.addi %add3A_445, %add3A_583 : i32
      %lt3A_585 = arith.constant 200 : i32
      %lt3A_586 = arith.cmpi slt, %add3A_584, %lt3A_585 : i32
      %convert_element_type3A_587 = arith.extui %lt3A_586 : i1 to i32
      %cond3A_588 = arith.constant 0 : i32
      %cond3A_589 = arith.cmpi ne, %convert_element_type3A_587, %cond3A_588 : i32
      scf.if %cond3A_589 {
        %add3A_738 = arith.constant 4 : i32
        %add3A_739 = arith.addi %add3A_445, %add3A_738 : i32
        %jit3A = arith.constant 8 : i32
        %div3A = arith.divsi %add3A_739, %jit3A : i32
        %sign3A = arith.constant 0 : i32
        %sign3A_740 = arith.cmpi sgt, %add3A_739, %sign3A : i32
        %sign3A_741 = arith.extui %sign3A_740 : i1 to i32
        %sign3A_742 = arith.constant 0 : i32
        %sign3A_743 = arith.cmpi slt, %add3A_739, %sign3A_742 : i32
        %sign3A_744 = arith.extui %sign3A_743 : i1 to i32
        %sign3A_745 = arith.subi %sign3A_741, %sign3A_744 : i32
        %sign3A_746 = arith.constant 0 : i32
        %sign3A_747 = arith.cmpi sgt, %jit3A, %sign3A_746 : i32
        %sign3A_748 = arith.extui %sign3A_747 : i1 to i32
        %sign3A_749 = arith.constant 0 : i32
        %sign3A_750 = arith.cmpi slt, %jit3A, %sign3A_749 : i32
        %sign3A_751 = arith.extui %sign3A_750 : i1 to i32
        %sign3A_752 = arith.subi %sign3A_748, %sign3A_751 : i32
        %ne3A = arith.cmpi ne, %sign3A_745, %sign3A_752 : i32
        %rem3A = arith.remsi %add3A_739, %jit3A : i32
        %ne3A_753 = arith.constant 0 : i32
        %ne3A_754 = arith.cmpi ne, %rem3A, %ne3A_753 : i32
        %and3A = arith.andi %ne3A, %ne3A_754 : i1
        %sub3A = arith.constant 1 : i32
        %sub3A_755 = arith.subi %div3A, %sub3A : i32
        %select_n3A = arith.select %and3A, %sub3A_755, %div3A : i32
        %jit3A_756 = arith.constant 8 : i32
        %eq3A = arith.constant 0 : i32
        %eq3A_757 = arith.cmpi eq, %jit3A_756, %eq3A : i32
        %jit3A_758 = arith.constant 1 : i32
        %select_n3A_759 = arith.select %eq3A_757, %jit3A_758, %jit3A_756 : i32
        %rem3A_760 = arith.remsi %add3A_739, %select_n3A_759 : i32
        %ne3A_761 = arith.constant 0 : i32
        %ne3A_762 = arith.cmpi ne, %rem3A_760, %ne3A_761 : i32
        %lt3A_763 = arith.constant 0 : i32
        %lt3A_764 = arith.cmpi slt, %rem3A_760, %lt3A_763 : i32
        %lt3A_765 = arith.constant 0 : i32
        %lt3A_766 = arith.cmpi slt, %select_n3A_759, %lt3A_765 : i32
        %ne3A_767 = arith.xori %lt3A_764, %lt3A_766 : i1
        %and3A_768 = arith.andi %ne3A_767, %ne3A_762 : i1
        %add3A_769 = arith.addi %rem3A_760, %select_n3A_759 : i32
        %select_n3A_770 = arith.select %and3A_768, %add3A_769, %rem3A_760 : i32
        %dma_start3A_771 = arith.constant 2 : i32
        %dma_start3A_772 = arith.constant 0 : i32
        %dma_start3A_773 = arith.constant 0 : i32
        %dma_start3A_774 = tpu.memref_slice %arg6[%dma_start3A_771, %dma_start3A_772, %dma_start3A_773] : memref<4x128x32xf32, #tpu.memory_space<vmem>> -> memref<1x128x32xf32, #tpu.memory_space<vmem>>
        %dma_start3A_775 = tpu.memref_squeeze %dma_start3A_774 : memref<1x128x32xf32, #tpu.memory_space<vmem>> -> memref<128x32xf32, #tpu.memory_space<vmem>>
        %dma_start3A_776 = arith.constant 0 : i32
        %dma_start3A_777 = tpu.memref_slice %arg5[%select_n3A, %select_n3A_770, %dma_start3A_776] : memref<25x8x128xi32, #tpu.memory_space<vmem>> -> memref<1x1x128xi32, #tpu.memory_space<vmem>>
        %dma_start3A_778 = tpu.memref_squeeze %dma_start3A_777 : memref<1x1x128xi32, #tpu.memory_space<vmem>> -> memref<128xi32, #tpu.memory_space<vmem>>
        %dma_start3A_779 = arith.constant 0 : i32
        %dma_start3A_780 = arith.constant 0 : i32
        %dma_start3A_781 = tpu.memref_slice %arg3[%dma_start3A_779, %dma_start3A_780] : memref<1000000x32xf32, #tpu.memory_space<hbm>> -> memref<1000000x32xf32, #tpu.memory_space<hbm>>
        tpu.enqueue_indirect_dma source(%dma_start3A_781 : memref<1000000x32xf32, #tpu.memory_space<hbm>>) target(%dma_start3A_775 : memref<128x32xf32, #tpu.memory_space<vmem>>) offsets(%dma_start3A_778 : memref<128xi32, #tpu.memory_space<vmem>>) semaphore(%arg10 : memref<!tpu.dma_semaphore, #tpu.memory_space<semaphore_mem>>)
      } else {
      }
      %mul3A_590 = arith.constant 4 : i32
      %mul3A_591 = arith.muli %scan3A_150, %mul3A_590 : i32
      %add3A_592 = arith.constant 3 : i32
      %add3A_593 = arith.addi %mul3A_591, %add3A_592 : i32
      %dma_wait3A_594 = arith.constant 0 : i32
      %dma_wait3A_595 = arith.constant 0 : i32
      %dma_wait3A_596 = arith.constant 3 : i32
      %dma_wait3A_597 = arith.constant 0 : i32
      %dma_wait3A_598 = arith.constant 0 : i32
      %dma_wait3A_599 = tpu.memref_slice %arg6[%dma_wait3A_596, %dma_wait3A_597, %dma_wait3A_598] : memref<4x128x32xf32, #tpu.memory_space<vmem>> -> memref<1x128x32xf32, #tpu.memory_space<vmem>>
      %dma_wait3A_600 = tpu.memref_squeeze %dma_wait3A_599 : memref<1x128x32xf32, #tpu.memory_space<vmem>> -> memref<128x32xf32, #tpu.memory_space<vmem>>
      %dma_wait3A_601 = arith.constant 0 : i32
      %dma_wait3A_602 = tpu.memref_slice %arg5[%dma_wait3A_594, %dma_wait3A_595, %dma_wait3A_601] : memref<25x8x128xi32, #tpu.memory_space<vmem>> -> memref<1x1x128xi32, #tpu.memory_space<vmem>>
      %dma_wait3A_603 = tpu.memref_squeeze %dma_wait3A_602 : memref<1x1x128xi32, #tpu.memory_space<vmem>> -> memref<128xi32, #tpu.memory_space<vmem>>
      %dma_wait3A_604 = arith.constant 0 : i32
      %dma_wait3A_605 = arith.constant 0 : i32
      %dma_wait3A_606 = tpu.memref_slice %arg3[%dma_wait3A_604, %dma_wait3A_605] : memref<1000000x32xf32, #tpu.memory_space<hbm>> -> memref<1000000x32xf32, #tpu.memory_space<hbm>>
      tpu.wait_indirect_dma semaphore(%arg11 : memref<!tpu.dma_semaphore, #tpu.memory_space<semaphore_mem>>) src(%dma_wait3A_606 : memref<1000000x32xf32, #tpu.memory_space<hbm>>) dst(%dma_wait3A_600 : memref<128x32xf32, #tpu.memory_space<vmem>>)
      %gt3A_607 = arith.constant 0 : i32
      %gt3A_608 = arith.cmpi sgt, %scan3A_150, %gt3A_607 : i32
      %convert_element_type3A_609 = arith.extui %gt3A_608 : i1 to i32
      %cond3A_610 = arith.constant 0 : i32
      %cond3A_611 = arith.cmpi ne, %convert_element_type3A_609, %cond3A_610 : i32
      scf.if %cond3A_611 {
        %dma_wait3A_738 = arith.constant 0 : i32
        %dma_wait3A_739 = arith.constant 0 : i32
        %dma_wait3A_740 = arith.constant 0 : i32
        %dma_wait3A_741 = arith.constant 3 : i32
        %dma_wait3A_742 = arith.constant 0 : i32
        %dma_wait3A_743 = arith.constant 0 : i32
        %dma_wait3A_744 = arith.constant 0 : i32
        %dma_wait3A_745 = tpu.memref_slice %arg7[%dma_wait3A_741, %dma_wait3A_742, %dma_wait3A_743, %dma_wait3A_744] : memref<4x4x8x128xf32, #tpu.memory_space<vmem>> -> memref<1x4x8x128xf32, #tpu.memory_space<vmem>>
        %dma_wait3A_746 = tpu.memref_squeeze %dma_wait3A_745 : memref<1x4x8x128xf32, #tpu.memory_space<vmem>> -> memref<4x8x128xf32, #tpu.memory_space<vmem>>
        %dma_wait3A_747 = arith.constant 0 : i32
        %dma_wait3A_748 = arith.constant 0 : i32
        %dma_wait3A_749 = tpu.memref_slice %arg4[%dma_wait3A_738, %dma_wait3A_739, %dma_wait3A_740, %dma_wait3A_747, %dma_wait3A_748] : memref<200x4x32x8x128xf32, #tpu.memory_space<hbm>> -> memref<1x1x1x8x128xf32, #tpu.memory_space<hbm>>
        %dma_wait3A_750 = tpu.memref_squeeze %dma_wait3A_749 : memref<1x1x1x8x128xf32, #tpu.memory_space<hbm>> -> memref<8x128xf32, #tpu.memory_space<hbm>>
        %dma_wait3A_751 = arith.constant 0 : i32
        %dma_wait3A_752 = arith.constant 0 : i32
        %dma_wait3A_753 = arith.constant 0 : i32
        %dma_wait3A_754 = tpu.memref_slice %arg7[%dma_wait3A_741, %dma_wait3A_751, %dma_wait3A_752, %dma_wait3A_753] : memref<4x4x8x128xf32, #tpu.memory_space<vmem>> -> memref<1x4x8x128xf32, #tpu.memory_space<vmem>>
        %dma_wait3A_755 = tpu.memref_squeeze %dma_wait3A_754 : memref<1x4x8x128xf32, #tpu.memory_space<vmem>> -> memref<4x8x128xf32, #tpu.memory_space<vmem>>
        %dma_wait3A_756 = arith.constant 0 : i32
        %dma_wait3A_757 = arith.constant 0 : i32
        %dma_wait3A_758 = tpu.memref_slice %arg4[%dma_wait3A_738, %dma_wait3A_739, %dma_wait3A_740, %dma_wait3A_756, %dma_wait3A_757] : memref<200x4x32x8x128xf32, #tpu.memory_space<hbm>> -> memref<1x1x1x8x128xf32, #tpu.memory_space<hbm>>
        %dma_wait3A_759 = tpu.memref_squeeze %dma_wait3A_758 : memref<1x1x1x8x128xf32, #tpu.memory_space<hbm>> -> memref<8x128xf32, #tpu.memory_space<hbm>>
        tpu.wait_dma2 semaphore(%arg15 : memref<!tpu.dma_semaphore, #tpu.memory_space<semaphore_mem>>) src(%dma_wait3A_759 : memref<8x128xf32, #tpu.memory_space<hbm>>) dst(%dma_wait3A_755 : memref<4x8x128xf32, #tpu.memory_space<vmem>>)
      } else {
      }
      %parallel_loop3A_612 = arith.constant 0 : i32
      %parallel_loop3A_613 = arith.constant 32 : i32
      %parallel_loop3A_614 = arith.constant 1 : i32
      scf.for %parallel_loop3A_738 = %parallel_loop3A_612 to %parallel_loop3A_613 step %parallel_loop3A_614  : i32 {
        %parallel_loop3A_739 = arith.constant 8 : i32
        %parallel_loop3A_740 = arith.divsi %parallel_loop3A_738, %parallel_loop3A_739 : i32
        %parallel_loop3A_741 = arith.constant 0 : i32
        %parallel_loop3A_742 = arith.cmpi sgt, %parallel_loop3A_738, %parallel_loop3A_741 : i32
        %parallel_loop3A_743 = arith.extui %parallel_loop3A_742 : i1 to i32
        %parallel_loop3A_744 = arith.constant 0 : i32
        %parallel_loop3A_745 = arith.cmpi slt, %parallel_loop3A_738, %parallel_loop3A_744 : i32
        %parallel_loop3A_746 = arith.extui %parallel_loop3A_745 : i1 to i32
        %parallel_loop3A_747 = arith.subi %parallel_loop3A_743, %parallel_loop3A_746 : i32
        %parallel_loop3A_748 = arith.constant 0 : i32
        %parallel_loop3A_749 = arith.cmpi sgt, %parallel_loop3A_739, %parallel_loop3A_748 : i32
        %parallel_loop3A_750 = arith.extui %parallel_loop3A_749 : i1 to i32
        %parallel_loop3A_751 = arith.constant 0 : i32
        %parallel_loop3A_752 = arith.cmpi slt, %parallel_loop3A_739, %parallel_loop3A_751 : i32
        %parallel_loop3A_753 = arith.extui %parallel_loop3A_752 : i1 to i32
        %parallel_loop3A_754 = arith.subi %parallel_loop3A_750, %parallel_loop3A_753 : i32
        %parallel_loop3A_755 = arith.cmpi ne, %parallel_loop3A_747, %parallel_loop3A_754 : i32
        %parallel_loop3A_756 = arith.remsi %parallel_loop3A_738, %parallel_loop3A_739 : i32
        %parallel_loop3A_757 = arith.constant 0 : i32
        %parallel_loop3A_758 = arith.cmpi ne, %parallel_loop3A_756, %parallel_loop3A_757 : i32
        %parallel_loop3A_759 = arith.andi %parallel_loop3A_755, %parallel_loop3A_758 : i1
        %parallel_loop3A_760 = arith.constant 1 : i32
        %parallel_loop3A_761 = arith.subi %parallel_loop3A_740, %parallel_loop3A_760 : i32
        %parallel_loop3A_762 = arith.select %parallel_loop3A_759, %parallel_loop3A_761, %parallel_loop3A_740 : i32
        %parallel_loop3A_763 = arith.constant 8 : i32
        %parallel_loop3A_764 = arith.constant 0 : i32
        %parallel_loop3A_765 = arith.cmpi eq, %parallel_loop3A_763, %parallel_loop3A_764 : i32
        %parallel_loop3A_766 = arith.constant 1 : i32
        %parallel_loop3A_767 = arith.select %parallel_loop3A_765, %parallel_loop3A_766, %parallel_loop3A_763 : i32
        %parallel_loop3A_768 = arith.remsi %parallel_loop3A_738, %parallel_loop3A_767 : i32
        %parallel_loop3A_769 = arith.constant 0 : i32
        %parallel_loop3A_770 = arith.cmpi ne, %parallel_loop3A_768, %parallel_loop3A_769 : i32
        %parallel_loop3A_771 = arith.constant 0 : i32
        %parallel_loop3A_772 = arith.cmpi slt, %parallel_loop3A_768, %parallel_loop3A_771 : i32
        %parallel_loop3A_773 = arith.constant 0 : i32
        %parallel_loop3A_774 = arith.cmpi slt, %parallel_loop3A_767, %parallel_loop3A_773 : i32
        %parallel_loop3A_775 = arith.xori %parallel_loop3A_772, %parallel_loop3A_774 : i1
        %parallel_loop3A_776 = arith.andi %parallel_loop3A_775, %parallel_loop3A_770 : i1
        %parallel_loop3A_777 = arith.addi %parallel_loop3A_768, %parallel_loop3A_767 : i32
        %parallel_loop3A_778 = arith.select %parallel_loop3A_776, %parallel_loop3A_777, %parallel_loop3A_768 : i32
        %parallel_loop3A_779 = vector.broadcast %parallel_loop3A_738 : i32 to vector<16xi32>
        %parallel_loop3A_780 = arith.constant 0 : i32
        %parallel_loop3A_781 = vector.broadcast %parallel_loop3A_780 : i32 to vector<16xi32>
        %parallel_loop3A_782 = arith.addi %iota3A, %parallel_loop3A_781 : vector<16xi32>
        %parallel_loop3A_783 = arith.constant 3 : i32
        %parallel_loop3A_784 = arith.constant 0 : i32
        %parallel_loop3A_785 = arith.constant 0 : i32
        %parallel_loop3A_786 = tpu.memref_slice %arg6[%parallel_loop3A_783, %parallel_loop3A_784, %parallel_loop3A_785] : memref<4x128x32xf32, #tpu.memory_space<vmem>> -> memref<1x128x32xf32, #tpu.memory_space<vmem>>
        %parallel_loop3A_787 = tpu.memref_squeeze %parallel_loop3A_786 : memref<1x128x32xf32, #tpu.memory_space<vmem>> -> memref<128x32xf32, #tpu.memory_space<vmem>>
        %parallel_loop3A_788 = tpu.vector_load_idx %parallel_loop3A_787[%parallel_loop3A_782, %parallel_loop3A_779] : memref<128x32xf32, #tpu.memory_space<vmem>>[vector<16xi32>, vector<16xi32>], vector<16xf32>,
        %parallel_loop3A_789 = arith.constant 3 : i32
        %parallel_loop3A_790 = arith.index_cast %parallel_loop3A_789 : i32 to index
        %parallel_loop3A_791 = arith.index_cast %parallel_loop3A_762 : i32 to index
        %parallel_loop3A_792 = arith.index_cast %parallel_loop3A_778 : i32 to index
        %parallel_loop3A_793 = arith.constant 0 : index
        %parallel_loop3A_794 = tpu.vector_load %arg7[%parallel_loop3A_790, %parallel_loop3A_791, %parallel_loop3A_792, %parallel_loop3A_793] {strides = array<i32>} : memref<4x4x8x128xf32, #tpu.memory_space<vmem>>, vector<16xf32>,
        tpu.vector_store %arg7[%parallel_loop3A_790, %parallel_loop3A_791, %parallel_loop3A_792, %parallel_loop3A_793], %parallel_loop3A_788 {strides = array<i32>} : memref<4x4x8x128xf32, #tpu.memory_space<vmem>>, vector<16xf32>,
        %parallel_loop3A_795 = arith.constant 16 : i32
        %parallel_loop3A_796 = vector.broadcast %parallel_loop3A_795 : i32 to vector<16xi32>
        %parallel_loop3A_797 = arith.addi %iota3A, %parallel_loop3A_796 : vector<16xi32>
        %parallel_loop3A_798 = arith.constant 3 : i32
        %parallel_loop3A_799 = arith.constant 0 : i32
        %parallel_loop3A_800 = arith.constant 0 : i32
        %parallel_loop3A_801 = tpu.memref_slice %arg6[%parallel_loop3A_798, %parallel_loop3A_799, %parallel_loop3A_800] : memref<4x128x32xf32, #tpu.memory_space<vmem>> -> memref<1x128x32xf32, #tpu.memory_space<vmem>>
        %parallel_loop3A_802 = tpu.memref_squeeze %parallel_loop3A_801 : memref<1x128x32xf32, #tpu.memory_space<vmem>> -> memref<128x32xf32, #tpu.memory_space<vmem>>
        %parallel_loop3A_803 = tpu.vector_load_idx %parallel_loop3A_802[%parallel_loop3A_797, %parallel_loop3A_779] : memref<128x32xf32, #tpu.memory_space<vmem>>[vector<16xi32>, vector<16xi32>], vector<16xf32>,
        %parallel_loop3A_804 = arith.constant 3 : i32
        %parallel_loop3A_805 = arith.index_cast %parallel_loop3A_804 : i32 to index
        %parallel_loop3A_806 = arith.index_cast %parallel_loop3A_762 : i32 to index
        %parallel_loop3A_807 = arith.index_cast %parallel_loop3A_778 : i32 to index
        %parallel_loop3A_808 = arith.constant 16 : index
        %parallel_loop3A_809 = tpu.vector_load %arg7[%parallel_loop3A_805, %parallel_loop3A_806, %parallel_loop3A_807, %parallel_loop3A_808] {strides = array<i32>} : memref<4x4x8x128xf32, #tpu.memory_space<vmem>>, vector<16xf32>,
        tpu.vector_store %arg7[%parallel_loop3A_805, %parallel_loop3A_806, %parallel_loop3A_807, %parallel_loop3A_808], %parallel_loop3A_803 {strides = array<i32>} : memref<4x4x8x128xf32, #tpu.memory_space<vmem>>, vector<16xf32>,
        %parallel_loop3A_810 = arith.constant 32 : i32
        %parallel_loop3A_811 = vector.broadcast %parallel_loop3A_810 : i32 to vector<16xi32>
        %parallel_loop3A_812 = arith.addi %iota3A, %parallel_loop3A_811 : vector<16xi32>
        %parallel_loop3A_813 = arith.constant 3 : i32
        %parallel_loop3A_814 = arith.constant 0 : i32
        %parallel_loop3A_815 = arith.constant 0 : i32
        %parallel_loop3A_816 = tpu.memref_slice %arg6[%parallel_loop3A_813, %parallel_loop3A_814, %parallel_loop3A_815] : memref<4x128x32xf32, #tpu.memory_space<vmem>> -> memref<1x128x32xf32, #tpu.memory_space<vmem>>
        %parallel_loop3A_817 = tpu.memref_squeeze %parallel_loop3A_816 : memref<1x128x32xf32, #tpu.memory_space<vmem>> -> memref<128x32xf32, #tpu.memory_space<vmem>>
        %parallel_loop3A_818 = tpu.vector_load_idx %parallel_loop3A_817[%parallel_loop3A_812, %parallel_loop3A_779] : memref<128x32xf32, #tpu.memory_space<vmem>>[vector<16xi32>, vector<16xi32>], vector<16xf32>,
        %parallel_loop3A_819 = arith.constant 3 : i32
        %parallel_loop3A_820 = arith.index_cast %parallel_loop3A_819 : i32 to index
        %parallel_loop3A_821 = arith.index_cast %parallel_loop3A_762 : i32 to index
        %parallel_loop3A_822 = arith.index_cast %parallel_loop3A_778 : i32 to index
        %parallel_loop3A_823 = arith.constant 32 : index
        %parallel_loop3A_824 = tpu.vector_load %arg7[%parallel_loop3A_820, %parallel_loop3A_821, %parallel_loop3A_822, %parallel_loop3A_823] {strides = array<i32>} : memref<4x4x8x128xf32, #tpu.memory_space<vmem>>, vector<16xf32>,
        tpu.vector_store %arg7[%parallel_loop3A_820, %parallel_loop3A_821, %parallel_loop3A_822, %parallel_loop3A_823], %parallel_loop3A_818 {strides = array<i32>} : memref<4x4x8x128xf32, #tpu.memory_space<vmem>>, vector<16xf32>,
        %parallel_loop3A_825 = arith.constant 48 : i32
        %parallel_loop3A_826 = vector.broadcast %parallel_loop3A_825 : i32 to vector<16xi32>
        %parallel_loop3A_827 = arith.addi %iota3A, %parallel_loop3A_826 : vector<16xi32>
        %parallel_loop3A_828 = arith.constant 3 : i32
        %parallel_loop3A_829 = arith.constant 0 : i32
        %parallel_loop3A_830 = arith.constant 0 : i32
        %parallel_loop3A_831 = tpu.memref_slice %arg6[%parallel_loop3A_828, %parallel_loop3A_829, %parallel_loop3A_830] : memref<4x128x32xf32, #tpu.memory_space<vmem>> -> memref<1x128x32xf32, #tpu.memory_space<vmem>>
        %parallel_loop3A_832 = tpu.memref_squeeze %parallel_loop3A_831 : memref<1x128x32xf32, #tpu.memory_space<vmem>> -> memref<128x32xf32, #tpu.memory_space<vmem>>
        %parallel_loop3A_833 = tpu.vector_load_idx %parallel_loop3A_832[%parallel_loop3A_827, %parallel_loop3A_779] : memref<128x32xf32, #tpu.memory_space<vmem>>[vector<16xi32>, vector<16xi32>], vector<16xf32>,
        %parallel_loop3A_834 = arith.constant 3 : i32
        %parallel_loop3A_835 = arith.index_cast %parallel_loop3A_834 : i32 to index
        %parallel_loop3A_836 = arith.index_cast %parallel_loop3A_762 : i32 to index
        %parallel_loop3A_837 = arith.index_cast %parallel_loop3A_778 : i32 to index
        %parallel_loop3A_838 = arith.constant 48 : index
        %parallel_loop3A_839 = tpu.vector_load %arg7[%parallel_loop3A_835, %parallel_loop3A_836, %parallel_loop3A_837, %parallel_loop3A_838] {strides = array<i32>} : memref<4x4x8x128xf32, #tpu.memory_space<vmem>>, vector<16xf32>,
        tpu.vector_store %arg7[%parallel_loop3A_835, %parallel_loop3A_836, %parallel_loop3A_837, %parallel_loop3A_838], %parallel_loop3A_833 {strides = array<i32>} : memref<4x4x8x128xf32, #tpu.memory_space<vmem>>, vector<16xf32>,
        %parallel_loop3A_840 = arith.constant 64 : i32
        %parallel_loop3A_841 = vector.broadcast %parallel_loop3A_840 : i32 to vector<16xi32>
        %parallel_loop3A_842 = arith.addi %iota3A, %parallel_loop3A_841 : vector<16xi32>
        %parallel_loop3A_843 = arith.constant 3 : i32
        %parallel_loop3A_844 = arith.constant 0 : i32
        %parallel_loop3A_845 = arith.constant 0 : i32
        %parallel_loop3A_846 = tpu.memref_slice %arg6[%parallel_loop3A_843, %parallel_loop3A_844, %parallel_loop3A_845] : memref<4x128x32xf32, #tpu.memory_space<vmem>> -> memref<1x128x32xf32, #tpu.memory_space<vmem>>
        %parallel_loop3A_847 = tpu.memref_squeeze %parallel_loop3A_846 : memref<1x128x32xf32, #tpu.memory_space<vmem>> -> memref<128x32xf32, #tpu.memory_space<vmem>>
        %parallel_loop3A_848 = tpu.vector_load_idx %parallel_loop3A_847[%parallel_loop3A_842, %parallel_loop3A_779] : memref<128x32xf32, #tpu.memory_space<vmem>>[vector<16xi32>, vector<16xi32>], vector<16xf32>,
        %parallel_loop3A_849 = arith.constant 3 : i32
        %parallel_loop3A_850 = arith.index_cast %parallel_loop3A_849 : i32 to index
        %parallel_loop3A_851 = arith.index_cast %parallel_loop3A_762 : i32 to index
        %parallel_loop3A_852 = arith.index_cast %parallel_loop3A_778 : i32 to index
        %parallel_loop3A_853 = arith.constant 64 : index
        %parallel_loop3A_854 = tpu.vector_load %arg7[%parallel_loop3A_850, %parallel_loop3A_851, %parallel_loop3A_852, %parallel_loop3A_853] {strides = array<i32>} : memref<4x4x8x128xf32, #tpu.memory_space<vmem>>, vector<16xf32>,
        tpu.vector_store %arg7[%parallel_loop3A_850, %parallel_loop3A_851, %parallel_loop3A_852, %parallel_loop3A_853], %parallel_loop3A_848 {strides = array<i32>} : memref<4x4x8x128xf32, #tpu.memory_space<vmem>>, vector<16xf32>,
        %parallel_loop3A_855 = arith.constant 80 : i32
        %parallel_loop3A_856 = vector.broadcast %parallel_loop3A_855 : i32 to vector<16xi32>
        %parallel_loop3A_857 = arith.addi %iota3A, %parallel_loop3A_856 : vector<16xi32>
        %parallel_loop3A_858 = arith.constant 3 : i32
        %parallel_loop3A_859 = arith.constant 0 : i32
        %parallel_loop3A_860 = arith.constant 0 : i32
        %parallel_loop3A_861 = tpu.memref_slice %arg6[%parallel_loop3A_858, %parallel_loop3A_859, %parallel_loop3A_860] : memref<4x128x32xf32, #tpu.memory_space<vmem>> -> memref<1x128x32xf32, #tpu.memory_space<vmem>>
        %parallel_loop3A_862 = tpu.memref_squeeze %parallel_loop3A_861 : memref<1x128x32xf32, #tpu.memory_space<vmem>> -> memref<128x32xf32, #tpu.memory_space<vmem>>
        %parallel_loop3A_863 = tpu.vector_load_idx %parallel_loop3A_862[%parallel_loop3A_857, %parallel_loop3A_779] : memref<128x32xf32, #tpu.memory_space<vmem>>[vector<16xi32>, vector<16xi32>], vector<16xf32>,
        %parallel_loop3A_864 = arith.constant 3 : i32
        %parallel_loop3A_865 = arith.index_cast %parallel_loop3A_864 : i32 to index
        %parallel_loop3A_866 = arith.index_cast %parallel_loop3A_762 : i32 to index
        %parallel_loop3A_867 = arith.index_cast %parallel_loop3A_778 : i32 to index
        %parallel_loop3A_868 = arith.constant 80 : index
        %parallel_loop3A_869 = tpu.vector_load %arg7[%parallel_loop3A_865, %parallel_loop3A_866, %parallel_loop3A_867, %parallel_loop3A_868] {strides = array<i32>} : memref<4x4x8x128xf32, #tpu.memory_space<vmem>>, vector<16xf32>,
        tpu.vector_store %arg7[%parallel_loop3A_865, %parallel_loop3A_866, %parallel_loop3A_867, %parallel_loop3A_868], %parallel_loop3A_863 {strides = array<i32>} : memref<4x4x8x128xf32, #tpu.memory_space<vmem>>, vector<16xf32>,
        %parallel_loop3A_870 = arith.constant 96 : i32
        %parallel_loop3A_871 = vector.broadcast %parallel_loop3A_870 : i32 to vector<16xi32>
        %parallel_loop3A_872 = arith.addi %iota3A, %parallel_loop3A_871 : vector<16xi32>
        %parallel_loop3A_873 = arith.constant 3 : i32
        %parallel_loop3A_874 = arith.constant 0 : i32
        %parallel_loop3A_875 = arith.constant 0 : i32
        %parallel_loop3A_876 = tpu.memref_slice %arg6[%parallel_loop3A_873, %parallel_loop3A_874, %parallel_loop3A_875] : memref<4x128x32xf32, #tpu.memory_space<vmem>> -> memref<1x128x32xf32, #tpu.memory_space<vmem>>
        %parallel_loop3A_877 = tpu.memref_squeeze %parallel_loop3A_876 : memref<1x128x32xf32, #tpu.memory_space<vmem>> -> memref<128x32xf32, #tpu.memory_space<vmem>>
        %parallel_loop3A_878 = tpu.vector_load_idx %parallel_loop3A_877[%parallel_loop3A_872, %parallel_loop3A_779] : memref<128x32xf32, #tpu.memory_space<vmem>>[vector<16xi32>, vector<16xi32>], vector<16xf32>,
        %parallel_loop3A_879 = arith.constant 3 : i32
        %parallel_loop3A_880 = arith.index_cast %parallel_loop3A_879 : i32 to index
        %parallel_loop3A_881 = arith.index_cast %parallel_loop3A_762 : i32 to index
        %parallel_loop3A_882 = arith.index_cast %parallel_loop3A_778 : i32 to index
        %parallel_loop3A_883 = arith.constant 96 : index
        %parallel_loop3A_884 = tpu.vector_load %arg7[%parallel_loop3A_880, %parallel_loop3A_881, %parallel_loop3A_882, %parallel_loop3A_883] {strides = array<i32>} : memref<4x4x8x128xf32, #tpu.memory_space<vmem>>, vector<16xf32>,
        tpu.vector_store %arg7[%parallel_loop3A_880, %parallel_loop3A_881, %parallel_loop3A_882, %parallel_loop3A_883], %parallel_loop3A_878 {strides = array<i32>} : memref<4x4x8x128xf32, #tpu.memory_space<vmem>>, vector<16xf32>,
        %parallel_loop3A_885 = arith.constant 112 : i32
        %parallel_loop3A_886 = vector.broadcast %parallel_loop3A_885 : i32 to vector<16xi32>
        %parallel_loop3A_887 = arith.addi %iota3A, %parallel_loop3A_886 : vector<16xi32>
        %parallel_loop3A_888 = arith.constant 3 : i32
        %parallel_loop3A_889 = arith.constant 0 : i32
        %parallel_loop3A_890 = arith.constant 0 : i32
        %parallel_loop3A_891 = tpu.memref_slice %arg6[%parallel_loop3A_888, %parallel_loop3A_889, %parallel_loop3A_890] : memref<4x128x32xf32, #tpu.memory_space<vmem>> -> memref<1x128x32xf32, #tpu.memory_space<vmem>>
        %parallel_loop3A_892 = tpu.memref_squeeze %parallel_loop3A_891 : memref<1x128x32xf32, #tpu.memory_space<vmem>> -> memref<128x32xf32, #tpu.memory_space<vmem>>
        %parallel_loop3A_893 = tpu.vector_load_idx %parallel_loop3A_892[%parallel_loop3A_887, %parallel_loop3A_779] : memref<128x32xf32, #tpu.memory_space<vmem>>[vector<16xi32>, vector<16xi32>], vector<16xf32>,
        %parallel_loop3A_894 = arith.constant 3 : i32
        %parallel_loop3A_895 = arith.index_cast %parallel_loop3A_894 : i32 to index
        %parallel_loop3A_896 = arith.index_cast %parallel_loop3A_762 : i32 to index
        %parallel_loop3A_897 = arith.index_cast %parallel_loop3A_778 : i32 to index
        %parallel_loop3A_898 = arith.constant 112 : index
        %parallel_loop3A_899 = tpu.vector_load %arg7[%parallel_loop3A_895, %parallel_loop3A_896, %parallel_loop3A_897, %parallel_loop3A_898] {strides = array<i32>} : memref<4x4x8x128xf32, #tpu.memory_space<vmem>>, vector<16xf32>,
        tpu.vector_store %arg7[%parallel_loop3A_895, %parallel_loop3A_896, %parallel_loop3A_897, %parallel_loop3A_898], %parallel_loop3A_893 {strides = array<i32>} : memref<4x4x8x128xf32, #tpu.memory_space<vmem>>, vector<16xf32>,
      } {sc.loop_unroll_factor = 8 : i64, sc.parallel_access}
      %dma_start3A_615 = arith.constant 3 : i32
      %dma_start3A_616 = arith.constant 0 : i32
      %dma_start3A_617 = arith.constant 0 : i32
      %dma_start3A_618 = arith.constant 0 : i32
      %dma_start3A_619 = arith.constant 0 : i32
      %dma_start3A_620 = arith.constant 0 : i32
      %dma_start3A_621 = tpu.memref_slice %arg7[%dma_start3A_615, %dma_start3A_618, %dma_start3A_619, %dma_start3A_620] : memref<4x4x8x128xf32, #tpu.memory_space<vmem>> -> memref<1x4x8x128xf32, #tpu.memory_space<vmem>>
      %dma_start3A_622 = tpu.memref_squeeze %dma_start3A_621 : memref<1x4x8x128xf32, #tpu.memory_space<vmem>> -> memref<4x8x128xf32, #tpu.memory_space<vmem>>
      %dma_start3A_623 = arith.constant 0 : i32
      %dma_start3A_624 = arith.constant 0 : i32
      %dma_start3A_625 = tpu.memref_slice %dma_start3A_622[%dma_start3A_616, %dma_start3A_623, %dma_start3A_624] : memref<4x8x128xf32, #tpu.memory_space<vmem>> -> memref<1x8x128xf32, #tpu.memory_space<vmem>>
      %dma_start3A_626 = tpu.memref_squeeze %dma_start3A_625 : memref<1x8x128xf32, #tpu.memory_space<vmem>> -> memref<8x128xf32, #tpu.memory_space<vmem>>
      %dma_start3A_627 = arith.constant 0 : i32
      %dma_start3A_628 = arith.constant 0 : i32
      %dma_start3A_629 = tpu.memref_slice %arg4[%add3A_593, %dma_start3A_617, %add3A, %dma_start3A_627, %dma_start3A_628] : memref<200x4x32x8x128xf32, #tpu.memory_space<hbm>> -> memref<1x1x1x8x128xf32, #tpu.memory_space<hbm>>
      %dma_start3A_630 = tpu.memref_squeeze %dma_start3A_629 : memref<1x1x1x8x128xf32, #tpu.memory_space<hbm>> -> memref<8x128xf32, #tpu.memory_space<hbm>>
      %dma_start3A_631 = arith.constant 0 : i32
      %dma_start3A_632 = arith.constant 0 : i32
      %dma_start3A_633 = tpu.memref_slice %arg4[%add3A_593, %dma_start3A_617, %add3A, %dma_start3A_631, %dma_start3A_632] : memref<200x4x32x8x128xf32, #tpu.memory_space<hbm>> -> memref<1x1x1x8x128xf32, #tpu.memory_space<hbm>>
      %dma_start3A_634 = tpu.memref_squeeze %dma_start3A_633 : memref<1x1x1x8x128xf32, #tpu.memory_space<hbm>> -> memref<8x128xf32, #tpu.memory_space<hbm>>
      %dma_start3A_635 = arith.constant 0 : i32
      %dma_start3A_636 = arith.constant 0 : i32
      %dma_start3A_637 = arith.constant 0 : i32
      %dma_start3A_638 = tpu.memref_slice %arg7[%dma_start3A_615, %dma_start3A_635, %dma_start3A_636, %dma_start3A_637] : memref<4x4x8x128xf32, #tpu.memory_space<vmem>> -> memref<1x4x8x128xf32, #tpu.memory_space<vmem>>
      %dma_start3A_639 = tpu.memref_squeeze %dma_start3A_638 : memref<1x4x8x128xf32, #tpu.memory_space<vmem>> -> memref<4x8x128xf32, #tpu.memory_space<vmem>>
      %dma_start3A_640 = arith.constant 0 : i32
      %dma_start3A_641 = arith.constant 0 : i32
      %dma_start3A_642 = tpu.memref_slice %dma_start3A_639[%dma_start3A_616, %dma_start3A_640, %dma_start3A_641] : memref<4x8x128xf32, #tpu.memory_space<vmem>> -> memref<1x8x128xf32, #tpu.memory_space<vmem>>
      %dma_start3A_643 = tpu.memref_squeeze %dma_start3A_642 : memref<1x8x128xf32, #tpu.memory_space<vmem>> -> memref<8x128xf32, #tpu.memory_space<vmem>>
      tpu.enqueue_dma source(%dma_start3A_643 : memref<8x128xf32, #tpu.memory_space<vmem>>) target(%dma_start3A_634 : memref<8x128xf32, #tpu.memory_space<hbm>>) target_semaphore(%arg15 : memref<!tpu.dma_semaphore, #tpu.memory_space<semaphore_mem>>)
      %dma_start3A_644 = arith.constant 3 : i32
      %dma_start3A_645 = arith.constant 1 : i32
      %dma_start3A_646 = arith.constant 1 : i32
      %dma_start3A_647 = arith.constant 0 : i32
      %dma_start3A_648 = arith.constant 0 : i32
      %dma_start3A_649 = arith.constant 0 : i32
      %dma_start3A_650 = tpu.memref_slice %arg7[%dma_start3A_644, %dma_start3A_647, %dma_start3A_648, %dma_start3A_649] : memref<4x4x8x128xf32, #tpu.memory_space<vmem>> -> memref<1x4x8x128xf32, #tpu.memory_space<vmem>>
      %dma_start3A_651 = tpu.memref_squeeze %dma_start3A_650 : memref<1x4x8x128xf32, #tpu.memory_space<vmem>> -> memref<4x8x128xf32, #tpu.memory_space<vmem>>
      %dma_start3A_652 = arith.constant 0 : i32
      %dma_start3A_653 = arith.constant 0 : i32
      %dma_start3A_654 = tpu.memref_slice %dma_start3A_651[%dma_start3A_645, %dma_start3A_652, %dma_start3A_653] : memref<4x8x128xf32, #tpu.memory_space<vmem>> -> memref<1x8x128xf32, #tpu.memory_space<vmem>>
      %dma_start3A_655 = tpu.memref_squeeze %dma_start3A_654 : memref<1x8x128xf32, #tpu.memory_space<vmem>> -> memref<8x128xf32, #tpu.memory_space<vmem>>
      %dma_start3A_656 = arith.constant 0 : i32
      %dma_start3A_657 = arith.constant 0 : i32
      %dma_start3A_658 = tpu.memref_slice %arg4[%add3A_593, %dma_start3A_646, %add3A, %dma_start3A_656, %dma_start3A_657] : memref<200x4x32x8x128xf32, #tpu.memory_space<hbm>> -> memref<1x1x1x8x128xf32, #tpu.memory_space<hbm>>
      %dma_start3A_659 = tpu.memref_squeeze %dma_start3A_658 : memref<1x1x1x8x128xf32, #tpu.memory_space<hbm>> -> memref<8x128xf32, #tpu.memory_space<hbm>>
      %dma_start3A_660 = arith.constant 0 : i32
      %dma_start3A_661 = arith.constant 0 : i32
      %dma_start3A_662 = tpu.memref_slice %arg4[%add3A_593, %dma_start3A_646, %add3A, %dma_start3A_660, %dma_start3A_661] : memref<200x4x32x8x128xf32, #tpu.memory_space<hbm>> -> memref<1x1x1x8x128xf32, #tpu.memory_space<hbm>>
      %dma_start3A_663 = tpu.memref_squeeze %dma_start3A_662 : memref<1x1x1x8x128xf32, #tpu.memory_space<hbm>> -> memref<8x128xf32, #tpu.memory_space<hbm>>
      %dma_start3A_664 = arith.constant 0 : i32
      %dma_start3A_665 = arith.constant 0 : i32
      %dma_start3A_666 = arith.constant 0 : i32
      %dma_start3A_667 = tpu.memref_slice %arg7[%dma_start3A_644, %dma_start3A_664, %dma_start3A_665, %dma_start3A_666] : memref<4x4x8x128xf32, #tpu.memory_space<vmem>> -> memref<1x4x8x128xf32, #tpu.memory_space<vmem>>
      %dma_start3A_668 = tpu.memref_squeeze %dma_start3A_667 : memref<1x4x8x128xf32, #tpu.memory_space<vmem>> -> memref<4x8x128xf32, #tpu.memory_space<vmem>>
      %dma_start3A_669 = arith.constant 0 : i32
      %dma_start3A_670 = arith.constant 0 : i32
      %dma_start3A_671 = tpu.memref_slice %dma_start3A_668[%dma_start3A_645, %dma_start3A_669, %dma_start3A_670] : memref<4x8x128xf32, #tpu.memory_space<vmem>> -> memref<1x8x128xf32, #tpu.memory_space<vmem>>
      %dma_start3A_672 = tpu.memref_squeeze %dma_start3A_671 : memref<1x8x128xf32, #tpu.memory_space<vmem>> -> memref<8x128xf32, #tpu.memory_space<vmem>>
      tpu.enqueue_dma source(%dma_start3A_672 : memref<8x128xf32, #tpu.memory_space<vmem>>) target(%dma_start3A_663 : memref<8x128xf32, #tpu.memory_space<hbm>>) target_semaphore(%arg15 : memref<!tpu.dma_semaphore, #tpu.memory_space<semaphore_mem>>)
      %dma_start3A_673 = arith.constant 3 : i32
      %dma_start3A_674 = arith.constant 2 : i32
      %dma_start3A_675 = arith.constant 2 : i32
      %dma_start3A_676 = arith.constant 0 : i32
      %dma_start3A_677 = arith.constant 0 : i32
      %dma_start3A_678 = arith.constant 0 : i32
      %dma_start3A_679 = tpu.memref_slice %arg7[%dma_start3A_673, %dma_start3A_676, %dma_start3A_677, %dma_start3A_678] : memref<4x4x8x128xf32, #tpu.memory_space<vmem>> -> memref<1x4x8x128xf32, #tpu.memory_space<vmem>>
      %dma_start3A_680 = tpu.memref_squeeze %dma_start3A_679 : memref<1x4x8x128xf32, #tpu.memory_space<vmem>> -> memref<4x8x128xf32, #tpu.memory_space<vmem>>
      %dma_start3A_681 = arith.constant 0 : i32
      %dma_start3A_682 = arith.constant 0 : i32
      %dma_start3A_683 = tpu.memref_slice %dma_start3A_680[%dma_start3A_674, %dma_start3A_681, %dma_start3A_682] : memref<4x8x128xf32, #tpu.memory_space<vmem>> -> memref<1x8x128xf32, #tpu.memory_space<vmem>>
      %dma_start3A_684 = tpu.memref_squeeze %dma_start3A_683 : memref<1x8x128xf32, #tpu.memory_space<vmem>> -> memref<8x128xf32, #tpu.memory_space<vmem>>
      %dma_start3A_685 = arith.constant 0 : i32
      %dma_start3A_686 = arith.constant 0 : i32
      %dma_start3A_687 = tpu.memref_slice %arg4[%add3A_593, %dma_start3A_675, %add3A, %dma_start3A_685, %dma_start3A_686] : memref<200x4x32x8x128xf32, #tpu.memory_space<hbm>> -> memref<1x1x1x8x128xf32, #tpu.memory_space<hbm>>
      %dma_start3A_688 = tpu.memref_squeeze %dma_start3A_687 : memref<1x1x1x8x128xf32, #tpu.memory_space<hbm>> -> memref<8x128xf32, #tpu.memory_space<hbm>>
      %dma_start3A_689 = arith.constant 0 : i32
      %dma_start3A_690 = arith.constant 0 : i32
      %dma_start3A_691 = tpu.memref_slice %arg4[%add3A_593, %dma_start3A_675, %add3A, %dma_start3A_689, %dma_start3A_690] : memref<200x4x32x8x128xf32, #tpu.memory_space<hbm>> -> memref<1x1x1x8x128xf32, #tpu.memory_space<hbm>>
      %dma_start3A_692 = tpu.memref_squeeze %dma_start3A_691 : memref<1x1x1x8x128xf32, #tpu.memory_space<hbm>> -> memref<8x128xf32, #tpu.memory_space<hbm>>
      %dma_start3A_693 = arith.constant 0 : i32
      %dma_start3A_694 = arith.constant 0 : i32
      %dma_start3A_695 = arith.constant 0 : i32
      %dma_start3A_696 = tpu.memref_slice %arg7[%dma_start3A_673, %dma_start3A_693, %dma_start3A_694, %dma_start3A_695] : memref<4x4x8x128xf32, #tpu.memory_space<vmem>> -> memref<1x4x8x128xf32, #tpu.memory_space<vmem>>
      %dma_start3A_697 = tpu.memref_squeeze %dma_start3A_696 : memref<1x4x8x128xf32, #tpu.memory_space<vmem>> -> memref<4x8x128xf32, #tpu.memory_space<vmem>>
      %dma_start3A_698 = arith.constant 0 : i32
      %dma_start3A_699 = arith.constant 0 : i32
      %dma_start3A_700 = tpu.memref_slice %dma_start3A_697[%dma_start3A_674, %dma_start3A_698, %dma_start3A_699] : memref<4x8x128xf32, #tpu.memory_space<vmem>> -> memref<1x8x128xf32, #tpu.memory_space<vmem>>
      %dma_start3A_701 = tpu.memref_squeeze %dma_start3A_700 : memref<1x8x128xf32, #tpu.memory_space<vmem>> -> memref<8x128xf32, #tpu.memory_space<vmem>>
      tpu.enqueue_dma source(%dma_start3A_701 : memref<8x128xf32, #tpu.memory_space<vmem>>) target(%dma_start3A_692 : memref<8x128xf32, #tpu.memory_space<hbm>>) target_semaphore(%arg15 : memref<!tpu.dma_semaphore, #tpu.memory_space<semaphore_mem>>)
      %dma_start3A_702 = arith.constant 3 : i32
      %dma_start3A_703 = arith.constant 3 : i32
      %dma_start3A_704 = arith.constant 3 : i32
      %dma_start3A_705 = arith.constant 0 : i32
      %dma_start3A_706 = arith.constant 0 : i32
      %dma_start3A_707 = arith.constant 0 : i32
      %dma_start3A_708 = tpu.memref_slice %arg7[%dma_start3A_702, %dma_start3A_705, %dma_start3A_706, %dma_start3A_707] : memref<4x4x8x128xf32, #tpu.memory_space<vmem>> -> memref<1x4x8x128xf32, #tpu.memory_space<vmem>>
      %dma_start3A_709 = tpu.memref_squeeze %dma_start3A_708 : memref<1x4x8x128xf32, #tpu.memory_space<vmem>> -> memref<4x8x128xf32, #tpu.memory_space<vmem>>
      %dma_start3A_710 = arith.constant 0 : i32
      %dma_start3A_711 = arith.constant 0 : i32
      %dma_start3A_712 = tpu.memref_slice %dma_start3A_709[%dma_start3A_703, %dma_start3A_710, %dma_start3A_711] : memref<4x8x128xf32, #tpu.memory_space<vmem>> -> memref<1x8x128xf32, #tpu.memory_space<vmem>>
      %dma_start3A_713 = tpu.memref_squeeze %dma_start3A_712 : memref<1x8x128xf32, #tpu.memory_space<vmem>> -> memref<8x128xf32, #tpu.memory_space<vmem>>
      %dma_start3A_714 = arith.constant 0 : i32
      %dma_start3A_715 = arith.constant 0 : i32
      %dma_start3A_716 = tpu.memref_slice %arg4[%add3A_593, %dma_start3A_704, %add3A, %dma_start3A_714, %dma_start3A_715] : memref<200x4x32x8x128xf32, #tpu.memory_space<hbm>> -> memref<1x1x1x8x128xf32, #tpu.memory_space<hbm>>
      %dma_start3A_717 = tpu.memref_squeeze %dma_start3A_716 : memref<1x1x1x8x128xf32, #tpu.memory_space<hbm>> -> memref<8x128xf32, #tpu.memory_space<hbm>>
      %dma_start3A_718 = arith.constant 0 : i32
      %dma_start3A_719 = arith.constant 0 : i32
      %dma_start3A_720 = tpu.memref_slice %arg4[%add3A_593, %dma_start3A_704, %add3A, %dma_start3A_718, %dma_start3A_719] : memref<200x4x32x8x128xf32, #tpu.memory_space<hbm>> -> memref<1x1x1x8x128xf32, #tpu.memory_space<hbm>>
      %dma_start3A_721 = tpu.memref_squeeze %dma_start3A_720 : memref<1x1x1x8x128xf32, #tpu.memory_space<hbm>> -> memref<8x128xf32, #tpu.memory_space<hbm>>
      %dma_start3A_722 = arith.constant 0 : i32
      %dma_start3A_723 = arith.constant 0 : i32
      %dma_start3A_724 = arith.constant 0 : i32
      %dma_start3A_725 = tpu.memref_slice %arg7[%dma_start3A_702, %dma_start3A_722, %dma_start3A_723, %dma_start3A_724] : memref<4x4x8x128xf32, #tpu.memory_space<vmem>> -> memref<1x4x8x128xf32, #tpu.memory_space<vmem>>
      %dma_start3A_726 = tpu.memref_squeeze %dma_start3A_725 : memref<1x4x8x128xf32, #tpu.memory_space<vmem>> -> memref<4x8x128xf32, #tpu.memory_space<vmem>>
      %dma_start3A_727 = arith.constant 0 : i32
      %dma_start3A_728 = arith.constant 0 : i32
      %dma_start3A_729 = tpu.memref_slice %dma_start3A_726[%dma_start3A_703, %dma_start3A_727, %dma_start3A_728] : memref<4x8x128xf32, #tpu.memory_space<vmem>> -> memref<1x8x128xf32, #tpu.memory_space<vmem>>
      %dma_start3A_730 = tpu.memref_squeeze %dma_start3A_729 : memref<1x8x128xf32, #tpu.memory_space<vmem>> -> memref<8x128xf32, #tpu.memory_space<vmem>>
      tpu.enqueue_dma source(%dma_start3A_730 : memref<8x128xf32, #tpu.memory_space<vmem>>) target(%dma_start3A_721 : memref<8x128xf32, #tpu.memory_space<hbm>>) target_semaphore(%arg15 : memref<!tpu.dma_semaphore, #tpu.memory_space<semaphore_mem>>)
      %add3A_731 = arith.constant 4 : i32
      %add3A_732 = arith.addi %add3A_593, %add3A_731 : i32
      %lt3A_733 = arith.constant 200 : i32
      %lt3A_734 = arith.cmpi slt, %add3A_732, %lt3A_733 : i32
      %convert_element_type3A_735 = arith.extui %lt3A_734 : i1 to i32
      %cond3A_736 = arith.constant 0 : i32
      %cond3A_737 = arith.cmpi ne, %convert_element_type3A_735, %cond3A_736 : i32
      scf.if %cond3A_737 {
        %add3A_738 = arith.constant 4 : i32
        %add3A_739 = arith.addi %add3A_593, %add3A_738 : i32
        %jit3A = arith.constant 8 : i32
        %div3A = arith.divsi %add3A_739, %jit3A : i32
        %sign3A = arith.constant 0 : i32
        %sign3A_740 = arith.cmpi sgt, %add3A_739, %sign3A : i32
        %sign3A_741 = arith.extui %sign3A_740 : i1 to i32
        %sign3A_742 = arith.constant 0 : i32
        %sign3A_743 = arith.cmpi slt, %add3A_739, %sign3A_742 : i32
        %sign3A_744 = arith.extui %sign3A_743 : i1 to i32
        %sign3A_745 = arith.subi %sign3A_741, %sign3A_744 : i32
        %sign3A_746 = arith.constant 0 : i32
        %sign3A_747 = arith.cmpi sgt, %jit3A, %sign3A_746 : i32
        %sign3A_748 = arith.extui %sign3A_747 : i1 to i32
        %sign3A_749 = arith.constant 0 : i32
        %sign3A_750 = arith.cmpi slt, %jit3A, %sign3A_749 : i32
        %sign3A_751 = arith.extui %sign3A_750 : i1 to i32
        %sign3A_752 = arith.subi %sign3A_748, %sign3A_751 : i32
        %ne3A = arith.cmpi ne, %sign3A_745, %sign3A_752 : i32
        %rem3A = arith.remsi %add3A_739, %jit3A : i32
        %ne3A_753 = arith.constant 0 : i32
        %ne3A_754 = arith.cmpi ne, %rem3A, %ne3A_753 : i32
        %and3A = arith.andi %ne3A, %ne3A_754 : i1
        %sub3A = arith.constant 1 : i32
        %sub3A_755 = arith.subi %div3A, %sub3A : i32
        %select_n3A = arith.select %and3A, %sub3A_755, %div3A : i32
        %jit3A_756 = arith.constant 8 : i32
        %eq3A = arith.constant 0 : i32
        %eq3A_757 = arith.cmpi eq, %jit3A_756, %eq3A : i32
        %jit3A_758 = arith.constant 1 : i32
        %select_n3A_759 = arith.select %eq3A_757, %jit3A_758, %jit3A_756 : i32
        %rem3A_760 = arith.remsi %add3A_739, %select_n3A_759 : i32
        %ne3A_761 = arith.constant 0 : i32
        %ne3A_762 = arith.cmpi ne, %rem3A_760, %ne3A_761 : i32
        %lt3A_763 = arith.constant 0 : i32
        %lt3A_764 = arith.cmpi slt, %rem3A_760, %lt3A_763 : i32
        %lt3A_765 = arith.constant 0 : i32
        %lt3A_766 = arith.cmpi slt, %select_n3A_759, %lt3A_765 : i32
        %ne3A_767 = arith.xori %lt3A_764, %lt3A_766 : i1
        %and3A_768 = arith.andi %ne3A_767, %ne3A_762 : i1
        %add3A_769 = arith.addi %rem3A_760, %select_n3A_759 : i32
        %select_n3A_770 = arith.select %and3A_768, %add3A_769, %rem3A_760 : i32
        %dma_start3A_771 = arith.constant 3 : i32
        %dma_start3A_772 = arith.constant 0 : i32
        %dma_start3A_773 = arith.constant 0 : i32
        %dma_start3A_774 = tpu.memref_slice %arg6[%dma_start3A_771, %dma_start3A_772, %dma_start3A_773] : memref<4x128x32xf32, #tpu.memory_space<vmem>> -> memref<1x128x32xf32, #tpu.memory_space<vmem>>
        %dma_start3A_775 = tpu.memref_squeeze %dma_start3A_774 : memref<1x128x32xf32, #tpu.memory_space<vmem>> -> memref<128x32xf32, #tpu.memory_space<vmem>>
        %dma_start3A_776 = arith.constant 0 : i32
        %dma_start3A_777 = tpu.memref_slice %arg5[%select_n3A, %select_n3A_770, %dma_start3A_776] : memref<25x8x128xi32, #tpu.memory_space<vmem>> -> memref<1x1x128xi32, #tpu.memory_space<vmem>>
        %dma_start3A_778 = tpu.memref_squeeze %dma_start3A_777 : memref<1x1x128xi32, #tpu.memory_space<vmem>> -> memref<128xi32, #tpu.memory_space<vmem>>
        %dma_start3A_779 = arith.constant 0 : i32
        %dma_start3A_780 = arith.constant 0 : i32
        %dma_start3A_781 = tpu.memref_slice %arg3[%dma_start3A_779, %dma_start3A_780] : memref<1000000x32xf32, #tpu.memory_space<hbm>> -> memref<1000000x32xf32, #tpu.memory_space<hbm>>
        tpu.enqueue_indirect_dma source(%dma_start3A_781 : memref<1000000x32xf32, #tpu.memory_space<hbm>>) target(%dma_start3A_775 : memref<128x32xf32, #tpu.memory_space<vmem>>) offsets(%dma_start3A_778 : memref<128xi32, #tpu.memory_space<vmem>>) semaphore(%arg11 : memref<!tpu.dma_semaphore, #tpu.memory_space<semaphore_mem>>)
      } else {
      }
    }
    %scan3A_62 = arith.constant 50 : i32
    %dma_wait3A = arith.constant 0 : i32
    %dma_wait3A_63 = arith.constant 0 : i32
    %dma_wait3A_64 = arith.constant 0 : i32
    %dma_wait3A_65 = arith.constant 0 : i32
    %dma_wait3A_66 = arith.constant 0 : i32
    %dma_wait3A_67 = arith.constant 0 : i32
    %dma_wait3A_68 = arith.constant 0 : i32
    %dma_wait3A_69 = tpu.memref_slice %arg7[%dma_wait3A_65, %dma_wait3A_66, %dma_wait3A_67, %dma_wait3A_68] : memref<4x4x8x128xf32, #tpu.memory_space<vmem>> -> memref<1x4x8x128xf32, #tpu.memory_space<vmem>>
    %dma_wait3A_70 = tpu.memref_squeeze %dma_wait3A_69 : memref<1x4x8x128xf32, #tpu.memory_space<vmem>> -> memref<4x8x128xf32, #tpu.memory_space<vmem>>
    %dma_wait3A_71 = arith.constant 0 : i32
    %dma_wait3A_72 = arith.constant 0 : i32
    %dma_wait3A_73 = tpu.memref_slice %arg4[%dma_wait3A, %dma_wait3A_63, %dma_wait3A_64, %dma_wait3A_71, %dma_wait3A_72] : memref<200x4x32x8x128xf32, #tpu.memory_space<hbm>> -> memref<1x1x1x8x128xf32, #tpu.memory_space<hbm>>
    %dma_wait3A_74 = tpu.memref_squeeze %dma_wait3A_73 : memref<1x1x1x8x128xf32, #tpu.memory_space<hbm>> -> memref<8x128xf32, #tpu.memory_space<hbm>>
    %dma_wait3A_75 = arith.constant 0 : i32
    %dma_wait3A_76 = arith.constant 0 : i32
    %dma_wait3A_77 = arith.constant 0 : i32
    %dma_wait3A_78 = tpu.memref_slice %arg7[%dma_wait3A_65, %dma_wait3A_75, %dma_wait3A_76, %dma_wait3A_77] : memref<4x4x8x128xf32, #tpu.memory_space<vmem>> -> memref<1x4x8x128xf32, #tpu.memory_space<vmem>>
    %dma_wait3A_79 = tpu.memref_squeeze %dma_wait3A_78 : memref<1x4x8x128xf32, #tpu.memory_space<vmem>> -> memref<4x8x128xf32, #tpu.memory_space<vmem>>
    %dma_wait3A_80 = arith.constant 0 : i32
    %dma_wait3A_81 = arith.constant 0 : i32
    %dma_wait3A_82 = tpu.memref_slice %arg4[%dma_wait3A, %dma_wait3A_63, %dma_wait3A_64, %dma_wait3A_80, %dma_wait3A_81] : memref<200x4x32x8x128xf32, #tpu.memory_space<hbm>> -> memref<1x1x1x8x128xf32, #tpu.memory_space<hbm>>
    %dma_wait3A_83 = tpu.memref_squeeze %dma_wait3A_82 : memref<1x1x1x8x128xf32, #tpu.memory_space<hbm>> -> memref<8x128xf32, #tpu.memory_space<hbm>>
    tpu.wait_dma2 semaphore(%arg12 : memref<!tpu.dma_semaphore, #tpu.memory_space<semaphore_mem>>) src(%dma_wait3A_83 : memref<8x128xf32, #tpu.memory_space<hbm>>) dst(%dma_wait3A_79 : memref<4x8x128xf32, #tpu.memory_space<vmem>>)
    %dma_wait3A_84 = arith.constant 0 : i32
    %dma_wait3A_85 = arith.constant 0 : i32
    %dma_wait3A_86 = arith.constant 0 : i32
    %dma_wait3A_87 = arith.constant 1 : i32
    %dma_wait3A_88 = arith.constant 0 : i32
    %dma_wait3A_89 = arith.constant 0 : i32
    %dma_wait3A_90 = arith.constant 0 : i32
    %dma_wait3A_91 = tpu.memref_slice %arg7[%dma_wait3A_87, %dma_wait3A_88, %dma_wait3A_89, %dma_wait3A_90] : memref<4x4x8x128xf32, #tpu.memory_space<vmem>> -> memref<1x4x8x128xf32, #tpu.memory_space<vmem>>
    %dma_wait3A_92 = tpu.memref_squeeze %dma_wait3A_91 : memref<1x4x8x128xf32, #tpu.memory_space<vmem>> -> memref<4x8x128xf32, #tpu.memory_space<vmem>>
    %dma_wait3A_93 = arith.constant 0 : i32
    %dma_wait3A_94 = arith.constant 0 : i32
    %dma_wait3A_95 = tpu.memref_slice %arg4[%dma_wait3A_84, %dma_wait3A_85, %dma_wait3A_86, %dma_wait3A_93, %dma_wait3A_94] : memref<200x4x32x8x128xf32, #tpu.memory_space<hbm>> -> memref<1x1x1x8x128xf32, #tpu.memory_space<hbm>>
    %dma_wait3A_96 = tpu.memref_squeeze %dma_wait3A_95 : memref<1x1x1x8x128xf32, #tpu.memory_space<hbm>> -> memref<8x128xf32, #tpu.memory_space<hbm>>
    %dma_wait3A_97 = arith.constant 0 : i32
    %dma_wait3A_98 = arith.constant 0 : i32
    %dma_wait3A_99 = arith.constant 0 : i32
    %dma_wait3A_100 = tpu.memref_slice %arg7[%dma_wait3A_87, %dma_wait3A_97, %dma_wait3A_98, %dma_wait3A_99] : memref<4x4x8x128xf32, #tpu.memory_space<vmem>> -> memref<1x4x8x128xf32, #tpu.memory_space<vmem>>
    %dma_wait3A_101 = tpu.memref_squeeze %dma_wait3A_100 : memref<1x4x8x128xf32, #tpu.memory_space<vmem>> -> memref<4x8x128xf32, #tpu.memory_space<vmem>>
    %dma_wait3A_102 = arith.constant 0 : i32
    %dma_wait3A_103 = arith.constant 0 : i32
    %dma_wait3A_104 = tpu.memref_slice %arg4[%dma_wait3A_84, %dma_wait3A_85, %dma_wait3A_86, %dma_wait3A_102, %dma_wait3A_103] : memref<200x4x32x8x128xf32, #tpu.memory_space<hbm>> -> memref<1x1x1x8x128xf32, #tpu.memory_space<hbm>>
    %dma_wait3A_105 = tpu.memref_squeeze %dma_wait3A_104 : memref<1x1x1x8x128xf32, #tpu.memory_space<hbm>> -> memref<8x128xf32, #tpu.memory_space<hbm>>
    tpu.wait_dma2 semaphore(%arg13 : memref<!tpu.dma_semaphore, #tpu.memory_space<semaphore_mem>>) src(%dma_wait3A_105 : memref<8x128xf32, #tpu.memory_space<hbm>>) dst(%dma_wait3A_101 : memref<4x8x128xf32, #tpu.memory_space<vmem>>)
    %dma_wait3A_106 = arith.constant 0 : i32
    %dma_wait3A_107 = arith.constant 0 : i32
    %dma_wait3A_108 = arith.constant 0 : i32
    %dma_wait3A_109 = arith.constant 2 : i32
    %dma_wait3A_110 = arith.constant 0 : i32
    %dma_wait3A_111 = arith.constant 0 : i32
    %dma_wait3A_112 = arith.constant 0 : i32
    %dma_wait3A_113 = tpu.memref_slice %arg7[%dma_wait3A_109, %dma_wait3A_110, %dma_wait3A_111, %dma_wait3A_112] : memref<4x4x8x128xf32, #tpu.memory_space<vmem>> -> memref<1x4x8x128xf32, #tpu.memory_space<vmem>>
    %dma_wait3A_114 = tpu.memref_squeeze %dma_wait3A_113 : memref<1x4x8x128xf32, #tpu.memory_space<vmem>> -> memref<4x8x128xf32, #tpu.memory_space<vmem>>
    %dma_wait3A_115 = arith.constant 0 : i32
    %dma_wait3A_116 = arith.constant 0 : i32
    %dma_wait3A_117 = tpu.memref_slice %arg4[%dma_wait3A_106, %dma_wait3A_107, %dma_wait3A_108, %dma_wait3A_115, %dma_wait3A_116] : memref<200x4x32x8x128xf32, #tpu.memory_space<hbm>> -> memref<1x1x1x8x128xf32, #tpu.memory_space<hbm>>
    %dma_wait3A_118 = tpu.memref_squeeze %dma_wait3A_117 : memref<1x1x1x8x128xf32, #tpu.memory_space<hbm>> -> memref<8x128xf32, #tpu.memory_space<hbm>>
    %dma_wait3A_119 = arith.constant 0 : i32
    %dma_wait3A_120 = arith.constant 0 : i32
    %dma_wait3A_121 = arith.constant 0 : i32
    %dma_wait3A_122 = tpu.memref_slice %arg7[%dma_wait3A_109, %dma_wait3A_119, %dma_wait3A_120, %dma_wait3A_121] : memref<4x4x8x128xf32, #tpu.memory_space<vmem>> -> memref<1x4x8x128xf32, #tpu.memory_space<vmem>>
    %dma_wait3A_123 = tpu.memref_squeeze %dma_wait3A_122 : memref<1x4x8x128xf32, #tpu.memory_space<vmem>> -> memref<4x8x128xf32, #tpu.memory_space<vmem>>
    %dma_wait3A_124 = arith.constant 0 : i32
    %dma_wait3A_125 = arith.constant 0 : i32
    %dma_wait3A_126 = tpu.memref_slice %arg4[%dma_wait3A_106, %dma_wait3A_107, %dma_wait3A_108, %dma_wait3A_124, %dma_wait3A_125] : memref<200x4x32x8x128xf32, #tpu.memory_space<hbm>> -> memref<1x1x1x8x128xf32, #tpu.memory_space<hbm>>
    %dma_wait3A_127 = tpu.memref_squeeze %dma_wait3A_126 : memref<1x1x1x8x128xf32, #tpu.memory_space<hbm>> -> memref<8x128xf32, #tpu.memory_space<hbm>>
    tpu.wait_dma2 semaphore(%arg14 : memref<!tpu.dma_semaphore, #tpu.memory_space<semaphore_mem>>) src(%dma_wait3A_127 : memref<8x128xf32, #tpu.memory_space<hbm>>) dst(%dma_wait3A_123 : memref<4x8x128xf32, #tpu.memory_space<vmem>>)
    %dma_wait3A_128 = arith.constant 0 : i32
    %dma_wait3A_129 = arith.constant 0 : i32
    %dma_wait3A_130 = arith.constant 0 : i32
    %dma_wait3A_131 = arith.constant 3 : i32
    %dma_wait3A_132 = arith.constant 0 : i32
    %dma_wait3A_133 = arith.constant 0 : i32
    %dma_wait3A_134 = arith.constant 0 : i32
    %dma_wait3A_135 = tpu.memref_slice %arg7[%dma_wait3A_131, %dma_wait3A_132, %dma_wait3A_133, %dma_wait3A_134] : memref<4x4x8x128xf32, #tpu.memory_space<vmem>> -> memref<1x4x8x128xf32, #tpu.memory_space<vmem>>
    %dma_wait3A_136 = tpu.memref_squeeze %dma_wait3A_135 : memref<1x4x8x128xf32, #tpu.memory_space<vmem>> -> memref<4x8x128xf32, #tpu.memory_space<vmem>>
    %dma_wait3A_137 = arith.constant 0 : i32
    %dma_wait3A_138 = arith.constant 0 : i32
    %dma_wait3A_139 = tpu.memref_slice %arg4[%dma_wait3A_128, %dma_wait3A_129, %dma_wait3A_130, %dma_wait3A_137, %dma_wait3A_138] : memref<200x4x32x8x128xf32, #tpu.memory_space<hbm>> -> memref<1x1x1x8x128xf32, #tpu.memory_space<hbm>>
    %dma_wait3A_140 = tpu.memref_squeeze %dma_wait3A_139 : memref<1x1x1x8x128xf32, #tpu.memory_space<hbm>> -> memref<8x128xf32, #tpu.memory_space<hbm>>
    %dma_wait3A_141 = arith.constant 0 : i32
    %dma_wait3A_142 = arith.constant 0 : i32
    %dma_wait3A_143 = arith.constant 0 : i32
    %dma_wait3A_144 = tpu.memref_slice %arg7[%dma_wait3A_131, %dma_wait3A_141, %dma_wait3A_142, %dma_wait3A_143] : memref<4x4x8x128xf32, #tpu.memory_space<vmem>> -> memref<1x4x8x128xf32, #tpu.memory_space<vmem>>
    %dma_wait3A_145 = tpu.memref_squeeze %dma_wait3A_144 : memref<1x4x8x128xf32, #tpu.memory_space<vmem>> -> memref<4x8x128xf32, #tpu.memory_space<vmem>>
    %dma_wait3A_146 = arith.constant 0 : i32
    %dma_wait3A_147 = arith.constant 0 : i32
    %dma_wait3A_148 = tpu.memref_slice %arg4[%dma_wait3A_128, %dma_wait3A_129, %dma_wait3A_130, %dma_wait3A_146, %dma_wait3A_147] : memref<200x4x32x8x128xf32, #tpu.memory_space<hbm>> -> memref<1x1x1x8x128xf32, #tpu.memory_space<hbm>>
    %dma_wait3A_149 = tpu.memref_squeeze %dma_wait3A_148 : memref<1x1x1x8x128xf32, #tpu.memory_space<hbm>> -> memref<8x128xf32, #tpu.memory_space<hbm>>
    tpu.wait_dma2 semaphore(%arg15 : memref<!tpu.dma_semaphore, #tpu.memory_space<semaphore_mem>>) src(%dma_wait3A_149 : memref<8x128xf32, #tpu.memory_space<hbm>>) dst(%dma_wait3A_145 : memref<4x8x128xf32, #tpu.memory_space<vmem>>)
    return
  }
}

</mosaic_0001>

<sc_bundles>
// kernel: _sc_gather.3.cloned.1.call-start
scs
__scs_entry_jumppad:
0x0: {  	(pc) =	sbr.rel $0x88, $3  }
0x1: {  	(tag) =	ssettag $0x0;
	lr =	simm.s32 $0x1  }
0x2: {  	[smem:$0x3F9F] =	sst lr;
	_ =	strace $0xD0000000  }
0x3: {  	_ = 	snop  }
0x4: {  	_ = 	snop  }
0x5: {  	_ = 	snop  }
0x6: {  	_ = 	snop  }
0x7: {  	_ = 	snop  }
__scs_overlays_trampoline_lowered:
0x8: {  	[smem:$0x3FAE] =	sst s0  }
0x9: {  	[smem:$0x3FAF] =	sst s1  }
0xa: {  	[smem:$0x3FB0] =	sst s2  }
0xb: {  	[smem:$0x3FB1] =	sst s3  }
0xc: {  	[smem:$0x3FB2] =	sst s4  }
0xd: {  	[smem:$0x3FB3] =	sst s5  }
0xe: {  	[smem:$0x3FB4] =	sst s6  }
0xf: {  	[smem:$0x3FB5] =	sst s7  }
0x10: {  	[smem:$0x3FB6] =	sst s8  }
0x11: {  	[smem:$0x3FB7] =	sst s9;
	s0 =	simm.s32 @!p0 $0x0  }
0x12: {  	s1 =	sld [smem:$0x3F9D];
	s0 =	simm.s32 @p0 $0x1  }
0x13: {  	[smem:$0x3FB8] =	sst s0;
	s0 =	simm.s32 @!p1 $0x0  }
0x14: {  	s2 =	sld [smem:$0x3F9C];
	s0 =	simm.s32 @p1 $0x1  }
0x15: {  	[smem:$0x3FB9] =	sst s0;
	s0 =	simm.s32 @!p2 $0x0  }
0x16: {  	s3 =	sld [smem:$0x3FDB];
	s0 =	simm.s32 @p2 $0x1  }
0x17: {  	s4 =	simm.s32 $0x1BF5;
	[smem:$0x3FBB] =	sst s0  }
0x18: {  	s0 =	sld [smem:$0x3F9E];
	_ =	swait.ge [sflag:s4], $0x0  }
0x19: {  	s7 =	sld [smem:$0x3F9F]  }
0x1a: {  	s8 =	sadd.s32 $0xFFFFE003, lr  }
0x1b: {  	s9 =	sadd.s32 $0xFFFFFEF7, lr;
	s5 =	simm.s32 $0xFFFFFFFF;
	p2 =	slt.u32 s8, $0xFFFFF086  }
0x1c: {  	p1 =	slt.u32 s9, $0xF7A;
	s5 =	simm.s32 @!p2 $0x0  }
0x1d: {  	s5 =	simm.s32 @p1 $0x1;
	p0 =	seq.s32 s7, s2  }
0x1e: {  	s7 =	smul.u32 @!p0 $0xF7A, s2;
	p2 =	seq.s32 @!p0 s5, $0x0  }
0x1f: {  	s9 =	smul.u32 $0xF7A, s1;
	s8 =	simm.s32 @!p0 $0x1BF5;
	p2 =	por !p2, p0  }
0x20: {  	[sflag:s8] =	ssyncset.s32 @!p0 $0xFFFFF086;
	s6 =	sadd.s32 @!p0 s3, s7;
	s7 =	simm.s32 @!p0 $0x108  }
0x21: {  	s3 =	sadd.s32 s3, s9;
	s6 =	sadd.s32 @!p0 $0x88, s6;
	s7 =	simm.s32 @p2 $0x1082  }
0x22: {  	[simem:s7], [sflag:s8] =	dma.local @!p0 [hbm:s6], $0xF7A  }
0x23: {  	s9 =	sor.u32 $0xD0000000, s2;
	s6 =	simm.s32 $0x108;
	_ =	swait.ge @!p0 [sflag:s8], $0x0  }
0x24: {  	s3 =	sadd.s32 $0x88, s3;
	s6 =	simm.s32 @!p1 $0x1082;
	[sflag:s4] =	ssyncset.s32 $0xFFFFF086  }
0x25: {  	[simem:s6], [sflag:s4] =	dma.local [hbm:s3], $0xF7A  }
0x26: {  	[smem:$0x3F9F] =	sst s1;
	(tag) =	ssettag s2;
	_ =	strace s9  }
0x27: {  	s1 =	sld [smem:$0x3FAF]  }
0x28: {  	s2 =	sld [smem:$0x3FB0]  }
0x29: {  	s4 =	sld [smem:$0x3FB2]  }
0x2a: {  	p0 =	seq.s32 s5, $0x0;
	s5 =	sld [smem:$0x3FB3]  }
0x2b: {  	s6 =	sld [smem:$0x3FB4]  }
0x2c: {  	s7 =	sld [smem:$0x3FB5]  }
0x2d: {  	s3 =	simm.s32 $0x108;
	s8 =	sld [smem:$0x3FB6]  }
0x2e: {  	s3 =	simm.s32 @!p0 $0x1082;
	s9 =	sld [smem:$0x3FB7]  }
0x2f: {  	lr =	sadd.s32 s0, s3;
	s0 =	sld [smem:$0x3FAE]  }
0x30: {  	s3 =	sld [smem:$0x3FB1]  }
0x31: {  	[smem:$0x3FBA] =	sst s10  }
0x32: {  	s10 =	sld [smem:$0x3FB8];
	_ =	sdelay $0x3  }
0x33: {  	p0 =	seq.s32 s10, $0x1;
	s10 =	sld [smem:$0x3FBA];
	_ =	sdelay $0x3  }
0x34: {  	[smem:$0x3FBA] =	sst s10  }
0x35: {  	s10 =	sld [smem:$0x3FB9];
	_ =	sdelay $0x3  }
0x36: {  	p1 =	seq.s32 s10, $0x1;
	s10 =	sld [smem:$0x3FBA];
	_ =	sdelay $0x3  }
0x37: {  	[smem:$0x3FBA] =	sst s10  }
0x38: {  	s10 =	sld [smem:$0x3FBB]  }
0x39: {  	_ = 	snop;
	(pc) =	sbr.ind lr, $3  }
0x3a: {  	_ = 	snop  }
0x3b: {  	_ = 	snop  }
0x3c: {  	p2 =	seq.s32 s10, $0x1;
	s10 =	sld [smem:$0x3FBA]  }
0x3d: {  	_ =	shalt  }
0x3e: {  	_ =	shalt  }
0x3f: {  	_ =	shalt  }
0x40: {  	_ =	shalt  }
0x41: {  	_ =	shalt  }
0x42: {  	_ =	shalt  }
0x43: {  	_ =	shalt  }
0x44: {  	_ =	shalt  }
0x45: {  	_ =	shalt  }
0x46: {  	_ =	shalt  }
0x47: {  	_ =	shalt  }
0x48: {  	_ =	shalt  }
0x49: {  	_ =	shalt  }
0x4a: {  	_ =	shalt  }
0x4b: {  	_ =	shalt  }
0x4c: {  	_ =	shalt  }
0x4d: {  	_ =	shalt  }
0x4e: {  	_ =	shalt  }
0x4f: {  	_ =	shalt  }
0x50: {  	_ =	shalt  }
0x51: {  	_ =	shalt  }
0x52: {  	_ =	shalt  }
0x53: {  	_ =	shalt  }
0x54: {  	_ =	shalt  }
0x55: {  	_ =	shalt  }
0x56: {  	_ =	shalt  }
0x57: {  	_ =	shalt  }
0x58: {  	_ =	shalt  }
0x59: {  	_ =	shalt  }
0x5a: {  	_ =	shalt  }
0x5b: {  	_ =	shalt  }
0x5c: {  	_ =	shalt  }
0x5d: {  	_ =	shalt  }
0x5e: {  	_ =	shalt  }
0x5f: {  	_ =	shalt  }
0x60: {  	_ =	shalt  }
0x61: {  	_ =	shalt  }
0x62: {  	_ =	shalt  }
0x63: {  	_ =	shalt  }
0x64: {  	_ =	shalt  }
0x65: {  	_ =	shalt  }
0x66: {  	_ =	shalt  }
0x67: {  	_ =	shalt  }
0x68: {  	_ =	shalt  }
0x69: {  	_ =	shalt  }
0x6a: {  	_ =	shalt  }
0x6b: {  	_ =	shalt  }
0x6c: {  	_ =	shalt  }
0x6d: {  	_ =	shalt  }
0x6e: {  	_ =	shalt  }
0x6f: {  	_ =	shalt  }
0x70: {  	_ =	shalt  }
0x71: {  	_ =	shalt  }
0x72: {  	_ =	shalt  }
0x73: {  	_ =	shalt  }
0x74: {  	_ =	shalt  }
0x75: {  	_ =	shalt  }
0x76: {  	_ =	shalt  }
0x77: {  	_ =	shalt  }
0x78: {  	_ =	shalt  }
0x79: {  	_ =	shalt  }
0x7a: {  	_ =	shalt  }
0x7b: {  	_ =	shalt  }
0x7c: {  	_ =	shalt  }
0x7d: {  	_ =	shalt  }
0x7e: {  	_ =	shalt  }
0x7f: {  	_ =	shalt  }
0x80: {  	_ =	shalt  }
0x81: {  	_ =	shalt  }
0x82: {  	_ =	shalt  }
0x83: {  	_ =	shalt  }
0x84: {  	_ =	shalt  }
0x85: {  	_ =	shalt  }
0x86: {  	_ =	shalt  }
0x87: {  	_ =	shalt  }
.Lfunc_end0:
.L_simem_size_0:
called_computation_lowered:
.L_overlay_start_0:
0x88: {  	s2 =	sld [smem:$0x3FD9]  }
0x89: {  	s3 =	sld [smem:$0x3FFE];
	_ =	sdelay $0x1  }
0x8a: {  	s1 =	srdreg.scid  }
0x8b: {  	s0 =	sand.u32 $0x1, s1  }
0x8c: {  	s17 =	sshll.u32 s0, $0xA;
	s2 =	sadd.s32 s3, s2  }
0x8d: {  	s2 =	sadd.s32 s2, s17  }
0x8e: {  	[smem:$0x3FC6] =	sst s2  }
0x8f: {  	_ = 	snop  }
0x90: {  	s2 =	sld [smem:$0x3FC9]  }
0x91: {  	s18 =	sld [smem:$0x3FD0];
	(tm) =	ssettm $0x1  }
0x92: {  	s4 =	sld [smem:$0x3FFB];
	_ =	sdelay $0x3  }
0x93: {  	_ =	strace s4  }
0x94: {  	s4 =	sld [smem:$0x3FFC];
	_ =	sdelay $0x3  }
0x95: {  	_ =	strace s4  }
0x96: {  	s4 =	sld [smem:$0x3FFD];
	_ =	sdelay $0x3  }
0x97: {  	_ =	strace s4  }
0x98: {  	_ =	strace $0x8FFFFFFF  }
0x99: {  	s19 =	sld [smem:$0x3FDB];
	_ =	sdelay $0x1  }
0x9a: {  	s5 =	simm.s32 $_scs_section_size  }
0x9b: {  	s6 =	simm.s32 $_size__tile_overlayer_lowered;
	s7 =	simm.s32 $_tile_overlayer_lowered  }
0x9c: {  	s22 =	simm.s32 $0x1BFF;
	s21 =	sshll.u32 s7, $0x1;
	s4 =	sadd.s32 s5, s19  }
0x9d: {  	s8 =	simm.s32 $0x0;
	s20 =	sshll.u32 s6, $0x1;
	s6 =	sadd.s32 s21, s4  }
0x9e: {  	[timem:s8], [sflag:s22] =	dma.local [hbm:s6], s20  }
0x9f: {  	_ =	swait.ge [sflag:s22], s20  }
0xa0: {  	s5 =	ssub.s32 $0x0, s20;
	[sflag:s22] =	ssyncset.done $0x0  }
0xa1: {  	[sflag:s22] =	ssyncadd.s32 s5;
	_ =	sdelay $0x1  }
0xa2: {  	s23 =	simm.s32 $0x1B8B  }
0xa3: {  	_ =	swait.ge [sflag:s23], $0x1  }
0xa4: {  	[sflag:s23] =	ssyncset.done $0x0  }
0xa5: {  	s25 =	simm.s32 $0x1B8E;
	s24 =	sld [smem:$0x3FFE];
	[sflag:s23] =	ssyncadd.s32 $0xFFFFFFFF  }
0xa6: {  	s26 =	simm.s32 $execute0_lowered;
	[smem:$0x3FD2] =	sst s25  }
0xa7: {  	s6 =	sshll.u32 s26, $0x1;
	_ =	strace $0x80000046;
	[dreg:$0x1] =	wrdreg $0xFFFFFFFF  }
0xa8: {  	s28 =	simm.s32 $_size_execute0_lowered;
	s4 =	sadd.s32 s4, s6;
	[dreg:$0x0] =	wrdreg $0x0  }
0xa9: {  	s6 =	sshll.u32 s28, $0x1;
	[dreg:$0x2] =	wrdreg s4  }
0xaa: {  	[dreg:$0x3] =	wrdreg s6  }
0xab: {  	[dreg:$0x4] =	wrdreg $0xC0  }
0xac: {  	_ =	task [dreg:s8], $0x5FFFF  }
0xad: {  	[dreg:$0x1] =	wrdreg $0xFFFFFFFF  }
0xae: {  	[dreg:$0x0] =	wrdreg $0x60  }
0xaf: {  	[dreg:$0x2] =	wrdreg s2  }
0xb0: {  	[dreg:$0x3] =	wrdreg s24  }
0xb1: {  	[dreg:$0x4] =	wrdreg s18  }
0xb2: {  	[dreg:$0x5] =	wrdreg $0x9  }
0xb3: {  	_ =	task.clear_ibuf [dreg:s8], $0x6FFFF;
	_ =	strace $0x90000046  }
0xb4: {  	s29 =	simm.s32 $0x9;
	_ =	strace $0x80000048  }
0xb5: {  	_ =	swait.ge [sflag:s29], $0x1  }
0xb6: {  	[sflag:s29] =	ssyncadd.s32 $0xFFFFFFFF  }
0xb7: {  	_ =	strace $0x90000048  }
0xb8: {  	_ =	sfence  }
0xb9: {  	s30 =	sld [smem:$0x0];
	_ =	sdelay $0x2  }
0xba: {  	s31 =	sshll.u32 s1, $0xD;
	s1 =	sshrl.u32 s1, $0x2  }
0xbb: {  	s3 =	sand.u32 $0x4000, s31;
	s1 =	sadd.s32 s1, s30  }
0xbc: {  	s0 =	sor.u32 s3, s0;
	s1 =	sshll.u32 s1, $0x11  }
0xbd: {  	s0 =	sor.u32 s1, s0  }
0xbe: {  	s0 =	sadd.s32 $0x8F2B, s0  }
0xbf: {  	[sflag:s0] =	ssyncadd.remote.s32 $0x1  }
0xc0: {  	_ =	sfence.sel $0xFFFF  }
0xc1: {  	[dreg:$0x0] =	wrdreg $0xFFFFFFFF;
	(pc) =	sbr.abs _section_cstart, $3  }
0xc2: {  	[dreg:$0x1] =	wrdreg $0xFFFFFFFF  }
0xc3: {  	_ =	task.clear_ibuf [dreg:s8], $0x2FFFF;
	_ =	strace $0x9FFFFFFF  }
0xc4: {  	(tm) =	ssettm $0x7FFFFFFF  }
0xc5: {  	_ =	shalt  }
tec
execute0_lowered:
.L_overlay_start_1:
0x0: {  	(tag) =	ssettag $0x1  }
0x1: {  	v0 =	vlaneseq.u32  }
0x2: {  	s0 =	rddreg [dreg:$0x0];
	v19 =	vmul.u32 $0x20, v0  }
0x3: {  	s1 =	rddreg [dreg:$0x1];
	s2 =	simm.s32 $0x0  }
0x4: {  	[smem:$0x7FF] =	sst s2;
	v0 =	vor.u32 $0xC02, v19  }
0x5: {  	s8 =	rddreg [dreg:$0x2];
	_ =	strace $0x80000047;
	v7 =	vor.u32 $0xC03, v19;
	[tilespmem:$0x1FCB0] =	vst v0  }
0x6: {  	v3 =	vor.u32 $0xE03, v19;
	[tilespmem:$0x1FCE0] =	vst v7  }
0x7: {  	v33 =	vor.u32 $0xC00, v19;
	[tilespmem:$0x1FCF0] =	vst v3  }
0x8: {  	v37 =	vor.u32 $0x401, v19;
	[tilespmem:$0x1FD00] =	vst v33  }
0x9: {  	v14 =	vor.u32 $0x601, v19;
	[tilespmem:$0x1FD10] =	vst v37  }
0xa: {  	v41 =	vor.u32 $0xC01, v19;
	[tilespmem:$0x1FD20] =	vst v14  }
0xb: {  	v1 =	vor.u32 $0xE01, v19;
	[tilespmem:$0x1FD30] =	vst v41  }
0xc: {  	v43 =	vor.u32 $0x2, v19;
	[tilespmem:$0x1FD40] =	vst v1  }
0xd: {  	v44 =	vor.u32 $0x202, v19;
	[tilespmem:$0x1FD50] =	vst v43  }
0xe: {  	v45 =	vor.u32 $0x402, v19;
	[tilespmem:$0x1FD60] =	vst v44  }
0xf: {  	v46 =	vor.u32 $0x602, v19;
	[tilespmem:$0x1FD70] =	vst v45  }
0x10: {  	v47 =	vor.u32 $0x802, v19;
	[tilespmem:$0x1FD80] =	vst v46  }
0x11: {  	v48 =	vor.u32 $0xA02, v19;
	[tilespmem:$0x1FD90] =	vst v47  }
0x12: {  	v50 =	vor.u32 $0xE02, v19;
	[tilespmem:$0x1FDA0] =	vst v48  }
0x13: {  	v51 =	vor.u32 $0x3, v19;
	[tilespmem:$0x1FDB0] =	vst v50  }
0x14: {  	v52 =	vor.u32 $0x203, v19;
	[tilespmem:$0x1FDC0] =	vst v51  }
0x15: {  	v53 =	vor.u32 $0x403, v19;
	[tilespmem:$0x1FDD0] =	vst v52  }
0x16: {  	v54 =	vor.u32 $0x603, v19;
	[tilespmem:$0x1FDE0] =	vst v53  }
0x17: {  	v55 =	vor.u32 $0x803, v19;
	[tilespmem:$0x1FDF0] =	vst v54  }
0x18: {  	v34 =	vor.u32 $0x4, v19;
	[tilespmem:$0x1FE00] =	vst v55  }
0x19: {  	v35 =	vor.u32 $0x204, v19;
	[tilespmem:$0x1FE10] =	vst v34  }
0x1a: {  	v36 =	vor.u32 $0x404, v19;
	[tilespmem:$0x1FE20] =	vst v35  }
0x1b: {  	v39 =	vor.u32 $0x604, v19;
	[tilespmem:$0x1FE30] =	vst v36  }
0x1c: {  	v40 =	vor.u32 $0x804, v19;
	[tilespmem:$0x1FE40] =	vst v39  }
0x1d: {  	v49 =	vor.u32 $0xA04, v19;
	[tilespmem:$0x1FE50] =	vst v40  }
0x1e: {  	v38 =	vor.u32 $0xC04, v19;
	[tilespmem:$0x1FE60] =	vst v49  }
0x1f: {  	v15 =	vor.u32 $0xA03, v19;
	[tilespmem:$0x1FE70] =	vst v38  }
0x20: {  	v6 =	vor.u32 $0x5, v19;
	[tilespmem:$0x1FE80] =	vst v15  }
0x21: {  	v59 =	vor.u32 $0x205, v19;
	[tilespmem:$0x1FE90] =	vst v6  }
0x22: {  	v62 =	vor.u32 $0x405, v19;
	[tilespmem:$0x1FEA0] =	vst v59  }
0x23: {  	v4 =	vor.u32 $0x605, v19;
	[tilespmem:$0x1FEB0] =	vst v62  }
0x24: {  	v5 =	vor.u32 $0x805, v19;
	[tilespmem:$0x1FEC0] =	vst v4  }
0x25: {  	v60 =	vor.u32 $0xA05, v19;
	[tilespmem:$0x1FED0] =	vst v5  }
0x26: {  	v61 =	vor.u32 $0xC05, v19;
	[tilespmem:$0x1FEE0] =	vst v60  }
0x27: {  	v63 =	vor.u32 $0x6, v19;
	[tilespmem:$0x1FEF0] =	vst v61  }
0x28: {  	v58 =	vor.u32 $0x206, v19;
	[tilespmem:$0x1FF00] =	vst v63  }
0x29: {  	s3 =	srdreg.scid;
	s4 =	stileid.u32;
	s29 =	simm.s32 $0x8400;
	v56 =	vor.u32 $0x406, v19;
	[tilespmem:$0x1FF10] =	vst v58  }
0x2a: {  	s31 =	simm.s32 $0x9400;
	s30 =	simm.s32 $0x3;
	s28 =	simm.s32 $0x4;
	v13 =	vor.u32 $0x606, v19;
	[tilespmem:$0x1FF20] =	vst v56  }
0x2b: {  	s3 =	sand.u32 $0x1, s3;
	s7 =	sshll.u32 s4, $0x8;
	s4 =	sadd.s32 $0xF42800, s1;
	v57 =	vor.u32 $0x806, v19;
	[tilespmem:$0x1FF30] =	vst v13  }
0x2c: {  	s21 =	sadd.s32 $0x1000, s8;
	s22 =	sadd.s32 $0x2000, s8;
	s23 =	sadd.s32 $0x3000, s8;
	v27 =	vor.u32 $0xA06, v19;
	[tilespmem:$0x1FF40] =	vst v57  }
0x2d: {  	s24 =	sadd.s32 $0x4000, s8;
	s25 =	sadd.s32 $0x5000, s8;
	s26 =	sadd.s32 $0x6000, s8;
	v28 =	vor.u32 $0xC06, v19;
	[tilespmem:$0x1FF50] =	vst v27  }
0x2e: {  	s12 =	sadd.s32 $0x7000, s8;
	s13 =	sadd.s32 $0x8000, s8;
	[dreg:$0x5] =	wrdreg s21;
	v2 =	vor.u32 $0x7, v19;
	[tilespmem:$0x1FF60] =	vst v28  }
0x2f: {  	s14 =	sadd.s32 $0x9000, s8;
	s15 =	sadd.s32 $0xA000, s8;
	[dreg:$0x6] =	wrdreg s22;
	v8 =	vor.u32 $0x207, v19;
	[tilespmem:$0x1FF80] =	vst v2  }
0x30: {  	s16 =	sadd.s32 $0xB000, s8;
	s17 =	sadd.s32 $0xC000, s8;
	[dreg:$0x7] =	wrdreg s23;
	v12 =	vor.u32 $0x407, v19;
	[tilespmem:$0x1FF90] =	vst v8  }
0x31: {  	s18 =	sadd.s32 $0xD000, s8;
	s19 =	sadd.s32 $0xE000, s8;
	[dreg:$0x8] =	wrdreg s24;
	v29 =	vor.u32 $0x607, v19;
	[tilespmem:$0x1FFA0] =	vst v12  }
0x32: {  	s5 =	ssub.s32 $0x2, s3;
	s3 =	sshll.u32 s3, $0x7;
	[dreg:$0x9] =	wrdreg s25;
	v30 =	vor.u32 $0x807, v19;
	[tilespmem:$0x1FFB0] =	vst v29  }
0x33: {  	[dreg:$0xa] =	wrdreg s26;
	s0 =	sadd.s32 s7, s0;
	s23 =	simm.s32 $0x9;
	v31 =	vor.u32 $0xA07, v19;
	[tilespmem:$0x1FFC0] =	vst v30  }
0x34: {  	s24 =	simm.s32 $0x80;
	s25 =	simm.s32 $0x6400;
	s26 =	simm.s32 $0x7400;
	v42 =	vor.u32 $0xC07, v19;
	[tilespmem:$0x1FFD0] =	vst v31  }
.Ltmp0:
0x35: {  	s21 =	simm.s32 $0x7;
	v16 =	vor.u32 $0x200, v19;
	s6 =	sshrl.u32 s5, $0x1;
	v32 =	vor.u32 $0xE07, v19;
	[tilespmem:$0x1FFE0] =	vst v42;
	(pc) =	sbr.rel .LBB2_1-.Ltmp0, $4  }
0x36: {  	v17 =	vor.u32 $0x400, v19;
	v25 =	vor.u32 $0x600, v19;
	s20 =	sor.u32 s3, s7;
	s22 =	sadd.s32 s3, s0;
	s0 =	simm.s32 $0x1;
	v0 =	vor.u32 $0xE04, v19;
	[tilespmem:$0x1FFF0] =	vst v32  }
0x37: {  	v26 =	vor.u32 $0x800, v19;
	v24 =	vor.u32 $0xA00, v19;
	s3 =	simm.s32 $0x6;
	s7 =	simm.s32 $0x0;
	s11 =	ssub.s32 s5, s6;
	[tilespmem:$0x1FCC0] =	vst v0;
	v0 =	vor.u32 $0xE05, v19  }
0x38: {  	v22 =	vor.u32 $0xE00, v19;
	v20 =	vor.u32 $0x1, v19;
	[dreg:$0x4] =	wrdreg s20;
	s20 =	sadd.s32 $0xF000, s8;
	s1 =	smax.u32 s11, $0x1;
	[tilespmem:$0x1FCD0] =	vst v0;
	v0 =	vor.u32 $0xE06, v19  }
0x39: {  	v23 =	vor.u32 $0x201, v19;
	v21 =	vor.u32 $0x801, v19;
	v18 =	vor.u32 $0xA01, v19;
	s5 =	simm.s32 $0x8;
	[dreg:$0xb] =	wrdreg s1;
	s1 =	simm.s32 $0x2;
	[tilespmem:$0x1FF70] =	vst v0  }
.LBB2_26:
0x3a: {  	s6 =	simm.s32 $0x5  }
0x3b: {  	_ =	swait.ge [sflag:s6], $0x1000  }
0x3c: {  	[sflag:s6] =	ssyncset.done $0x0  }
0x3d: {  	[sflag:s6] =	ssyncadd.s32 $0xFFFFF000  }
0x3e: {  	_ =	swait.ge [sflag:s3], $0x1000  }
0x3f: {  	[sflag:s3] =	ssyncset.done $0x0  }
0x40: {  	[sflag:s3] =	ssyncadd.s32 $0xFFFFF000  }
0x41: {  	_ =	swait.ge [sflag:s21], $0x1000  }
0x42: {  	[sflag:s21] =	ssyncset.done $0x0  }
0x43: {  	[sflag:s21] =	ssyncadd.s32 $0xFFFFF000  }
0x44: {  	_ =	swait.ge [sflag:s5], $0x1000  }
0x45: {  	v37 =	vld [tilespmem:$0x1FD10]  }
0x46: {  	v14 =	vld [tilespmem:$0x1FD20]  }
0x47: {  	v43 =	vld [tilespmem:$0x1FD50]  }
0x48: {  	v44 =	vld [tilespmem:$0x1FD60]  }
0x49: {  	v45 =	vld [tilespmem:$0x1FD70]  }
0x4a: {  	v46 =	vld [tilespmem:$0x1FD80]  }
0x4b: {  	v47 =	vld [tilespmem:$0x1FD90]  }
0x4c: {  	v48 =	vld [tilespmem:$0x1FDA0]  }
0x4d: {  	v51 =	vld [tilespmem:$0x1FDC0]  }
0x4e: {  	v52 =	vld [tilespmem:$0x1FDD0]  }
0x4f: {  	v53 =	vld [tilespmem:$0x1FDE0]  }
0x50: {  	v54 =	vld [tilespmem:$0x1FDF0]  }
0x51: {  	v55 =	vld [tilespmem:$0x1FE00]  }
0x52: {  	v49 =	vld [tilespmem:$0x1FE60]  }
0x53: {  	v38 =	vld [tilespmem:$0x1FE70]  }
0x54: {  	v6 =	vld [tilespmem:$0x1FE90]  }
0x55: {  	v59 =	vld [tilespmem:$0x1FEA0]  }
0x56: {  	v62 =	vld [tilespmem:$0x1FEB0]  }
0x57: {  	v4 =	vld [tilespmem:$0x1FEC0]  }
0x58: {  	v5 =	vld [tilespmem:$0x1FED0]  }
0x59: {  	v60 =	vld [tilespmem:$0x1FEE0]  }
0x5a: {  	v61 =	vld [tilespmem:$0x1FEF0]  }
0x5b: {  	v63 =	vld [tilespmem:$0x1FF00]  }
0x5c: {  	v58 =	vld [tilespmem:$0x1FF10]  }
0x5d: {  	v56 =	vld [tilespmem:$0x1FF20]  }
0x5e: {  	v13 =	vld [tilespmem:$0x1FF30]  }
0x5f: {  	v57 =	vld [tilespmem:$0x1FF40]  }
0x60: {  	v27 =	vld [tilespmem:$0x1FF50]  }
0x61: {  	v28 =	vld [tilespmem:$0x1FF60]  }
0x62: {  	s7 =	rddreg [dreg:$0xc];
	v2 =	vld [tilespmem:$0x1FF80]  }
0x63: {  	s11 =	rddreg [dreg:$0xb];
	v8 =	vld [tilespmem:$0x1FF90];
	s7 =	sadd.s32 $0x1, s7  }
0x64: {  	v12 =	vld [tilespmem:$0x1FFA0];
	p0 =	sne.s32 s7, s11  }
.Ltmp1:
0x65: {  	v29 =	vld [tilespmem:$0x1FFB0];
	(pc) =	sbr.rel @!p0 .LBB2_27-.Ltmp1, $4  }
0x66: {  	v30 =	vld [tilespmem:$0x1FFC0]  }
0x67: {  	v31 =	vld [tilespmem:$0x1FFD0]  }
0x68: {  	[sflag:s5] =	ssyncset.done $0x0;
	v42 =	vld [tilespmem:$0x1FFE0]  }
0x69: {  	v32 =	vld [tilespmem:$0x1FFF0];
	[sflag:s5] =	ssyncadd.s32 $0xFFFFF000  }
.LBB2_1:
0x6a: {  	[dreg:$0xc] =	wrdreg s7;
	s6 =	simm.s32 $0x0;
	s11 =	sadd.s32 $0x0, s22  }
0x6b: {  	[tilespmem:s6], [sflag:$0x9] =	stream.linear.gather [hbm4b:s11+s2], $0x400, $0x38;
	[tilespmem:$0xE400] =	vst v63  }
0x6c: {  	_ =	swait.ge [sflag:s23], $0x400  }
0x6d: {  	s6 =	simm.s32 $0x1000;
	[sflag:s23] =	ssyncset.done $0x0  }
.LBB2_2:
0x6e: {  	s7 =	sshra.s32 s6, $0x2  }
0x6f: {  	s8 =	sadd.s32 s6, s22;
	[sflag:s23] =	ssyncadd.s32 $0xFFFFFC00;
	p0 =	sne.s32 s6, $0x18000  }
0x70: {  	[tilespmem:s7], [sflag:$0x9] =	stream.linear.gather [hbm4b:s8+s2], $0x400, $0x38;
	[tilespmem:$0xE400] =	vst v63  }
.Ltmp2:
0x71: {  	_ = 	snop;
	(pc) =	sbr.rel @p0 .LBB2_2-.Ltmp2, $4  }
0x72: {  	_ = 	snop  }
0x73: {  	s6 =	sadd.s32 $0x1000, s6  }
0x74: {  	_ =	swait.ge [sflag:s23], $0x400  }
0x75: {  	[sflag:s23] =	ssyncset.done $0x0  }
0x76: {  	[sflag:s23] =	ssyncadd.s32 $0xFFFFFC00;
	s6 =	simm.s32 $0x0  }
0x77: {  	[tilespmem:s25], [sflag:$0x1] =	stream.indirect.gather [hbm4b:s4+s24], $0x20, s6, s24, $0xb8;
	[tilespmem:$0xE400] =	vst v63  }
0x78: {  	_ = 	snop  }
0x79: {  	[tilespmem:s26], [sflag:$0x2] =	stream.indirect.gather [hbm4b:s4+s24], $0x20, s24, s24, $0xb8;
	[tilespmem:$0xE400] =	vst v63  }
0x7a: {  	s7 =	simm.s32 $0x100  }
0x7b: {  	[tilespmem:s29], [sflag:$0x3] =	stream.indirect.gather [hbm4b:s4+s24], $0x20, s7, s24, $0xb8;
	[tilespmem:$0xE400] =	vst v63  }
0x7c: {  	s11 =	simm.s32 $0x180  }
0x7d: {  	v50 =	vmov v4;
	v33 =	vmov v5;
	[tilespmem:s31], [sflag:$0x4] =	stream.indirect.gather [hbm4b:s4+s24], $0x20, s11, s24, $0xb8;
	[tilespmem:$0xE400] =	vst v63  }
.LBB2_4:
0x7e: {  	s9 =	simm.s32 $0x0  }
0x7f: {  	v0 =	vmov s9  }
0x80: {  	v0 =	vshrl.u32 v0, $0x3  }
0x81: {  	v0 =	vshll.u32 v0, $0x3  }
0x82: {  	v0 =	vbroadcast v0, $0x0  }
0x83: {  	_ =	swait.ge [sflag:s0], $0x1000  }
0x84: {  	p0 =	seq.s32 s6, $0x0;
	[sflag:s0] =	ssyncset.done $0x0;
	v1 =	vor.u32 v63, v0  }
0x85: {  	s7 =	simm.s32 @!p0 $0x5;
	[sflag:s0] =	ssyncadd.s32 $0xFFFFF000;
	v2 =	vor.u32 v2, v0  }
0x86: {  	_ =	swait.ge @!p0 [sflag:s7], $0x1000;
	v3 =	vor.u32 v6, v0  }
0x87: {  	[sflag:s7] =	ssyncset.done @!p0 $0x0;
	v4 =	vor.u32 v19, v0  }
0x88: {  	[sflag:s7] =	ssyncadd.s32 @!p0 $0xFFFFF000;
	v5 =	vor.u32 v20, v0  }
0x89: {  	v6 =	vor.u32 v43, v0;
	v1 =	vld.idx.msk [tilespmem:v1+s25+$0x0], $0xffff  }
0x8a: {  	v10 =	vor.u32 v34, v0;
	v2 =	vld.idx.msk [tilespmem:v2+s25+$0x0], $0xffff  }
0x8b: {  	v7 =	vor.u32 v58, v0;
	v3 =	vld.idx.msk [tilespmem:v3+s25+$0x0], $0xffff  }
0x8c: {  	v8 =	vor.u32 v8, v0;
	v4 =	vld.idx.msk [tilespmem:v4+s25+$0x0], $0xffff  }
0x8d: {  	v9 =	vor.u32 v59, v0;
	v5 =	vld.idx.msk [tilespmem:v5+s25+$0x0], $0xffff  }
0x8e: {  	s8 =	simm.s32 $0xA600;
	v6 =	vld.idx.msk [tilespmem:v6+s25+$0x0], $0xffff  }
0x8f: {  	v10 =	vld.idx.msk [tilespmem:v10+s25+$0x0], $0xffff;
	[tilespmem:s8+$0x100] =	vst v1  }
0x90: {  	v11 =	vor.u32 v51, v0;
	[tilespmem:s8+$0x180] =	vst v2;
	v7 =	vld.idx.msk [tilespmem:v7+s25+$0x0], $0xffff  }
0x91: {  	v1 =	vor.u32 v23, v0;
	[tilespmem:s8+$0x80] =	vst v3;
	v3 =	vld.idx.msk [tilespmem:v8+s25+$0x0], $0xffff  }
0x92: {  	v8 =	vld.idx.msk [tilespmem:v9+s25+$0x0], $0xffff;
	v9 =	vor.u32 v12, v0;
	v12 =	vor.u32 v35, v0  }
0x93: {  	v2 =	vor.u32 v56, v0;
	[tilespmem:s8+$0xFFFFFE00] =	vst v4  }
0x94: {  	[tilespmem:s8+$0xFFFFFE80] =	vst v5  }
0x95: {  	v11 =	vld.idx.msk [tilespmem:v11+s25+$0x0], $0xffff;
	v4 =	vor.u32 v62, v0;
	[tilespmem:s8+$0x0] =	vst v10  }
0x96: {  	v5 =	vor.u32 v44, v0;
	[tilespmem:s8+$0xFFFFFF00] =	vst v6;
	v1 =	vld.idx.msk [tilespmem:v1+s25+$0x0], $0xffff  }
0x97: {  	[tilespmem:s8+$0x110] =	vst v7;
	v10 =	vld.idx.msk [tilespmem:v12+s25+$0x0], $0xffff  }
0x98: {  	[tilespmem:s8+$0x190] =	vst v3;
	v12 =	vor.u32 v36, v0;
	v2 =	vld.idx.msk [tilespmem:v2+s25+$0x0], $0xffff  }
0x99: {  	[tilespmem:s8+$0x90] =	vst v8;
	v3 =	vor.u32 v13, v0;
	v8 =	vld.idx.msk [tilespmem:v9+s25+$0x0], $0xffff  }
0x9a: {  	[tilespmem:s8+$0xFFFFFF80] =	vst v11;
	v4 =	vld.idx.msk [tilespmem:v4+s25+$0x0], $0xffff;
	v9 =	vor.u32 v29, v0  }
0x9b: {  	v6 =	vor.u32 v50, v0;
	[tilespmem:s8+$0xFFFFFE90] =	vst v1;
	v1 =	vld.idx.msk [tilespmem:v5+s25+$0x0], $0xffff  }
0x9c: {  	v5 =	vor.u32 v45, v0;
	[tilespmem:s8+$0x10] =	vst v10  }
0x9d: {  	[tilespmem:s8+$0x120] =	vst v2;
	v2 =	vor.u32 v52, v0;
	v10 =	vld.idx.msk [tilespmem:v12+s25+$0x0], $0xffff  }
0x9e: {  	v11 =	vor.u32 v39, v0;
	[tilespmem:s8+$0x1A0] =	vst v8;
	v3 =	vld.idx.msk [tilespmem:v3+s25+$0x0], $0xffff  }
0x9f: {  	[tilespmem:s8+$0xA0] =	vst v4;
	v8 =	vor.u32 v57, v0;
	v4 =	vld.idx.msk [tilespmem:v9+s25+$0x0], $0xffff  }
0xa0: {  	v6 =	vld.idx.msk [tilespmem:v6+s25+$0x0], $0xffff;
	v9 =	vor.u32 v30, v0;
	[tilespmem:s8+$0xFFFFFF10] =	vst v1  }
0xa1: {  	v1 =	vor.u32 v33, v0;
	v5 =	vld.idx.msk [tilespmem:v5+s25+$0x0], $0xffff  }
0xa2: {  	v7 =	vor.u32 v37, v0;
	v2 =	vld.idx.msk [tilespmem:v2+s25+$0x0], $0xffff;
	[tilespmem:s8+$0x20] =	vst v10  }
0xa3: {  	v12 =	vor.u32 v46, v0;
	[tilespmem:s8+$0x130] =	vst v3;
	v11 =	vld.idx.msk [tilespmem:v11+s25+$0x0], $0xffff  }
0xa4: {  	v3 =	vor.u32 v53, v0;
	[tilespmem:s8+$0x1B0] =	vst v4;
	v8 =	vld.idx.msk [tilespmem:v8+s25+$0x0], $0xffff  }
0xa5: {  	[tilespmem:s8+$0xB0] =	vst v6;
	v6 =	vor.u32 v27, v0;
	v4 =	vld.idx.msk [tilespmem:v9+s25+$0x0], $0xffff  }
0xa6: {  	v9 =	vor.u32 v31, v0;
	v1 =	vld.idx.msk [tilespmem:v1+s25+$0x0], $0xffff;
	[tilespmem:s8+$0xFFFFFF20] =	vst v5  }
0xa7: {  	v58 =	vld.idx.msk [tilespmem:v7+s25+$0x0], $0xffff;
	v10 =	vor.u32 v60, v0;
	[tilespmem:s8+$0xFFFFFF90] =	vst v2  }
0xa8: {  	v5 =	vor.u32 v40, v0;
	v2 =	vld.idx.msk [tilespmem:v12+s25+$0x0], $0xffff;
	[tilespmem:s8+$0x30] =	vst v11  }
0xa9: {  	v12 =	vor.u32 v47, v0;
	v3 =	vld.idx.msk [tilespmem:v3+s25+$0x0], $0xffff;
	[tilespmem:s8+$0x140] =	vst v8  }
0xaa: {  	v8 =	vor.u32 v54, v0;
	[tilespmem:s8+$0x1C0] =	vst v4;
	v13 =	vld.idx.msk [tilespmem:v6+s25+$0x0], $0xffff  }
0xab: {  	v11 =	vor.u32 v14, v0;
	[tilespmem:s8+$0xC0] =	vst v1;
	v7 =	vld.idx.msk [tilespmem:v9+s25+$0x0], $0xffff  }
0xac: {  	v1 =	vor.u32 v28, v0;
	v9 =	vld.idx.msk [tilespmem:v10+s25+$0x0], $0xffff  }
0xad: {  	v10 =	vor.u32 v42, v0;
	v5 =	vld.idx.msk [tilespmem:v5+s25+$0x0], $0xffff;
	[tilespmem:s8+$0xFFFFFF30] =	vst v2  }
0xae: {  	v2 =	vor.u32 v61, v0;
	[tilespmem:s8+$0xFFFFFFA0] =	vst v3;
	v6 =	vld.idx.msk [tilespmem:v12+s25+$0x0], $0xffff  }
0xaf: {  	[tilespmem:s8+$0xFFFFFEA0] =	vst v58;
	v4 =	vor.u32 v49, v0;
	v12 =	vld.idx.msk [tilespmem:v8+s25+$0x0], $0xffff  }
0xb0: {  	v11 =	vld.idx.msk [tilespmem:v11+s25+$0x0], $0xffff;
	[tilespmem:s8+$0x150] =	vst v13  }
0xb1: {  	v59 =	vor.u32 v55, v0;
	[tilespmem:s8+$0x1D0] =	vst v7;
	v1 =	vld.idx.msk [tilespmem:v1+s25+$0x0], $0xffff  }
0xb2: {  	[tilespmem:s8+$0xD0] =	vst v9;
	v8 =	vld.idx.msk [tilespmem:v10+s25+$0x0], $0xffff  }
0xb3: {  	[tilespmem:s8+$0x40] =	vst v5;
	v7 =	vld.idx.msk [tilespmem:v2+s25+$0x0], $0xffff  }
0xb4: {  	v5 =	vld.idx.msk [tilespmem:v4+s25+$0x0], $0xffff;
	[tilespmem:s8+$0xFFFFFFB0] =	vst v12  }
0xb5: {  	v54 =	vmov v62;
	v62 =	vld [tilespmem:$0x1FCD0]  }
0xb6: {  	v63 =	vmov v33;
	v43 =	vmov v30;
	v4 =	vld.idx.msk [tilespmem:v59+s25+$0x0], $0xffff  }
0xb7: {  	v44 =	vmovc v35;
	v56 =	vmovc v29;
	v37 =	vmov v32;
	v45 =	vmov v36;
	v52 =	vmov v38;
	v33 =	vld [tilespmem:$0x1FD00]  }
0xb8: {  	v46 =	vmovc v39;
	v58 =	vmovc v27;
	v60 =	vmov v50;
	v50 =	vmov v31;
	v3 =	vor.u32 v21, v0;
	v41 =	vld [tilespmem:$0x1FD30]  }
0xb9: {  	v53 =	vmovc v49;
	v13 =	vor.u32 v16, v0;
	v10 =	vor.u32 v32, v0;
	v2 =	vor.u32 v38, v0;
	v49 =	vld [tilespmem:$0x1FCB0]  }
0xba: {  	s10 =	simm.s32 $0xA600;
	s7 =	sshll.u32 s6, $0x2;
	v47 =	vmovc v40;
	v38 =	vmovc v14;
	v12 =	vor.u32 v48, v0;
	v59 =	vmov v28;
	v51 =	vld [tilespmem:$0x1FCE0];
	v9 =	vor.u32 v62, v0  }
.LBB2_5:
0xbb: {  	_ =	sdelay $0x2  }
0xbc: {  	s9 =	sadd.s32 $0x8, s9;
	v13 =	vld.idx.msk [tilespmem:v13+s25+$0x0], $0xffff;
	[tilespmem:s8+$0x50] =	vst v5  }
0xbd: {  	[tilespmem:s8+$0xFFFFFF40] =	vst v6;
	v28 =	vmovc v16;
	v16 =	vor.u32 v18, v0;
	v40 =	vmov v18;
	v6 =	vmov s9;
	v18 =	vld.idx.msk [tilespmem:v2+s25+$0x0], $0xffff  }
0xbe: {  	v6 =	vshrl.u32 v6, $0x3;
	v2 =	vld [tilespmem:$0x1FDE0]  }
0xbf: {  	v32 =	vmov v24;
	v24 =	vld [tilespmem:$0x1FF10];
	v6 =	vshll.u32 v6, $0x3;
	[tilespmem:s8+$0x1E0] =	vst v8  }
0xc0: {  	v12 =	vld.idx.msk [tilespmem:v12+s25+$0x0], $0xffff;
	v14 =	vor.u32 v15, v0;
	[tilespmem:s8+$0xE0] =	vst v7;
	v6 =	vbroadcast v6, $0x0  }
0xc1: {  	[tilespmem:s8+$0xFFFFFEB0] =	vst v11;
	v11 =	vor.u32 v17, v0;
	v10 =	vld.idx.msk [tilespmem:v10+s25+$0x0], $0xffff  }
0xc2: {  	v27 =	vmov v19;
	v9 =	vld.idx.msk [tilespmem:v9+s25+$0x0], $0xffff;
	v19 =	vor.u32 v19, v6  }
0xc3: {  	v8 =	vor.u32 v2, v6;
	v2 =	vld [tilespmem:$0x1FDD0]  }
0xc4: {  	v35 =	vmov v20;
	[tilespmem:s8+$0xFFFFFFC0] =	vst v4;
	v15 =	vld.idx.msk [tilespmem:v3+s25+$0x0], $0xffff;
	v20 =	vor.u32 v20, v6  }
0xc5: {  	[tilespmem:s8+$0xFFFFFE10] =	vst v13;
	v14 =	vld.idx.msk [tilespmem:v14+s25+$0x0], $0xffff  }
0xc6: {  	v11 =	vld.idx.msk [tilespmem:v11+s25+$0x0], $0xffff  }
0xc7: {  	[tilespmem:s8+$0xF0] =	vst v9;
	v9 =	vld.idx.msk [tilespmem:v19+s25+$0x0], $0xffff  }
0xc8: {  	v39 =	vmov v21;
	v3 =	vor.u32 v21, v6;
	v21 =	vor.u32 v2, v6;
	v2 =	vld [tilespmem:$0x1FD50]  }
0xc9: {  	[tilespmem:s8+$0x60] =	vst v18;
	v18 =	vld.idx.msk [tilespmem:v20+s25+$0x0], $0xffff  }
0xca: {  	v29 =	vmov v17;
	v17 =	vor.u32 v49, v0;
	v20 =	vld [tilespmem:$0x1FF00]  }
0xcb: {  	v19 =	vld [tilespmem:$0x1FE90];
	[tilespmem:s8+$0xFFFFFEC0] =	vst v15  }
0xcc: {  	[tilespmem:s8+$0xFFFFFF50] =	vst v12;
	v16 =	vld.idx.msk [tilespmem:v16+s25+$0x0], $0xffff  }
0xcd: {  	v34 =	vmov v22;
	[tilespmem:s8+$0x1F0] =	vst v10;
	v22 =	vor.u32 v2, v6;
	v2 =	vld [tilespmem:$0x1FD90]  }
0xce: {  	v12 =	vor.u32 v23, v6;
	v15 =	vld [tilespmem:$0x1FF80];
	[tilespmem:s8+$0xFFFFFFD0] =	vst v14  }
0xcf: {  	v17 =	vld.idx.msk [tilespmem:v17+s25+$0x0], $0xffff;
	[tilespmem:s8+$0xFFFFFE20] =	vst v11;
	s8 =	sadd.s32 $0x400, s8;
	v20 =	vor.u32 v20, v6  }
0xd0: {  	[tilespmem:s8+$0xFFFFFE80] =	vst v18;
	v18 =	vld [tilespmem:$0x1FEA0]  }
0xd1: {  	v19 =	vor.u32 v19, v6;
	[tilespmem:s10+$0xFFFFFED0] =	vst v16;
	v16 =	vld [tilespmem:$0x1FD10]  }
0xd2: {  	v7 =	vor.u32 v2, v6;
	v2 =	vld [tilespmem:$0x1FDC0]  }
0xd3: {  	v15 =	vor.u32 v15, v6;
	v12 =	vld.idx.msk [tilespmem:v12+s25+$0x0], $0xffff  }
0xd4: {  	v20 =	vld.idx.msk [tilespmem:v20+s25+$0x0], $0xffff  }
0xd5: {  	v14 =	vld.idx.msk [tilespmem:v22+s25+$0x0], $0xffff  }
0xd6: {  	[tilespmem:s10+$0xFFFFFF60] =	vst v17;
	v17 =	vld.idx.msk [tilespmem:v19+s25+$0x0], $0xffff  }
0xd7: {  	v24 =	vor.u32 v24, v6;
	v13 =	vor.u32 v2, v6;
	v2 =	vld [tilespmem:$0x1FE10]  }
0xd8: {  	v18 =	vor.u32 v18, v6;
	v15 =	vld.idx.msk [tilespmem:v15+s25+$0x0], $0xffff  }
0xd9: {  	v22 =	vld [tilespmem:$0x1FD60]  }
0xda: {  	v19 =	vld [tilespmem:$0x1FCC0];
	[tilespmem:s8+$0x100] =	vst v20  }
0xdb: {  	[tilespmem:s8+$0xFFFFFF00] =	vst v14;
	v14 =	vld [tilespmem:$0x1FF90]  }
0xdc: {  	v24 =	vld.idx.msk [tilespmem:v24+s25+$0x0], $0xffff;
	[tilespmem:s8+$0x80] =	vst v17;
	v10 =	vor.u32 v2, v6  }
0xdd: {  	v18 =	vld.idx.msk [tilespmem:v18+s25+$0x0], $0xffff  }
0xde: {  	v20 =	vor.u32 v54, v6;
	[tilespmem:s8+$0x180] =	vst v15;
	v15 =	vld [tilespmem:$0x1FD40]  }
0xdf: {  	v13 =	vld.idx.msk [tilespmem:v13+s25+$0x0], $0xffff  }
0xe0: {  	v30 =	vmov v25;
	v17 =	vor.u32 v25, v0;
	v25 =	vld [tilespmem:$0x1FFA0];
	v14 =	vor.u32 v14, v6  }
0xe1: {  	v11 =	vor.u32 v51, v0;
	[tilespmem:s8+$0x110] =	vst v24;
	v10 =	vld.idx.msk [tilespmem:v10+s25+$0x0], $0xffff  }
0xe2: {  	v19 =	vor.u32 v19, v0;
	v24 =	vld [tilespmem:$0x1FDB0];
	[tilespmem:s8+$0x90] =	vst v18  }
0xe3: {  	v36 =	vmov v23;
	v23 =	vor.u32 v41, v0;
	v20 =	vld.idx.msk [tilespmem:v20+s25+$0x0], $0xffff  }
0xe4: {  	[tilespmem:s8+$0xFFFFFF80] =	vst v13;
	v13 =	vld [tilespmem:$0x1FD70]  }
0xe5: {  	v14 =	vld.idx.msk [tilespmem:v14+s25+$0x0], $0xffff  }
0xe6: {  	v11 =	vld.idx.msk [tilespmem:v11+s25+$0x0], $0xffff;
	[tilespmem:s8+$0x0] =	vst v10  }
0xe7: {  	v16 =	vor.u32 v16, v6;
	v10 =	vld.idx.msk [tilespmem:v19+s25+$0x0], $0xffff  }
0xe8: {  	[tilespmem:s8+$0xFFFFFE00] =	vst v9;
	v19 =	vld.idx.msk [tilespmem:v23+s25+$0x0], $0xffff  }
0xe9: {  	v22 =	vor.u32 v22, v6;
	[tilespmem:s8+$0xFFFFFE90] =	vst v12;
	v12 =	vld [tilespmem:$0x1FF20]  }
0xea: {  	[tilespmem:s8+$0x190] =	vst v14;
	v14 =	vld [tilespmem:$0x1FF30]  }
0xeb: {  	v15 =	vor.u32 v15, v0;
	[tilespmem:s10+$0xFFFFFFE0] =	vst v11;
	v11 =	vld.idx.msk [tilespmem:v17+s25+$0x0], $0xffff  }
0xec: {  	v25 =	vor.u32 v25, v6;
	v16 =	vld.idx.msk [tilespmem:v16+s25+$0x0], $0xffff  }
0xed: {  	v9 =	vor.u32 v44, v6;
	v17 =	vld [tilespmem:$0x1FD80]  }
0xee: {  	v12 =	vor.u32 v12, v6;
	[tilespmem:s10+$0x70] =	vst v10;
	v10 =	vld.idx.msk [tilespmem:v22+s25+$0x0], $0xffff  }
0xef: {  	v18 =	vor.u32 v26, v0;
	[tilespmem:s10+$0xFFFFFEE0] =	vst v19;
	v19 =	vld [tilespmem:$0x1FDF0]  }
0xf0: {  	v24 =	vor.u32 v24, v0;
	v15 =	vld.idx.msk [tilespmem:v15+s25+$0x0], $0xffff  }
0xf1: {  	[tilespmem:s8+$0xFFFFFEA0] =	vst v16;
	v16 =	vld.idx.msk [tilespmem:v25+s25+$0x0], $0xffff  }
0xf2: {  	v31 =	vmov v26;
	v26 =	vor.u32 v60, v6;
	v9 =	vld.idx.msk [tilespmem:v9+s25+$0x0], $0xffff  }
0xf3: {  	[tilespmem:s10+$0xFFFFFE30] =	vst v11;
	v25 =	vor.u32 v56, v6;
	v12 =	vld.idx.msk [tilespmem:v12+s25+$0x0], $0xffff  }
0xf4: {  	v23 =	vor.u32 v45, v6;
	[tilespmem:s8+$0xFFFFFF10] =	vst v10;
	v10 =	vld.idx.msk [tilespmem:v18+s25+$0x0], $0xffff  }
0xf5: {  	[tilespmem:s8+$0xA0] =	vst v20;
	v14 =	vor.u32 v14, v6;
	v11 =	vld.idx.msk [tilespmem:v24+s25+$0x0], $0xffff  }
0xf6: {  	v18 =	vor.u32 v32, v0;
	[tilespmem:s10+$0xFFFFFEF0] =	vst v15;
	v15 =	vld.idx.msk [tilespmem:v21+s25+$0x0], $0xffff  }
0xf7: {  	v13 =	vor.u32 v13, v6;
	v21 =	vld.idx.msk [tilespmem:v26+s25+$0x0], $0xffff;
	[tilespmem:s8+$0x1A0] =	vst v16  }
0xf8: {  	[tilespmem:s8+$0x10] =	vst v9;
	v9 =	vld.idx.msk [tilespmem:v25+s25+$0x0], $0xffff  }
0xf9: {  	v16 =	vld.idx.msk [tilespmem:v23+s25+$0x0], $0xffff;
	[tilespmem:s8+$0x120] =	vst v12  }
0xfa: {  	[tilespmem:s10+$0xFFFFFE40] =	vst v10;
	v14 =	vld.idx.msk [tilespmem:v14+s25+$0x0], $0xffff  }
0xfb: {  	v10 =	vor.u32 v43, v6;
	v18 =	vld.idx.msk [tilespmem:v18+s25+$0x0], $0xffff;
	[tilespmem:s10+$0xFFFFFF70] =	vst v11  }
0xfc: {  	v22 =	vor.u32 v46, v6;
	v11 =	vld.idx.msk [tilespmem:v13+s25+$0x0], $0xffff  }
0xfd: {  	v12 =	vor.u32 v63, v6;
	[tilespmem:s8+$0xFFFFFF90] =	vst v15;
	v15 =	vld [tilespmem:$0x1FEE0]  }
0xfe: {  	v23 =	vor.u32 v57, v6;
	[tilespmem:s8+$0xB0] =	vst v21;
	v8 =	vld.idx.msk [tilespmem:v8+s25+$0x0], $0xffff  }
0xff: {  	v13 =	vor.u32 v33, v0;
	[tilespmem:s8+$0x1B0] =	vst v9;
	v9 =	vld [tilespmem:$0x1FCF0]  }
0x100: {  	v17 =	vor.u32 v17, v6;
	[tilespmem:s8+$0x20] =	vst v16;
	v10 =	vld.idx.msk [tilespmem:v10+s25+$0x0], $0xffff  }
0x101: {  	v16 =	vld.idx.msk [tilespmem:v22+s25+$0x0], $0xffff;
	[tilespmem:s8+$0xFFFFFF20] =	vst v11;
	v11 =	vor.u32 v50, v6  }
0x102: {  	v12 =	vld.idx.msk [tilespmem:v12+s25+$0x0], $0xffff;
	[tilespmem:s8+$0x130] =	vst v14  }
0x103: {  	v15 =	vor.u32 v15, v6;
	[tilespmem:s10+$0xFFFFFE50] =	vst v18;
	v14 =	vld.idx.msk [tilespmem:v23+s25+$0x0], $0xffff  }
0x104: {  	v20 =	vor.u32 v47, v6;
	v13 =	vld.idx.msk [tilespmem:v13+s25+$0x0], $0xffff  }
0x105: {  	v9 =	vor.u32 v9, v0;
	v17 =	vld.idx.msk [tilespmem:v17+s25+$0x0], $0xffff;
	[tilespmem:s8+$0x1C0] =	vst v10  }
0x106: {  	v21 =	vor.u32 v58, v6;
	[tilespmem:s8+$0xFFFFFFA0] =	vst v8;
	v10 =	vld.idx.msk [tilespmem:v11+s25+$0x0], $0xffff  }
0x107: {  	[tilespmem:s8+$0xC0] =	vst v12;
	v11 =	vld [tilespmem:$0x1FF70]  }
0x108: {  	v8 =	vor.u32 v34, v0;
	[tilespmem:s8+$0x30] =	vst v16;
	v12 =	vld.idx.msk [tilespmem:v15+s25+$0x0], $0xffff  }
0x109: {  	v15 =	vld.idx.msk [tilespmem:v20+s25+$0x0], $0xffff  }
0x10a: {  	v9 =	vld.idx.msk [tilespmem:v9+s25+$0x0], $0xffff;
	[tilespmem:s8+$0x140] =	vst v14  }
0x10b: {  	v19 =	vor.u32 v19, v6;
	[tilespmem:s10+$0xFFFFFE60] =	vst v13;
	v14 =	vld.idx.msk [tilespmem:v21+s25+$0x0], $0xffff  }
0x10c: {  	[tilespmem:s8+$0xFFFFFF30] =	vst v17;
	v11 =	vor.u32 v11, v0  }
0x10d: {  	v5 =	vor.u32 v38, v6;
	v18 =	vld.idx.msk [tilespmem:v8+s25+$0x0], $0xffff;
	[tilespmem:s10+$0x160] =	vst v1;
	v0 =	vmov v6  }
0x10e: {  	v4 =	vor.u32 v55, v6;
	[tilespmem:s8+$0x40] =	vst v15;
	v15 =	vld [tilespmem:$0x1FE80];
	v16 =	vor.u32 v59, v0  }
0x10f: {  	v2 =	vor.u32 v52, v6;
	v6 =	vld.idx.msk [tilespmem:v7+s25+$0x0], $0xffff;
	[tilespmem:s10+$0xFFFFFFF0] =	vst v9;
	v17 =	vor.u32 v42, v0  }
0x110: {  	v7 =	vor.u32 v61, v0;
	v9 =	vld.idx.msk [tilespmem:v19+s25+$0x0], $0xffff;
	[tilespmem:s8+$0x150] =	vst v14  }
0x111: {  	v19 =	vor.u32 v53, v0;
	v14 =	vld.idx.msk [tilespmem:v11+s25+$0x0], $0xffff  }
0x112: {  	p1 =	slt.u32 s9, $0x18;
	v11 =	vld.idx.msk [tilespmem:v5+s25+$0x0], $0xffff  }
.Ltmp3:
0x113: {  	[tilespmem:s8+$0x1D0] =	vst v10;
	v1 =	vld.idx.msk [tilespmem:v16+s25+$0x0], $0xffff;
	(pc) =	sbr.rel @p1 .LBB2_5-.Ltmp3, $4  }
0x114: {  	v24 =	vmovc v32;
	v26 =	vmov v31;
	v25 =	vmov v30;
	v22 =	vmov v34;
	[tilespmem:s8+$0xD0] =	vst v12;
	v8 =	vld.idx.msk [tilespmem:v17+s25+$0x0], $0xffff  }
0x115: {  	v23 =	vmovc v36;
	v20 =	vmov v35;
	v21 =	vmov v39;
	v13 =	vor.u32 v28, v0;
	[tilespmem:s10+$0xFFFFFE70] =	vst v18;
	v7 =	vld.idx.msk [tilespmem:v7+s25+$0x0], $0xffff  }
0x116: {  	v12 =	vor.u32 v48, v0;
	v18 =	vmov v40;
	v10 =	vor.u32 v37, v0;
	[tilespmem:s8+$0xFFFFFFB0] =	vst v9;
	v5 =	vld.idx.msk [tilespmem:v19+s25+$0x0], $0xffff  }
0x117: {  	v16 =	vmovc v28;
	v17 =	vmov v29;
	v19 =	vmov v27;
	v9 =	vor.u32 v62, v0;
	v4 =	vld.idx.msk [tilespmem:v4+s25+$0x0], $0xffff;
	[tilespmem:s10+$0x170] =	vst v14;
	s10 =	smov.u32 s8  }
0x118: {  	_ =	sdelay $0x3  }
0x119: {  	v13 =	vld.idx.msk [tilespmem:v13+s25+$0x0], $0xffff  }
0x11a: {  	v14 =	vor.u32 v17, v0;
	_ =	sdelay $0x3  }
0x11b: {  	[tilespmem:s8+$0xFFFFFE10] =	vst v13  }
0x11c: {  	v13 =	vld.idx.msk [tilespmem:v14+s25+$0x0], $0xffff  }
0x11d: {  	v38 =	vor.u32 v25, v0;
	_ =	sdelay $0x3  }
0x11e: {  	[tilespmem:s8+$0xFFFFFE20] =	vst v13  }
0x11f: {  	[tilespmem:s8+$0xFFFFFEB0] =	vst v11;
	v13 =	vld.idx.msk [tilespmem:v38+s25+$0x0], $0xffff  }
0x120: {  	v42 =	vor.u32 v26, v0;
	v3 =	vld.idx.msk [tilespmem:v3+s25+$0x0], $0xffff  }
0x121: {  	v43 =	vor.u32 v18, v0  }
0x122: {  	[tilespmem:s8+$0xFFFFFF40] =	vst v6  }
0x123: {  	v45 =	vor.u32 v15, v0;
	[tilespmem:s8+$0x1E0] =	vst v8  }
0x124: {  	v12 =	vld.idx.msk [tilespmem:v12+s25+$0x0], $0xffff;
	[tilespmem:s10+$0xFFFFFE30] =	vst v13  }
0x125: {  	[tilespmem:s8+$0xFFFFFEC0] =	vst v3;
	v13 =	vld.idx.msk [tilespmem:v42+s25+$0x0], $0xffff  }
0x126: {  	v46 =	vor.u32 v24, v0;
	[tilespmem:s8+$0xE0] =	vst v7;
	v3 =	vld.idx.msk [tilespmem:v43+s25+$0x0], $0xffff  }
0x127: {  	v48 =	vor.u32 v41, v0;
	v47 =	vld.idx.msk [tilespmem:v10+s25+$0x0], $0xffff;
	[tilespmem:s8+$0xFFFFFFC0] =	vst v4  }
0x128: {  	[tilespmem:s8+$0x50] =	vst v5;
	v6 =	vld.idx.msk [tilespmem:v45+s25+$0x0], $0xffff  }
0x129: {  	v9 =	vld.idx.msk [tilespmem:v9+s25+$0x0], $0xffff;
	[tilespmem:s8+$0xFFFFFF50] =	vst v12  }
0x12a: {  	v2 =	vld.idx.msk [tilespmem:v2+s25+$0x0], $0xffff;
	[tilespmem:s10+$0xFFFFFE40] =	vst v13  }
0x12b: {  	[tilespmem:s10+$0xFFFFFED0] =	vst v3;
	v8 =	vld.idx.msk [tilespmem:v46+s25+$0x0], $0xffff  }
0x12c: {  	[tilespmem:s8+$0x1F0] =	vst v47;
	v4 =	vld.idx.msk [tilespmem:v48+s25+$0x0], $0xffff  }
0x12d: {  	v50 =	vor.u32 v49, v0;
	v3 =	vld [tilespmem:$0x1FCC0];
	[tilespmem:s8+$0xFFFFFFD0] =	vst v6  }
0x12e: {  	v6 =	vld [tilespmem:$0x1FD40]  }
0x12f: {  	v53 =	vor.u32 v33, v0;
	v55 =	vld [tilespmem:$0x1FDB0];
	[tilespmem:s8+$0xF0] =	vst v9  }
0x130: {  	v52 =	vor.u32 v51, v0;
	[tilespmem:s10+$0xFFFFFE50] =	vst v8  }
0x131: {  	v8 =	vld [tilespmem:$0x1FCF0];
	[tilespmem:s8+$0x60] =	vst v2  }
0x132: {  	v54 =	vld.idx.msk [tilespmem:v50+s25+$0x0], $0xffff;
	v3 =	vor.u32 v3, v0;
	[tilespmem:s10+$0xFFFFFEE0] =	vst v4  }
0x133: {  	v6 =	vor.u32 v6, v0;
	v4 =	vld [tilespmem:$0x1FF70]  }
0x134: {  	v10 =	vor.u32 v55, v0;
	v56 =	vld.idx.msk [tilespmem:v53+s25+$0x0], $0xffff  }
0x135: {  	v57 =	vor.u32 v22, v0;
	v5 =	vld.idx.msk [tilespmem:v52+s25+$0x0], $0xffff  }
0x136: {  	v8 =	vor.u32 v8, v0  }
0x137: {  	v3 =	vld.idx.msk [tilespmem:v3+s25+$0x0], $0xffff  }
0x138: {  	[tilespmem:s10+$0xFFFFFF60] =	vst v54;
	v59 =	vld.idx.msk [tilespmem:v6+s25+$0x0], $0xffff;
	v58 =	vor.u32 v4, v0  }
0x139: {  	v61 =	vld.idx.msk [tilespmem:v10+s25+$0x0], $0xffff;
	[tilespmem:s10+$0xFFFFFE60] =	vst v56  }
0x13a: {  	[tilespmem:s10+$0xFFFFFFE0] =	vst v5;
	v2 =	vld.idx.msk [tilespmem:v57+s25+$0x0], $0xffff  }
0x13b: {  	[tilespmem:s10+$0x160] =	vst v1;
	v62 =	vld.idx.msk [tilespmem:v8+s25+$0x0], $0xffff  }
0x13c: {  	[tilespmem:s10+$0x70] =	vst v3  }
0x13d: {  	[tilespmem:s10+$0xFFFFFEF0] =	vst v59;
	v0 =	vld.idx.msk [tilespmem:v58+s25+$0x0], $0xffff  }
0x13e: {  	[tilespmem:s10+$0xFFFFFF70] =	vst v61  }
0x13f: {  	[tilespmem:s10+$0xFFFFFE70] =	vst v2  }
0x140: {  	[tilespmem:s10+$0xFFFFFFF0] =	vst v62  }
0x141: {  	s11 =	sshll.u32 s6, $0x10;
	s9 =	rddreg [dreg:$0x4]  }
0x142: {  	[tilespmem:s10+$0x170] =	vst v0;
	s10 =	rddreg [dreg:$0x2];
	s8 =	sor.u32 s9, s11  }
0x143: {  	s11 =	simm.s32 $0xA400;
	s9 =	sadd.s32 s10, s8;
	s10 =	rddreg [dreg:$0x5]  }
0x144: {  	[hbm4b:s9+s2] =	stream.linear.scatter [tilespmem:s11], [sflag:$0x5], $0x400, $0x38;
	[tilespmem:$0xE400] =	vst v63  }
0x145: {  	p1 =	sne.s32 s6, $0x31;
	s9 =	sadd.s32 s8, s10;
	s11 =	simm.s32 $0xA800  }
0x146: {  	[hbm4b:s9+s2] =	stream.linear.scatter [tilespmem:s11], [sflag:$0x5], $0x400, $0x38;
	[tilespmem:$0xE400] =	vst v63  }
.Ltmp4:
0x147: {  	s10 =	rddreg [dreg:$0x6];
	(pc) =	sbr.rel @p1 .LBB2_8-.Ltmp4, $4  }
0x148: {  	s9 =	sadd.s32 s8, s10;
	s11 =	simm.s32 $0xAC00;
	s10 =	rddreg [dreg:$0x7]  }
0x149: {  	[hbm4b:s9+s2] =	stream.linear.scatter [tilespmem:s11], [sflag:$0x5], $0x400, $0x38;
	[tilespmem:$0xE400] =	vst v63  }
0x14a: {  	s9 =	sadd.s32 s8, s10;
	s11 =	simm.s32 $0xB000  }
0x14b: {  	[hbm4b:s9+s2] =	stream.linear.scatter [tilespmem:s11], [sflag:$0x5], $0x400, $0x38;
	[tilespmem:$0xE400] =	vst v63  }
0x14c: {  	_ =	swait.ge [sflag:s1], $0x1000  }
0x14d: {  	v14 =	vld [tilespmem:$0x1FD10]  }
0x14e: {  	v38 =	vld [tilespmem:$0x1FD20]  }
0x14f: {  	v6 =	vld [tilespmem:$0x1FD50]  }
0x150: {  	v15 =	vld [tilespmem:$0x1FD60]  }
0x151: {  	v22 =	vld [tilespmem:$0x1FD70]  }
0x152: {  	v24 =	vld [tilespmem:$0x1FD80]  }
0x153: {  	v33 =	vld [tilespmem:$0x1FD90]  }
0x154: {  	v11 =	vld [tilespmem:$0x1FDC0]  }
0x155: {  	v37 =	vld [tilespmem:$0x1FDD0]  }
0x156: {  	v53 =	vld [tilespmem:$0x1FDE0]  }
0x157: {  	v54 =	vld [tilespmem:$0x1FDF0]  }
0x158: {  	v55 =	vld [tilespmem:$0x1FE00]  }
0x159: {  	v9 =	vld [tilespmem:$0x1FEA0]  }
0x15a: {  	v52 =	vld [tilespmem:$0x1FEE0]  }
.Ltmp5:
0x15b: {  	v1 =	vld [tilespmem:$0x1FF00];
	(pc) =	sbr.rel .LBB2_9-.Ltmp5, $4  }
0x15c: {  	v7 =	vld [tilespmem:$0x1FF10]  }
0x15d: {  	v12 =	vld [tilespmem:$0x1FF20]  }
0x15e: {  	[sflag:s1] =	ssyncset.done $0x0;
	v2 =	vld [tilespmem:$0x1FF80]  }
0x15f: {  	v49 =	vmov v44;
	v50 =	vmov v60;
	v58 =	vmov v63;
	v8 =	vld [tilespmem:$0x1FF90];
	[sflag:s1] =	ssyncadd.s32 $0xFFFFF000  }
.LBB2_8:
0x160: {  	s9 =	sshll.u32 s7, $0x7  }
0x161: {  	s9 =	sadd.s32 $0x200, s9  }
0x162: {  	s9 =	sand.u32 $0xFE00, s9  }
0x163: {  	[tilespmem:s25], [sflag:$0x1] =	stream.indirect.gather [hbm4b:s4+s24], $0x20, s9, s24, $0xb8;
	[tilespmem:$0xE400] =	vst v63  }
0x164: {  	_ =	swait.ge [sflag:s1], $0x1000  }
0x165: {  	v14 =	vld [tilespmem:$0x1FD10]  }
0x166: {  	v38 =	vld [tilespmem:$0x1FD20]  }
0x167: {  	v6 =	vld [tilespmem:$0x1FD50]  }
0x168: {  	v15 =	vld [tilespmem:$0x1FD60]  }
0x169: {  	v22 =	vld [tilespmem:$0x1FD70]  }
0x16a: {  	v24 =	vld [tilespmem:$0x1FD80]  }
0x16b: {  	v33 =	vld [tilespmem:$0x1FD90]  }
0x16c: {  	v11 =	vld [tilespmem:$0x1FDC0]  }
0x16d: {  	v37 =	vld [tilespmem:$0x1FDD0]  }
0x16e: {  	v53 =	vld [tilespmem:$0x1FDE0]  }
0x16f: {  	v54 =	vld [tilespmem:$0x1FDF0]  }
0x170: {  	v55 =	vld [tilespmem:$0x1FE00]  }
0x171: {  	v9 =	vld [tilespmem:$0x1FEA0]  }
0x172: {  	v52 =	vld [tilespmem:$0x1FEE0]  }
.Ltmp6:
0x173: {  	v1 =	vld [tilespmem:$0x1FF00];
	(pc) =	sbr.rel @p0 .LBB2_10-.Ltmp6, $4  }
0x174: {  	v7 =	vld [tilespmem:$0x1FF10]  }
0x175: {  	v12 =	vld [tilespmem:$0x1FF20]  }
0x176: {  	[sflag:s1] =	ssyncset.done $0x0;
	v2 =	vld [tilespmem:$0x1FF80]  }
0x177: {  	v49 =	vmov v44;
	v50 =	vmov v60;
	v58 =	vmov v63;
	v8 =	vld [tilespmem:$0x1FF90];
	[sflag:s1] =	ssyncadd.s32 $0xFFFFF000  }
.LBB2_9:
0x178: {  	_ =	swait.ge [sflag:s3], $0x1000  }
0x179: {  	[sflag:s3] =	ssyncset.done $0x0  }
0x17a: {  	[sflag:s3] =	ssyncadd.s32 $0xFFFFF000  }
.LBB2_10:
0x17b: {  	s10 =	simm.s32 $0x0  }
0x17c: {  	v0 =	vmov s10  }
0x17d: {  	v0 =	vshrl.u32 v0, $0x3  }
0x17e: {  	v61 =	vld [tilespmem:$0x1FE90];
	v0 =	vshll.u32 v0, $0x3  }
0x17f: {  	v0 =	vbroadcast v0, $0x0;
	_ =	sdelay $0x1  }
0x180: {  	v1 =	vor.u32 v1, v0  }
0x181: {  	v2 =	vor.u32 v2, v0  }
0x182: {  	v3 =	vor.u32 v61, v0;
	_ =	sdelay $0x1  }
0x183: {  	v4 =	vor.u32 v19, v0  }
0x184: {  	v5 =	vor.u32 v20, v0;
	v1 =	vld.idx.msk [tilespmem:v1+s26+$0x0], $0xffff  }
0x185: {  	v7 =	vor.u32 v7, v0;
	v2 =	vld.idx.msk [tilespmem:v2+s26+$0x0], $0xffff  }
0x186: {  	v8 =	vor.u32 v8, v0;
	v3 =	vld.idx.msk [tilespmem:v3+s26+$0x0], $0xffff  }
0x187: {  	v51 =	vld [tilespmem:$0x1FE10];
	v9 =	vor.u32 v9, v0  }
0x188: {  	s9 =	simm.s32 $0xB7F0;
	v4 =	vld.idx.msk [tilespmem:v4+s26+$0x0], $0xffff  }
0x189: {  	v5 =	vld.idx.msk [tilespmem:v5+s26+$0x0], $0xffff;
	[tilespmem:s9+$0xFFFFFF10] =	vst v1  }
0x18a: {  	[tilespmem:s9+$0xFFFFFF90] =	vst v2;
	v7 =	vld.idx.msk [tilespmem:v7+s26+$0x0], $0xffff  }
0x18b: {  	[tilespmem:s9+$0xFFFFFE90] =	vst v3;
	v3 =	vld.idx.msk [tilespmem:v8+s26+$0x0], $0xffff  }
0x18c: {  	v8 =	vld.idx.msk [tilespmem:v9+s26+$0x0], $0xffff  }
0x18d: {  	v10 =	vor.u32 v51, v0;
	v9 =	vld [tilespmem:$0x1FFA0]  }
0x18e: {  	v6 =	vor.u32 v6, v0  }
0x18f: {  	v1 =	vor.u32 v23, v0;
	[tilespmem:s9+$0xFFFFFC10] =	vst v4  }
0x190: {  	v62 =	vld [tilespmem:$0x1FEB0]  }
0x191: {  	v2 =	vor.u32 v12, v0;
	[tilespmem:s9+$0xFFFFFC90] =	vst v5  }
0x192: {  	v10 =	vld.idx.msk [tilespmem:v10+s26+$0x0], $0xffff;
	v9 =	vor.u32 v9, v0;
	[tilespmem:s9+$0xFFFFFF20] =	vst v7  }
0x193: {  	v6 =	vld.idx.msk [tilespmem:v6+s26+$0x0], $0xffff;
	[tilespmem:s9+$0xFFFFFFA0] =	vst v3  }
0x194: {  	v1 =	vld.idx.msk [tilespmem:v1+s26+$0x0], $0xffff;
	[tilespmem:s9+$0xFFFFFEA0] =	vst v8  }
0x195: {  	v4 =	vor.u32 v62, v0;
	v3 =	vld [tilespmem:$0x1FF30]  }
0x196: {  	v11 =	vor.u32 v11, v0;
	v2 =	vld.idx.msk [tilespmem:v2+s26+$0x0], $0xffff  }
0x197: {  	[tilespmem:s9+$0xFFFFFE10] =	vst v10;
	v8 =	vld.idx.msk [tilespmem:v9+s26+$0x0], $0xffff  }
0x198: {  	v12 =	vor.u32 v49, v0;
	v9 =	vld [tilespmem:$0x1FFB0]  }
0x199: {  	v5 =	vor.u32 v15, v0  }
0x19a: {  	v3 =	vor.u32 v3, v0;
	v4 =	vld.idx.msk [tilespmem:v4+s26+$0x0], $0xffff  }
0x19b: {  	v11 =	vld.idx.msk [tilespmem:v11+s26+$0x0], $0xffff;
	[tilespmem:s9+$0xFFFFFD10] =	vst v6  }
0x19c: {  	v6 =	vor.u32 v50, v0;
	v43 =	vld [tilespmem:$0x1FE30];
	[tilespmem:s9+$0xFFFFFCA0] =	vst v1  }
0x19d: {  	v10 =	vld.idx.msk [tilespmem:v12+s26+$0x0], $0xffff;
	[tilespmem:s9+$0xFFFFFF30] =	vst v2;
	v9 =	vor.u32 v9, v0  }
0x19e: {  	v1 =	vld.idx.msk [tilespmem:v5+s26+$0x0], $0xffff;
	[tilespmem:s9+$0xFFFFFFB0] =	vst v8  }
0x19f: {  	v3 =	vld.idx.msk [tilespmem:v3+s26+$0x0], $0xffff;
	[tilespmem:s9+$0xFFFFFEB0] =	vst v4  }
0x1a0: {  	v8 =	vld [tilespmem:$0x1FF40]  }
0x1a1: {  	v6 =	vld.idx.msk [tilespmem:v6+s26+$0x0], $0xffff  }
0x1a2: {  	v12 =	vor.u32 v43, v0;
	[tilespmem:s9+$0xFFFFFE20] =	vst v10;
	v4 =	vld.idx.msk [tilespmem:v9+s26+$0x0], $0xffff  }
0x1a3: {  	v5 =	vor.u32 v22, v0;
	v9 =	vld [tilespmem:$0x1FFC0];
	[tilespmem:s9+$0xFFFFFD20] =	vst v1  }
0x1a4: {  	v2 =	vor.u32 v37, v0;
	[tilespmem:s9+$0xFFFFFD90] =	vst v11  }
0x1a5: {  	v57 =	vld [tilespmem:$0x1FE40]  }
0x1a6: {  	v1 =	vor.u32 v58, v0  }
0x1a7: {  	v10 =	vld.idx.msk [tilespmem:v12+s26+$0x0], $0xffff;
	[tilespmem:s9+$0xFFFFFF40] =	vst v3;
	v8 =	vor.u32 v8, v0  }
0x1a8: {  	v5 =	vld.idx.msk [tilespmem:v5+s26+$0x0], $0xffff;
	[tilespmem:s9+$0xFFFFFEC0] =	vst v6;
	v9 =	vor.u32 v9, v0  }
0x1a9: {  	v2 =	vld.idx.msk [tilespmem:v2+s26+$0x0], $0xffff;
	[tilespmem:s9+$0xFFFFFFC0] =	vst v4  }
0x1aa: {  	v11 =	vor.u32 v57, v0;
	v6 =	vld [tilespmem:$0x1FF50]  }
0x1ab: {  	v1 =	vld.idx.msk [tilespmem:v1+s26+$0x0], $0xffff  }
0x1ac: {  	v12 =	vor.u32 v24, v0;
	v8 =	vld.idx.msk [tilespmem:v8+s26+$0x0], $0xffff  }
0x1ad: {  	v7 =	vor.u32 v14, v0;
	[tilespmem:s9+$0xFFFFFE30] =	vst v10;
	v4 =	vld.idx.msk [tilespmem:v9+s26+$0x0], $0xffff  }
0x1ae: {  	v3 =	vor.u32 v53, v0;
	v9 =	vld [tilespmem:$0x1FFD0]  }
0x1af: {  	[tilespmem:s9+$0xFFFFFD30] =	vst v5;
	v6 =	vor.u32 v6, v0;
	v11 =	vld.idx.msk [tilespmem:v11+s26+$0x0], $0xffff  }
0x1b0: {  	v63 =	vld [tilespmem:$0x1FE50]  }
0x1b1: {  	[tilespmem:s9+$0xFFFFFDA0] =	vst v2;
	v2 =	vld.idx.msk [tilespmem:v12+s26+$0x0], $0xffff  }
0x1b2: {  	v7 =	vld.idx.msk [tilespmem:v7+s26+$0x0], $0xffff;
	[tilespmem:s9+$0xFFFFFED0] =	vst v1  }
0x1b3: {  	v12 =	vor.u32 v33, v0;
	v3 =	vld.idx.msk [tilespmem:v3+s26+$0x0], $0xffff;
	[tilespmem:s9+$0xFFFFFF50] =	vst v8  }
0x1b4: {  	v9 =	vor.u32 v9, v0;
	[tilespmem:s9+$0xFFFFFFD0] =	vst v4;
	v13 =	vld.idx.msk [tilespmem:v6+s26+$0x0], $0xffff  }
0x1b5: {  	v10 =	vor.u32 v52, v0;
	v44 =	vld [tilespmem:$0x1FF60];
	[tilespmem:s9+$0xFFFFFE40] =	vst v11  }
0x1b6: {  	v5 =	vor.u32 v63, v0;
	v45 =	vld [tilespmem:$0x1FFE0];
	[tilespmem:s9+$0xFFFFFD40] =	vst v2  }
0x1b7: {  	v37 =	vld [tilespmem:$0x1FEF0]  }
0x1b8: {  	v8 =	vor.u32 v54, v0;
	v6 =	vld.idx.msk [tilespmem:v12+s26+$0x0], $0xffff  }
0x1b9: {  	v11 =	vor.u32 v38, v0;
	v4 =	vld.idx.msk [tilespmem:v9+s26+$0x0], $0xffff  }
0x1ba: {  	v9 =	vld.idx.msk [tilespmem:v10+s26+$0x0], $0xffff;
	v1 =	vor.u32 v44, v0  }
0x1bb: {  	[tilespmem:s9+$0xFFFFFDB0] =	vst v3;
	v5 =	vld.idx.msk [tilespmem:v5+s26+$0x0], $0xffff;
	v10 =	vor.u32 v45, v0  }
0x1bc: {  	v59 =	vld [tilespmem:$0x1FE60];
	[tilespmem:s9+$0xFFFFFCB0] =	vst v7  }
0x1bd: {  	v12 =	vld.idx.msk [tilespmem:v8+s26+$0x0], $0xffff;
	[tilespmem:s9+$0xFFFFFF60] =	vst v13;
	v2 =	vor.u32 v37, v0  }
0x1be: {  	v11 =	vld.idx.msk [tilespmem:v11+s26+$0x0], $0xffff;
	[tilespmem:s9+$0xFFFFFFE0] =	vst v4  }
0x1bf: {  	[tilespmem:s9+$0xFFFFFEE0] =	vst v9;
	v1 =	vld.idx.msk [tilespmem:v1+s26+$0x0], $0xffff  }
0x1c0: {  	[tilespmem:s9+$0xFFFFFE50] =	vst v5;
	v8 =	vld.idx.msk [tilespmem:v10+s26+$0x0], $0xffff  }
0x1c1: {  	v60 =	vld [tilespmem:$0x1FE70]  }
0x1c2: {  	[tilespmem:s9+$0xFFFFFDC0] =	vst v12;
	v7 =	vld.idx.msk [tilespmem:v2+s26+$0x0], $0xffff  }
0x1c3: {  	v48 =	vld [tilespmem:$0x1FDA0]  }
0x1c4: {  	v46 =	vld [tilespmem:$0x1FFF0]  }
0x1c5: {  	v4 =	vld [tilespmem:$0x1FCD0]  }
0x1c6: {  	v14 =	vor.u32 v59, v0;
	v33 =	vld [tilespmem:$0x1FD00]  }
0x1c7: {  	v15 =	vor.u32 v55, v0;
	v41 =	vld [tilespmem:$0x1FD30]  }
0x1c8: {  	v47 =	vld [tilespmem:$0x1FCB0]  }
0x1c9: {  	v56 =	vld [tilespmem:$0x1FE80]  }
0x1ca: {  	v42 =	vld [tilespmem:$0x1FCE0]  }
0x1cb: {  	v3 =	vor.u32 v21, v0;
	v13 =	vor.u32 v16, v0;
	v5 =	vld.idx.msk [tilespmem:v14+s26+$0x0], $0xffff;
	v2 =	vor.u32 v60, v0  }
0x1cc: {  	s11 =	simm.s32 $0xB7F0;
	v12 =	vor.u32 v48, v0;
	v10 =	vor.u32 v46, v0;
	v9 =	vor.u32 v4, v0;
	v4 =	vld.idx.msk [tilespmem:v15+s26+$0x0], $0xffff  }
.LBB2_11:
0x1cd: {  	_ =	sdelay $0x2  }
0x1ce: {  	v13 =	vld.idx.msk [tilespmem:v13+s26+$0x0], $0xffff;
	[tilespmem:s9+$0xFFFFFE60] =	vst v5  }
0x1cf: {  	s10 =	sadd.s32 $0x8, s10;
	v16 =	vor.u32 v18, v0;
	v18 =	vld.idx.msk [tilespmem:v2+s26+$0x0], $0xffff  }
0x1d0: {  	[tilespmem:s9+$0xFFFFFD50] =	vst v6;
	v6 =	vmov s10;
	v2 =	vld [tilespmem:$0x1FDD0]  }
0x1d1: {  	v24 =	vld [tilespmem:$0x1FF10];
	v6 =	vshrl.u32 v6, $0x3  }
0x1d2: {  	v14 =	vor.u32 v56, v0;
	[tilespmem:s9+$0xFFFFFCC0] =	vst v11;
	v12 =	vld.idx.msk [tilespmem:v12+s26+$0x0], $0xffff;
	v6 =	vshll.u32 v6, $0x3  }
0x1d3: {  	v11 =	vor.u32 v17, v0;
	v15 =	vld.idx.msk [tilespmem:v3+s26+$0x0], $0xffff;
	[tilespmem:s9+$0xFFFFFFF0] =	vst v8;
	v6 =	vbroadcast v6, $0x0  }
0x1d4: {  	v17 =	vor.u32 v47, v0;
	v10 =	vld.idx.msk [tilespmem:v10+s26+$0x0], $0xffff  }
0x1d5: {  	[tilespmem:s9+$0xFFFFFEF0] =	vst v7;
	v3 =	vor.u32 v21, v6;
	v21 =	vor.u32 v2, v6;
	v2 =	vld [tilespmem:$0x1FD50]  }
0x1d6: {  	[tilespmem:s9+$0xFFFFFDD0] =	vst v4;
	v9 =	vld.idx.msk [tilespmem:v9+s26+$0x0], $0xffff;
	v19 =	vor.u32 v27, v6  }
0x1d7: {  	v14 =	vld.idx.msk [tilespmem:v14+s26+$0x0], $0xffff;
	[tilespmem:s9+$0xFFFFFC20] =	vst v13;
	v20 =	vor.u32 v35, v6  }
0x1d8: {  	[tilespmem:s9+$0xFFFFFD60] =	vst v12;
	v11 =	vld.idx.msk [tilespmem:v11+s26+$0x0], $0xffff  }
0x1d9: {  	v17 =	vld.idx.msk [tilespmem:v17+s26+$0x0], $0xffff  }
0x1da: {  	[tilespmem:s9+$0x0] =	vst v10;
	v22 =	vor.u32 v2, v6;
	v2 =	vld [tilespmem:$0x1FD90]  }
0x1db: {  	v10 =	vor.u32 v51, v6;
	[tilespmem:s9+$0xFFFFFF00] =	vst v9;
	v9 =	vld.idx.msk [tilespmem:v19+s26+$0x0], $0xffff  }
0x1dc: {  	[tilespmem:s9+$0xFFFFFE70] =	vst v18;
	v18 =	vld.idx.msk [tilespmem:v20+s26+$0x0], $0xffff  }
0x1dd: {  	v20 =	vld [tilespmem:$0x1FF00]  }
0x1de: {  	v19 =	vor.u32 v61, v6;
	[tilespmem:s9+$0xFFFFFCD0] =	vst v15;
	v15 =	vld [tilespmem:$0x1FF80]  }
0x1df: {  	v16 =	vld.idx.msk [tilespmem:v16+s26+$0x0], $0xffff  }
0x1e0: {  	v10 =	vld.idx.msk [tilespmem:v10+s26+$0x0], $0xffff  }
0x1e1: {  	v7 =	vor.u32 v2, v6;
	v2 =	vld [tilespmem:$0x1FDC0]  }
0x1e2: {  	[tilespmem:s9+$0xFFFFFDE0] =	vst v14;
	v14 =	vld.idx.msk [tilespmem:v22+s26+$0x0], $0xffff  }
0x1e3: {  	v12 =	vor.u32 v23, v6;
	[tilespmem:s11+$0xFFFFFD70] =	vst v17;
	v17 =	vld.idx.msk [tilespmem:v19+s26+$0x0], $0xffff  }
0x1e4: {  	v20 =	vor.u32 v20, v6;
	v19 =	vld [tilespmem:$0x1FCC0]  }
0x1e5: {  	[tilespmem:s9+$0xFFFFFC30] =	vst v11;
	s9 =	sadd.s32 $0x400, s9;
	v15 =	vor.u32 v15, v6;
	v22 =	vld [tilespmem:$0x1FD60]  }
0x1e6: {  	[tilespmem:s9+$0xFFFFFC90] =	vst v18;
	v18 =	vld [tilespmem:$0x1FEA0]  }
0x1e7: {  	[tilespmem:s11+$0xFFFFFCE0] =	vst v16;
	v16 =	vld [tilespmem:$0x1FD10]  }
0x1e8: {  	v12 =	vld.idx.msk [tilespmem:v12+s26+$0x0], $0xffff;
	v13 =	vor.u32 v2, v6  }
0x1e9: {  	v19 =	vor.u32 v19, v0;
	v20 =	vld.idx.msk [tilespmem:v20+s26+$0x0], $0xffff  }
0x1ea: {  	v23 =	vor.u32 v41, v0;
	v15 =	vld.idx.msk [tilespmem:v15+s26+$0x0], $0xffff  }
0x1eb: {  	v18 =	vor.u32 v18, v6;
	[tilespmem:s9+$0xFFFFFD10] =	vst v14;
	v14 =	vld [tilespmem:$0x1FF90]  }
0x1ec: {  	v24 =	vor.u32 v24, v6;
	[tilespmem:s9+$0xFFFFFE90] =	vst v17;
	v17 =	vor.u32 v25, v0;
	v25 =	vld [tilespmem:$0x1FFA0]  }
0x1ed: {  	[tilespmem:s9+$0xFFFFFE10] =	vst v10;
	v13 =	vld.idx.msk [tilespmem:v13+s26+$0x0], $0xffff  }
0x1ee: {  	v10 =	vld.idx.msk [tilespmem:v19+s26+$0x0], $0xffff  }
0x1ef: {  	v16 =	vor.u32 v16, v6;
	v19 =	vld.idx.msk [tilespmem:v23+s26+$0x0], $0xffff  }
0x1f0: {  	v11 =	vor.u32 v42, v0;
	v18 =	vld.idx.msk [tilespmem:v18+s26+$0x0], $0xffff;
	[tilespmem:s9+$0xFFFFFF10] =	vst v20  }
0x1f1: {  	v24 =	vld.idx.msk [tilespmem:v24+s26+$0x0], $0xffff  }
0x1f2: {  	[tilespmem:s9+$0xFFFFFF90] =	vst v15;
	v15 =	vld [tilespmem:$0x1FD40]  }
0x1f3: {  	v14 =	vor.u32 v14, v6;
	[tilespmem:s9+$0xFFFFFCA0] =	vst v12;
	v12 =	vld [tilespmem:$0x1FF20]  }
0x1f4: {  	v22 =	vor.u32 v22, v6;
	v16 =	vld.idx.msk [tilespmem:v16+s26+$0x0], $0xffff;
	[tilespmem:s9+$0xFFFFFD90] =	vst v13  }
0x1f5: {  	v20 =	vor.u32 v62, v6;
	v11 =	vld.idx.msk [tilespmem:v11+s26+$0x0], $0xffff  }
0x1f6: {  	[tilespmem:s9+$0xFFFFFF20] =	vst v24;
	v24 =	vld [tilespmem:$0x1FDB0]  }
0x1f7: {  	[tilespmem:s9+$0xFFFFFC10] =	vst v9;
	v9 =	vor.u32 v49, v6;
	v13 =	vld [tilespmem:$0x1FD70]  }
0x1f8: {  	v15 =	vor.u32 v15, v0;
	v14 =	vld.idx.msk [tilespmem:v14+s26+$0x0], $0xffff;
	[tilespmem:s11+$0xFFFFFE80] =	vst v10  }
0x1f9: {  	v25 =	vor.u32 v25, v6;
	v10 =	vld.idx.msk [tilespmem:v22+s26+$0x0], $0xffff;
	[tilespmem:s9+$0xFFFFFEA0] =	vst v18  }
0x1fa: {  	v20 =	vld.idx.msk [tilespmem:v20+s26+$0x0], $0xffff  }
0x1fb: {  	[tilespmem:s11+$0xFFFFFDF0] =	vst v11;
	v11 =	vld.idx.msk [tilespmem:v17+s26+$0x0], $0xffff;
	v24 =	vor.u32 v24, v0  }
0x1fc: {  	[tilespmem:s11+$0xFFFFFCF0] =	vst v19;
	v18 =	vor.u32 v26, v0;
	v9 =	vld.idx.msk [tilespmem:v9+s26+$0x0], $0xffff  }
0x1fd: {  	v12 =	vor.u32 v12, v6;
	v15 =	vld.idx.msk [tilespmem:v15+s26+$0x0], $0xffff;
	[tilespmem:s9+$0xFFFFFFA0] =	vst v14  }
0x1fe: {  	[tilespmem:s9+$0xFFFFFCB0] =	vst v16;
	v16 =	vld.idx.msk [tilespmem:v25+s26+$0x0], $0xffff  }
0x1ff: {  	[tilespmem:s9+$0xFFFFFD20] =	vst v10;
	v25 =	vld [tilespmem:$0x1FFB0]  }
0x200: {  	[tilespmem:s11+$0xFFFFFC40] =	vst v11;
	v11 =	vld.idx.msk [tilespmem:v24+s26+$0x0], $0xffff  }
0x201: {  	v10 =	vld.idx.msk [tilespmem:v18+s26+$0x0], $0xffff  }
0x202: {  	v13 =	vor.u32 v13, v6;
	v12 =	vld.idx.msk [tilespmem:v12+s26+$0x0], $0xffff  }
0x203: {  	v26 =	vor.u32 v50, v6;
	v14 =	vld [tilespmem:$0x1FF30]  }
0x204: {  	v17 =	vld [tilespmem:$0x1FD80];
	[tilespmem:s11+$0xFFFFFD00] =	vst v15;
	v25 =	vor.u32 v25, v6  }
0x205: {  	v23 =	vor.u32 v43, v6;
	v15 =	vld.idx.msk [tilespmem:v21+s26+$0x0], $0xffff;
	[tilespmem:s11+$0xFFFFFD80] =	vst v11  }
0x206: {  	[tilespmem:s11+$0xFFFFFC50] =	vst v10;
	v10 =	vld [tilespmem:$0x1FFC0]  }
0x207: {  	[tilespmem:s9+$0xFFFFFEB0] =	vst v20;
	v11 =	vld.idx.msk [tilespmem:v13+s26+$0x0], $0xffff  }
0x208: {  	v14 =	vor.u32 v14, v6;
	v21 =	vld.idx.msk [tilespmem:v26+s26+$0x0], $0xffff;
	[tilespmem:s9+$0xFFFFFFB0] =	vst v16  }
0x209: {  	[tilespmem:s9+$0xFFFFFE20] =	vst v9;
	v9 =	vld.idx.msk [tilespmem:v25+s26+$0x0], $0xffff  }
0x20a: {  	v16 =	vld.idx.msk [tilespmem:v23+s26+$0x0], $0xffff  }
0x20b: {  	[tilespmem:s9+$0xFFFFFF30] =	vst v12;
	v23 =	vld [tilespmem:$0x1FF40];
	v10 =	vor.u32 v10, v6  }
0x20c: {  	v8 =	vor.u32 v53, v6;
	[tilespmem:s9+$0xFFFFFD30] =	vst v11;
	v11 =	vld [tilespmem:$0x1FFD0]  }
0x20d: {  	v12 =	vor.u32 v58, v6;
	v14 =	vld.idx.msk [tilespmem:v14+s26+$0x0], $0xffff  }
0x20e: {  	v18 =	vor.u32 v32, v0;
	[tilespmem:s9+$0xFFFFFFC0] =	vst v9;
	v9 =	vld [tilespmem:$0x1FCF0]  }
0x20f: {  	v22 =	vor.u32 v57, v6;
	[tilespmem:s9+$0xFFFFFEC0] =	vst v21;
	v21 =	vld [tilespmem:$0x1FF50]  }
0x210: {  	[tilespmem:s9+$0xFFFFFDA0] =	vst v15;
	v23 =	vor.u32 v23, v6;
	v10 =	vld.idx.msk [tilespmem:v10+s26+$0x0], $0xffff  }
0x211: {  	v8 =	vld.idx.msk [tilespmem:v8+s26+$0x0], $0xffff;
	v11 =	vor.u32 v11, v6  }
0x212: {  	v12 =	vld.idx.msk [tilespmem:v12+s26+$0x0], $0xffff  }
0x213: {  	[tilespmem:s9+$0xFFFFFE30] =	vst v16;
	v18 =	vld.idx.msk [tilespmem:v18+s26+$0x0], $0xffff;
	v9 =	vor.u32 v9, v0  }
0x214: {  	v13 =	vor.u32 v33, v0;
	v16 =	vld.idx.msk [tilespmem:v22+s26+$0x0], $0xffff;
	[tilespmem:s9+$0xFFFFFF40] =	vst v14  }
0x215: {  	v17 =	vor.u32 v17, v6;
	v14 =	vld.idx.msk [tilespmem:v23+s26+$0x0], $0xffff;
	[tilespmem:s9+$0xFFFFFFD0] =	vst v10  }
0x216: {  	v21 =	vor.u32 v21, v6;
	v10 =	vld.idx.msk [tilespmem:v11+s26+$0x0], $0xffff  }
0x217: {  	v15 =	vor.u32 v52, v6;
	[tilespmem:s9+$0xFFFFFDB0] =	vst v8;
	v11 =	vld [tilespmem:$0x1FF70]  }
0x218: {  	v20 =	vor.u32 v63, v6;
	[tilespmem:s11+$0xFFFFFC60] =	vst v18;
	v9 =	vld.idx.msk [tilespmem:v9+s26+$0x0], $0xffff  }
0x219: {  	v19 =	vor.u32 v54, v6;
	[tilespmem:s9+$0xFFFFFED0] =	vst v12;
	v13 =	vld.idx.msk [tilespmem:v13+s26+$0x0], $0xffff  }
0x21a: {  	v8 =	vor.u32 v34, v0;
	v17 =	vld.idx.msk [tilespmem:v17+s26+$0x0], $0xffff;
	[tilespmem:s9+$0xFFFFFF50] =	vst v14  }
0x21b: {  	[tilespmem:s9+$0xFFFFFE40] =	vst v16;
	v14 =	vld.idx.msk [tilespmem:v21+s26+$0x0], $0xffff  }
0x21c: {  	v12 =	vld.idx.msk [tilespmem:v15+s26+$0x0], $0xffff;
	[tilespmem:s11+$0xFFFFFF70] =	vst v1;
	v11 =	vor.u32 v11, v0  }
0x21d: {  	v5 =	vor.u32 v38, v6;
	v15 =	vld.idx.msk [tilespmem:v20+s26+$0x0], $0xffff;
	[tilespmem:s11+$0xFFFFFE00] =	vst v9;
	v0 =	vmov v6  }
0x21e: {  	[tilespmem:s11+$0xFFFFFC70] =	vst v13;
	v9 =	vld.idx.msk [tilespmem:v19+s26+$0x0], $0xffff;
	v19 =	vor.u32 v59, v0  }
0x21f: {  	[tilespmem:s9+$0xFFFFFD40] =	vst v17;
	v18 =	vld.idx.msk [tilespmem:v8+s26+$0x0], $0xffff  }
0x220: {  	v4 =	vor.u32 v55, v6;
	v2 =	vor.u32 v60, v6;
	[tilespmem:s9+$0xFFFFFF60] =	vst v14;
	v6 =	vld.idx.msk [tilespmem:v7+s26+$0x0], $0xffff  }
0x221: {  	v14 =	vld.idx.msk [tilespmem:v11+s26+$0x0], $0xffff  }
0x222: {  	[tilespmem:s9+$0xFFFFFE50] =	vst v15;
	v16 =	vor.u32 v44, v0;
	v11 =	vld.idx.msk [tilespmem:v5+s26+$0x0], $0xffff  }
0x223: {  	v17 =	vor.u32 v45, v0;
	v5 =	vld.idx.msk [tilespmem:v19+s26+$0x0], $0xffff  }
0x224: {  	p2 =	slt.u32 s10, $0x18;
	v7 =	vor.u32 v37, v0;
	v19 =	vld [tilespmem:$0x1FCD0]  }
.Ltmp7:
0x225: {  	[tilespmem:s9+$0xFFFFFDC0] =	vst v9;
	(pc) =	sbr.rel @p2 .LBB2_11-.Ltmp7, $4  }
0x226: {  	[tilespmem:s9+$0xFFFFFEE0] =	vst v12;
	v4 =	vld.idx.msk [tilespmem:v4+s26+$0x0], $0xffff  }
0x227: {  	v26 =	vmovc v31;
	v25 =	vmov v30;
	v23 =	vmov v36;
	v21 =	vmov v39;
	[tilespmem:s9+$0xFFFFFFE0] =	vst v10;
	v1 =	vld.idx.msk [tilespmem:v16+s26+$0x0], $0xffff  }
0x228: {  	[tilespmem:s11+$0xFFFFFC80] =	vst v18;
	v18 =	vmov v40;
	v13 =	vor.u32 v28, v0;
	v12 =	vor.u32 v48, v0;
	v8 =	vld.idx.msk [tilespmem:v17+s26+$0x0], $0xffff  }
0x229: {  	v10 =	vor.u32 v46, v0;
	v17 =	vmov v29;
	v7 =	vld.idx.msk [tilespmem:v7+s26+$0x0], $0xffff;
	[tilespmem:s11+$0xFFFFFF80] =	vst v14;
	s11 =	smov.u32 s9;
	v9 =	vor.u32 v19, v0  }
0x22a: {  	_ =	sdelay $0x3  }
0x22b: {  	v13 =	vld.idx.msk [tilespmem:v13+s26+$0x0], $0xffff  }
0x22c: {  	v14 =	vor.u32 v17, v0;
	_ =	sdelay $0x3  }
0x22d: {  	[tilespmem:s9+$0xFFFFFC20] =	vst v13  }
0x22e: {  	v13 =	vld.idx.msk [tilespmem:v14+s26+$0x0], $0xffff  }
0x22f: {  	v14 =	vor.u32 v25, v0;
	_ =	sdelay $0x3  }
0x230: {  	[tilespmem:s9+$0xFFFFFC30] =	vst v13  }
0x231: {  	[tilespmem:s9+$0xFFFFFCC0] =	vst v11;
	v13 =	vld.idx.msk [tilespmem:v14+s26+$0x0], $0xffff  }
0x232: {  	v3 =	vld.idx.msk [tilespmem:v3+s26+$0x0], $0xffff;
	v14 =	vor.u32 v26, v0  }
0x233: {  	v46 =	vor.u32 v18, v0  }
0x234: {  	[tilespmem:s9+$0xFFFFFD50] =	vst v6  }
0x235: {  	v48 =	vor.u32 v56, v0;
	[tilespmem:s9+$0xFFFFFE60] =	vst v5  }
0x236: {  	v12 =	vld.idx.msk [tilespmem:v12+s26+$0x0], $0xffff;
	[tilespmem:s11+$0xFFFFFC40] =	vst v13  }
0x237: {  	[tilespmem:s9+$0xFFFFFCD0] =	vst v3;
	v13 =	vld.idx.msk [tilespmem:v14+s26+$0x0], $0xffff  }
0x238: {  	v49 =	vor.u32 v32, v0;
	[tilespmem:s9+$0xFFFFFFF0] =	vst v8;
	v3 =	vld.idx.msk [tilespmem:v46+s26+$0x0], $0xffff  }
0x239: {  	v51 =	vor.u32 v41, v0;
	[tilespmem:s9+$0xFFFFFDD0] =	vst v4;
	v50 =	vld.idx.msk [tilespmem:v10+s26+$0x0], $0xffff  }
0x23a: {  	[tilespmem:s9+$0xFFFFFEF0] =	vst v7;
	v6 =	vld.idx.msk [tilespmem:v48+s26+$0x0], $0xffff  }
0x23b: {  	v2 =	vld.idx.msk [tilespmem:v2+s26+$0x0], $0xffff;
	[tilespmem:s9+$0xFFFFFD60] =	vst v12  }
0x23c: {  	v9 =	vld.idx.msk [tilespmem:v9+s26+$0x0], $0xffff;
	[tilespmem:s11+$0xFFFFFC50] =	vst v13  }
0x23d: {  	[tilespmem:s11+$0xFFFFFCE0] =	vst v3;
	v8 =	vld.idx.msk [tilespmem:v49+s26+$0x0], $0xffff  }
0x23e: {  	[tilespmem:s9+$0x0] =	vst v50;
	v4 =	vld.idx.msk [tilespmem:v51+s26+$0x0], $0xffff  }
0x23f: {  	v12 =	vld [tilespmem:$0x1FCC0];
	[tilespmem:s9+$0xFFFFFDE0] =	vst v6  }
0x240: {  	v6 =	vld [tilespmem:$0x1FD40]  }
0x241: {  	v52 =	vor.u32 v47, v0;
	v57 =	vld [tilespmem:$0x1FDB0];
	[tilespmem:s9+$0xFFFFFF00] =	vst v9  }
0x242: {  	v54 =	vor.u32 v33, v0;
	[tilespmem:s11+$0xFFFFFC60] =	vst v8  }
0x243: {  	v53 =	vor.u32 v42, v0;
	v8 =	vld [tilespmem:$0x1FCF0];
	[tilespmem:s9+$0xFFFFFE70] =	vst v2  }
0x244: {  	[tilespmem:s11+$0xFFFFFCF0] =	vst v4  }
0x245: {  	v55 =	vor.u32 v12, v0;
	v4 =	vld [tilespmem:$0x1FF70]  }
0x246: {  	v56 =	vld.idx.msk [tilespmem:v52+s26+$0x0], $0xffff;
	v6 =	vor.u32 v6, v0  }
0x247: {  	v10 =	vor.u32 v57, v0;
	v58 =	vld.idx.msk [tilespmem:v54+s26+$0x0], $0xffff  }
0x248: {  	v59 =	vor.u32 v34, v0;
	v5 =	vld.idx.msk [tilespmem:v53+s26+$0x0], $0xffff  }
0x249: {  	v8 =	vor.u32 v8, v0  }
0x24a: {  	v3 =	vld.idx.msk [tilespmem:v55+s26+$0x0], $0xffff;
	v60 =	vor.u32 v4, v0  }
0x24b: {  	[tilespmem:s11+$0xFFFFFD70] =	vst v56;
	v61 =	vld.idx.msk [tilespmem:v6+s26+$0x0], $0xffff  }
0x24c: {  	v62 =	vld.idx.msk [tilespmem:v10+s26+$0x0], $0xffff;
	[tilespmem:s11+$0xFFFFFC70] =	vst v58  }
0x24d: {  	[tilespmem:s11+$0xFFFFFDF0] =	vst v5;
	v2 =	vld.idx.msk [tilespmem:v59+s26+$0x0], $0xffff  }
0x24e: {  	[tilespmem:s11+$0xFFFFFF70] =	vst v1;
	v63 =	vld.idx.msk [tilespmem:v8+s26+$0x0], $0xffff  }
0x24f: {  	[tilespmem:s11+$0xFFFFFE80] =	vst v3;
	v0 =	vld.idx.msk [tilespmem:v60+s26+$0x0], $0xffff  }
0x250: {  	[tilespmem:s11+$0xFFFFFD00] =	vst v61  }
0x251: {  	[tilespmem:s11+$0xFFFFFD80] =	vst v62  }
0x252: {  	[tilespmem:s11+$0xFFFFFC80] =	vst v2  }
0x253: {  	[tilespmem:s11+$0xFFFFFE00] =	vst v63  }
0x254: {  	[tilespmem:s11+$0xFFFFFF80] =	vst v0  }
0x255: {  	s9 =	rddreg [dreg:$0x8]  }
0x256: {  	s10 =	simm.s32 $0xB400;
	s9 =	sadd.s32 s8, s9  }
0x257: {  	[hbm4b:s9+s2] =	stream.linear.scatter [tilespmem:s10], [sflag:$0x6], $0x400, $0x38;
	[tilespmem:$0xE400] =	vst v63  }
0x258: {  	s10 =	rddreg [dreg:$0x9]  }
0x259: {  	s11 =	simm.s32 $0xB800;
	s9 =	sadd.s32 s8, s10  }
0x25a: {  	[hbm4b:s9+s2] =	stream.linear.scatter [tilespmem:s11], [sflag:$0x6], $0x400, $0x38;
	[tilespmem:$0xE400] =	vst v63  }
.Ltmp8:
0x25b: {  	s10 =	rddreg [dreg:$0xa];
	(pc) =	sbr.rel @p1 .LBB2_14-.Ltmp8, $4  }
0x25c: {  	s9 =	sadd.s32 s8, s10;
	s11 =	simm.s32 $0xBC00  }
0x25d: {  	[hbm4b:s9+s2] =	stream.linear.scatter [tilespmem:s11], [sflag:$0x6], $0x400, $0x38;
	[tilespmem:$0xE400] =	vst v63  }
0x25e: {  	s10 =	sadd.s32 s8, s12;
	s11 =	simm.s32 $0xC000  }
0x25f: {  	v20 =	vmovc v35;
	v16 =	vmov v28;
	v15 =	vmov v27;
	v49 =	vmov v47;
	[hbm4b:s10+s2] =	stream.linear.scatter [tilespmem:s11], [sflag:$0x6], $0x400, $0x38;
	[tilespmem:$0xE400] =	vst v63  }
0x260: {  	_ =	swait.ge [sflag:s30], $0x1000  }
0x261: {  	v37 =	vld [tilespmem:$0x1FD10]  }
0x262: {  	v38 =	vld [tilespmem:$0x1FD20]  }
0x263: {  	v6 =	vld [tilespmem:$0x1FD50]  }
0x264: {  	v44 =	vld [tilespmem:$0x1FD60]  }
0x265: {  	v45 =	vld [tilespmem:$0x1FD70]  }
0x266: {  	v46 =	vld [tilespmem:$0x1FD80]  }
0x267: {  	v47 =	vld [tilespmem:$0x1FD90]  }
0x268: {  	v11 =	vld [tilespmem:$0x1FDC0]  }
0x269: {  	v52 =	vld [tilespmem:$0x1FDD0]  }
0x26a: {  	v53 =	vld [tilespmem:$0x1FDE0]  }
0x26b: {  	v54 =	vld [tilespmem:$0x1FDF0]  }
0x26c: {  	v60 =	vld [tilespmem:$0x1FE10]  }
0x26d: {  	v57 =	vld [tilespmem:$0x1FE60]  }
0x26e: {  	v3 =	vld [tilespmem:$0x1FE90]  }
0x26f: {  	v9 =	vld [tilespmem:$0x1FEA0]  }
0x270: {  	v13 =	vld [tilespmem:$0x1FEB0]  }
0x271: {  	v22 =	vld [tilespmem:$0x1FEC0]  }
0x272: {  	v59 =	vld [tilespmem:$0x1FED0]  }
.Ltmp9:
0x273: {  	v1 =	vld [tilespmem:$0x1FF00];
	(pc) =	sbr.rel .LBB2_15-.Ltmp9, $4  }
0x274: {  	v7 =	vld [tilespmem:$0x1FF10]  }
0x275: {  	v12 =	vld [tilespmem:$0x1FF20]  }
0x276: {  	[sflag:s30] =	ssyncset.done $0x0;
	v2 =	vld [tilespmem:$0x1FF80]  }
0x277: {  	v8 =	vld [tilespmem:$0x1FF90];
	[sflag:s30] =	ssyncadd.s32 $0xFFFFF000  }
.LBB2_14:
0x278: {  	s9 =	sshll.u32 s7, $0x7  }
0x279: {  	s9 =	sadd.s32 $0x280, s9  }
0x27a: {  	s9 =	sand.u32 $0xFE80, s9  }
0x27b: {  	[tilespmem:s26], [sflag:$0x2] =	stream.indirect.gather [hbm4b:s4+s24], $0x20, s9, s24, $0xb8;
	[tilespmem:$0xE400] =	vst v63  }
0x27c: {  	_ =	swait.ge [sflag:s30], $0x1000  }
0x27d: {  	v37 =	vld [tilespmem:$0x1FD10]  }
0x27e: {  	v38 =	vld [tilespmem:$0x1FD20]  }
0x27f: {  	v6 =	vld [tilespmem:$0x1FD50]  }
0x280: {  	v44 =	vld [tilespmem:$0x1FD60]  }
0x281: {  	v45 =	vld [tilespmem:$0x1FD70]  }
0x282: {  	v46 =	vld [tilespmem:$0x1FD80]  }
0x283: {  	v47 =	vld [tilespmem:$0x1FD90]  }
0x284: {  	v11 =	vld [tilespmem:$0x1FDC0]  }
0x285: {  	v52 =	vld [tilespmem:$0x1FDD0]  }
0x286: {  	v53 =	vld [tilespmem:$0x1FDE0]  }
0x287: {  	v54 =	vld [tilespmem:$0x1FDF0]  }
0x288: {  	v60 =	vld [tilespmem:$0x1FE10]  }
0x289: {  	v57 =	vld [tilespmem:$0x1FE60]  }
0x28a: {  	v3 =	vld [tilespmem:$0x1FE90]  }
0x28b: {  	v9 =	vld [tilespmem:$0x1FEA0]  }
0x28c: {  	v13 =	vld [tilespmem:$0x1FEB0]  }
0x28d: {  	v22 =	vld [tilespmem:$0x1FEC0]  }
0x28e: {  	v59 =	vld [tilespmem:$0x1FED0]  }
.Ltmp10:
0x28f: {  	v1 =	vld [tilespmem:$0x1FF00];
	(pc) =	sbr.rel @p0 .LBB2_16-.Ltmp10, $4  }
0x290: {  	v7 =	vld [tilespmem:$0x1FF10]  }
0x291: {  	v12 =	vld [tilespmem:$0x1FF20]  }
0x292: {  	[sflag:s30] =	ssyncset.done $0x0;
	v2 =	vld [tilespmem:$0x1FF80]  }
0x293: {  	v8 =	vld [tilespmem:$0x1FF90];
	[sflag:s30] =	ssyncadd.s32 $0xFFFFF000  }
.LBB2_15:
0x294: {  	_ =	swait.ge [sflag:s21], $0x1000  }
0x295: {  	[sflag:s21] =	ssyncset.done $0x0  }
0x296: {  	[sflag:s21] =	ssyncadd.s32 $0xFFFFF000  }
.LBB2_16:
0x297: {  	s10 =	simm.s32 $0x0  }
0x298: {  	v0 =	vmov s10  }
0x299: {  	v0 =	vshrl.u32 v0, $0x3  }
0x29a: {  	v0 =	vshll.u32 v0, $0x3  }
0x29b: {  	v0 =	vbroadcast v0, $0x0;
	_ =	sdelay $0x1  }
0x29c: {  	v2 =	vor.u32 v2, v0  }
0x29d: {  	v3 =	vor.u32 v3, v0  }
0x29e: {  	v1 =	vor.u32 v1, v0;
	_ =	sdelay $0x1  }
0x29f: {  	v4 =	vor.u32 v15, v0  }
0x2a0: {  	v5 =	vor.u32 v20, v0;
	v2 =	vld.idx.msk [tilespmem:v2+s29+$0x0], $0xffff  }
0x2a1: {  	v8 =	vor.u32 v8, v0;
	v3 =	vld.idx.msk [tilespmem:v3+s29+$0x0], $0xffff  }
0x2a2: {  	v9 =	vor.u32 v9, v0;
	v1 =	vld.idx.msk [tilespmem:v1+s29+$0x0], $0xffff;
	_ =	sdelay $0x1  }
0x2a3: {  	s9 =	simm.s32 $0xC7F0;
	v7 =	vor.u32 v7, v0;
	v4 =	vld.idx.msk [tilespmem:v4+s29+$0x0], $0xffff  }
0x2a4: {  	v5 =	vld.idx.msk [tilespmem:v5+s29+$0x0], $0xffff;
	[tilespmem:s9+$0xFFFFFF90] =	vst v2  }
0x2a5: {  	[tilespmem:s9+$0xFFFFFE90] =	vst v3;
	v3 =	vld.idx.msk [tilespmem:v8+s29+$0x0], $0xffff  }
0x2a6: {  	[tilespmem:s9+$0xFFFFFF10] =	vst v1;
	v8 =	vld.idx.msk [tilespmem:v9+s29+$0x0], $0xffff  }
0x2a7: {  	v10 =	vor.u32 v60, v0;
	v9 =	vld [tilespmem:$0x1FFA0]  }
0x2a8: {  	v7 =	vld.idx.msk [tilespmem:v7+s29+$0x0], $0xffff  }
0x2a9: {  	v6 =	vor.u32 v6, v0  }
0x2aa: {  	v1 =	vor.u32 v23, v0;
	[tilespmem:s9+$0xFFFFFC10] =	vst v4  }
0x2ab: {  	v14 =	vld [tilespmem:$0x1FE20]  }
0x2ac: {  	v10 =	vld.idx.msk [tilespmem:v10+s29+$0x0], $0xffff;
	[tilespmem:s9+$0xFFFFFC90] =	vst v5;
	v9 =	vor.u32 v9, v0  }
0x2ad: {  	[tilespmem:s9+$0xFFFFFF20] =	vst v7  }
0x2ae: {  	v6 =	vld.idx.msk [tilespmem:v6+s29+$0x0], $0xffff;
	v4 =	vor.u32 v13, v0;
	[tilespmem:s9+$0xFFFFFFA0] =	vst v3  }
0x2af: {  	v2 =	vor.u32 v12, v0;
	v1 =	vld.idx.msk [tilespmem:v1+s29+$0x0], $0xffff;
	[tilespmem:s9+$0xFFFFFEA0] =	vst v8  }
0x2b0: {  	v12 =	vor.u32 v14, v0;
	v3 =	vld [tilespmem:$0x1FF30]  }
0x2b1: {  	[tilespmem:s9+$0xFFFFFE10] =	vst v10;
	v8 =	vld.idx.msk [tilespmem:v9+s29+$0x0], $0xffff  }
0x2b2: {  	v11 =	vor.u32 v11, v0;
	v9 =	vld [tilespmem:$0x1FFB0]  }
0x2b3: {  	v5 =	vor.u32 v44, v0;
	v4 =	vld.idx.msk [tilespmem:v4+s29+$0x0], $0xffff  }
0x2b4: {  	v2 =	vld.idx.msk [tilespmem:v2+s29+$0x0], $0xffff;
	[tilespmem:s9+$0xFFFFFD10] =	vst v6;
	v6 =	vor.u32 v22, v0  }
0x2b5: {  	v3 =	vor.u32 v3, v0;
	v10 =	vld.idx.msk [tilespmem:v12+s29+$0x0], $0xffff  }
0x2b6: {  	v12 =	vld [tilespmem:$0x1FE30]  }
0x2b7: {  	v11 =	vld.idx.msk [tilespmem:v11+s29+$0x0], $0xffff;
	[tilespmem:s9+$0xFFFFFCA0] =	vst v1;
	v9 =	vor.u32 v9, v0  }
0x2b8: {  	v1 =	vld.idx.msk [tilespmem:v5+s29+$0x0], $0xffff;
	[tilespmem:s9+$0xFFFFFEB0] =	vst v4  }
0x2b9: {  	[tilespmem:s9+$0xFFFFFF30] =	vst v2;
	v6 =	vld.idx.msk [tilespmem:v6+s29+$0x0], $0xffff  }
0x2ba: {  	[tilespmem:s9+$0xFFFFFFB0] =	vst v8;
	v3 =	vld.idx.msk [tilespmem:v3+s29+$0x0], $0xffff  }
0x2bb: {  	v12 =	vor.u32 v12, v0;
	v8 =	vld [tilespmem:$0x1FF40]  }
0x2bc: {  	v5 =	vor.u32 v45, v0;
	[tilespmem:s9+$0xFFFFFE20] =	vst v10;
	v4 =	vld.idx.msk [tilespmem:v9+s29+$0x0], $0xffff  }
0x2bd: {  	v2 =	vor.u32 v52, v0;
	v9 =	vld [tilespmem:$0x1FFC0];
	[tilespmem:s9+$0xFFFFFD20] =	vst v1  }
0x2be: {  	v1 =	vor.u32 v59, v0;
	[tilespmem:s9+$0xFFFFFD90] =	vst v11  }
0x2bf: {  	v11 =	vld [tilespmem:$0x1FE40]  }
0x2c0: {  	v8 =	vor.u32 v8, v0;
	v10 =	vld.idx.msk [tilespmem:v12+s29+$0x0], $0xffff  }
0x2c1: {  	v5 =	vld.idx.msk [tilespmem:v5+s29+$0x0], $0xffff;
	[tilespmem:s9+$0xFFFFFF40] =	vst v3  }
0x2c2: {  	v2 =	vld.idx.msk [tilespmem:v2+s29+$0x0], $0xffff;
	[tilespmem:s9+$0xFFFFFEC0] =	vst v6;
	v9 =	vor.u32 v9, v0  }
0x2c3: {  	[tilespmem:s9+$0xFFFFFFC0] =	vst v4;
	v1 =	vld.idx.msk [tilespmem:v1+s29+$0x0], $0xffff  }
0x2c4: {  	v11 =	vor.u32 v11, v0;
	v6 =	vld [tilespmem:$0x1FF50]  }
0x2c5: {  	v8 =	vld.idx.msk [tilespmem:v8+s29+$0x0], $0xffff;
	[tilespmem:s9+$0xFFFFFE30] =	vst v10  }
0x2c6: {  	v12 =	vor.u32 v46, v0;
	v10 =	vld [tilespmem:$0x1FEE0]  }
0x2c7: {  	v7 =	vor.u32 v37, v0;
	v4 =	vld.idx.msk [tilespmem:v9+s29+$0x0], $0xffff  }
0x2c8: {  	v3 =	vor.u32 v53, v0;
	v9 =	vld [tilespmem:$0x1FFD0]  }
0x2c9: {  	[tilespmem:s9+$0xFFFFFD30] =	vst v5;
	v6 =	vor.u32 v6, v0;
	v11 =	vld.idx.msk [tilespmem:v11+s29+$0x0], $0xffff  }
0x2ca: {  	v5 =	vld [tilespmem:$0x1FE50]  }
0x2cb: {  	[tilespmem:s9+$0xFFFFFDA0] =	vst v2;
	v2 =	vld.idx.msk [tilespmem:v12+s29+$0x0], $0xffff  }
0x2cc: {  	v7 =	vld.idx.msk [tilespmem:v7+s29+$0x0], $0xffff;
	[tilespmem:s9+$0xFFFFFF50] =	vst v8  }
0x2cd: {  	v12 =	vor.u32 v47, v0;
	[tilespmem:s9+$0xFFFFFED0] =	vst v1;
	v3 =	vld.idx.msk [tilespmem:v3+s29+$0x0], $0xffff  }
0x2ce: {  	v9 =	vor.u32 v9, v0;
	[tilespmem:s9+$0xFFFFFFD0] =	vst v4;
	v13 =	vld.idx.msk [tilespmem:v6+s29+$0x0], $0xffff  }
0x2cf: {  	v10 =	vor.u32 v10, v0;
	v63 =	vld [tilespmem:$0x1FF60];
	[tilespmem:s9+$0xFFFFFE40] =	vst v11  }
0x2d0: {  	v5 =	vor.u32 v5, v0;
	v61 =	vld [tilespmem:$0x1FFE0];
	[tilespmem:s9+$0xFFFFFD40] =	vst v2  }
0x2d1: {  	v8 =	vor.u32 v54, v0;
	v62 =	vld [tilespmem:$0x1FEF0]  }
0x2d2: {  	v6 =	vld.idx.msk [tilespmem:v12+s29+$0x0], $0xffff  }
0x2d3: {  	v11 =	vor.u32 v38, v0;
	v4 =	vld.idx.msk [tilespmem:v9+s29+$0x0], $0xffff  }
0x2d4: {  	v9 =	vld.idx.msk [tilespmem:v10+s29+$0x0], $0xffff;
	v1 =	vor.u32 v63, v0  }
0x2d5: {  	[tilespmem:s9+$0xFFFFFDB0] =	vst v3;
	v5 =	vld.idx.msk [tilespmem:v5+s29+$0x0], $0xffff;
	v10 =	vor.u32 v61, v0  }
0x2d6: {  	v12 =	vld.idx.msk [tilespmem:v8+s29+$0x0], $0xffff;
	[tilespmem:s9+$0xFFFFFF60] =	vst v13  }
0x2d7: {  	v14 =	vor.u32 v57, v0;
	v55 =	vld [tilespmem:$0x1FE00];
	[tilespmem:s9+$0xFFFFFCB0] =	vst v7  }
0x2d8: {  	v2 =	vor.u32 v62, v0;
	v11 =	vld.idx.msk [tilespmem:v11+s29+$0x0], $0xffff;
	[tilespmem:s9+$0xFFFFFFE0] =	vst v4  }
0x2d9: {  	[tilespmem:s9+$0xFFFFFEE0] =	vst v9;
	v1 =	vld.idx.msk [tilespmem:v1+s29+$0x0], $0xffff  }
0x2da: {  	[tilespmem:s9+$0xFFFFFE50] =	vst v5;
	v8 =	vld.idx.msk [tilespmem:v10+s29+$0x0], $0xffff  }
0x2db: {  	v43 =	vld [tilespmem:$0x1FE70]  }
0x2dc: {  	v5 =	vld.idx.msk [tilespmem:v14+s29+$0x0], $0xffff  }
0x2dd: {  	[tilespmem:s9+$0xFFFFFDC0] =	vst v12;
	v7 =	vld.idx.msk [tilespmem:v2+s29+$0x0], $0xffff  }
0x2de: {  	v48 =	vld [tilespmem:$0x1FDA0]  }
0x2df: {  	v51 =	vld [tilespmem:$0x1FFF0]  }
0x2e0: {  	v33 =	vld [tilespmem:$0x1FD00]  }
0x2e1: {  	v15 =	vor.u32 v55, v0;
	v41 =	vld [tilespmem:$0x1FD30]  }
0x2e2: {  	v42 =	vld [tilespmem:$0x1FD40]  }
0x2e3: {  	v56 =	vld [tilespmem:$0x1FE80]  }
0x2e4: {  	v58 =	vld [tilespmem:$0x1FCE0]  }
0x2e5: {  	v3 =	vor.u32 v21, v0;
	v13 =	vor.u32 v16, v0;
	v9 =	vor.u32 v19, v0;
	v50 =	vld [tilespmem:$0x1FCC0]  }
0x2e6: {  	s11 =	simm.s32 $0xC7F0;
	v2 =	vor.u32 v43, v0;
	v4 =	vld.idx.msk [tilespmem:v15+s29+$0x0], $0xffff;
	v12 =	vor.u32 v48, v0;
	v10 =	vor.u32 v51, v0  }
.LBB2_17:
0x2e7: {  	_ =	sdelay $0x2  }
0x2e8: {  	v13 =	vld.idx.msk [tilespmem:v13+s29+$0x0], $0xffff  }
0x2e9: {  	s10 =	sadd.s32 $0x8, s10;
	[tilespmem:s9+$0xFFFFFD50] =	vst v6;
	v24 =	vld [tilespmem:$0x1FF10]  }
0x2ea: {  	[tilespmem:s9+$0xFFFFFE60] =	vst v5;
	v6 =	vmov s10;
	v12 =	vld.idx.msk [tilespmem:v12+s29+$0x0], $0xffff  }
0x2eb: {  	v14 =	vor.u32 v56, v0;
	v16 =	vor.u32 v18, v0;
	v18 =	vld.idx.msk [tilespmem:v2+s29+$0x0], $0xffff;
	v6 =	vshrl.u32 v6, $0x3  }
0x2ec: {  	[tilespmem:s9+$0xFFFFFCC0] =	vst v11;
	v2 =	vld [tilespmem:$0x1FD50];
	v6 =	vshll.u32 v6, $0x3  }
0x2ed: {  	v11 =	vor.u32 v17, v0;
	v15 =	vld.idx.msk [tilespmem:v3+s29+$0x0], $0xffff;
	[tilespmem:s9+$0xFFFFFFF0] =	vst v8;
	v6 =	vbroadcast v6, $0x0  }
0x2ee: {  	[tilespmem:s9+$0xFFFFFEF0] =	vst v7;
	v17 =	vor.u32 v49, v0;
	v10 =	vld.idx.msk [tilespmem:v10+s29+$0x0], $0xffff  }
0x2ef: {  	[tilespmem:s9+$0xFFFFFDD0] =	vst v4;
	v9 =	vld.idx.msk [tilespmem:v9+s29+$0x0], $0xffff;
	v19 =	vor.u32 v27, v6  }
0x2f0: {  	v14 =	vld.idx.msk [tilespmem:v14+s29+$0x0], $0xffff  }
0x2f1: {  	[tilespmem:s9+$0xFFFFFC20] =	vst v13;
	v20 =	vor.u32 v35, v6;
	v22 =	vor.u32 v2, v6;
	v2 =	vld [tilespmem:$0x1FDC0]  }
0x2f2: {  	[tilespmem:s9+$0xFFFFFD60] =	vst v12;
	v11 =	vld.idx.msk [tilespmem:v11+s29+$0x0], $0xffff  }
0x2f3: {  	v17 =	vld.idx.msk [tilespmem:v17+s29+$0x0], $0xffff  }
0x2f4: {  	[tilespmem:s9+$0xFFFFFF00] =	vst v9;
	v9 =	vld.idx.msk [tilespmem:v19+s29+$0x0], $0xffff  }
0x2f5: {  	[tilespmem:s9+$0xFFFFFE70] =	vst v18;
	v19 =	vld [tilespmem:$0x1FE90]  }
0x2f6: {  	[tilespmem:s9+$0x0] =	vst v10;
	v10 =	vor.u32 v60, v6;
	v18 =	vld.idx.msk [tilespmem:v20+s29+$0x0], $0xffff  }
0x2f7: {  	v13 =	vor.u32 v2, v6;
	v20 =	vld [tilespmem:$0x1FF00]  }
0x2f8: {  	[tilespmem:s9+$0xFFFFFCD0] =	vst v15;
	v15 =	vld [tilespmem:$0x1FF80]  }
0x2f9: {  	[tilespmem:s9+$0xFFFFFDE0] =	vst v14;
	v14 =	vld.idx.msk [tilespmem:v22+s29+$0x0], $0xffff  }
0x2fa: {  	v16 =	vld.idx.msk [tilespmem:v16+s29+$0x0], $0xffff  }
0x2fb: {  	[tilespmem:s9+$0xFFFFFC30] =	vst v11;
	v10 =	vld.idx.msk [tilespmem:v10+s29+$0x0], $0xffff;
	v19 =	vor.u32 v19, v6  }
0x2fc: {  	v12 =	vor.u32 v23, v6;
	s9 =	sadd.s32 $0x400, s9;
	[tilespmem:s11+$0xFFFFFD70] =	vst v17;
	v13 =	vld.idx.msk [tilespmem:v13+s29+$0x0], $0xffff  }
0x2fd: {  	v20 =	vor.u32 v20, v6;
	[tilespmem:s9+$0xFFFFFC10] =	vst v9;
	v9 =	vld [tilespmem:$0x1FE20]  }
0x2fe: {  	v15 =	vor.u32 v15, v6;
	[tilespmem:s9+$0xFFFFFC90] =	vst v18;
	v18 =	vld [tilespmem:$0x1FEA0]  }
0x2ff: {  	v11 =	vor.u32 v58, v0;
	[tilespmem:s9+$0xFFFFFD10] =	vst v14;
	v14 =	vld [tilespmem:$0x1FF90]  }
0x300: {  	[tilespmem:s11+$0xFFFFFCE0] =	vst v16;
	v17 =	vld.idx.msk [tilespmem:v19+s29+$0x0], $0xffff;
	v19 =	vor.u32 v50, v0  }
0x301: {  	v23 =	vor.u32 v41, v0;
	v12 =	vld.idx.msk [tilespmem:v12+s29+$0x0], $0xffff  }
0x302: {  	v20 =	vld.idx.msk [tilespmem:v20+s29+$0x0], $0xffff  }
0x303: {  	v15 =	vld.idx.msk [tilespmem:v15+s29+$0x0], $0xffff;
	[tilespmem:s9+$0xFFFFFD90] =	vst v13  }
0x304: {  	[tilespmem:s9+$0xFFFFFE10] =	vst v10;
	v11 =	vld.idx.msk [tilespmem:v11+s29+$0x0], $0xffff  }
0x305: {  	v10 =	vld.idx.msk [tilespmem:v19+s29+$0x0], $0xffff  }
0x306: {  	v18 =	vor.u32 v18, v6;
	v19 =	vld.idx.msk [tilespmem:v23+s29+$0x0], $0xffff  }
0x307: {  	v24 =	vor.u32 v24, v6;
	v23 =	vld [tilespmem:$0x1FE30]  }
0x308: {  	v14 =	vor.u32 v14, v6;
	[tilespmem:s9+$0xFFFFFF10] =	vst v20;
	v20 =	vld [tilespmem:$0x1FEB0]  }
0x309: {  	v16 =	vor.u32 v37, v6;
	[tilespmem:s9+$0xFFFFFCA0] =	vst v12;
	v12 =	vld [tilespmem:$0x1FF20]  }
0x30a: {  	[tilespmem:s9+$0xFFFFFE90] =	vst v17;
	v17 =	vor.u32 v25, v0;
	v25 =	vld [tilespmem:$0x1FFA0]  }
0x30b: {  	v22 =	vor.u32 v44, v6;
	v18 =	vld.idx.msk [tilespmem:v18+s29+$0x0], $0xffff  }
0x30c: {  	[tilespmem:s9+$0xFFFFFF90] =	vst v15;
	v24 =	vld.idx.msk [tilespmem:v24+s29+$0x0], $0xffff  }
0x30d: {  	v14 =	vld.idx.msk [tilespmem:v14+s29+$0x0], $0xffff  }
0x30e: {  	v15 =	vor.u32 v42, v0;
	v16 =	vld.idx.msk [tilespmem:v16+s29+$0x0], $0xffff  }
0x30f: {  	[tilespmem:s11+$0xFFFFFDF0] =	vst v11;
	v11 =	vld.idx.msk [tilespmem:v17+s29+$0x0], $0xffff  }
0x310: {  	[tilespmem:s11+$0xFFFFFE80] =	vst v10;
	v10 =	vld.idx.msk [tilespmem:v22+s29+$0x0], $0xffff  }
0x311: {  	v9 =	vor.u32 v9, v6;
	[tilespmem:s9+$0xFFFFFF20] =	vst v24;
	v24 =	vld [tilespmem:$0x1FDB0]  }
0x312: {  	v20 =	vor.u32 v20, v6;
	[tilespmem:s11+$0xFFFFFCF0] =	vst v19;
	v22 =	vld [tilespmem:$0x1FE40]  }
0x313: {  	v25 =	vor.u32 v25, v6;
	v15 =	vld.idx.msk [tilespmem:v15+s29+$0x0], $0xffff  }
0x314: {  	[tilespmem:s9+$0xFFFFFEA0] =	vst v18;
	v18 =	vor.u32 v26, v0;
	v26 =	vld [tilespmem:$0x1FEC0]  }
0x315: {  	[tilespmem:s9+$0xFFFFFFA0] =	vst v14;
	v14 =	vld [tilespmem:$0x1FF30]  }
0x316: {  	v9 =	vld.idx.msk [tilespmem:v9+s29+$0x0], $0xffff;
	v24 =	vor.u32 v24, v0  }
0x317: {  	v12 =	vor.u32 v12, v6;
	v20 =	vld.idx.msk [tilespmem:v20+s29+$0x0], $0xffff  }
0x318: {  	v3 =	vor.u32 v21, v6;
	v21 =	vor.u32 v52, v6;
	[tilespmem:s9+$0xFFFFFCB0] =	vst v16;
	v16 =	vld.idx.msk [tilespmem:v25+s29+$0x0], $0xffff  }
0x319: {  	v25 =	vld [tilespmem:$0x1FFB0];
	[tilespmem:s11+$0xFFFFFC40] =	vst v11  }
0x31a: {  	v23 =	vor.u32 v23, v6;
	[tilespmem:s9+$0xFFFFFD20] =	vst v10;
	v10 =	vld.idx.msk [tilespmem:v18+s29+$0x0], $0xffff  }
0x31b: {  	[tilespmem:s11+$0xFFFFFD00] =	vst v15;
	v11 =	vld.idx.msk [tilespmem:v24+s29+$0x0], $0xffff  }
0x31c: {  	v13 =	vor.u32 v45, v6;
	v12 =	vld.idx.msk [tilespmem:v12+s29+$0x0], $0xffff;
	[tilespmem:s9+$0xFFFFFE20] =	vst v9  }
0x31d: {  	v15 =	vld.idx.msk [tilespmem:v21+s29+$0x0], $0xffff;
	[tilespmem:s9+$0xFFFFFEB0] =	vst v20  }
0x31e: {  	v25 =	vor.u32 v25, v6;
	v20 =	vld [tilespmem:$0x1FE50];
	[tilespmem:s9+$0xFFFFFFB0] =	vst v16  }
0x31f: {  	v26 =	vor.u32 v26, v6;
	v16 =	vld.idx.msk [tilespmem:v23+s29+$0x0], $0xffff;
	[tilespmem:s11+$0xFFFFFC50] =	vst v10  }
0x320: {  	v14 =	vor.u32 v14, v6;
	v10 =	vld [tilespmem:$0x1FFC0];
	[tilespmem:s11+$0xFFFFFD80] =	vst v11  }
0x321: {  	v11 =	vld.idx.msk [tilespmem:v13+s29+$0x0], $0xffff  }
0x322: {  	v23 =	vld [tilespmem:$0x1FF40]  }
0x323: {  	v9 =	vld.idx.msk [tilespmem:v25+s29+$0x0], $0xffff  }
0x324: {  	v18 =	vor.u32 v32, v0;
	[tilespmem:s9+$0xFFFFFF30] =	vst v12;
	v21 =	vld.idx.msk [tilespmem:v26+s29+$0x0], $0xffff  }
0x325: {  	v14 =	vld.idx.msk [tilespmem:v14+s29+$0x0], $0xffff;
	v10 =	vor.u32 v10, v6  }
0x326: {  	[tilespmem:s9+$0xFFFFFD30] =	vst v11;
	v11 =	vld [tilespmem:$0x1FFD0]  }
0x327: {  	v8 =	vor.u32 v53, v6;
	[tilespmem:s9+$0xFFFFFDA0] =	vst v15;
	v15 =	vld [tilespmem:$0x1FEE0]  }
0x328: {  	v22 =	vor.u32 v22, v6;
	[tilespmem:s9+$0xFFFFFFC0] =	vst v9;
	v9 =	vld [tilespmem:$0x1FCF0]  }
0x329: {  	v12 =	vor.u32 v59, v6;
	v18 =	vld.idx.msk [tilespmem:v18+s29+$0x0], $0xffff  }
0x32a: {  	v23 =	vor.u32 v23, v6;
	v10 =	vld.idx.msk [tilespmem:v10+s29+$0x0], $0xffff  }
0x32b: {  	[tilespmem:s9+$0xFFFFFEC0] =	vst v21;
	v21 =	vld [tilespmem:$0x1FF50];
	v11 =	vor.u32 v11, v6  }
0x32c: {  	v8 =	vld.idx.msk [tilespmem:v8+s29+$0x0], $0xffff;
	[tilespmem:s9+$0xFFFFFE30] =	vst v16  }
0x32d: {  	v16 =	vld.idx.msk [tilespmem:v22+s29+$0x0], $0xffff;
	v9 =	vor.u32 v9, v0  }
0x32e: {  	[tilespmem:s9+$0xFFFFFF40] =	vst v14;
	v13 =	vor.u32 v33, v0;
	v12 =	vld.idx.msk [tilespmem:v12+s29+$0x0], $0xffff  }
0x32f: {  	v17 =	vor.u32 v46, v6;
	v14 =	vld.idx.msk [tilespmem:v23+s29+$0x0], $0xffff;
	[tilespmem:s9+$0xFFFFFFD0] =	vst v10  }
0x330: {  	v21 =	vor.u32 v21, v6;
	v10 =	vld.idx.msk [tilespmem:v11+s29+$0x0], $0xffff  }
0x331: {  	v15 =	vor.u32 v15, v6;
	[tilespmem:s9+$0xFFFFFDB0] =	vst v8;
	v11 =	vld [tilespmem:$0x1FF70]  }
0x332: {  	v20 =	vor.u32 v20, v6;
	[tilespmem:s11+$0xFFFFFC60] =	vst v18;
	v9 =	vld.idx.msk [tilespmem:v9+s29+$0x0], $0xffff  }
0x333: {  	v19 =	vor.u32 v54, v6;
	[tilespmem:s9+$0xFFFFFE40] =	vst v16;
	v13 =	vld.idx.msk [tilespmem:v13+s29+$0x0], $0xffff  }
0x334: {  	v8 =	vor.u32 v34, v0;
	v17 =	vld.idx.msk [tilespmem:v17+s29+$0x0], $0xffff;
	[tilespmem:s9+$0xFFFFFF50] =	vst v14  }
0x335: {  	v7 =	vor.u32 v47, v6;
	[tilespmem:s9+$0xFFFFFED0] =	vst v12;
	v14 =	vld.idx.msk [tilespmem:v21+s29+$0x0], $0xffff  }
0x336: {  	v12 =	vld.idx.msk [tilespmem:v15+s29+$0x0], $0xffff;
	[tilespmem:s11+$0xFFFFFF70] =	vst v1;
	v11 =	vor.u32 v11, v0  }
0x337: {  	v5 =	vor.u32 v38, v6;
	v15 =	vld.idx.msk [tilespmem:v20+s29+$0x0], $0xffff;
	[tilespmem:s11+$0xFFFFFE00] =	vst v9;
	v0 =	vmov v6  }
0x338: {  	[tilespmem:s11+$0xFFFFFC70] =	vst v13;
	v9 =	vld.idx.msk [tilespmem:v19+s29+$0x0], $0xffff;
	v19 =	vor.u32 v57, v0  }
0x339: {  	[tilespmem:s9+$0xFFFFFD40] =	vst v17;
	v18 =	vld.idx.msk [tilespmem:v8+s29+$0x0], $0xffff  }
0x33a: {  	v4 =	vor.u32 v55, v6;
	v2 =	vor.u32 v43, v6;
	[tilespmem:s9+$0xFFFFFF60] =	vst v14;
	v6 =	vld.idx.msk [tilespmem:v7+s29+$0x0], $0xffff  }
0x33b: {  	v14 =	vld.idx.msk [tilespmem:v11+s29+$0x0], $0xffff  }
0x33c: {  	[tilespmem:s9+$0xFFFFFE50] =	vst v15;
	v16 =	vor.u32 v63, v0;
	v11 =	vld.idx.msk [tilespmem:v5+s29+$0x0], $0xffff  }
0x33d: {  	v17 =	vor.u32 v61, v0;
	v5 =	vld.idx.msk [tilespmem:v19+s29+$0x0], $0xffff  }
0x33e: {  	p2 =	slt.u32 s10, $0x18;
	v7 =	vor.u32 v62, v0;
	v19 =	vld [tilespmem:$0x1FCD0]  }
.Ltmp11:
0x33f: {  	v49 =	vld [tilespmem:$0x1FCB0];
	[tilespmem:s9+$0xFFFFFDC0] =	vst v9;
	(pc) =	sbr.rel @p2 .LBB2_17-.Ltmp11, $4  }
0x340: {  	[tilespmem:s9+$0xFFFFFEE0] =	vst v12;
	v4 =	vld.idx.msk [tilespmem:v4+s29+$0x0], $0xffff  }
0x341: {  	v26 =	vmovc v31;
	v25 =	vmov v30;
	v23 =	vmov v36;
	v21 =	vmov v39;
	[tilespmem:s9+$0xFFFFFFE0] =	vst v10;
	v1 =	vld.idx.msk [tilespmem:v16+s29+$0x0], $0xffff  }
0x342: {  	[tilespmem:s11+$0xFFFFFC80] =	vst v18;
	v18 =	vmov v40;
	v13 =	vor.u32 v28, v0;
	v12 =	vor.u32 v48, v0;
	v8 =	vld.idx.msk [tilespmem:v17+s29+$0x0], $0xffff  }
0x343: {  	v10 =	vor.u32 v51, v0;
	v17 =	vmov v29;
	v7 =	vld.idx.msk [tilespmem:v7+s29+$0x0], $0xffff;
	[tilespmem:s11+$0xFFFFFF80] =	vst v14;
	s11 =	smov.u32 s9;
	v9 =	vor.u32 v19, v0  }
0x344: {  	_ =	sdelay $0x3  }
0x345: {  	v13 =	vld.idx.msk [tilespmem:v13+s29+$0x0], $0xffff  }
0x346: {  	v14 =	vor.u32 v17, v0;
	_ =	sdelay $0x3  }
0x347: {  	[tilespmem:s9+$0xFFFFFC20] =	vst v13  }
0x348: {  	v13 =	vld.idx.msk [tilespmem:v14+s29+$0x0], $0xffff  }
0x349: {  	v14 =	vor.u32 v25, v0;
	_ =	sdelay $0x3  }
0x34a: {  	[tilespmem:s9+$0xFFFFFC30] =	vst v13  }
0x34b: {  	v13 =	vld.idx.msk [tilespmem:v14+s29+$0x0], $0xffff  }
0x34c: {  	[tilespmem:s9+$0xFFFFFCC0] =	vst v11;
	v14 =	vor.u32 v26, v0  }
0x34d: {  	v3 =	vld.idx.msk [tilespmem:v3+s29+$0x0], $0xffff  }
0x34e: {  	v44 =	vor.u32 v18, v0  }
0x34f: {  	[tilespmem:s9+$0xFFFFFD50] =	vst v6  }
0x350: {  	v45 =	vor.u32 v56, v0;
	[tilespmem:s11+$0xFFFFFC40] =	vst v13  }
0x351: {  	[tilespmem:s9+$0xFFFFFE60] =	vst v5;
	v13 =	vld.idx.msk [tilespmem:v14+s29+$0x0], $0xffff  }
0x352: {  	v46 =	vor.u32 v32, v0;
	v12 =	vld.idx.msk [tilespmem:v12+s29+$0x0], $0xffff;
	[tilespmem:s9+$0xFFFFFCD0] =	vst v3  }
0x353: {  	[tilespmem:s9+$0xFFFFFFF0] =	vst v8;
	v3 =	vld.idx.msk [tilespmem:v44+s29+$0x0], $0xffff  }
0x354: {  	v48 =	vor.u32 v41, v0;
	[tilespmem:s9+$0xFFFFFDD0] =	vst v4;
	v47 =	vld.idx.msk [tilespmem:v10+s29+$0x0], $0xffff  }
0x355: {  	[tilespmem:s9+$0xFFFFFEF0] =	vst v7;
	v6 =	vld.idx.msk [tilespmem:v45+s29+$0x0], $0xffff  }
0x356: {  	v9 =	vld.idx.msk [tilespmem:v9+s29+$0x0], $0xffff;
	[tilespmem:s11+$0xFFFFFC50] =	vst v13  }
0x357: {  	[tilespmem:s9+$0xFFFFFD60] =	vst v12;
	v8 =	vld.idx.msk [tilespmem:v46+s29+$0x0], $0xffff  }
0x358: {  	v2 =	vld.idx.msk [tilespmem:v2+s29+$0x0], $0xffff;
	[tilespmem:s11+$0xFFFFFCE0] =	vst v3  }
0x359: {  	[tilespmem:s9+$0x0] =	vst v47;
	v4 =	vld.idx.msk [tilespmem:v48+s29+$0x0], $0xffff  }
0x35a: {  	[tilespmem:s9+$0xFFFFFDE0] =	vst v6  }
0x35b: {  	v49 =	vor.u32 v49, v0;
	v56 =	vld [tilespmem:$0x1FDB0];
	[tilespmem:s9+$0xFFFFFF00] =	vst v9  }
0x35c: {  	v52 =	vor.u32 v33, v0;
	[tilespmem:s11+$0xFFFFFC60] =	vst v8  }
0x35d: {  	v51 =	vor.u32 v58, v0;
	v12 =	vld [tilespmem:$0x1FCF0];
	[tilespmem:s9+$0xFFFFFE70] =	vst v2  }
0x35e: {  	[tilespmem:s11+$0xFFFFFCF0] =	vst v4  }
0x35f: {  	v53 =	vor.u32 v50, v0;
	v4 =	vld [tilespmem:$0x1FF70]  }
0x360: {  	v55 =	vor.u32 v42, v0;
	v54 =	vld.idx.msk [tilespmem:v49+s29+$0x0], $0xffff  }
0x361: {  	v10 =	vor.u32 v56, v0;
	v58 =	vld.idx.msk [tilespmem:v52+s29+$0x0], $0xffff  }
0x362: {  	v59 =	vor.u32 v34, v0;
	v5 =	vld.idx.msk [tilespmem:v51+s29+$0x0], $0xffff  }
0x363: {  	v57 =	vor.u32 v12, v0  }
0x364: {  	v3 =	vld.idx.msk [tilespmem:v53+s29+$0x0], $0xffff;
	v60 =	vor.u32 v4, v0  }
0x365: {  	[tilespmem:s11+$0xFFFFFD70] =	vst v54;
	v61 =	vld.idx.msk [tilespmem:v55+s29+$0x0], $0xffff  }
0x366: {  	v62 =	vld.idx.msk [tilespmem:v10+s29+$0x0], $0xffff;
	[tilespmem:s11+$0xFFFFFC70] =	vst v58  }
0x367: {  	[tilespmem:s11+$0xFFFFFDF0] =	vst v5;
	v2 =	vld.idx.msk [tilespmem:v59+s29+$0x0], $0xffff  }
0x368: {  	[tilespmem:s11+$0xFFFFFF70] =	vst v1;
	v63 =	vld.idx.msk [tilespmem:v57+s29+$0x0], $0xffff  }
0x369: {  	[tilespmem:s11+$0xFFFFFE80] =	vst v3;
	v0 =	vld.idx.msk [tilespmem:v60+s29+$0x0], $0xffff  }
0x36a: {  	[tilespmem:s11+$0xFFFFFD00] =	vst v61  }
0x36b: {  	[tilespmem:s11+$0xFFFFFD80] =	vst v62  }
0x36c: {  	[tilespmem:s11+$0xFFFFFC80] =	vst v2  }
0x36d: {  	[tilespmem:s11+$0xFFFFFE00] =	vst v63  }
0x36e: {  	s10 =	simm.s32 $0xC400;
	[tilespmem:s11+$0xFFFFFF80] =	vst v0;
	s11 =	sadd.s32 s8, s13  }
0x36f: {  	[hbm4b:s11+s2] =	stream.linear.scatter [tilespmem:s10], [sflag:$0x7], $0x400, $0x38;
	[tilespmem:$0xE400] =	vst v63  }
0x370: {  	s10 =	sadd.s32 s8, s14;
	s11 =	simm.s32 $0xC800  }
0x371: {  	[hbm4b:s10+s2] =	stream.linear.scatter [tilespmem:s11], [sflag:$0x7], $0x400, $0x38;
	[tilespmem:$0xE400] =	vst v63  }
.Ltmp12:
0x372: {  	_ = 	snop;
	(pc) =	sbr.rel @p1 .LBB2_20-.Ltmp12, $4  }
0x373: {  	s10 =	sadd.s32 s8, s15;
	s11 =	simm.s32 $0xCC00  }
0x374: {  	[hbm4b:s10+s2] =	stream.linear.scatter [tilespmem:s11], [sflag:$0x7], $0x400, $0x38;
	[tilespmem:$0xE400] =	vst v63  }
0x375: {  	s10 =	sadd.s32 s8, s16;
	s11 =	simm.s32 $0xD000  }
0x376: {  	v20 =	vmov v35;
	v16 =	vmov v28;
	v15 =	vmov v27;
	[hbm4b:s10+s2] =	stream.linear.scatter [tilespmem:s11], [sflag:$0x7], $0x400, $0x38;
	[tilespmem:$0xE400] =	vst v63  }
0x377: {  	_ =	swait.ge [sflag:s28], $0x1000  }
0x378: {  	v14 =	vld [tilespmem:$0x1FD10]  }
0x379: {  	v38 =	vld [tilespmem:$0x1FD20]  }
0x37a: {  	v59 =	vld [tilespmem:$0x1FD50]  }
0x37b: {  	v22 =	vld [tilespmem:$0x1FD60]  }
0x37c: {  	v45 =	vld [tilespmem:$0x1FD70]  }
0x37d: {  	v46 =	vld [tilespmem:$0x1FD80]  }
0x37e: {  	v47 =	vld [tilespmem:$0x1FD90]  }
0x37f: {  	v43 =	vld [tilespmem:$0x1FDC0]  }
0x380: {  	v52 =	vld [tilespmem:$0x1FDD0]  }
0x381: {  	v53 =	vld [tilespmem:$0x1FDE0]  }
0x382: {  	v54 =	vld [tilespmem:$0x1FDF0]  }
0x383: {  	v10 =	vld [tilespmem:$0x1FE10]  }
0x384: {  	v42 =	vld [tilespmem:$0x1FE20]  }
0x385: {  	v63 =	vld [tilespmem:$0x1FE30]  }
0x386: {  	v33 =	vld [tilespmem:$0x1FE40]  }
0x387: {  	v50 =	vld [tilespmem:$0x1FE50]  }
0x388: {  	v51 =	vld [tilespmem:$0x1FE90]  }
0x389: {  	v62 =	vld [tilespmem:$0x1FEA0]  }
0x38a: {  	v13 =	vld [tilespmem:$0x1FEE0]  }
.Ltmp13:
0x38b: {  	v1 =	vld [tilespmem:$0x1FF00];
	(pc) =	sbr.rel .LBB2_21-.Ltmp13, $4  }
0x38c: {  	v7 =	vld [tilespmem:$0x1FF10]  }
0x38d: {  	v12 =	vld [tilespmem:$0x1FF20]  }
0x38e: {  	[sflag:s28] =	ssyncset.done $0x0;
	v2 =	vld [tilespmem:$0x1FF80]  }
0x38f: {  	v8 =	vld [tilespmem:$0x1FF90];
	[sflag:s28] =	ssyncadd.s32 $0xFFFFF000  }
.LBB2_20:
0x390: {  	s9 =	sshll.u32 s7, $0x7  }
0x391: {  	s9 =	sadd.s32 $0x300, s9  }
0x392: {  	s9 =	sand.u32 $0xFF00, s9  }
0x393: {  	[tilespmem:s29], [sflag:$0x3] =	stream.indirect.gather [hbm4b:s4+s24], $0x20, s9, s24, $0xb8;
	[tilespmem:$0xE400] =	vst v63  }
0x394: {  	_ =	swait.ge [sflag:s28], $0x1000  }
0x395: {  	v14 =	vld [tilespmem:$0x1FD10]  }
0x396: {  	v38 =	vld [tilespmem:$0x1FD20]  }
0x397: {  	v59 =	vld [tilespmem:$0x1FD50]  }
0x398: {  	v22 =	vld [tilespmem:$0x1FD60]  }
0x399: {  	v45 =	vld [tilespmem:$0x1FD70]  }
0x39a: {  	v46 =	vld [tilespmem:$0x1FD80]  }
0x39b: {  	v47 =	vld [tilespmem:$0x1FD90]  }
0x39c: {  	v43 =	vld [tilespmem:$0x1FDC0]  }
0x39d: {  	v52 =	vld [tilespmem:$0x1FDD0]  }
0x39e: {  	v53 =	vld [tilespmem:$0x1FDE0]  }
0x39f: {  	v54 =	vld [tilespmem:$0x1FDF0]  }
0x3a0: {  	v10 =	vld [tilespmem:$0x1FE10]  }
0x3a1: {  	v42 =	vld [tilespmem:$0x1FE20]  }
0x3a2: {  	v63 =	vld [tilespmem:$0x1FE30]  }
0x3a3: {  	v33 =	vld [tilespmem:$0x1FE40]  }
0x3a4: {  	v50 =	vld [tilespmem:$0x1FE50]  }
0x3a5: {  	v51 =	vld [tilespmem:$0x1FE90]  }
0x3a6: {  	v62 =	vld [tilespmem:$0x1FEA0]  }
0x3a7: {  	v13 =	vld [tilespmem:$0x1FEE0]  }
.Ltmp14:
0x3a8: {  	v1 =	vld [tilespmem:$0x1FF00];
	(pc) =	sbr.rel @p0 .LBB2_22-.Ltmp14, $4  }
0x3a9: {  	v7 =	vld [tilespmem:$0x1FF10]  }
0x3aa: {  	v12 =	vld [tilespmem:$0x1FF20]  }
0x3ab: {  	[sflag:s28] =	ssyncset.done $0x0;
	v2 =	vld [tilespmem:$0x1FF80]  }
0x3ac: {  	v8 =	vld [tilespmem:$0x1FF90];
	[sflag:s28] =	ssyncadd.s32 $0xFFFFF000  }
.LBB2_21:
0x3ad: {  	_ =	swait.ge [sflag:s5], $0x1000  }
0x3ae: {  	[sflag:s5] =	ssyncset.done $0x0  }
0x3af: {  	[sflag:s5] =	ssyncadd.s32 $0xFFFFF000  }
.LBB2_22:
0x3b0: {  	s10 =	simm.s32 $0x0  }
0x3b1: {  	v0 =	vmov s10  }
0x3b2: {  	v0 =	vshrl.u32 v0, $0x3  }
0x3b3: {  	v0 =	vshll.u32 v0, $0x3  }
0x3b4: {  	v0 =	vbroadcast v0, $0x0;
	_ =	sdelay $0x1  }
0x3b5: {  	v2 =	vor.u32 v2, v0  }
0x3b6: {  	v3 =	vor.u32 v51, v0  }
0x3b7: {  	v1 =	vor.u32 v1, v0;
	_ =	sdelay $0x1  }
0x3b8: {  	v4 =	vor.u32 v15, v0  }
0x3b9: {  	v5 =	vor.u32 v20, v0;
	v2 =	vld.idx.msk [tilespmem:v2+s31+$0x0], $0xffff  }
0x3ba: {  	v8 =	vor.u32 v8, v0;
	v3 =	vld.idx.msk [tilespmem:v3+s31+$0x0], $0xffff  }
0x3bb: {  	v9 =	vor.u32 v62, v0;
	v1 =	vld.idx.msk [tilespmem:v1+s31+$0x0], $0xffff;
	_ =	sdelay $0x1  }
0x3bc: {  	s9 =	simm.s32 $0xD7F0;
	v7 =	vor.u32 v7, v0;
	v4 =	vld.idx.msk [tilespmem:v4+s31+$0x0], $0xffff  }
0x3bd: {  	v5 =	vld.idx.msk [tilespmem:v5+s31+$0x0], $0xffff;
	[tilespmem:s9+$0xFFFFFF90] =	vst v2  }
0x3be: {  	[tilespmem:s9+$0xFFFFFE90] =	vst v3;
	v3 =	vld.idx.msk [tilespmem:v8+s31+$0x0], $0xffff  }
0x3bf: {  	[tilespmem:s9+$0xFFFFFF10] =	vst v1;
	v8 =	vld.idx.msk [tilespmem:v9+s31+$0x0], $0xffff  }
0x3c0: {  	v10 =	vor.u32 v10, v0;
	v9 =	vld [tilespmem:$0x1FFA0]  }
0x3c1: {  	v7 =	vld.idx.msk [tilespmem:v7+s31+$0x0], $0xffff  }
0x3c2: {  	v6 =	vor.u32 v59, v0  }
0x3c3: {  	v1 =	vor.u32 v23, v0;
	[tilespmem:s9+$0xFFFFFC10] =	vst v4  }
0x3c4: {  	v4 =	vld [tilespmem:$0x1FEB0]  }
0x3c5: {  	v10 =	vld.idx.msk [tilespmem:v10+s31+$0x0], $0xffff;
	[tilespmem:s9+$0xFFFFFC90] =	vst v5;
	v9 =	vor.u32 v9, v0  }
0x3c6: {  	[tilespmem:s9+$0xFFFFFF20] =	vst v7  }
0x3c7: {  	v6 =	vld.idx.msk [tilespmem:v6+s31+$0x0], $0xffff;
	v2 =	vor.u32 v12, v0;
	[tilespmem:s9+$0xFFFFFFA0] =	vst v3  }
0x3c8: {  	v1 =	vld.idx.msk [tilespmem:v1+s31+$0x0], $0xffff;
	[tilespmem:s9+$0xFFFFFEA0] =	vst v8  }
0x3c9: {  	v4 =	vor.u32 v4, v0;
	v3 =	vld [tilespmem:$0x1FF30]  }
0x3ca: {  	[tilespmem:s9+$0xFFFFFE10] =	vst v10;
	v8 =	vld.idx.msk [tilespmem:v9+s31+$0x0], $0xffff  }
0x3cb: {  	v12 =	vor.u32 v42, v0;
	v9 =	vld [tilespmem:$0x1FFB0]  }
0x3cc: {  	v11 =	vor.u32 v43, v0;
	v2 =	vld.idx.msk [tilespmem:v2+s31+$0x0], $0xffff;
	[tilespmem:s9+$0xFFFFFD10] =	vst v6  }
0x3cd: {  	v5 =	vor.u32 v22, v0;
	v6 =	vld [tilespmem:$0x1FEC0]  }
0x3ce: {  	v3 =	vor.u32 v3, v0;
	v4 =	vld.idx.msk [tilespmem:v4+s31+$0x0], $0xffff;
	_ =	sdelay $0x1  }
0x3cf: {  	v10 =	vld.idx.msk [tilespmem:v12+s31+$0x0], $0xffff;
	[tilespmem:s9+$0xFFFFFCA0] =	vst v1;
	v9 =	vor.u32 v9, v0  }
0x3d0: {  	v11 =	vld.idx.msk [tilespmem:v11+s31+$0x0], $0xffff;
	[tilespmem:s9+$0xFFFFFF30] =	vst v2  }
0x3d1: {  	v1 =	vld.idx.msk [tilespmem:v5+s31+$0x0], $0xffff;
	[tilespmem:s9+$0xFFFFFFB0] =	vst v8;
	v6 =	vor.u32 v6, v0  }
0x3d2: {  	v3 =	vld.idx.msk [tilespmem:v3+s31+$0x0], $0xffff;
	[tilespmem:s9+$0xFFFFFEB0] =	vst v4  }
0x3d3: {  	v8 =	vld [tilespmem:$0x1FF40]  }
0x3d4: {  	v12 =	vor.u32 v63, v0;
	[tilespmem:s9+$0xFFFFFE20] =	vst v10;
	v4 =	vld.idx.msk [tilespmem:v9+s31+$0x0], $0xffff  }
0x3d5: {  	v9 =	vld [tilespmem:$0x1FFC0]  }
0x3d6: {  	v5 =	vor.u32 v45, v0;
	[tilespmem:s9+$0xFFFFFD20] =	vst v1;
	v6 =	vld.idx.msk [tilespmem:v6+s31+$0x0], $0xffff  }
0x3d7: {  	v1 =	vld [tilespmem:$0x1FED0]  }
0x3d8: {  	v2 =	vor.u32 v52, v0;
	[tilespmem:s9+$0xFFFFFD90] =	vst v11  }
0x3d9: {  	v10 =	vld.idx.msk [tilespmem:v12+s31+$0x0], $0xffff;
	[tilespmem:s9+$0xFFFFFF40] =	vst v3;
	v8 =	vor.u32 v8, v0  }
0x3da: {  	v11 =	vor.u32 v33, v0;
	[tilespmem:s9+$0xFFFFFFC0] =	vst v4  }
0x3db: {  	v5 =	vld.idx.msk [tilespmem:v5+s31+$0x0], $0xffff;
	v9 =	vor.u32 v9, v0;
	[tilespmem:s9+$0xFFFFFEC0] =	vst v6  }
0x3dc: {  	v1 =	vor.u32 v1, v0;
	v6 =	vld [tilespmem:$0x1FF50]  }
0x3dd: {  	v2 =	vld.idx.msk [tilespmem:v2+s31+$0x0], $0xffff  }
0x3de: {  	v7 =	vor.u32 v14, v0;
	v8 =	vld.idx.msk [tilespmem:v8+s31+$0x0], $0xffff;
	[tilespmem:s9+$0xFFFFFE30] =	vst v10  }
0x3df: {  	v12 =	vor.u32 v46, v0;
	v11 =	vld.idx.msk [tilespmem:v11+s31+$0x0], $0xffff  }
0x3e0: {  	v3 =	vor.u32 v53, v0;
	v4 =	vld.idx.msk [tilespmem:v9+s31+$0x0], $0xffff  }
0x3e1: {  	v1 =	vld.idx.msk [tilespmem:v1+s31+$0x0], $0xffff;
	v6 =	vor.u32 v6, v0  }
0x3e2: {  	v9 =	vld [tilespmem:$0x1FFD0];
	[tilespmem:s9+$0xFFFFFD30] =	vst v5  }
0x3e3: {  	v7 =	vld.idx.msk [tilespmem:v7+s31+$0x0], $0xffff;
	[tilespmem:s9+$0xFFFFFDA0] =	vst v2  }
0x3e4: {  	v5 =	vor.u32 v50, v0;
	v2 =	vld.idx.msk [tilespmem:v12+s31+$0x0], $0xffff;
	[tilespmem:s9+$0xFFFFFF50] =	vst v8  }
0x3e5: {  	v3 =	vld.idx.msk [tilespmem:v3+s31+$0x0], $0xffff;
	[tilespmem:s9+$0xFFFFFFD0] =	vst v4  }
0x3e6: {  	v59 =	vmov v13;
	v10 =	vor.u32 v13, v0;
	v12 =	vor.u32 v47, v0;
	[tilespmem:s9+$0xFFFFFED0] =	vst v1;
	v13 =	vld.idx.msk [tilespmem:v6+s31+$0x0], $0xffff  }
0x3e7: {  	v9 =	vor.u32 v9, v0;
	v41 =	vld [tilespmem:$0x1FF60];
	[tilespmem:s9+$0xFFFFFE40] =	vst v11  }
0x3e8: {  	v56 =	vld [tilespmem:$0x1FFE0]  }
0x3e9: {  	v8 =	vor.u32 v54, v0;
	v5 =	vld.idx.msk [tilespmem:v5+s31+$0x0], $0xffff;
	[tilespmem:s9+$0xFFFFFD40] =	vst v2  }
0x3ea: {  	v43 =	vld [tilespmem:$0x1FEF0]  }
0x3eb: {  	v6 =	vld.idx.msk [tilespmem:v12+s31+$0x0], $0xffff  }
0x3ec: {  	v4 =	vld.idx.msk [tilespmem:v9+s31+$0x0], $0xffff  }
0x3ed: {  	[tilespmem:s9+$0xFFFFFDB0] =	vst v3;
	v9 =	vld.idx.msk [tilespmem:v10+s31+$0x0], $0xffff  }
0x3ee: {  	v11 =	vor.u32 v38, v0;
	v12 =	vld.idx.msk [tilespmem:v8+s31+$0x0], $0xffff  }
0x3ef: {  	v60 =	vld [tilespmem:$0x1FE60];
	[tilespmem:s9+$0xFFFFFF60] =	vst v13  }
0x3f0: {  	v1 =	vor.u32 v41, v0;
	v55 =	vld [tilespmem:$0x1FE00];
	[tilespmem:s9+$0xFFFFFCB0] =	vst v7  }
0x3f1: {  	[tilespmem:s9+$0xFFFFFE50] =	vst v5  }
0x3f2: {  	[tilespmem:s9+$0xFFFFFFE0] =	vst v4  }
0x3f3: {  	v11 =	vld.idx.msk [tilespmem:v11+s31+$0x0], $0xffff;
	[tilespmem:s9+$0xFFFFFEE0] =	vst v9  }
0x3f4: {  	v61 =	vld [tilespmem:$0x1FE70]  }
0x3f5: {  	[tilespmem:s9+$0xFFFFFDC0] =	vst v12;
	v1 =	vld.idx.msk [tilespmem:v1+s31+$0x0], $0xffff  }
0x3f6: {  	v48 =	vld [tilespmem:$0x1FDA0]  }
0x3f7: {  	v10 =	vor.u32 v56, v0;
	v58 =	vld [tilespmem:$0x1FFF0]  }
0x3f8: {  	v2 =	vor.u32 v43, v0;
	v37 =	vld [tilespmem:$0x1FD30]  }
0x3f9: {  	v14 =	vor.u32 v60, v0;
	v49 =	vld [tilespmem:$0x1FCB0]  }
0x3fa: {  	v44 =	vld [tilespmem:$0x1FE80];
	v15 =	vor.u32 v55, v0  }
0x3fb: {  	v57 =	vld [tilespmem:$0x1FCE0]  }
0x3fc: {  	v8 =	vld.idx.msk [tilespmem:v10+s31+$0x0], $0xffff  }
0x3fd: {  	v62 =	vmov v19;
	v7 =	vld.idx.msk [tilespmem:v2+s31+$0x0], $0xffff  }
0x3fe: {  	v3 =	vor.u32 v21, v0;
	v13 =	vor.u32 v16, v0;
	v9 =	vor.u32 v19, v0;
	v5 =	vld.idx.msk [tilespmem:v14+s31+$0x0], $0xffff  }
0x3ff: {  	s11 =	simm.s32 $0xD7F0;
	v2 =	vor.u32 v61, v0;
	v12 =	vor.u32 v48, v0;
	v10 =	vor.u32 v58, v0;
	v4 =	vld.idx.msk [tilespmem:v15+s31+$0x0], $0xffff  }
.LBB2_23:
0x400: {  	_ =	sdelay $0x2  }
0x401: {  	v13 =	vld.idx.msk [tilespmem:v13+s31+$0x0], $0xffff;
	[tilespmem:s9+$0xFFFFFD50] =	vst v6  }
0x402: {  	s10 =	sadd.s32 $0x8, s10;
	v24 =	vld [tilespmem:$0x1FF10];
	[tilespmem:s9+$0xFFFFFFF0] =	vst v8  }
0x403: {  	v6 =	vmov s10;
	v12 =	vld.idx.msk [tilespmem:v12+s31+$0x0], $0xffff;
	[tilespmem:s9+$0xFFFFFEF0] =	vst v7  }
0x404: {  	v14 =	vor.u32 v44, v0;
	v6 =	vshrl.u32 v6, $0x3;
	[tilespmem:s9+$0xFFFFFCC0] =	vst v11;
	v10 =	vld.idx.msk [tilespmem:v10+s31+$0x0], $0xffff  }
0x405: {  	v6 =	vshll.u32 v6, $0x3;
	v11 =	vor.u32 v17, v0;
	[tilespmem:s9+$0xFFFFFE60] =	vst v5;
	v9 =	vld.idx.msk [tilespmem:v9+s31+$0x0], $0xffff  }
0x406: {  	v16 =	vor.u32 v18, v0;
	v6 =	vbroadcast v6, $0x0;
	v17 =	vor.u32 v49, v0;
	v18 =	vld.idx.msk [tilespmem:v2+s31+$0x0], $0xffff  }
0x407: {  	v2 =	vld [tilespmem:$0x1FD50]  }
0x408: {  	[tilespmem:s9+$0xFFFFFDD0] =	vst v4;
	v15 =	vld.idx.msk [tilespmem:v3+s31+$0x0], $0xffff;
	v19 =	vor.u32 v27, v6  }
0x409: {  	v14 =	vld.idx.msk [tilespmem:v14+s31+$0x0], $0xffff;
	[tilespmem:s9+$0xFFFFFC20] =	vst v13;
	v20 =	vor.u32 v35, v6  }
0x40a: {  	[tilespmem:s9+$0xFFFFFD60] =	vst v12;
	v11 =	vld.idx.msk [tilespmem:v11+s31+$0x0], $0xffff  }
0x40b: {  	v17 =	vld.idx.msk [tilespmem:v17+s31+$0x0], $0xffff  }
0x40c: {  	v22 =	vor.u32 v2, v6;
	v2 =	vld [tilespmem:$0x1FDC0]  }
0x40d: {  	[tilespmem:s9+$0xFFFFFF00] =	vst v9;
	v9 =	vld.idx.msk [tilespmem:v19+s31+$0x0], $0xffff  }
0x40e: {  	[tilespmem:s9+$0xFFFFFE70] =	vst v18;
	v18 =	vld.idx.msk [tilespmem:v20+s31+$0x0], $0xffff  }
0x40f: {  	v20 =	vld [tilespmem:$0x1FF00]  }
0x410: {  	v19 =	vor.u32 v51, v6;
	[tilespmem:s9+$0xFFFFFCD0] =	vst v15;
	v15 =	vld [tilespmem:$0x1FF80]  }
0x411: {  	v16 =	vld.idx.msk [tilespmem:v16+s31+$0x0], $0xffff  }
0x412: {  	v13 =	vor.u32 v2, v6;
	v2 =	vld [tilespmem:$0x1FE10]  }
0x413: {  	[tilespmem:s9+$0xFFFFFDE0] =	vst v14;
	v14 =	vld.idx.msk [tilespmem:v22+s31+$0x0], $0xffff  }
0x414: {  	v12 =	vor.u32 v23, v6;
	[tilespmem:s9+$0x0] =	vst v10;
	v22 =	vld [tilespmem:$0x1FD60]  }
0x415: {  	[tilespmem:s11+$0xFFFFFD70] =	vst v17;
	v17 =	vld.idx.msk [tilespmem:v19+s31+$0x0], $0xffff  }
0x416: {  	[tilespmem:s9+$0xFFFFFC30] =	vst v11;
	s9 =	sadd.s32 $0x400, s9;
	v19 =	vld [tilespmem:$0x1FCC0]  }
0x417: {  	v20 =	vor.u32 v20, v6;
	[tilespmem:s9+$0xFFFFFC90] =	vst v18;
	v18 =	vld [tilespmem:$0x1FEA0]  }
0x418: {  	v15 =	vor.u32 v15, v6;
	[tilespmem:s11+$0xFFFFFCE0] =	vst v16;
	v16 =	vld [tilespmem:$0x1FD10]  }
0x419: {  	v12 =	vld.idx.msk [tilespmem:v12+s31+$0x0], $0xffff  }
0x41a: {  	v10 =	vor.u32 v2, v6;
	v13 =	vld.idx.msk [tilespmem:v13+s31+$0x0], $0xffff  }
0x41b: {  	v11 =	vor.u32 v57, v0;
	[tilespmem:s9+$0xFFFFFD10] =	vst v14;
	v14 =	vld [tilespmem:$0x1FF90]  }
0x41c: {  	v18 =	vor.u32 v18, v6;
	v20 =	vld.idx.msk [tilespmem:v20+s31+$0x0], $0xffff  }
0x41d: {  	v15 =	vld.idx.msk [tilespmem:v15+s31+$0x0], $0xffff  }
0x41e: {  	[tilespmem:s9+$0xFFFFFE90] =	vst v17;
	v17 =	vor.u32 v25, v0;
	v25 =	vld [tilespmem:$0x1FFA0]  }
0x41f: {  	v24 =	vor.u32 v24, v6;
	v10 =	vld.idx.msk [tilespmem:v10+s31+$0x0], $0xffff;
	[tilespmem:s9+$0xFFFFFD90] =	vst v13  }
0x420: {  	v14 =	vor.u32 v14, v6;
	v11 =	vld.idx.msk [tilespmem:v11+s31+$0x0], $0xffff  }
0x421: {  	v19 =	vor.u32 v19, v0;
	v18 =	vld.idx.msk [tilespmem:v18+s31+$0x0], $0xffff  }
0x422: {  	v23 =	vor.u32 v37, v0;
	[tilespmem:s9+$0xFFFFFF10] =	vst v20;
	v20 =	vld [tilespmem:$0x1FEB0]  }
0x423: {  	[tilespmem:s9+$0xFFFFFF90] =	vst v15;
	v15 =	vld [tilespmem:$0x1FD40]  }
0x424: {  	v24 =	vld.idx.msk [tilespmem:v24+s31+$0x0], $0xffff  }
0x425: {  	[tilespmem:s9+$0xFFFFFE10] =	vst v10;
	v14 =	vld.idx.msk [tilespmem:v14+s31+$0x0], $0xffff  }
0x426: {  	v16 =	vor.u32 v16, v6;
	v10 =	vld.idx.msk [tilespmem:v19+s31+$0x0], $0xffff  }
0x427: {  	[tilespmem:s9+$0xFFFFFC10] =	vst v9;
	v19 =	vld.idx.msk [tilespmem:v23+s31+$0x0], $0xffff  }
0x428: {  	[tilespmem:s9+$0xFFFFFCA0] =	vst v12;
	v12 =	vld [tilespmem:$0x1FF20]  }
0x429: {  	v22 =	vor.u32 v22, v6;
	[tilespmem:s11+$0xFFFFFDF0] =	vst v11;
	v11 =	vld.idx.msk [tilespmem:v17+s31+$0x0], $0xffff  }
0x42a: {  	v20 =	vor.u32 v20, v6;
	[tilespmem:s9+$0xFFFFFEA0] =	vst v18;
	v18 =	vor.u32 v26, v0;
	v26 =	vld [tilespmem:$0x1FEC0]  }
0x42b: {  	v15 =	vor.u32 v15, v0;
	v16 =	vld.idx.msk [tilespmem:v16+s31+$0x0], $0xffff  }
0x42c: {  	v25 =	vor.u32 v25, v6;
	[tilespmem:s9+$0xFFFFFF20] =	vst v24;
	v24 =	vld [tilespmem:$0x1FDB0]  }
0x42d: {  	v9 =	vor.u32 v42, v6;
	[tilespmem:s9+$0xFFFFFFA0] =	vst v14;
	v14 =	vld [tilespmem:$0x1FF30]  }
0x42e: {  	[tilespmem:s11+$0xFFFFFE80] =	vst v10;
	v10 =	vld.idx.msk [tilespmem:v22+s31+$0x0], $0xffff  }
0x42f: {  	v12 =	vor.u32 v12, v6;
	[tilespmem:s11+$0xFFFFFCF0] =	vst v19;
	v20 =	vld.idx.msk [tilespmem:v20+s31+$0x0], $0xffff  }
0x430: {  	v15 =	vld.idx.msk [tilespmem:v15+s31+$0x0], $0xffff  }
0x431: {  	v24 =	vor.u32 v24, v0;
	[tilespmem:s9+$0xFFFFFCB0] =	vst v16;
	v16 =	vld.idx.msk [tilespmem:v25+s31+$0x0], $0xffff  }
0x432: {  	v3 =	vor.u32 v21, v6;
	v21 =	vor.u32 v52, v6;
	v9 =	vld.idx.msk [tilespmem:v9+s31+$0x0], $0xffff  }
0x433: {  	v26 =	vor.u32 v26, v6;
	v25 =	vld [tilespmem:$0x1FFB0]  }
0x434: {  	v23 =	vor.u32 v63, v6;
	[tilespmem:s11+$0xFFFFFC40] =	vst v11;
	v12 =	vld.idx.msk [tilespmem:v12+s31+$0x0], $0xffff  }
0x435: {  	[tilespmem:s9+$0xFFFFFD20] =	vst v10;
	v10 =	vld.idx.msk [tilespmem:v18+s31+$0x0], $0xffff  }
0x436: {  	[tilespmem:s9+$0xFFFFFEB0] =	vst v20;
	v11 =	vld.idx.msk [tilespmem:v24+s31+$0x0], $0xffff  }
0x437: {  	v13 =	vor.u32 v45, v6;
	[tilespmem:s11+$0xFFFFFD00] =	vst v15;
	v15 =	vld.idx.msk [tilespmem:v21+s31+$0x0], $0xffff  }
0x438: {  	v21 =	vld.idx.msk [tilespmem:v26+s31+$0x0], $0xffff;
	[tilespmem:s9+$0xFFFFFE20] =	vst v9  }
0x439: {  	v14 =	vor.u32 v14, v6;
	[tilespmem:s9+$0xFFFFFFB0] =	vst v16;
	v16 =	vld.idx.msk [tilespmem:v23+s31+$0x0], $0xffff  }
0x43a: {  	v25 =	vor.u32 v25, v6;
	v23 =	vld [tilespmem:$0x1FF40];
	[tilespmem:s11+$0xFFFFFC50] =	vst v10  }
0x43b: {  	v18 =	vor.u32 v32, v0;
	v10 =	vld [tilespmem:$0x1FFC0];
	[tilespmem:s11+$0xFFFFFD80] =	vst v11  }
0x43c: {  	v11 =	vld.idx.msk [tilespmem:v13+s31+$0x0], $0xffff  }
0x43d: {  	[tilespmem:s9+$0xFFFFFF30] =	vst v12;
	v12 =	vld [tilespmem:$0x1FED0]  }
0x43e: {  	v14 =	vld.idx.msk [tilespmem:v14+s31+$0x0], $0xffff  }
0x43f: {  	v9 =	vld.idx.msk [tilespmem:v25+s31+$0x0], $0xffff  }
0x440: {  	v18 =	vld.idx.msk [tilespmem:v18+s31+$0x0], $0xffff;
	v10 =	vor.u32 v10, v6  }
0x441: {  	v8 =	vor.u32 v53, v6;
	[tilespmem:s9+$0xFFFFFD30] =	vst v11;
	v11 =	vld [tilespmem:$0x1FFD0]  }
0x442: {  	v22 =	vor.u32 v33, v6;
	[tilespmem:s9+$0xFFFFFEC0] =	vst v21;
	v21 =	vld [tilespmem:$0x1FF50]  }
0x443: {  	v23 =	vor.u32 v23, v6;
	v13 =	vld [tilespmem:$0x1FD00]  }
0x444: {  	v17 =	vor.u32 v46, v6;
	[tilespmem:s9+$0xFFFFFFC0] =	vst v9;
	v9 =	vld [tilespmem:$0x1FCF0]  }
0x445: {  	[tilespmem:s9+$0xFFFFFDA0] =	vst v15;
	v12 =	vor.u32 v12, v6;
	v10 =	vld.idx.msk [tilespmem:v10+s31+$0x0], $0xffff  }
0x446: {  	v8 =	vld.idx.msk [tilespmem:v8+s31+$0x0], $0xffff;
	[tilespmem:s9+$0xFFFFFE30] =	vst v16;
	v11 =	vor.u32 v11, v6  }
0x447: {  	v16 =	vld.idx.msk [tilespmem:v22+s31+$0x0], $0xffff;
	[tilespmem:s9+$0xFFFFFF40] =	vst v14  }
0x448: {  	v13 =	vor.u32 v13, v0;
	v14 =	vld.idx.msk [tilespmem:v23+s31+$0x0], $0xffff  }
0x449: {  	v17 =	vld.idx.msk [tilespmem:v17+s31+$0x0], $0xffff  }
0x44a: {  	v12 =	vld.idx.msk [tilespmem:v12+s31+$0x0], $0xffff;
	v9 =	vor.u32 v9, v0;
	[tilespmem:s9+$0xFFFFFFD0] =	vst v10  }
0x44b: {  	v21 =	vor.u32 v21, v6;
	v10 =	vld.idx.msk [tilespmem:v11+s31+$0x0], $0xffff  }
0x44c: {  	v15 =	vor.u32 v59, v6;
	[tilespmem:s11+$0xFFFFFC60] =	vst v18;
	v11 =	vld [tilespmem:$0x1FF70]  }
0x44d: {  	v20 =	vor.u32 v50, v6;
	[tilespmem:s9+$0xFFFFFDB0] =	vst v8;
	v13 =	vld.idx.msk [tilespmem:v13+s31+$0x0], $0xffff  }
0x44e: {  	v8 =	vor.u32 v34, v0;
	[tilespmem:s9+$0xFFFFFE40] =	vst v16  }
0x44f: {  	v7 =	vor.u32 v47, v6;
	[tilespmem:s9+$0xFFFFFF50] =	vst v14;
	v9 =	vld.idx.msk [tilespmem:v9+s31+$0x0], $0xffff  }
0x450: {  	v19 =	vor.u32 v54, v6;
	v14 =	vld.idx.msk [tilespmem:v21+s31+$0x0], $0xffff;
	[tilespmem:s9+$0xFFFFFED0] =	vst v12  }
0x451: {  	[tilespmem:s9+$0xFFFFFD40] =	vst v17;
	v12 =	vld.idx.msk [tilespmem:v15+s31+$0x0], $0xffff;
	v11 =	vor.u32 v11, v0  }
0x452: {  	v5 =	vor.u32 v38, v6;
	v15 =	vld.idx.msk [tilespmem:v20+s31+$0x0], $0xffff;
	[tilespmem:s11+$0xFFFFFC70] =	vst v13;
	v0 =	vmov v6  }
0x453: {  	v4 =	vor.u32 v55, v6;
	[tilespmem:s11+$0xFFFFFF70] =	vst v1;
	v18 =	vld.idx.msk [tilespmem:v8+s31+$0x0], $0xffff;
	v16 =	vor.u32 v41, v0  }
0x454: {  	v2 =	vor.u32 v61, v6;
	[tilespmem:s11+$0xFFFFFE00] =	vst v9;
	v6 =	vld.idx.msk [tilespmem:v7+s31+$0x0], $0xffff;
	v17 =	vor.u32 v56, v0  }
0x455: {  	[tilespmem:s9+$0xFFFFFF60] =	vst v14;
	v9 =	vld.idx.msk [tilespmem:v19+s31+$0x0], $0xffff;
	v7 =	vor.u32 v43, v0  }
0x456: {  	v19 =	vor.u32 v60, v0;
	v14 =	vld.idx.msk [tilespmem:v11+s31+$0x0], $0xffff  }
0x457: {  	p0 =	slt.u32 s10, $0x18;
	[tilespmem:s9+$0xFFFFFEE0] =	vst v12;
	v11 =	vld.idx.msk [tilespmem:v5+s31+$0x0], $0xffff  }
.Ltmp15:
0x458: {  	[tilespmem:s9+$0xFFFFFFE0] =	vst v10;
	v1 =	vld.idx.msk [tilespmem:v16+s31+$0x0], $0xffff;
	(pc) =	sbr.rel @p0 .LBB2_23-.Ltmp15, $4  }
0x459: {  	[tilespmem:s9+$0xFFFFFE50] =	vst v15;
	v8 =	vld.idx.msk [tilespmem:v17+s31+$0x0], $0xffff  }
0x45a: {  	v26 =	vmovc v31;
	v25 =	vmov v30;
	v23 =	vmov v36;
	v21 =	vmov v39;
	[tilespmem:s11+$0xFFFFFC80] =	vst v18;
	v7 =	vld.idx.msk [tilespmem:v7+s31+$0x0], $0xffff  }
0x45b: {  	v13 =	vor.u32 v28, v0;
	v12 =	vor.u32 v48, v0;
	v18 =	vmov v40;
	[tilespmem:s9+$0xFFFFFDC0] =	vst v9;
	v5 =	vld.idx.msk [tilespmem:v19+s31+$0x0], $0xffff  }
0x45c: {  	v10 =	vor.u32 v58, v0;
	v9 =	vor.u32 v62, v0;
	v17 =	vmov v29;
	v4 =	vld.idx.msk [tilespmem:v4+s31+$0x0], $0xffff;
	[tilespmem:s11+$0xFFFFFF80] =	vst v14;
	s11 =	smov.u32 s9  }
0x45d: {  	_ =	sdelay $0x3  }
0x45e: {  	v13 =	vld.idx.msk [tilespmem:v13+s31+$0x0], $0xffff  }
0x45f: {  	v14 =	vor.u32 v17, v0;
	_ =	sdelay $0x3  }
0x460: {  	v22 =	vmov v34;
	v34 =	vld [tilespmem:$0x1FE10];
	[tilespmem:s9+$0xFFFFFC20] =	vst v13  }
0x461: {  	v13 =	vld.idx.msk [tilespmem:v14+s31+$0x0], $0xffff  }
0x462: {  	v14 =	vor.u32 v25, v0;
	_ =	sdelay $0x3  }
0x463: {  	[tilespmem:s9+$0xFFFFFC30] =	vst v13  }
0x464: {  	[tilespmem:s9+$0xFFFFFCC0] =	vst v11;
	v13 =	vld.idx.msk [tilespmem:v14+s31+$0x0], $0xffff  }
0x465: {  	v3 =	vld.idx.msk [tilespmem:v3+s31+$0x0], $0xffff;
	v14 =	vor.u32 v26, v0  }
0x466: {  	v43 =	vor.u32 v18, v0  }
0x467: {  	[tilespmem:s9+$0xFFFFFD50] =	vst v6  }
0x468: {  	[tilespmem:s9+$0xFFFFFFF0] =	vst v8  }
0x469: {  	v45 =	vor.u32 v44, v0;
	v12 =	vld.idx.msk [tilespmem:v12+s31+$0x0], $0xffff;
	[tilespmem:s11+$0xFFFFFC40] =	vst v13  }
0x46a: {  	[tilespmem:s9+$0xFFFFFCD0] =	vst v3;
	v13 =	vld.idx.msk [tilespmem:v14+s31+$0x0], $0xffff  }
0x46b: {  	[tilespmem:s9+$0xFFFFFEF0] =	vst v7;
	v3 =	vld.idx.msk [tilespmem:v43+s31+$0x0], $0xffff  }
0x46c: {  	v46 =	vor.u32 v32, v0;
	v47 =	vld.idx.msk [tilespmem:v10+s31+$0x0], $0xffff;
	[tilespmem:s9+$0xFFFFFE60] =	vst v5  }
0x46d: {  	v9 =	vld.idx.msk [tilespmem:v9+s31+$0x0], $0xffff;
	[tilespmem:s9+$0xFFFFFDD0] =	vst v4  }
0x46e: {  	v48 =	vor.u32 v37, v0;
	v6 =	vld.idx.msk [tilespmem:v45+s31+$0x0], $0xffff;
	[tilespmem:s9+$0xFFFFFD60] =	vst v12  }
0x46f: {  	v2 =	vld.idx.msk [tilespmem:v2+s31+$0x0], $0xffff;
	[tilespmem:s11+$0xFFFFFC50] =	vst v13  }
0x470: {  	v51 =	vld [tilespmem:$0x1FD00];
	[tilespmem:s11+$0xFFFFFCE0] =	vst v3  }
0x471: {  	v8 =	vld.idx.msk [tilespmem:v46+s31+$0x0], $0xffff;
	[tilespmem:s9+$0x0] =	vst v47  }
0x472: {  	v3 =	vld [tilespmem:$0x1FCC0]  }
0x473: {  	v4 =	vld.idx.msk [tilespmem:v48+s31+$0x0], $0xffff;
	[tilespmem:s9+$0xFFFFFDE0] =	vst v6  }
0x474: {  	v12 =	vld [tilespmem:$0x1FD40]  }
0x475: {  	v49 =	vor.u32 v49, v0;
	v55 =	vld [tilespmem:$0x1FDB0];
	[tilespmem:s9+$0xFFFFFF00] =	vst v9  }
0x476: {  	v40 =	vmov v50;
	v50 =	vor.u32 v57, v0;
	[tilespmem:s11+$0xFFFFFC60] =	vst v8  }
0x477: {  	v52 =	vor.u32 v51, v0;
	v13 =	vld [tilespmem:$0x1FCF0];
	[tilespmem:s9+$0xFFFFFE70] =	vst v2  }
0x478: {  	[tilespmem:s11+$0xFFFFFCF0] =	vst v4  }
0x479: {  	v3 =	vor.u32 v3, v0;
	v60 =	vld [tilespmem:$0x1FF70]  }
0x47a: {  	v53 =	vld.idx.msk [tilespmem:v49+s31+$0x0], $0xffff;
	v54 =	vor.u32 v12, v0  }
0x47b: {  	v5 =	vld.idx.msk [tilespmem:v50+s31+$0x0], $0xffff;
	v56 =	vor.u32 v55, v0  }
0x47c: {  	v58 =	vld.idx.msk [tilespmem:v52+s31+$0x0], $0xffff;
	v57 =	vor.u32 v13, v0  }
0x47d: {  	v59 =	vor.u32 v22, v0  }
0x47e: {  	v3 =	vld.idx.msk [tilespmem:v3+s31+$0x0], $0xffff;
	v61 =	vor.u32 v60, v0  }
0x47f: {  	[tilespmem:s11+$0xFFFFFD70] =	vst v53;
	v4 =	vld.idx.msk [tilespmem:v54+s31+$0x0], $0xffff  }
0x480: {  	[tilespmem:s11+$0xFFFFFDF0] =	vst v5;
	v62 =	vld.idx.msk [tilespmem:v56+s31+$0x0], $0xffff  }
0x481: {  	v36 =	vmov v63;
	[tilespmem:s11+$0xFFFFFC70] =	vst v58;
	v63 =	vld.idx.msk [tilespmem:v57+s31+$0x0], $0xffff  }
0x482: {  	[tilespmem:s11+$0xFFFFFF70] =	vst v1;
	v2 =	vld.idx.msk [tilespmem:v59+s31+$0x0], $0xffff  }
0x483: {  	[tilespmem:s11+$0xFFFFFE80] =	vst v3;
	v0 =	vld.idx.msk [tilespmem:v61+s31+$0x0], $0xffff  }
0x484: {  	[tilespmem:s11+$0xFFFFFD00] =	vst v4  }
0x485: {  	[tilespmem:s11+$0xFFFFFD80] =	vst v62  }
0x486: {  	[tilespmem:s11+$0xFFFFFE00] =	vst v63  }
0x487: {  	[tilespmem:s11+$0xFFFFFC80] =	vst v2  }
0x488: {  	s10 =	simm.s32 $0xD400;
	[tilespmem:s11+$0xFFFFFF80] =	vst v0;
	s11 =	sadd.s32 s8, s17  }
0x489: {  	[hbm4b:s11+s2] =	stream.linear.scatter [tilespmem:s10], [sflag:$0x8], $0x400, $0x38;
	[tilespmem:$0xE400] =	vst v63  }
0x48a: {  	p0 =	seq.s32 s6, $0x31;
	s10 =	sadd.s32 s8, s18;
	s11 =	simm.s32 $0xD800  }
0x48b: {  	[hbm4b:s10+s2] =	stream.linear.scatter [tilespmem:s11], [sflag:$0x8], $0x400, $0x38;
	[tilespmem:$0xE400] =	vst v63  }
.Ltmp16:
0x48c: {  	_ = 	snop;
	(pc) =	sbr.rel @p0 .LBB2_26-.Ltmp16, $4  }
0x48d: {  	s10 =	sadd.s32 s8, s19;
	s11 =	simm.s32 $0xDC00  }
0x48e: {  	[hbm4b:s10+s2] =	stream.linear.scatter [tilespmem:s11], [sflag:$0x8], $0x400, $0x38;
	[tilespmem:$0xE400] =	vst v63  }
0x48f: {  	v24 =	vmov v32;
	v20 =	vmov v35;
	s10 =	sadd.s32 s8, s20;
	s11 =	simm.s32 $0xE000  }
0x490: {  	v16 =	vmovc v28;
	v19 =	vmovc v27;
	v39 =	vmov v33;
	v35 =	vmov v42;
	v15 =	vmov v44;
	[hbm4b:s10+s2] =	stream.linear.scatter [tilespmem:s11], [sflag:$0x8], $0x400, $0x38;
	[tilespmem:$0xE400] =	vst v63  }
0x491: {  	v37 =	vld [tilespmem:$0x1FD10]  }
0x492: {  	v14 =	vld [tilespmem:$0x1FD20]  }
0x493: {  	v43 =	vld [tilespmem:$0x1FD50]  }
0x494: {  	v44 =	vld [tilespmem:$0x1FD60]  }
0x495: {  	v45 =	vld [tilespmem:$0x1FD70]  }
0x496: {  	v46 =	vld [tilespmem:$0x1FD80]  }
0x497: {  	v47 =	vld [tilespmem:$0x1FD90]  }
0x498: {  	v48 =	vld [tilespmem:$0x1FDA0]  }
0x499: {  	v51 =	vld [tilespmem:$0x1FDC0]  }
0x49a: {  	v52 =	vld [tilespmem:$0x1FDD0]  }
0x49b: {  	v53 =	vld [tilespmem:$0x1FDE0]  }
0x49c: {  	v54 =	vld [tilespmem:$0x1FDF0]  }
0x49d: {  	v55 =	vld [tilespmem:$0x1FE00]  }
0x49e: {  	v49 =	vld [tilespmem:$0x1FE60]  }
0x49f: {  	v38 =	vld [tilespmem:$0x1FE70]  }
0x4a0: {  	v6 =	vld [tilespmem:$0x1FE90]  }
0x4a1: {  	v59 =	vld [tilespmem:$0x1FEA0]  }
0x4a2: {  	v62 =	vld [tilespmem:$0x1FEB0]  }
0x4a3: {  	v50 =	vld [tilespmem:$0x1FEC0]  }
0x4a4: {  	v33 =	vld [tilespmem:$0x1FED0]  }
0x4a5: {  	v60 =	vld [tilespmem:$0x1FEE0]  }
0x4a6: {  	v61 =	vld [tilespmem:$0x1FEF0]  }
0x4a7: {  	v63 =	vld [tilespmem:$0x1FF00]  }
0x4a8: {  	v58 =	vld [tilespmem:$0x1FF10]  }
0x4a9: {  	v56 =	vld [tilespmem:$0x1FF20]  }
0x4aa: {  	v13 =	vld [tilespmem:$0x1FF30]  }
0x4ab: {  	v57 =	vld [tilespmem:$0x1FF40]  }
0x4ac: {  	v27 =	vld [tilespmem:$0x1FF50]  }
0x4ad: {  	v28 =	vld [tilespmem:$0x1FF60]  }
0x4ae: {  	v2 =	vld [tilespmem:$0x1FF80]  }
0x4af: {  	v8 =	vld [tilespmem:$0x1FF90]  }
0x4b0: {  	v12 =	vld [tilespmem:$0x1FFA0]  }
.Ltmp17:
0x4b1: {  	v29 =	vld [tilespmem:$0x1FFB0];
	(pc) =	sbr.rel .LBB2_4-.Ltmp17, $4  }
0x4b2: {  	s7 =	sshll.u32 s7, $0x7;
	v30 =	vld [tilespmem:$0x1FFC0]  }
0x4b3: {  	v31 =	vld [tilespmem:$0x1FFD0];
	s7 =	sadd.s32 $0x380, s7  }
0x4b4: {  	s6 =	sadd.s32 $0x1, s6;
	v42 =	vld [tilespmem:$0x1FFE0];
	s7 =	sand.u32 $0xFF80, s7  }
0x4b5: {  	v32 =	vld [tilespmem:$0x1FFF0];
	[tilespmem:s31], [sflag:$0x4] =	stream.indirect.gather [hbm4b:s4+s24], $0x20, s7, s24, $0xb8  }
.LBB2_27:
0x4b6: {  	_ =	sfence.sel $0x180000  }
0x4b7: {  	[bflag:$0x0] =	sbarrier.arrive $0xFFFF  }
0x4b8: {  	_ =	strace $0x90000047  }
0x4b9: {  	s0 =	stileid.u32;
	[bflag:$0x2] =	sbarrier.arrive $0xFFFF  }
0x4ba: {  	p0 =	sne.s32 s0, $0x0;
	s0 =	rddreg [dreg:$0x3]  }
0x4bb: {  	s0 =	sadd.s32 @!p0 $0x100000, s0  }
0x4bc: {  	[sflag:s0] =	ssyncadd.tile.s32 @!p0 $0x1;
	_ =	shalt  }
.Lfunc_end2:
_tile_overlayer_lowered:
.L_overlay_start_2:
0x4bd: {  	(tag) =	ssettag $0x2  }
0x4be: {  	s0 =	rddreg [dreg:$0x0];
	s2 =	stileid.u32  }
0x4bf: {  	s1 =	rddreg [dreg:$0x1];
	p0 =	sne.s32 s2, $0x0  }
0x4c0: {  	s3 =	rddreg [dreg:$0x2];
	[bflag:$0x3] =	sbarrier.arrive $0xFFFF;
	s2 =	simm.s32 @!p0 $0x1C09  }
0x4c1: {  	[timem:s3], [sflag:s2] =	dma.local @!p0 [hbm:s0], s1  }
0x4c2: {  	s0 =	simm.s32 @!p0 $0x9  }
0x4c3: {  	_ =	swait.ge @!p0 [sflag:s0], s1  }
0x4c4: {  	s1 =	ssub.s32 @!p0 $0x0, s1;
	[sflag:s0] =	ssyncset.done @!p0 $0x0  }
0x4c5: {  	[sflag:s0] =	ssyncadd.s32 @!p0 s1  }
0x4c6: {  	[bflag:$0x3] =	sbarrier.arrive $0xFFFF  }
0x4c7: {  	_ =	shalt  }

</sc_bundles>
